<compile_context>
chip_gen: v7x
topology: tpu7x:2x2x1
jax: 0.10.2.dev20260603
libtpu: 0.0.44.dev20260713+nightly
codegen_flags: <defaults>
</compile_context>

<pallas_src>
import functools

import jax
import jax.numpy as jnp
from jax import lax
from jax.experimental import pallas as pl
from jax.experimental.pallas import tpu as pltpu
from jax.experimental.pallas import tpu_sc as plsc

N = 10000
E = 320000
NC, NS = 2, 16
NW = NC * NS
CHUNK = 128
EPP = 160
NCHUNKS = NS * EPP
E_PAD = NCHUNKS * CHUNK
N_PAD = 10016
RPT = N_PAD // NS
DUMMY_DST = N

ROWS_BLK = 1000
GRID = N // ROWS_BLK



def _make_sc_aggregate(dp, e0):
    mesh = plsc.VectorSubcoreMesh(core_axis_name="c", subcore_axis_name="s")

    K = 2
    D = 1
    KI = 6
    KA = 3
    e1 = EPP - e0

    @functools.partial(
        pl.kernel,
        mesh=mesh,
        compiler_params=pltpu.CompilerParams(use_tc_tiling_on_sc=False),
        out_type=jax.ShapeDtypeStruct((NC, N_PAD, dp), jnp.float32),
        scratch_types=[
            pltpu.VMEM((KI, 2, CHUNK), jnp.int32),
            pltpu.VMEM((K, CHUNK, dp), jnp.float32),
            pltpu.VMEM_SHARED((N_PAD, dp), jnp.float32),
            pltpu.SemaphoreType.DMA((KI,)),
            pltpu.SemaphoreType.DMA((K,)),
            pltpu.SemaphoreType.DMA((K,)),
        ],
    )
    def sc_aggregate(proj_hbm, edges_hbm, zeros_hbm, out_hbm,
                     idx_v, buf, accum, sem_i, sem_g, sem_s):
        c = lax.axis_index("c")
        s = lax.axis_index("s")
        row0 = s * RPT
        base = jnp.where(c == 0, s * e0, 16 * e0 + s * e1)
        count = jnp.where(c == 0, e0, e1)

        pltpu.sync_copy(zeros_hbm.at[pl.ds(row0, RPT)],
                        accum.at[pl.ds(row0, RPT)])
        plsc.subcore_barrier()

        def start_idx(h):
            mi = h % KI
            pltpu.async_copy(edges_hbm.at[base + h], idx_v.at[mi],
                             sem_i.at[mi])

        def wait_idx(h):
            mi = h % KI
            pltpu.make_async_copy(edges_hbm.at[base + h], idx_v.at[mi],
                                  sem_i.at[mi]).wait()

        def start_gather(j, m):
            pltpu.async_copy(proj_hbm.at[idx_v.at[j % KI, 0]], buf.at[m],
                             sem_g.at[m])

        def wait_gather(j, m):
            pltpu.make_async_copy(proj_hbm.at[idx_v.at[j % KI, 0]],
                                  buf.at[m], sem_g.at[m]).wait()

        def start_scatter(j, m):
            pltpu.async_copy(buf.at[m], accum.at[idx_v.at[j % KI, 1]],
                             sem_s.at[m], add=True)

        def wait_scatter(m):
            pltpu.make_async_copy(proj_hbm.at[pl.ds(0, CHUNK)], buf.at[m],
                                  sem_s.at[m]).wait()

        for h in range(KA):
            start_idx(h)
        for g in range(K):
            wait_idx(g)
            start_gather(g, g)

        def body(j, _):
            m = j % K
            wait_gather(j, m)
            h = j + KA
            lax.cond(h < count, lambda: start_idx(h), lambda: None)
            start_scatter(j, m)

            def refill():
                mp = (j - D) % K
                wait_scatter(mp)
                g = j - D + K
                lax.cond(g < count,
                         lambda: (wait_idx(g), start_gather(g, mp))[1],
                         lambda: None)

            lax.cond(j >= D, refill, lambda: None)
            return 0

        lax.fori_loop(0, count, body, 0)
        for d in range(D):
            wait_scatter((count - 1 - d) % K)
        plsc.subcore_barrier()

        pltpu.sync_copy(accum.at[pl.ds(row0, RPT)],
                        out_hbm.at[c].at[pl.ds(row0, RPT)])

    return sc_aggregate


_E0 = {96: 122, 64: 118, 32: 107, 16: 96}
_SC_AGG = {dp: _make_sc_aggregate(dp, _E0[dp]) for dp in (96, 64, 32, 16)}



def _tc0_body(x_ref, w_ref, ones_ref, o_ref):
    o_ref[...] = (jnp.dot(x_ref[...], w_ref[...],
                          preferred_element_type=jnp.float32) + ones_ref[...])


def _tc0(x, wl0p, ones_row):
    return pl.pallas_call(
        _tc0_body,
        grid=(GRID,),
        in_specs=[
            pl.BlockSpec((ROWS_BLK, 128), lambda r: (r, 0)),
            pl.BlockSpec((128, 96), lambda r: (0, 0)),
            pl.BlockSpec((1, 96), lambda r: (0, 0)),
        ],
        out_specs=pl.BlockSpec((ROWS_BLK, 96), lambda r: (r, 0)),
        out_shape=jax.ShapeDtypeStruct((N, 96), jnp.float32),
    )(x, wl0p, ones_row)


def _tc1_body(acc_ref, x_ref, wr_ref, bl_ref, wl_ref, h_ref, p_ref, cnt_ref):
    s = acc_ref[0] + acc_ref[1]
    cnt = jnp.maximum(s[:, 85:86], 1.0)
    h = (s[:, :85] / cnt
         + jnp.dot(x_ref[...], wr_ref[...], preferred_element_type=jnp.float32)
         + bl_ref[...])
    h_ref[...] = h
    p_ref[...] = jnp.dot(h, wl_ref[...], preferred_element_type=jnp.float32)
    cnt_ref[...] = cnt


def _tc1(acc0, x, wr0t, bl0, wl1p):
    return pl.pallas_call(
        _tc1_body,
        grid=(GRID,),
        in_specs=[
            pl.BlockSpec((NC, ROWS_BLK, 96), lambda r: (0, r, 0)),
            pl.BlockSpec((ROWS_BLK, 128), lambda r: (r, 0)),
            pl.BlockSpec((128, 85), lambda r: (0, 0)),
            pl.BlockSpec((1, 85), lambda r: (0, 0)),
            pl.BlockSpec((85, 64), lambda r: (0, 0)),
        ],
        out_specs=(
            pl.BlockSpec((ROWS_BLK, 85), lambda r: (r, 0)),
            pl.BlockSpec((ROWS_BLK, 64), lambda r: (r, 0)),
            pl.BlockSpec((ROWS_BLK, 1), lambda r: (r, 0)),
        ),
        out_shape=(
            jax.ShapeDtypeStruct((N, 85), jnp.float32),
            jax.ShapeDtypeStruct((N, 64), jnp.float32),
            jax.ShapeDtypeStruct((N, 1), jnp.float32),
        ),
    )(acc0, x, wr0t, bl0, wl1p)


def _make_tc_mid_body(dout_prev):
    def body(acc_ref, cnt_ref, h_ref, wr_ref, bl_ref, wl_ref, ho_ref, p_ref):
        s = acc_ref[0] + acc_ref[1]
        h = (s[:, :dout_prev] / cnt_ref[...]
             + jnp.dot(h_ref[...], wr_ref[...],
                       preferred_element_type=jnp.float32)
             + bl_ref[...])
        ho_ref[...] = h
        p_ref[...] = jnp.dot(h, wl_ref[...], preferred_element_type=jnp.float32)
    return body


def _tc_mid(acc, cnt, h, wrt, bl, wlp, dp_prev, dout_prev, din, dout, dp_next):
    return pl.pallas_call(
        _make_tc_mid_body(dout_prev),
        grid=(GRID,),
        in_specs=[
            pl.BlockSpec((NC, ROWS_BLK, dp_prev), lambda r: (0, r, 0)),
            pl.BlockSpec((ROWS_BLK, 1), lambda r: (r, 0)),
            pl.BlockSpec((ROWS_BLK, din), lambda r: (r, 0)),
            pl.BlockSpec((din, dout), lambda r: (0, 0)),
            pl.BlockSpec((1, dout), lambda r: (0, 0)),
            pl.BlockSpec((dout, dp_next), lambda r: (0, 0)),
        ],
        out_specs=(
            pl.BlockSpec((ROWS_BLK, dout), lambda r: (r, 0)),
            pl.BlockSpec((ROWS_BLK, dp_next), lambda r: (r, 0)),
        ),
        out_shape=(
            jax.ShapeDtypeStruct((N, dout), jnp.float32),
            jax.ShapeDtypeStruct((N, dp_next), jnp.float32),
        ),
    )(acc, cnt, h, wrt, bl, wlp)


def _tc_fin_body(acc_ref, cnt_ref, h_ref, wr_ref, bl_ref, o_ref):
    s = acc_ref[0] + acc_ref[1]
    o_ref[...] = (s / cnt_ref[...]
                  + jnp.dot(h_ref[...], wr_ref[...],
                            preferred_element_type=jnp.float32)
                  + bl_ref[...])


def _tc_fin(acc, cnt, h, wrt, bl):
    return pl.pallas_call(
        _tc_fin_body,
        grid=(GRID,),
        in_specs=[
            pl.BlockSpec((NC, ROWS_BLK, 16), lambda r: (0, r, 0)),
            pl.BlockSpec((ROWS_BLK, 1), lambda r: (r, 0)),
            pl.BlockSpec((ROWS_BLK, 28), lambda r: (r, 0)),
            pl.BlockSpec((28, 16), lambda r: (0, 0)),
            pl.BlockSpec((1, 16), lambda r: (0, 0)),
        ],
        out_specs=pl.BlockSpec((ROWS_BLK, 16), lambda r: (r, 0)),
        out_shape=jax.ShapeDtypeStruct((N, 16), jnp.float32),
    )(acc, cnt, h, wrt, bl)



def kernel(x, edge_index, Wl0, bl0, Wr0, Wl1, bl1, Wr1, Wl2, bl2, Wr2,
           Wl3, bl3, Wr3):
    ei = edge_index.astype(jnp.int32)
    src = jnp.concatenate([ei[0], jnp.zeros((E_PAD - E,), jnp.int32)])
    dst = jnp.concatenate(
        [ei[1], jnp.full((E_PAD - E,), DUMMY_DST, jnp.int32)])
    edges3 = jnp.stack(
        [src.reshape(NCHUNKS, CHUNK), dst.reshape(NCHUNKS, CHUNK)], axis=1)

    wl0p = jnp.pad(Wl0.T, ((0, 0), (0, 96 - 85)))
    ones_row = jnp.zeros((1, 96), jnp.float32).at[0, 85].set(1.0)
    wl1p = jnp.pad(Wl1.T, ((0, 0), (0, 64 - 56)))
    wl2p = jnp.pad(Wl2.T, ((0, 0), (0, 32 - 28)))
    wl3p = jnp.pad(Wl3.T, ((0, 0), (0, 16 - 1)))
    wr3p = jnp.pad(Wr3.T, ((0, 0), (0, 16 - 1)))
    bl3p = jnp.pad(bl3.reshape(1, -1), ((0, 0), (0, 16 - 1)))

    z96 = jnp.zeros((N_PAD, 96), jnp.float32)
    z64 = jnp.zeros((N_PAD, 64), jnp.float32)
    z32 = jnp.zeros((N_PAD, 32), jnp.float32)
    z16 = jnp.zeros((N_PAD, 16), jnp.float32)

    proj0 = _tc0(x, wl0p, ones_row)
    acc0 = _SC_AGG[96](proj0, edges3, z96)
    h1, p1, cnt = _tc1(acc0, x, Wr0.T, bl0.reshape(1, -1), wl1p)
    acc1 = _SC_AGG[64](p1, edges3, z64)
    h2, p2 = _tc_mid(acc1, cnt, h1, Wr1.T, bl1.reshape(1, -1), wl2p,
                     64, 56, 85, 56, 32)
    acc2 = _SC_AGG[32](p2, edges3, z32)
    h3, p3 = _tc_mid(acc2, cnt, h2, Wr2.T, bl2.reshape(1, -1), wl3p,
                     32, 28, 56, 28, 16)
    acc3 = _SC_AGG[16](p3, edges3, z16)
    out = _tc_fin(acc3, cnt, h3, wr3p, bl3p)
    return out[:, :1]

# --- scband reference (transcript-rebuilt; emitter-appended) ---
"""Pipeline reference for scband-sage-cox-6425271074972 (READ-ONLY COPY).

The authoritative reference and input builder live on the scoring server;
editing this copy changes nothing except your own understanding.
"""

import jax, jax.numpy as jnp
import numpy as np

N_NODES = 10000
N_EDGES = 320000
D_IN = 128
# layer dims per SageCox num_layers=4: n1=int(128*2/3)=85, n2=int(85*2/3)=56, n3=int(56/2)=28, out=1
DIMS = [(128, 85), (85, 56), (56, 28), (28, 1)]


def setup_inputs(seed: int = 0) -> dict:
    key = jax.random.key(seed)
    ks = jax.random.split(key, 2 + 3 * len(DIMS))
    inp = {}
    inp["x"] = jax.random.normal(ks[0], (N_NODES, D_IN), dtype=jnp.float32)
    inp["edge_index"] = jax.random.randint(ks[1], (2, N_EDGES), 0, N_NODES, dtype=jnp.int64)
    for i, (din, dout) in enumerate(DIMS):
        scale = 1.0 / np.sqrt(din)
        inp[f"Wl{i}"] = jax.random.normal(ks[2 + 3 * i], (dout, din), dtype=jnp.float32) * scale
        inp[f"bl{i}"] = jnp.zeros((dout,), dtype=jnp.float32)
        inp[f"Wr{i}"] = jax.random.normal(ks[3 + 3 * i], (dout, din), dtype=jnp.float32) * scale
    return inp


def _sage_conv(x, src, dst, Wl, bl, Wr):
    # PyG SAGEConv with mean aggregation: out = lin_l(mean_{j in N(i)} x_j) + lin_r(x_i)
    msgs = jnp.take(x, src, axis=0)
    sums = jax.ops.segment_sum(msgs, dst, num_segments=N_NODES)
    counts = jax.ops.segment_sum(jnp.ones((src.shape[0], 1), dtype=x.dtype), dst, num_segments=N_NODES)
    aggr = sums / jnp.maximum(counts, 1.0)
    return aggr @ Wl.T + bl + x @ Wr.T


def reference(x, edge_index, Wl0, bl0, Wr0, Wl1, bl1, Wr1, Wl2, bl2, Wr2, Wl3, bl3, Wr3):
    src = edge_index[0]
    dst = edge_index[1]
    params = [(Wl0, bl0, Wr0), (Wl1, bl1, Wr1), (Wl2, bl2, Wr2), (Wl3, bl3, Wr3)]
    h = x
    for (Wl, bl, Wr) in params:
        h = _sage_conv(h, src, dst, Wl, bl, Wr)
    return h

if __name__ == "__main__":
    import jax
    _d = setup_inputs()
    print(jax.jit(kernel)(*tuple(_d.values())))

</pallas_src>

<mosaic_0001>
#map = affine_map<(d0, d1) -> (0, 0)>
#map1 = affine_map<(d0, d1) -> (0, 0, 0)>
module attributes {stable_mosaic.version = 14 : i64} {
  func.func @sc_aggregate(%arg0: i32, %arg1: i32, %arg2: memref<10000x16xf32, #tpu.memory_space<hbm>>, %arg3: memref<2560x2x128xi32, #tpu.memory_space<hbm>>, %arg4: memref<10016x16xf32, #tpu.memory_space<hbm>>, %arg5: memref<2x10016x16xf32, #tpu.memory_space<hbm>>, %arg6: memref<6x2x128xi32, #tpu.memory_space<vmem>>, %arg7: memref<2x128x16xf32, #tpu.memory_space<vmem>>, %arg8: memref<10016x16xf32, #tpu.memory_space<vmem_shared>>, %arg9: memref<6x!tpu.dma_semaphore, #tpu.memory_space<semaphore_mem>>, %arg10: memref<2x!tpu.dma_semaphore, #tpu.memory_space<semaphore_mem>>, %arg11: memref<2x!tpu.dma_semaphore, #tpu.memory_space<semaphore_mem>>) attributes {dimension_semantics = [#tpu.dimension_semantics<core_parallel>, #tpu.dimension_semantics<subcore_parallel>], iteration_bounds = array<i64: 2, 16>, scalar_prefetch = 0 : i64, scratch_operands = 6 : i64, tpu.core_type = #tpu.core_type<sc_vector_subcore>, window_params = [{transform_indices = #map}, {transform_indices = #map1}, {transform_indices = #map}, {transform_indices = #map1}]} {
    %mul3A = arith.constant 626 : i32
    %mul3A_0 = arith.muli %arg1, %mul3A : i32
    %eq3A = arith.constant 0 : i32
    %eq3A_1 = arith.cmpi eq, %arg0, %eq3A : i32
    %mul3A_2 = arith.constant 96 : i32
    %mul3A_3 = arith.muli %arg1, %mul3A_2 : i32
    %mul3A_4 = arith.constant 64 : i32
    %mul3A_5 = arith.muli %arg1, %mul3A_4 : i32
    %add3A = arith.constant 1536 : i32
    %add3A_6 = arith.addi %add3A, %mul3A_5 : i32
    %select_n3A = arith.select %eq3A_1, %mul3A_3, %add3A_6 : i32
    %eq3A_7 = arith.constant 0 : i32
    %eq3A_8 = arith.cmpi eq, %arg0, %eq3A_7 : i32
    %jit3A = arith.constant 96 : i32
    %jit3A_9 = arith.constant 64 : i32
    %select_n3A_10 = arith.select %eq3A_8, %jit3A, %jit3A_9 : i32
    "tpu.region"() ({
      %run_scoped3A = tpu.sem_alloc : memref<!tpu.dma_semaphore, #tpu.memory_space<semaphore_mem>>
      %dma_start3A_194 = arith.constant 0 : i32
      %dma_start3A_195 = tpu.memref_slice %arg8[%mul3A_0, %dma_start3A_194] : memref<10016x16xf32, #tpu.memory_space<vmem_shared>> -> memref<626x16xf32, #tpu.memory_space<vmem_shared>>
      %dma_start3A_196 = arith.constant 0 : i32
      %dma_start3A_197 = tpu.memref_slice %arg4[%mul3A_0, %dma_start3A_196] : memref<10016x16xf32, #tpu.memory_space<hbm>> -> memref<626x16xf32, #tpu.memory_space<hbm>>
      tpu.enqueue_dma source(%dma_start3A_197 : memref<626x16xf32, #tpu.memory_space<hbm>>) target(%dma_start3A_195 : memref<626x16xf32, #tpu.memory_space<vmem_shared>>) target_semaphore(%run_scoped3A : memref<!tpu.dma_semaphore, #tpu.memory_space<semaphore_mem>>)
      %dma_wait3A_198 = arith.constant 0 : i32
      %dma_wait3A_199 = tpu.memref_slice %arg8[%mul3A_0, %dma_wait3A_198] : memref<10016x16xf32, #tpu.memory_space<vmem_shared>> -> memref<626x16xf32, #tpu.memory_space<vmem_shared>>
      %dma_wait3A_200 = arith.constant 0 : i32
      %dma_wait3A_201 = tpu.memref_slice %arg4[%mul3A_0, %dma_wait3A_200] : memref<10016x16xf32, #tpu.memory_space<hbm>> -> memref<626x16xf32, #tpu.memory_space<hbm>>
      tpu.wait_dma2 semaphore(%run_scoped3A : memref<!tpu.dma_semaphore, #tpu.memory_space<semaphore_mem>>) src(%dma_wait3A_201 : memref<626x16xf32, #tpu.memory_space<hbm>>) dst(%dma_wait3A_199 : memref<626x16xf32, #tpu.memory_space<vmem_shared>>)
      tpu.yield
    }) : () -> ()
    %barrier3A = arith.constant 0 : index
    tpu.barrier barrier_id(%barrier3A)
    %add3A_11 = arith.constant 0 : i32
    %add3A_12 = arith.addi %select_n3A, %add3A_11 : i32
    %dma_start3A = arith.constant 0 : i32
    %dma_start3A_13 = arith.constant 0 : i32
    %dma_start3A_14 = arith.constant 0 : i32
    %dma_start3A_15 = arith.constant 0 : i32
    %dma_start3A_16 = tpu.memref_slice %arg6[%dma_start3A, %dma_start3A_14, %dma_start3A_15] : memref<6x2x128xi32, #tpu.memory_space<vmem>> -> memref<1x2x128xi32, #tpu.memory_space<vmem>>
    %dma_start3A_17 = tpu.memref_squeeze %dma_start3A_16 : memref<1x2x128xi32, #tpu.memory_space<vmem>> -> memref<2x128xi32, #tpu.memory_space<vmem>>
    %dma_start3A_18 = arith.constant 0 : i32
    %dma_start3A_19 = arith.constant 0 : i32
    %dma_start3A_20 = tpu.memref_slice %arg3[%add3A_12, %dma_start3A_18, %dma_start3A_19] : memref<2560x2x128xi32, #tpu.memory_space<hbm>> -> memref<1x2x128xi32, #tpu.memory_space<hbm>>
    %dma_start3A_21 = tpu.memref_squeeze %dma_start3A_20 : memref<1x2x128xi32, #tpu.memory_space<hbm>> -> memref<2x128xi32, #tpu.memory_space<hbm>>
    %dma_start3A_22 = tpu.memref_slice %arg9[%dma_start3A_13] : memref<6x!tpu.dma_semaphore, #tpu.memory_space<semaphore_mem>> -> memref<1x!tpu.dma_semaphore, #tpu.memory_space<semaphore_mem>>
    %dma_start3A_23 = tpu.memref_squeeze %dma_start3A_22 : memref<1x!tpu.dma_semaphore, #tpu.memory_space<semaphore_mem>> -> memref<!tpu.dma_semaphore, #tpu.memory_space<semaphore_mem>>
    %dma_start3A_24 = arith.constant 0 : i32
    %dma_start3A_25 = arith.constant 0 : i32
    %dma_start3A_26 = tpu.memref_slice %arg6[%dma_start3A, %dma_start3A_24, %dma_start3A_25] : memref<6x2x128xi32, #tpu.memory_space<vmem>> -> memref<1x2x128xi32, #tpu.memory_space<vmem>>
    %dma_start3A_27 = tpu.memref_squeeze %dma_start3A_26 : memref<1x2x128xi32, #tpu.memory_space<vmem>> -> memref<2x128xi32, #tpu.memory_space<vmem>>
    %dma_start3A_28 = arith.constant 0 : i32
    %dma_start3A_29 = arith.constant 0 : i32
    %dma_start3A_30 = tpu.memref_slice %arg3[%add3A_12, %dma_start3A_28, %dma_start3A_29] : memref<2560x2x128xi32, #tpu.memory_space<hbm>> -> memref<1x2x128xi32, #tpu.memory_space<hbm>>
    %dma_start3A_31 = tpu.memref_squeeze %dma_start3A_30 : memref<1x2x128xi32, #tpu.memory_space<hbm>> -> memref<2x128xi32, #tpu.memory_space<hbm>>
    tpu.enqueue_dma source(%dma_start3A_31 : memref<2x128xi32, #tpu.memory_space<hbm>>) target(%dma_start3A_27 : memref<2x128xi32, #tpu.memory_space<vmem>>) target_semaphore(%dma_start3A_23 : memref<!tpu.dma_semaphore, #tpu.memory_space<semaphore_mem>>)
    %add3A_32 = arith.constant 1 : i32
    %add3A_33 = arith.addi %select_n3A, %add3A_32 : i32
    %dma_start3A_34 = arith.constant 1 : i32
    %dma_start3A_35 = arith.constant 1 : i32
    %dma_start3A_36 = arith.constant 0 : i32
    %dma_start3A_37 = arith.constant 0 : i32
    %dma_start3A_38 = tpu.memref_slice %arg6[%dma_start3A_34, %dma_start3A_36, %dma_start3A_37] : memref<6x2x128xi32, #tpu.memory_space<vmem>> -> memref<1x2x128xi32, #tpu.memory_space<vmem>>
    %dma_start3A_39 = tpu.memref_squeeze %dma_start3A_38 : memref<1x2x128xi32, #tpu.memory_space<vmem>> -> memref<2x128xi32, #tpu.memory_space<vmem>>
    %dma_start3A_40 = arith.constant 0 : i32
    %dma_start3A_41 = arith.constant 0 : i32
    %dma_start3A_42 = tpu.memref_slice %arg3[%add3A_33, %dma_start3A_40, %dma_start3A_41] : memref<2560x2x128xi32, #tpu.memory_space<hbm>> -> memref<1x2x128xi32, #tpu.memory_space<hbm>>
    %dma_start3A_43 = tpu.memref_squeeze %dma_start3A_42 : memref<1x2x128xi32, #tpu.memory_space<hbm>> -> memref<2x128xi32, #tpu.memory_space<hbm>>
    %dma_start3A_44 = tpu.memref_slice %arg9[%dma_start3A_35] : memref<6x!tpu.dma_semaphore, #tpu.memory_space<semaphore_mem>> -> memref<1x!tpu.dma_semaphore, #tpu.memory_space<semaphore_mem>>
    %dma_start3A_45 = tpu.memref_squeeze %dma_start3A_44 : memref<1x!tpu.dma_semaphore, #tpu.memory_space<semaphore_mem>> -> memref<!tpu.dma_semaphore, #tpu.memory_space<semaphore_mem>>
    %dma_start3A_46 = arith.constant 0 : i32
    %dma_start3A_47 = arith.constant 0 : i32
    %dma_start3A_48 = tpu.memref_slice %arg6[%dma_start3A_34, %dma_start3A_46, %dma_start3A_47] : memref<6x2x128xi32, #tpu.memory_space<vmem>> -> memref<1x2x128xi32, #tpu.memory_space<vmem>>
    %dma_start3A_49 = tpu.memref_squeeze %dma_start3A_48 : memref<1x2x128xi32, #tpu.memory_space<vmem>> -> memref<2x128xi32, #tpu.memory_space<vmem>>
    %dma_start3A_50 = arith.constant 0 : i32
    %dma_start3A_51 = arith.constant 0 : i32
    %dma_start3A_52 = tpu.memref_slice %arg3[%add3A_33, %dma_start3A_50, %dma_start3A_51] : memref<2560x2x128xi32, #tpu.memory_space<hbm>> -> memref<1x2x128xi32, #tpu.memory_space<hbm>>
    %dma_start3A_53 = tpu.memref_squeeze %dma_start3A_52 : memref<1x2x128xi32, #tpu.memory_space<hbm>> -> memref<2x128xi32, #tpu.memory_space<hbm>>
    tpu.enqueue_dma source(%dma_start3A_53 : memref<2x128xi32, #tpu.memory_space<hbm>>) target(%dma_start3A_49 : memref<2x128xi32, #tpu.memory_space<vmem>>) target_semaphore(%dma_start3A_45 : memref<!tpu.dma_semaphore, #tpu.memory_space<semaphore_mem>>)
    %add3A_54 = arith.constant 2 : i32
    %add3A_55 = arith.addi %select_n3A, %add3A_54 : i32
    %dma_start3A_56 = arith.constant 2 : i32
    %dma_start3A_57 = arith.constant 2 : i32
    %dma_start3A_58 = arith.constant 0 : i32
    %dma_start3A_59 = arith.constant 0 : i32
    %dma_start3A_60 = tpu.memref_slice %arg6[%dma_start3A_56, %dma_start3A_58, %dma_start3A_59] : memref<6x2x128xi32, #tpu.memory_space<vmem>> -> memref<1x2x128xi32, #tpu.memory_space<vmem>>
    %dma_start3A_61 = tpu.memref_squeeze %dma_start3A_60 : memref<1x2x128xi32, #tpu.memory_space<vmem>> -> memref<2x128xi32, #tpu.memory_space<vmem>>
    %dma_start3A_62 = arith.constant 0 : i32
    %dma_start3A_63 = arith.constant 0 : i32
    %dma_start3A_64 = tpu.memref_slice %arg3[%add3A_55, %dma_start3A_62, %dma_start3A_63] : memref<2560x2x128xi32, #tpu.memory_space<hbm>> -> memref<1x2x128xi32, #tpu.memory_space<hbm>>
    %dma_start3A_65 = tpu.memref_squeeze %dma_start3A_64 : memref<1x2x128xi32, #tpu.memory_space<hbm>> -> memref<2x128xi32, #tpu.memory_space<hbm>>
    %dma_start3A_66 = tpu.memref_slice %arg9[%dma_start3A_57] : memref<6x!tpu.dma_semaphore, #tpu.memory_space<semaphore_mem>> -> memref<1x!tpu.dma_semaphore, #tpu.memory_space<semaphore_mem>>
    %dma_start3A_67 = tpu.memref_squeeze %dma_start3A_66 : memref<1x!tpu.dma_semaphore, #tpu.memory_space<semaphore_mem>> -> memref<!tpu.dma_semaphore, #tpu.memory_space<semaphore_mem>>
    %dma_start3A_68 = arith.constant 0 : i32
    %dma_start3A_69 = arith.constant 0 : i32
    %dma_start3A_70 = tpu.memref_slice %arg6[%dma_start3A_56, %dma_start3A_68, %dma_start3A_69] : memref<6x2x128xi32, #tpu.memory_space<vmem>> -> memref<1x2x128xi32, #tpu.memory_space<vmem>>
    %dma_start3A_71 = tpu.memref_squeeze %dma_start3A_70 : memref<1x2x128xi32, #tpu.memory_space<vmem>> -> memref<2x128xi32, #tpu.memory_space<vmem>>
    %dma_start3A_72 = arith.constant 0 : i32
    %dma_start3A_73 = arith.constant 0 : i32
    %dma_start3A_74 = tpu.memref_slice %arg3[%add3A_55, %dma_start3A_72, %dma_start3A_73] : memref<2560x2x128xi32, #tpu.memory_space<hbm>> -> memref<1x2x128xi32, #tpu.memory_space<hbm>>
    %dma_start3A_75 = tpu.memref_squeeze %dma_start3A_74 : memref<1x2x128xi32, #tpu.memory_space<hbm>> -> memref<2x128xi32, #tpu.memory_space<hbm>>
    tpu.enqueue_dma source(%dma_start3A_75 : memref<2x128xi32, #tpu.memory_space<hbm>>) target(%dma_start3A_71 : memref<2x128xi32, #tpu.memory_space<vmem>>) target_semaphore(%dma_start3A_67 : memref<!tpu.dma_semaphore, #tpu.memory_space<semaphore_mem>>)
    %add3A_76 = arith.constant 0 : i32
    %add3A_77 = arith.addi %select_n3A, %add3A_76 : i32
    %dma_wait3A = arith.constant 0 : i32
    %dma_wait3A_78 = arith.constant 0 : i32
    %dma_wait3A_79 = arith.constant 0 : i32
    %dma_wait3A_80 = arith.constant 0 : i32
    %dma_wait3A_81 = tpu.memref_slice %arg6[%dma_wait3A, %dma_wait3A_79, %dma_wait3A_80] : memref<6x2x128xi32, #tpu.memory_space<vmem>> -> memref<1x2x128xi32, #tpu.memory_space<vmem>>
    %dma_wait3A_82 = tpu.memref_squeeze %dma_wait3A_81 : memref<1x2x128xi32, #tpu.memory_space<vmem>> -> memref<2x128xi32, #tpu.memory_space<vmem>>
    %dma_wait3A_83 = arith.constant 0 : i32
    %dma_wait3A_84 = arith.constant 0 : i32
    %dma_wait3A_85 = tpu.memref_slice %arg3[%add3A_77, %dma_wait3A_83, %dma_wait3A_84] : memref<2560x2x128xi32, #tpu.memory_space<hbm>> -> memref<1x2x128xi32, #tpu.memory_space<hbm>>
    %dma_wait3A_86 = tpu.memref_squeeze %dma_wait3A_85 : memref<1x2x128xi32, #tpu.memory_space<hbm>> -> memref<2x128xi32, #tpu.memory_space<hbm>>
    %dma_wait3A_87 = tpu.memref_slice %arg9[%dma_wait3A_78] : memref<6x!tpu.dma_semaphore, #tpu.memory_space<semaphore_mem>> -> memref<1x!tpu.dma_semaphore, #tpu.memory_space<semaphore_mem>>
    %dma_wait3A_88 = tpu.memref_squeeze %dma_wait3A_87 : memref<1x!tpu.dma_semaphore, #tpu.memory_space<semaphore_mem>> -> memref<!tpu.dma_semaphore, #tpu.memory_space<semaphore_mem>>
    %dma_wait3A_89 = arith.constant 0 : i32
    %dma_wait3A_90 = arith.constant 0 : i32
    %dma_wait3A_91 = tpu.memref_slice %arg6[%dma_wait3A, %dma_wait3A_89, %dma_wait3A_90] : memref<6x2x128xi32, #tpu.memory_space<vmem>> -> memref<1x2x128xi32, #tpu.memory_space<vmem>>
    %dma_wait3A_92 = tpu.memref_squeeze %dma_wait3A_91 : memref<1x2x128xi32, #tpu.memory_space<vmem>> -> memref<2x128xi32, #tpu.memory_space<vmem>>
    %dma_wait3A_93 = arith.constant 0 : i32
    %dma_wait3A_94 = arith.constant 0 : i32
    %dma_wait3A_95 = tpu.memref_slice %arg3[%add3A_77, %dma_wait3A_93, %dma_wait3A_94] : memref<2560x2x128xi32, #tpu.memory_space<hbm>> -> memref<1x2x128xi32, #tpu.memory_space<hbm>>
    %dma_wait3A_96 = tpu.memref_squeeze %dma_wait3A_95 : memref<1x2x128xi32, #tpu.memory_space<hbm>> -> memref<2x128xi32, #tpu.memory_space<hbm>>
    tpu.wait_dma2 semaphore(%dma_wait3A_88 : memref<!tpu.dma_semaphore, #tpu.memory_space<semaphore_mem>>) src(%dma_wait3A_96 : memref<2x128xi32, #tpu.memory_space<hbm>>) dst(%dma_wait3A_92 : memref<2x128xi32, #tpu.memory_space<vmem>>)
    %dma_start3A_97 = arith.constant 0 : i32
    %dma_start3A_98 = arith.constant 0 : i32
    %dma_start3A_99 = arith.constant 0 : i32
    %dma_start3A_100 = arith.constant 0 : i32
    %dma_start3A_101 = arith.constant 0 : i32
    %dma_start3A_102 = arith.constant 0 : i32
    %dma_start3A_103 = tpu.memref_slice %arg7[%dma_start3A_99, %dma_start3A_101, %dma_start3A_102] : memref<2x128x16xf32, #tpu.memory_space<vmem>> -> memref<1x128x16xf32, #tpu.memory_space<vmem>>
    %dma_start3A_104 = tpu.memref_squeeze %dma_start3A_103 : memref<1x128x16xf32, #tpu.memory_space<vmem>> -> memref<128x16xf32, #tpu.memory_space<vmem>>
    %dma_start3A_105 = arith.constant 0 : i32
    %dma_start3A_106 = tpu.memref_slice %arg6[%dma_start3A_97, %dma_start3A_98, %dma_start3A_105] : memref<6x2x128xi32, #tpu.memory_space<vmem>> -> memref<1x1x128xi32, #tpu.memory_space<vmem>>
    %dma_start3A_107 = tpu.memref_squeeze %dma_start3A_106 : memref<1x1x128xi32, #tpu.memory_space<vmem>> -> memref<128xi32, #tpu.memory_space<vmem>>
    %dma_start3A_108 = arith.constant 0 : i32
    %dma_start3A_109 = arith.constant 0 : i32
    %dma_start3A_110 = tpu.memref_slice %arg2[%dma_start3A_108, %dma_start3A_109] : memref<10000x16xf32, #tpu.memory_space<hbm>> -> memref<10000x16xf32, #tpu.memory_space<hbm>>
    %dma_start3A_111 = tpu.memref_slice %arg10[%dma_start3A_100] : memref<2x!tpu.dma_semaphore, #tpu.memory_space<semaphore_mem>> -> memref<1x!tpu.dma_semaphore, #tpu.memory_space<semaphore_mem>>
    %dma_start3A_112 = tpu.memref_squeeze %dma_start3A_111 : memref<1x!tpu.dma_semaphore, #tpu.memory_space<semaphore_mem>> -> memref<!tpu.dma_semaphore, #tpu.memory_space<semaphore_mem>>
    tpu.enqueue_indirect_dma source(%dma_start3A_110 : memref<10000x16xf32, #tpu.memory_space<hbm>>) target(%dma_start3A_104 : memref<128x16xf32, #tpu.memory_space<vmem>>) offsets(%dma_start3A_107 : memref<128xi32, #tpu.memory_space<vmem>>) semaphore(%dma_start3A_112 : memref<!tpu.dma_semaphore, #tpu.memory_space<semaphore_mem>>)
    %add3A_113 = arith.constant 1 : i32
    %add3A_114 = arith.addi %select_n3A, %add3A_113 : i32
    %dma_wait3A_115 = arith.constant 1 : i32
    %dma_wait3A_116 = arith.constant 1 : i32
    %dma_wait3A_117 = arith.constant 0 : i32
    %dma_wait3A_118 = arith.constant 0 : i32
    %dma_wait3A_119 = tpu.memref_slice %arg6[%dma_wait3A_115, %dma_wait3A_117, %dma_wait3A_118] : memref<6x2x128xi32, #tpu.memory_space<vmem>> -> memref<1x2x128xi32, #tpu.memory_space<vmem>>
    %dma_wait3A_120 = tpu.memref_squeeze %dma_wait3A_119 : memref<1x2x128xi32, #tpu.memory_space<vmem>> -> memref<2x128xi32, #tpu.memory_space<vmem>>
    %dma_wait3A_121 = arith.constant 0 : i32
    %dma_wait3A_122 = arith.constant 0 : i32
    %dma_wait3A_123 = tpu.memref_slice %arg3[%add3A_114, %dma_wait3A_121, %dma_wait3A_122] : memref<2560x2x128xi32, #tpu.memory_space<hbm>> -> memref<1x2x128xi32, #tpu.memory_space<hbm>>
    %dma_wait3A_124 = tpu.memref_squeeze %dma_wait3A_123 : memref<1x2x128xi32, #tpu.memory_space<hbm>> -> memref<2x128xi32, #tpu.memory_space<hbm>>
    %dma_wait3A_125 = tpu.memref_slice %arg9[%dma_wait3A_116] : memref<6x!tpu.dma_semaphore, #tpu.memory_space<semaphore_mem>> -> memref<1x!tpu.dma_semaphore, #tpu.memory_space<semaphore_mem>>
    %dma_wait3A_126 = tpu.memref_squeeze %dma_wait3A_125 : memref<1x!tpu.dma_semaphore, #tpu.memory_space<semaphore_mem>> -> memref<!tpu.dma_semaphore, #tpu.memory_space<semaphore_mem>>
    %dma_wait3A_127 = arith.constant 0 : i32
    %dma_wait3A_128 = arith.constant 0 : i32
    %dma_wait3A_129 = tpu.memref_slice %arg6[%dma_wait3A_115, %dma_wait3A_127, %dma_wait3A_128] : memref<6x2x128xi32, #tpu.memory_space<vmem>> -> memref<1x2x128xi32, #tpu.memory_space<vmem>>
    %dma_wait3A_130 = tpu.memref_squeeze %dma_wait3A_129 : memref<1x2x128xi32, #tpu.memory_space<vmem>> -> memref<2x128xi32, #tpu.memory_space<vmem>>
    %dma_wait3A_131 = arith.constant 0 : i32
    %dma_wait3A_132 = arith.constant 0 : i32
    %dma_wait3A_133 = tpu.memref_slice %arg3[%add3A_114, %dma_wait3A_131, %dma_wait3A_132] : memref<2560x2x128xi32, #tpu.memory_space<hbm>> -> memref<1x2x128xi32, #tpu.memory_space<hbm>>
    %dma_wait3A_134 = tpu.memref_squeeze %dma_wait3A_133 : memref<1x2x128xi32, #tpu.memory_space<hbm>> -> memref<2x128xi32, #tpu.memory_space<hbm>>
    tpu.wait_dma2 semaphore(%dma_wait3A_126 : memref<!tpu.dma_semaphore, #tpu.memory_space<semaphore_mem>>) src(%dma_wait3A_134 : memref<2x128xi32, #tpu.memory_space<hbm>>) dst(%dma_wait3A_130 : memref<2x128xi32, #tpu.memory_space<vmem>>)
    %dma_start3A_135 = arith.constant 1 : i32
    %dma_start3A_136 = arith.constant 0 : i32
    %dma_start3A_137 = arith.constant 1 : i32
    %dma_start3A_138 = arith.constant 1 : i32
    %dma_start3A_139 = arith.constant 0 : i32
    %dma_start3A_140 = arith.constant 0 : i32
    %dma_start3A_141 = tpu.memref_slice %arg7[%dma_start3A_137, %dma_start3A_139, %dma_start3A_140] : memref<2x128x16xf32, #tpu.memory_space<vmem>> -> memref<1x128x16xf32, #tpu.memory_space<vmem>>
    %dma_start3A_142 = tpu.memref_squeeze %dma_start3A_141 : memref<1x128x16xf32, #tpu.memory_space<vmem>> -> memref<128x16xf32, #tpu.memory_space<vmem>>
    %dma_start3A_143 = arith.constant 0 : i32
    %dma_start3A_144 = tpu.memref_slice %arg6[%dma_start3A_135, %dma_start3A_136, %dma_start3A_143] : memref<6x2x128xi32, #tpu.memory_space<vmem>> -> memref<1x1x128xi32, #tpu.memory_space<vmem>>
    %dma_start3A_145 = tpu.memref_squeeze %dma_start3A_144 : memref<1x1x128xi32, #tpu.memory_space<vmem>> -> memref<128xi32, #tpu.memory_space<vmem>>
    %dma_start3A_146 = arith.constant 0 : i32
    %dma_start3A_147 = arith.constant 0 : i32
    %dma_start3A_148 = tpu.memref_slice %arg2[%dma_start3A_146, %dma_start3A_147] : memref<10000x16xf32, #tpu.memory_space<hbm>> -> memref<10000x16xf32, #tpu.memory_space<hbm>>
    %dma_start3A_149 = tpu.memref_slice %arg10[%dma_start3A_138] : memref<2x!tpu.dma_semaphore, #tpu.memory_space<semaphore_mem>> -> memref<1x!tpu.dma_semaphore, #tpu.memory_space<semaphore_mem>>
    %dma_start3A_150 = tpu.memref_squeeze %dma_start3A_149 : memref<1x!tpu.dma_semaphore, #tpu.memory_space<semaphore_mem>> -> memref<!tpu.dma_semaphore, #tpu.memory_space<semaphore_mem>>
    tpu.enqueue_indirect_dma source(%dma_start3A_148 : memref<10000x16xf32, #tpu.memory_space<hbm>>) target(%dma_start3A_142 : memref<128x16xf32, #tpu.memory_space<vmem>>) offsets(%dma_start3A_145 : memref<128xi32, #tpu.memory_space<vmem>>) semaphore(%dma_start3A_150 : memref<!tpu.dma_semaphore, #tpu.memory_space<semaphore_mem>>)
    %while3A = arith.constant 0 : i32
    %while3A_151 = arith.constant 0 : i32
    %while3A_152 = arith.subi %select_n3A_10, %while3A : i32
    %while3A_153 = arith.addi %while3A, %while3A_152 : i32
    %while3A_154 = arith.constant 1 : i32
    %while3A_155 = arith.divsi %while3A_152, %while3A_154 : i32
    %while3A_156 = arith.muli %while3A_155, %while3A_154 : i32
    %while3A_157 = arith.addi %while3A, %while3A_156 : i32
    %while3A_158 = arith.constant 1 : i32
    %while3A_159 = scf.for %while3A_194 = %while3A to %while3A_157 step %while3A_158 iter_args(%while3A_195 = %while3A_151) -> (i32)  : i32 {
      %jit3A_196 = arith.constant 2 : i32
      %eq3A_197 = arith.constant 0 : i32
      %eq3A_198 = arith.cmpi eq, %jit3A_196, %eq3A_197 : i32
      %jit3A_199 = arith.constant 1 : i32
      %select_n3A_200 = arith.select %eq3A_198, %jit3A_199, %jit3A_196 : i32
      %rem3A_201 = arith.remsi %while3A_194, %select_n3A_200 : i32
      %ne3A_202 = arith.constant 0 : i32
      %ne3A_203 = arith.cmpi ne, %rem3A_201, %ne3A_202 : i32
      %lt3A_204 = arith.constant 0 : i32
      %lt3A_205 = arith.cmpi slt, %rem3A_201, %lt3A_204 : i32
      %lt3A_206 = arith.constant 0 : i32
      %lt3A_207 = arith.cmpi slt, %select_n3A_200, %lt3A_206 : i32
      %ne3A_208 = arith.xori %lt3A_205, %lt3A_207 : i1
      %and3A_209 = arith.andi %ne3A_208, %ne3A_203 : i1
      %add3A_210 = arith.addi %rem3A_201, %select_n3A_200 : i32
      %select_n3A_211 = arith.select %and3A_209, %add3A_210, %rem3A_201 : i32
      %jit3A_212 = arith.constant 6 : i32
      %eq3A_213 = arith.constant 0 : i32
      %eq3A_214 = arith.cmpi eq, %jit3A_212, %eq3A_213 : i32
      %jit3A_215 = arith.constant 1 : i32
      %select_n3A_216 = arith.select %eq3A_214, %jit3A_215, %jit3A_212 : i32
      %rem3A_217 = arith.remsi %while3A_194, %select_n3A_216 : i32
      %ne3A_218 = arith.constant 0 : i32
      %ne3A_219 = arith.cmpi ne, %rem3A_217, %ne3A_218 : i32
      %lt3A_220 = arith.constant 0 : i32
      %lt3A_221 = arith.cmpi slt, %rem3A_217, %lt3A_220 : i32
      %lt3A_222 = arith.constant 0 : i32
      %lt3A_223 = arith.cmpi slt, %select_n3A_216, %lt3A_222 : i32
      %ne3A_224 = arith.xori %lt3A_221, %lt3A_223 : i1
      %and3A_225 = arith.andi %ne3A_224, %ne3A_219 : i1
      %add3A_226 = arith.addi %rem3A_217, %select_n3A_216 : i32
      %select_n3A_227 = arith.select %and3A_225, %add3A_226, %rem3A_217 : i32
      %dma_wait3A_228 = arith.constant 0 : i32
      %dma_wait3A_229 = arith.constant 0 : i32
      %dma_wait3A_230 = arith.constant 0 : i32
      %dma_wait3A_231 = tpu.memref_slice %arg7[%select_n3A_211, %dma_wait3A_229, %dma_wait3A_230] : memref<2x128x16xf32, #tpu.memory_space<vmem>> -> memref<1x128x16xf32, #tpu.memory_space<vmem>>
      %dma_wait3A_232 = tpu.memref_squeeze %dma_wait3A_231 : memref<1x128x16xf32, #tpu.memory_space<vmem>> -> memref<128x16xf32, #tpu.memory_space<vmem>>
      %dma_wait3A_233 = arith.constant 0 : i32
      %dma_wait3A_234 = tpu.memref_slice %arg6[%select_n3A_227, %dma_wait3A_228, %dma_wait3A_233] : memref<6x2x128xi32, #tpu.memory_space<vmem>> -> memref<1x1x128xi32, #tpu.memory_space<vmem>>
      %dma_wait3A_235 = tpu.memref_squeeze %dma_wait3A_234 : memref<1x1x128xi32, #tpu.memory_space<vmem>> -> memref<128xi32, #tpu.memory_space<vmem>>
      %dma_wait3A_236 = arith.constant 0 : i32
      %dma_wait3A_237 = arith.constant 0 : i32
      %dma_wait3A_238 = tpu.memref_slice %arg2[%dma_wait3A_236, %dma_wait3A_237] : memref<10000x16xf32, #tpu.memory_space<hbm>> -> memref<10000x16xf32, #tpu.memory_space<hbm>>
      %dma_wait3A_239 = tpu.memref_slice %arg10[%select_n3A_211] : memref<2x!tpu.dma_semaphore, #tpu.memory_space<semaphore_mem>> -> memref<1x!tpu.dma_semaphore, #tpu.memory_space<semaphore_mem>>
      %dma_wait3A_240 = tpu.memref_squeeze %dma_wait3A_239 : memref<1x!tpu.dma_semaphore, #tpu.memory_space<semaphore_mem>> -> memref<!tpu.dma_semaphore, #tpu.memory_space<semaphore_mem>>
      tpu.wait_indirect_dma semaphore(%dma_wait3A_240 : memref<!tpu.dma_semaphore, #tpu.memory_space<semaphore_mem>>) src(%dma_wait3A_238 : memref<10000x16xf32, #tpu.memory_space<hbm>>) dst(%dma_wait3A_232 : memref<128x16xf32, #tpu.memory_space<vmem>>)
      %add3A_241 = arith.constant 3 : i32
      %add3A_242 = arith.addi %while3A_194, %add3A_241 : i32
      %lt3A_243 = arith.cmpi slt, %add3A_242, %select_n3A_10 : i32
      %convert_element_type3A = arith.extui %lt3A_243 : i1 to i32
      %cond3A = arith.constant 0 : i32
      %cond3A_244 = arith.cmpi ne, %convert_element_type3A, %cond3A : i32
      scf.if %cond3A_244 {
        %jit3A_279 = arith.constant 6 : i32
        %eq3A_280 = arith.constant 0 : i32
        %eq3A_281 = arith.cmpi eq, %jit3A_279, %eq3A_280 : i32
        %jit3A_282 = arith.constant 1 : i32
        %select_n3A_283 = arith.select %eq3A_281, %jit3A_282, %jit3A_279 : i32
        %rem3A_284 = arith.remsi %add3A_242, %select_n3A_283 : i32
        %ne3A_285 = arith.constant 0 : i32
        %ne3A_286 = arith.cmpi ne, %rem3A_284, %ne3A_285 : i32
        %lt3A_287 = arith.constant 0 : i32
        %lt3A_288 = arith.cmpi slt, %rem3A_284, %lt3A_287 : i32
        %lt3A_289 = arith.constant 0 : i32
        %lt3A_290 = arith.cmpi slt, %select_n3A_283, %lt3A_289 : i32
        %ne3A_291 = arith.xori %lt3A_288, %lt3A_290 : i1
        %and3A_292 = arith.andi %ne3A_291, %ne3A_286 : i1
        %add3A_293 = arith.addi %rem3A_284, %select_n3A_283 : i32
        %select_n3A_294 = arith.select %and3A_292, %add3A_293, %rem3A_284 : i32
        %add3A_295 = arith.addi %select_n3A, %add3A_242 : i32
        %dma_start3A_296 = arith.constant 0 : i32
        %dma_start3A_297 = arith.constant 0 : i32
        %dma_start3A_298 = tpu.memref_slice %arg6[%select_n3A_294, %dma_start3A_296, %dma_start3A_297] : memref<6x2x128xi32, #tpu.memory_space<vmem>> -> memref<1x2x128xi32, #tpu.memory_space<vmem>>
        %dma_start3A_299 = tpu.memref_squeeze %dma_start3A_298 : memref<1x2x128xi32, #tpu.memory_space<vmem>> -> memref<2x128xi32, #tpu.memory_space<vmem>>
        %dma_start3A_300 = arith.constant 0 : i32
        %dma_start3A_301 = arith.constant 0 : i32
        %dma_start3A_302 = tpu.memref_slice %arg3[%add3A_295, %dma_start3A_300, %dma_start3A_301] : memref<2560x2x128xi32, #tpu.memory_space<hbm>> -> memref<1x2x128xi32, #tpu.memory_space<hbm>>
        %dma_start3A_303 = tpu.memref_squeeze %dma_start3A_302 : memref<1x2x128xi32, #tpu.memory_space<hbm>> -> memref<2x128xi32, #tpu.memory_space<hbm>>
        %dma_start3A_304 = tpu.memref_slice %arg9[%select_n3A_294] : memref<6x!tpu.dma_semaphore, #tpu.memory_space<semaphore_mem>> -> memref<1x!tpu.dma_semaphore, #tpu.memory_space<semaphore_mem>>
        %dma_start3A_305 = tpu.memref_squeeze %dma_start3A_304 : memref<1x!tpu.dma_semaphore, #tpu.memory_space<semaphore_mem>> -> memref<!tpu.dma_semaphore, #tpu.memory_space<semaphore_mem>>
        %dma_start3A_306 = arith.constant 0 : i32
        %dma_start3A_307 = arith.constant 0 : i32
        %dma_start3A_308 = tpu.memref_slice %arg6[%select_n3A_294, %dma_start3A_306, %dma_start3A_307] : memref<6x2x128xi32, #tpu.memory_space<vmem>> -> memref<1x2x128xi32, #tpu.memory_space<vmem>>
        %dma_start3A_309 = tpu.memref_squeeze %dma_start3A_308 : memref<1x2x128xi32, #tpu.memory_space<vmem>> -> memref<2x128xi32, #tpu.memory_space<vmem>>
        %dma_start3A_310 = arith.constant 0 : i32
        %dma_start3A_311 = arith.constant 0 : i32
        %dma_start3A_312 = tpu.memref_slice %arg3[%add3A_295, %dma_start3A_310, %dma_start3A_311] : memref<2560x2x128xi32, #tpu.memory_space<hbm>> -> memref<1x2x128xi32, #tpu.memory_space<hbm>>
        %dma_start3A_313 = tpu.memref_squeeze %dma_start3A_312 : memref<1x2x128xi32, #tpu.memory_space<hbm>> -> memref<2x128xi32, #tpu.memory_space<hbm>>
        tpu.enqueue_dma source(%dma_start3A_313 : memref<2x128xi32, #tpu.memory_space<hbm>>) target(%dma_start3A_309 : memref<2x128xi32, #tpu.memory_space<vmem>>) target_semaphore(%dma_start3A_305 : memref<!tpu.dma_semaphore, #tpu.memory_space<semaphore_mem>>)
      } else {
      }
      %jit3A_245 = arith.constant 6 : i32
      %eq3A_246 = arith.constant 0 : i32
      %eq3A_247 = arith.cmpi eq, %jit3A_245, %eq3A_246 : i32
      %jit3A_248 = arith.constant 1 : i32
      %select_n3A_249 = arith.select %eq3A_247, %jit3A_248, %jit3A_245 : i32
      %rem3A_250 = arith.remsi %while3A_194, %select_n3A_249 : i32
      %ne3A_251 = arith.constant 0 : i32
      %ne3A_252 = arith.cmpi ne, %rem3A_250, %ne3A_251 : i32
      %lt3A_253 = arith.constant 0 : i32
      %lt3A_254 = arith.cmpi slt, %rem3A_250, %lt3A_253 : i32
      %lt3A_255 = arith.constant 0 : i32
      %lt3A_256 = arith.cmpi slt, %select_n3A_249, %lt3A_255 : i32
      %ne3A_257 = arith.xori %lt3A_254, %lt3A_256 : i1
      %and3A_258 = arith.andi %ne3A_257, %ne3A_252 : i1
      %add3A_259 = arith.addi %rem3A_250, %select_n3A_249 : i32
      %select_n3A_260 = arith.select %and3A_258, %add3A_259, %rem3A_250 : i32
      %dma_start3A_261 = arith.constant 1 : i32
      %dma_start3A_262 = arith.constant 0 : i32
      %dma_start3A_263 = arith.constant 0 : i32
      %dma_start3A_264 = tpu.memref_slice %arg7[%select_n3A_211, %dma_start3A_262, %dma_start3A_263] : memref<2x128x16xf32, #tpu.memory_space<vmem>> -> memref<1x128x16xf32, #tpu.memory_space<vmem>>
      %dma_start3A_265 = tpu.memref_squeeze %dma_start3A_264 : memref<1x128x16xf32, #tpu.memory_space<vmem>> -> memref<128x16xf32, #tpu.memory_space<vmem>>
      %dma_start3A_266 = arith.constant 0 : i32
      %dma_start3A_267 = tpu.memref_slice %arg6[%select_n3A_260, %dma_start3A_261, %dma_start3A_266] : memref<6x2x128xi32, #tpu.memory_space<vmem>> -> memref<1x1x128xi32, #tpu.memory_space<vmem>>
      %dma_start3A_268 = tpu.memref_squeeze %dma_start3A_267 : memref<1x1x128xi32, #tpu.memory_space<vmem>> -> memref<128xi32, #tpu.memory_space<vmem>>
      %dma_start3A_269 = arith.constant 0 : i32
      %dma_start3A_270 = arith.constant 0 : i32
      %dma_start3A_271 = tpu.memref_slice %arg8[%dma_start3A_269, %dma_start3A_270] : memref<10016x16xf32, #tpu.memory_space<vmem_shared>> -> memref<10016x16xf32, #tpu.memory_space<vmem_shared>>
      %dma_start3A_272 = tpu.memref_slice %arg11[%select_n3A_211] : memref<2x!tpu.dma_semaphore, #tpu.memory_space<semaphore_mem>> -> memref<1x!tpu.dma_semaphore, #tpu.memory_space<semaphore_mem>>
      %dma_start3A_273 = tpu.memref_squeeze %dma_start3A_272 : memref<1x!tpu.dma_semaphore, #tpu.memory_space<semaphore_mem>> -> memref<!tpu.dma_semaphore, #tpu.memory_space<semaphore_mem>>
      tpu.enqueue_indirect_dma source(%dma_start3A_265 : memref<128x16xf32, #tpu.memory_space<vmem>>) target(%dma_start3A_271 : memref<10016x16xf32, #tpu.memory_space<vmem_shared>>) offsets(%dma_start3A_268 : memref<128xi32, #tpu.memory_space<vmem>>) semaphore(%dma_start3A_273 : memref<!tpu.dma_semaphore, #tpu.memory_space<semaphore_mem>>) {add = true}
      %ge3A = arith.constant 1 : i32
      %ge3A_274 = arith.cmpi sge, %while3A_194, %ge3A : i32
      %convert_element_type3A_275 = arith.extui %ge3A_274 : i1 to i32
      %cond3A_276 = arith.constant 0 : i32
      %cond3A_277 = arith.cmpi ne, %convert_element_type3A_275, %cond3A_276 : i32
      scf.if %cond3A_277 {
        %sub3A_279 = arith.constant 1 : i32
        %sub3A_280 = arith.subi %while3A_194, %sub3A_279 : i32
        %jit3A_281 = arith.constant 2 : i32
        %eq3A_282 = arith.constant 0 : i32
        %eq3A_283 = arith.cmpi eq, %jit3A_281, %eq3A_282 : i32
        %jit3A_284 = arith.constant 1 : i32
        %select_n3A_285 = arith.select %eq3A_283, %jit3A_284, %jit3A_281 : i32
        %rem3A_286 = arith.remsi %sub3A_280, %select_n3A_285 : i32
        %ne3A_287 = arith.constant 0 : i32
        %ne3A_288 = arith.cmpi ne, %rem3A_286, %ne3A_287 : i32
        %lt3A_289 = arith.constant 0 : i32
        %lt3A_290 = arith.cmpi slt, %rem3A_286, %lt3A_289 : i32
        %lt3A_291 = arith.constant 0 : i32
        %lt3A_292 = arith.cmpi slt, %select_n3A_285, %lt3A_291 : i32
        %ne3A_293 = arith.xori %lt3A_290, %lt3A_292 : i1
        %and3A_294 = arith.andi %ne3A_293, %ne3A_288 : i1
        %add3A_295 = arith.addi %rem3A_286, %select_n3A_285 : i32
        %select_n3A_296 = arith.select %and3A_294, %add3A_295, %rem3A_286 : i32
        %dma_wait3A_297 = arith.constant 0 : i32
        %dma_wait3A_298 = arith.constant 0 : i32
        %dma_wait3A_299 = tpu.memref_slice %arg7[%select_n3A_296, %dma_wait3A_297, %dma_wait3A_298] : memref<2x128x16xf32, #tpu.memory_space<vmem>> -> memref<1x128x16xf32, #tpu.memory_space<vmem>>
        %dma_wait3A_300 = tpu.memref_squeeze %dma_wait3A_299 : memref<1x128x16xf32, #tpu.memory_space<vmem>> -> memref<128x16xf32, #tpu.memory_space<vmem>>
        %dma_wait3A_301 = arith.constant 0 : i32
        %dma_wait3A_302 = arith.constant 0 : i32
        %dma_wait3A_303 = tpu.memref_slice %arg2[%dma_wait3A_301, %dma_wait3A_302] : memref<10000x16xf32, #tpu.memory_space<hbm>> -> memref<128x16xf32, #tpu.memory_space<hbm>>
        %dma_wait3A_304 = tpu.memref_slice %arg11[%select_n3A_296] : memref<2x!tpu.dma_semaphore, #tpu.memory_space<semaphore_mem>> -> memref<1x!tpu.dma_semaphore, #tpu.memory_space<semaphore_mem>>
        %dma_wait3A_305 = tpu.memref_squeeze %dma_wait3A_304 : memref<1x!tpu.dma_semaphore, #tpu.memory_space<semaphore_mem>> -> memref<!tpu.dma_semaphore, #tpu.memory_space<semaphore_mem>>
        %dma_wait3A_306 = arith.constant 0 : i32
        %dma_wait3A_307 = arith.constant 0 : i32
        %dma_wait3A_308 = tpu.memref_slice %arg7[%select_n3A_296, %dma_wait3A_306, %dma_wait3A_307] : memref<2x128x16xf32, #tpu.memory_space<vmem>> -> memref<1x128x16xf32, #tpu.memory_space<vmem>>
        %dma_wait3A_309 = tpu.memref_squeeze %dma_wait3A_308 : memref<1x128x16xf32, #tpu.memory_space<vmem>> -> memref<128x16xf32, #tpu.memory_space<vmem>>
        %dma_wait3A_310 = arith.constant 0 : i32
        %dma_wait3A_311 = arith.constant 0 : i32
        %dma_wait3A_312 = tpu.memref_slice %arg2[%dma_wait3A_310, %dma_wait3A_311] : memref<10000x16xf32, #tpu.memory_space<hbm>> -> memref<128x16xf32, #tpu.memory_space<hbm>>
        tpu.wait_dma2 semaphore(%dma_wait3A_305 : memref<!tpu.dma_semaphore, #tpu.memory_space<semaphore_mem>>) src(%dma_wait3A_312 : memref<128x16xf32, #tpu.memory_space<hbm>>) dst(%dma_wait3A_309 : memref<128x16xf32, #tpu.memory_space<vmem>>)
        %sub3A_313 = arith.constant 1 : i32
        %sub3A_314 = arith.subi %while3A_194, %sub3A_313 : i32
        %add3A_315 = arith.constant 2 : i32
        %add3A_316 = arith.addi %sub3A_314, %add3A_315 : i32
        %lt3A_317 = arith.cmpi slt, %add3A_316, %select_n3A_10 : i32
        %convert_element_type3A_318 = arith.extui %lt3A_317 : i1 to i32
        %cond3A_319 = arith.constant 0 : i32
        %cond3A_320 = arith.cmpi ne, %convert_element_type3A_318, %cond3A_319 : i32
        scf.if %cond3A_320 {
          %jit3A_321 = arith.constant 6 : i32
          %eq3A_322 = arith.constant 0 : i32
          %eq3A_323 = arith.cmpi eq, %jit3A_321, %eq3A_322 : i32
          %jit3A_324 = arith.constant 1 : i32
          %select_n3A_325 = arith.select %eq3A_323, %jit3A_324, %jit3A_321 : i32
          %rem3A_326 = arith.remsi %add3A_316, %select_n3A_325 : i32
          %ne3A_327 = arith.constant 0 : i32
          %ne3A_328 = arith.cmpi ne, %rem3A_326, %ne3A_327 : i32
          %lt3A_329 = arith.constant 0 : i32
          %lt3A_330 = arith.cmpi slt, %rem3A_326, %lt3A_329 : i32
          %lt3A_331 = arith.constant 0 : i32
          %lt3A_332 = arith.cmpi slt, %select_n3A_325, %lt3A_331 : i32
          %ne3A_333 = arith.xori %lt3A_330, %lt3A_332 : i1
          %and3A_334 = arith.andi %ne3A_333, %ne3A_328 : i1
          %add3A_335 = arith.addi %rem3A_326, %select_n3A_325 : i32
          %select_n3A_336 = arith.select %and3A_334, %add3A_335, %rem3A_326 : i32
          %add3A_337 = arith.addi %select_n3A, %add3A_316 : i32
          %dma_wait3A_338 = arith.constant 0 : i32
          %dma_wait3A_339 = arith.constant 0 : i32
          %dma_wait3A_340 = tpu.memref_slice %arg6[%select_n3A_336, %dma_wait3A_338, %dma_wait3A_339] : memref<6x2x128xi32, #tpu.memory_space<vmem>> -> memref<1x2x128xi32, #tpu.memory_space<vmem>>
          %dma_wait3A_341 = tpu.memref_squeeze %dma_wait3A_340 : memref<1x2x128xi32, #tpu.memory_space<vmem>> -> memref<2x128xi32, #tpu.memory_space<vmem>>
          %dma_wait3A_342 = arith.constant 0 : i32
          %dma_wait3A_343 = arith.constant 0 : i32
          %dma_wait3A_344 = tpu.memref_slice %arg3[%add3A_337, %dma_wait3A_342, %dma_wait3A_343] : memref<2560x2x128xi32, #tpu.memory_space<hbm>> -> memref<1x2x128xi32, #tpu.memory_space<hbm>>
          %dma_wait3A_345 = tpu.memref_squeeze %dma_wait3A_344 : memref<1x2x128xi32, #tpu.memory_space<hbm>> -> memref<2x128xi32, #tpu.memory_space<hbm>>
          %dma_wait3A_346 = tpu.memref_slice %arg9[%select_n3A_336] : memref<6x!tpu.dma_semaphore, #tpu.memory_space<semaphore_mem>> -> memref<1x!tpu.dma_semaphore, #tpu.memory_space<semaphore_mem>>
          %dma_wait3A_347 = tpu.memref_squeeze %dma_wait3A_346 : memref<1x!tpu.dma_semaphore, #tpu.memory_space<semaphore_mem>> -> memref<!tpu.dma_semaphore, #tpu.memory_space<semaphore_mem>>
          %dma_wait3A_348 = arith.constant 0 : i32
          %dma_wait3A_349 = arith.constant 0 : i32
          %dma_wait3A_350 = tpu.memref_slice %arg6[%select_n3A_336, %dma_wait3A_348, %dma_wait3A_349] : memref<6x2x128xi32, #tpu.memory_space<vmem>> -> memref<1x2x128xi32, #tpu.memory_space<vmem>>
          %dma_wait3A_351 = tpu.memref_squeeze %dma_wait3A_350 : memref<1x2x128xi32, #tpu.memory_space<vmem>> -> memref<2x128xi32, #tpu.memory_space<vmem>>
          %dma_wait3A_352 = arith.constant 0 : i32
          %dma_wait3A_353 = arith.constant 0 : i32
          %dma_wait3A_354 = tpu.memref_slice %arg3[%add3A_337, %dma_wait3A_352, %dma_wait3A_353] : memref<2560x2x128xi32, #tpu.memory_space<hbm>> -> memref<1x2x128xi32, #tpu.memory_space<hbm>>
          %dma_wait3A_355 = tpu.memref_squeeze %dma_wait3A_354 : memref<1x2x128xi32, #tpu.memory_space<hbm>> -> memref<2x128xi32, #tpu.memory_space<hbm>>
          tpu.wait_dma2 semaphore(%dma_wait3A_347 : memref<!tpu.dma_semaphore, #tpu.memory_space<semaphore_mem>>) src(%dma_wait3A_355 : memref<2x128xi32, #tpu.memory_space<hbm>>) dst(%dma_wait3A_351 : memref<2x128xi32, #tpu.memory_space<vmem>>)
          %jit3A_356 = arith.constant 6 : i32
          %eq3A_357 = arith.constant 0 : i32
          %eq3A_358 = arith.cmpi eq, %jit3A_356, %eq3A_357 : i32
          %jit3A_359 = arith.constant 1 : i32
          %select_n3A_360 = arith.select %eq3A_358, %jit3A_359, %jit3A_356 : i32
          %rem3A_361 = arith.remsi %add3A_316, %select_n3A_360 : i32
          %ne3A_362 = arith.constant 0 : i32
          %ne3A_363 = arith.cmpi ne, %rem3A_361, %ne3A_362 : i32
          %lt3A_364 = arith.constant 0 : i32
          %lt3A_365 = arith.cmpi slt, %rem3A_361, %lt3A_364 : i32
          %lt3A_366 = arith.constant 0 : i32
          %lt3A_367 = arith.cmpi slt, %select_n3A_360, %lt3A_366 : i32
          %ne3A_368 = arith.xori %lt3A_365, %lt3A_367 : i1
          %and3A_369 = arith.andi %ne3A_368, %ne3A_363 : i1
          %add3A_370 = arith.addi %rem3A_361, %select_n3A_360 : i32
          %select_n3A_371 = arith.select %and3A_369, %add3A_370, %rem3A_361 : i32
          %dma_start3A_372 = arith.constant 0 : i32
          %dma_start3A_373 = arith.constant 0 : i32
          %dma_start3A_374 = arith.constant 0 : i32
          %dma_start3A_375 = tpu.memref_slice %arg7[%select_n3A_296, %dma_start3A_373, %dma_start3A_374] : memref<2x128x16xf32, #tpu.memory_space<vmem>> -> memref<1x128x16xf32, #tpu.memory_space<vmem>>
          %dma_start3A_376 = tpu.memref_squeeze %dma_start3A_375 : memref<1x128x16xf32, #tpu.memory_space<vmem>> -> memref<128x16xf32, #tpu.memory_space<vmem>>
          %dma_start3A_377 = arith.constant 0 : i32
          %dma_start3A_378 = tpu.memref_slice %arg6[%select_n3A_371, %dma_start3A_372, %dma_start3A_377] : memref<6x2x128xi32, #tpu.memory_space<vmem>> -> memref<1x1x128xi32, #tpu.memory_space<vmem>>
          %dma_start3A_379 = tpu.memref_squeeze %dma_start3A_378 : memref<1x1x128xi32, #tpu.memory_space<vmem>> -> memref<128xi32, #tpu.memory_space<vmem>>
          %dma_start3A_380 = arith.constant 0 : i32
          %dma_start3A_381 = arith.constant 0 : i32
          %dma_start3A_382 = tpu.memref_slice %arg2[%dma_start3A_380, %dma_start3A_381] : memref<10000x16xf32, #tpu.memory_space<hbm>> -> memref<10000x16xf32, #tpu.memory_space<hbm>>
          %dma_start3A_383 = tpu.memref_slice %arg10[%select_n3A_296] : memref<2x!tpu.dma_semaphore, #tpu.memory_space<semaphore_mem>> -> memref<1x!tpu.dma_semaphore, #tpu.memory_space<semaphore_mem>>
          %dma_start3A_384 = tpu.memref_squeeze %dma_start3A_383 : memref<1x!tpu.dma_semaphore, #tpu.memory_space<semaphore_mem>> -> memref<!tpu.dma_semaphore, #tpu.memory_space<semaphore_mem>>
          tpu.enqueue_indirect_dma source(%dma_start3A_382 : memref<10000x16xf32, #tpu.memory_space<hbm>>) target(%dma_start3A_376 : memref<128x16xf32, #tpu.memory_space<vmem>>) offsets(%dma_start3A_379 : memref<128xi32, #tpu.memory_space<vmem>>) semaphore(%dma_start3A_384 : memref<!tpu.dma_semaphore, #tpu.memory_space<semaphore_mem>>)
        } else {
        }
      } else {
      }
      %while3A_278 = arith.constant 0 : i32
      scf.yield %while3A_278 : i32
    }
    %while3A_160 = arith.constant 1 : i32
    %while3A_161 = scf.for %while3A_194 = %while3A_157 to %while3A_153 step %while3A_160 iter_args(%while3A_195 = %while3A_159) -> (i32)  : i32 {
      %jit3A_196 = arith.constant 2 : i32
      %eq3A_197 = arith.constant 0 : i32
      %eq3A_198 = arith.cmpi eq, %jit3A_196, %eq3A_197 : i32
      %jit3A_199 = arith.constant 1 : i32
      %select_n3A_200 = arith.select %eq3A_198, %jit3A_199, %jit3A_196 : i32
      %rem3A_201 = arith.remsi %while3A_194, %select_n3A_200 : i32
      %ne3A_202 = arith.constant 0 : i32
      %ne3A_203 = arith.cmpi ne, %rem3A_201, %ne3A_202 : i32
      %lt3A_204 = arith.constant 0 : i32
      %lt3A_205 = arith.cmpi slt, %rem3A_201, %lt3A_204 : i32
      %lt3A_206 = arith.constant 0 : i32
      %lt3A_207 = arith.cmpi slt, %select_n3A_200, %lt3A_206 : i32
      %ne3A_208 = arith.xori %lt3A_205, %lt3A_207 : i1
      %and3A_209 = arith.andi %ne3A_208, %ne3A_203 : i1
      %add3A_210 = arith.addi %rem3A_201, %select_n3A_200 : i32
      %select_n3A_211 = arith.select %and3A_209, %add3A_210, %rem3A_201 : i32
      %jit3A_212 = arith.constant 6 : i32
      %eq3A_213 = arith.constant 0 : i32
      %eq3A_214 = arith.cmpi eq, %jit3A_212, %eq3A_213 : i32
      %jit3A_215 = arith.constant 1 : i32
      %select_n3A_216 = arith.select %eq3A_214, %jit3A_215, %jit3A_212 : i32
      %rem3A_217 = arith.remsi %while3A_194, %select_n3A_216 : i32
      %ne3A_218 = arith.constant 0 : i32
      %ne3A_219 = arith.cmpi ne, %rem3A_217, %ne3A_218 : i32
      %lt3A_220 = arith.constant 0 : i32
      %lt3A_221 = arith.cmpi slt, %rem3A_217, %lt3A_220 : i32
      %lt3A_222 = arith.constant 0 : i32
      %lt3A_223 = arith.cmpi slt, %select_n3A_216, %lt3A_222 : i32
      %ne3A_224 = arith.xori %lt3A_221, %lt3A_223 : i1
      %and3A_225 = arith.andi %ne3A_224, %ne3A_219 : i1
      %add3A_226 = arith.addi %rem3A_217, %select_n3A_216 : i32
      %select_n3A_227 = arith.select %and3A_225, %add3A_226, %rem3A_217 : i32
      %dma_wait3A_228 = arith.constant 0 : i32
      %dma_wait3A_229 = arith.constant 0 : i32
      %dma_wait3A_230 = arith.constant 0 : i32
      %dma_wait3A_231 = tpu.memref_slice %arg7[%select_n3A_211, %dma_wait3A_229, %dma_wait3A_230] : memref<2x128x16xf32, #tpu.memory_space<vmem>> -> memref<1x128x16xf32, #tpu.memory_space<vmem>>
      %dma_wait3A_232 = tpu.memref_squeeze %dma_wait3A_231 : memref<1x128x16xf32, #tpu.memory_space<vmem>> -> memref<128x16xf32, #tpu.memory_space<vmem>>
      %dma_wait3A_233 = arith.constant 0 : i32
      %dma_wait3A_234 = tpu.memref_slice %arg6[%select_n3A_227, %dma_wait3A_228, %dma_wait3A_233] : memref<6x2x128xi32, #tpu.memory_space<vmem>> -> memref<1x1x128xi32, #tpu.memory_space<vmem>>
      %dma_wait3A_235 = tpu.memref_squeeze %dma_wait3A_234 : memref<1x1x128xi32, #tpu.memory_space<vmem>> -> memref<128xi32, #tpu.memory_space<vmem>>
      %dma_wait3A_236 = arith.constant 0 : i32
      %dma_wait3A_237 = arith.constant 0 : i32
      %dma_wait3A_238 = tpu.memref_slice %arg2[%dma_wait3A_236, %dma_wait3A_237] : memref<10000x16xf32, #tpu.memory_space<hbm>> -> memref<10000x16xf32, #tpu.memory_space<hbm>>
      %dma_wait3A_239 = tpu.memref_slice %arg10[%select_n3A_211] : memref<2x!tpu.dma_semaphore, #tpu.memory_space<semaphore_mem>> -> memref<1x!tpu.dma_semaphore, #tpu.memory_space<semaphore_mem>>
      %dma_wait3A_240 = tpu.memref_squeeze %dma_wait3A_239 : memref<1x!tpu.dma_semaphore, #tpu.memory_space<semaphore_mem>> -> memref<!tpu.dma_semaphore, #tpu.memory_space<semaphore_mem>>
      tpu.wait_indirect_dma semaphore(%dma_wait3A_240 : memref<!tpu.dma_semaphore, #tpu.memory_space<semaphore_mem>>) src(%dma_wait3A_238 : memref<10000x16xf32, #tpu.memory_space<hbm>>) dst(%dma_wait3A_232 : memref<128x16xf32, #tpu.memory_space<vmem>>)
      %add3A_241 = arith.constant 3 : i32
      %add3A_242 = arith.addi %while3A_194, %add3A_241 : i32
      %lt3A_243 = arith.cmpi slt, %add3A_242, %select_n3A_10 : i32
      %convert_element_type3A = arith.extui %lt3A_243 : i1 to i32
      %cond3A = arith.constant 0 : i32
      %cond3A_244 = arith.cmpi ne, %convert_element_type3A, %cond3A : i32
      scf.if %cond3A_244 {
        %jit3A_279 = arith.constant 6 : i32
        %eq3A_280 = arith.constant 0 : i32
        %eq3A_281 = arith.cmpi eq, %jit3A_279, %eq3A_280 : i32
        %jit3A_282 = arith.constant 1 : i32
        %select_n3A_283 = arith.select %eq3A_281, %jit3A_282, %jit3A_279 : i32
        %rem3A_284 = arith.remsi %add3A_242, %select_n3A_283 : i32
        %ne3A_285 = arith.constant 0 : i32
        %ne3A_286 = arith.cmpi ne, %rem3A_284, %ne3A_285 : i32
        %lt3A_287 = arith.constant 0 : i32
        %lt3A_288 = arith.cmpi slt, %rem3A_284, %lt3A_287 : i32
        %lt3A_289 = arith.constant 0 : i32
        %lt3A_290 = arith.cmpi slt, %select_n3A_283, %lt3A_289 : i32
        %ne3A_291 = arith.xori %lt3A_288, %lt3A_290 : i1
        %and3A_292 = arith.andi %ne3A_291, %ne3A_286 : i1
        %add3A_293 = arith.addi %rem3A_284, %select_n3A_283 : i32
        %select_n3A_294 = arith.select %and3A_292, %add3A_293, %rem3A_284 : i32
        %add3A_295 = arith.addi %select_n3A, %add3A_242 : i32
        %dma_start3A_296 = arith.constant 0 : i32
        %dma_start3A_297 = arith.constant 0 : i32
        %dma_start3A_298 = tpu.memref_slice %arg6[%select_n3A_294, %dma_start3A_296, %dma_start3A_297] : memref<6x2x128xi32, #tpu.memory_space<vmem>> -> memref<1x2x128xi32, #tpu.memory_space<vmem>>
        %dma_start3A_299 = tpu.memref_squeeze %dma_start3A_298 : memref<1x2x128xi32, #tpu.memory_space<vmem>> -> memref<2x128xi32, #tpu.memory_space<vmem>>
        %dma_start3A_300 = arith.constant 0 : i32
        %dma_start3A_301 = arith.constant 0 : i32
        %dma_start3A_302 = tpu.memref_slice %arg3[%add3A_295, %dma_start3A_300, %dma_start3A_301] : memref<2560x2x128xi32, #tpu.memory_space<hbm>> -> memref<1x2x128xi32, #tpu.memory_space<hbm>>
        %dma_start3A_303 = tpu.memref_squeeze %dma_start3A_302 : memref<1x2x128xi32, #tpu.memory_space<hbm>> -> memref<2x128xi32, #tpu.memory_space<hbm>>
        %dma_start3A_304 = tpu.memref_slice %arg9[%select_n3A_294] : memref<6x!tpu.dma_semaphore, #tpu.memory_space<semaphore_mem>> -> memref<1x!tpu.dma_semaphore, #tpu.memory_space<semaphore_mem>>
        %dma_start3A_305 = tpu.memref_squeeze %dma_start3A_304 : memref<1x!tpu.dma_semaphore, #tpu.memory_space<semaphore_mem>> -> memref<!tpu.dma_semaphore, #tpu.memory_space<semaphore_mem>>
        %dma_start3A_306 = arith.constant 0 : i32
        %dma_start3A_307 = arith.constant 0 : i32
        %dma_start3A_308 = tpu.memref_slice %arg6[%select_n3A_294, %dma_start3A_306, %dma_start3A_307] : memref<6x2x128xi32, #tpu.memory_space<vmem>> -> memref<1x2x128xi32, #tpu.memory_space<vmem>>
        %dma_start3A_309 = tpu.memref_squeeze %dma_start3A_308 : memref<1x2x128xi32, #tpu.memory_space<vmem>> -> memref<2x128xi32, #tpu.memory_space<vmem>>
        %dma_start3A_310 = arith.constant 0 : i32
        %dma_start3A_311 = arith.constant 0 : i32
        %dma_start3A_312 = tpu.memref_slice %arg3[%add3A_295, %dma_start3A_310, %dma_start3A_311] : memref<2560x2x128xi32, #tpu.memory_space<hbm>> -> memref<1x2x128xi32, #tpu.memory_space<hbm>>
        %dma_start3A_313 = tpu.memref_squeeze %dma_start3A_312 : memref<1x2x128xi32, #tpu.memory_space<hbm>> -> memref<2x128xi32, #tpu.memory_space<hbm>>
        tpu.enqueue_dma source(%dma_start3A_313 : memref<2x128xi32, #tpu.memory_space<hbm>>) target(%dma_start3A_309 : memref<2x128xi32, #tpu.memory_space<vmem>>) target_semaphore(%dma_start3A_305 : memref<!tpu.dma_semaphore, #tpu.memory_space<semaphore_mem>>)
      } else {
      }
      %jit3A_245 = arith.constant 6 : i32
      %eq3A_246 = arith.constant 0 : i32
      %eq3A_247 = arith.cmpi eq, %jit3A_245, %eq3A_246 : i32
      %jit3A_248 = arith.constant 1 : i32
      %select_n3A_249 = arith.select %eq3A_247, %jit3A_248, %jit3A_245 : i32
      %rem3A_250 = arith.remsi %while3A_194, %select_n3A_249 : i32
      %ne3A_251 = arith.constant 0 : i32
      %ne3A_252 = arith.cmpi ne, %rem3A_250, %ne3A_251 : i32
      %lt3A_253 = arith.constant 0 : i32
      %lt3A_254 = arith.cmpi slt, %rem3A_250, %lt3A_253 : i32
      %lt3A_255 = arith.constant 0 : i32
      %lt3A_256 = arith.cmpi slt, %select_n3A_249, %lt3A_255 : i32
      %ne3A_257 = arith.xori %lt3A_254, %lt3A_256 : i1
      %and3A_258 = arith.andi %ne3A_257, %ne3A_252 : i1
      %add3A_259 = arith.addi %rem3A_250, %select_n3A_249 : i32
      %select_n3A_260 = arith.select %and3A_258, %add3A_259, %rem3A_250 : i32
      %dma_start3A_261 = arith.constant 1 : i32
      %dma_start3A_262 = arith.constant 0 : i32
      %dma_start3A_263 = arith.constant 0 : i32
      %dma_start3A_264 = tpu.memref_slice %arg7[%select_n3A_211, %dma_start3A_262, %dma_start3A_263] : memref<2x128x16xf32, #tpu.memory_space<vmem>> -> memref<1x128x16xf32, #tpu.memory_space<vmem>>
      %dma_start3A_265 = tpu.memref_squeeze %dma_start3A_264 : memref<1x128x16xf32, #tpu.memory_space<vmem>> -> memref<128x16xf32, #tpu.memory_space<vmem>>
      %dma_start3A_266 = arith.constant 0 : i32
      %dma_start3A_267 = tpu.memref_slice %arg6[%select_n3A_260, %dma_start3A_261, %dma_start3A_266] : memref<6x2x128xi32, #tpu.memory_space<vmem>> -> memref<1x1x128xi32, #tpu.memory_space<vmem>>
      %dma_start3A_268 = tpu.memref_squeeze %dma_start3A_267 : memref<1x1x128xi32, #tpu.memory_space<vmem>> -> memref<128xi32, #tpu.memory_space<vmem>>
      %dma_start3A_269 = arith.constant 0 : i32
      %dma_start3A_270 = arith.constant 0 : i32
      %dma_start3A_271 = tpu.memref_slice %arg8[%dma_start3A_269, %dma_start3A_270] : memref<10016x16xf32, #tpu.memory_space<vmem_shared>> -> memref<10016x16xf32, #tpu.memory_space<vmem_shared>>
      %dma_start3A_272 = tpu.memref_slice %arg11[%select_n3A_211] : memref<2x!tpu.dma_semaphore, #tpu.memory_space<semaphore_mem>> -> memref<1x!tpu.dma_semaphore, #tpu.memory_space<semaphore_mem>>
      %dma_start3A_273 = tpu.memref_squeeze %dma_start3A_272 : memref<1x!tpu.dma_semaphore, #tpu.memory_space<semaphore_mem>> -> memref<!tpu.dma_semaphore, #tpu.memory_space<semaphore_mem>>
      tpu.enqueue_indirect_dma source(%dma_start3A_265 : memref<128x16xf32, #tpu.memory_space<vmem>>) target(%dma_start3A_271 : memref<10016x16xf32, #tpu.memory_space<vmem_shared>>) offsets(%dma_start3A_268 : memref<128xi32, #tpu.memory_space<vmem>>) semaphore(%dma_start3A_273 : memref<!tpu.dma_semaphore, #tpu.memory_space<semaphore_mem>>) {add = true}
      %ge3A = arith.constant 1 : i32
      %ge3A_274 = arith.cmpi sge, %while3A_194, %ge3A : i32
      %convert_element_type3A_275 = arith.extui %ge3A_274 : i1 to i32
      %cond3A_276 = arith.constant 0 : i32
      %cond3A_277 = arith.cmpi ne, %convert_element_type3A_275, %cond3A_276 : i32
      scf.if %cond3A_277 {
        %sub3A_279 = arith.constant 1 : i32
        %sub3A_280 = arith.subi %while3A_194, %sub3A_279 : i32
        %jit3A_281 = arith.constant 2 : i32
        %eq3A_282 = arith.constant 0 : i32
        %eq3A_283 = arith.cmpi eq, %jit3A_281, %eq3A_282 : i32
        %jit3A_284 = arith.constant 1 : i32
        %select_n3A_285 = arith.select %eq3A_283, %jit3A_284, %jit3A_281 : i32
        %rem3A_286 = arith.remsi %sub3A_280, %select_n3A_285 : i32
        %ne3A_287 = arith.constant 0 : i32
        %ne3A_288 = arith.cmpi ne, %rem3A_286, %ne3A_287 : i32
        %lt3A_289 = arith.constant 0 : i32
        %lt3A_290 = arith.cmpi slt, %rem3A_286, %lt3A_289 : i32
        %lt3A_291 = arith.constant 0 : i32
        %lt3A_292 = arith.cmpi slt, %select_n3A_285, %lt3A_291 : i32
        %ne3A_293 = arith.xori %lt3A_290, %lt3A_292 : i1
        %and3A_294 = arith.andi %ne3A_293, %ne3A_288 : i1
        %add3A_295 = arith.addi %rem3A_286, %select_n3A_285 : i32
        %select_n3A_296 = arith.select %and3A_294, %add3A_295, %rem3A_286 : i32
        %dma_wait3A_297 = arith.constant 0 : i32
        %dma_wait3A_298 = arith.constant 0 : i32
        %dma_wait3A_299 = tpu.memref_slice %arg7[%select_n3A_296, %dma_wait3A_297, %dma_wait3A_298] : memref<2x128x16xf32, #tpu.memory_space<vmem>> -> memref<1x128x16xf32, #tpu.memory_space<vmem>>
        %dma_wait3A_300 = tpu.memref_squeeze %dma_wait3A_299 : memref<1x128x16xf32, #tpu.memory_space<vmem>> -> memref<128x16xf32, #tpu.memory_space<vmem>>
        %dma_wait3A_301 = arith.constant 0 : i32
        %dma_wait3A_302 = arith.constant 0 : i32
        %dma_wait3A_303 = tpu.memref_slice %arg2[%dma_wait3A_301, %dma_wait3A_302] : memref<10000x16xf32, #tpu.memory_space<hbm>> -> memref<128x16xf32, #tpu.memory_space<hbm>>
        %dma_wait3A_304 = tpu.memref_slice %arg11[%select_n3A_296] : memref<2x!tpu.dma_semaphore, #tpu.memory_space<semaphore_mem>> -> memref<1x!tpu.dma_semaphore, #tpu.memory_space<semaphore_mem>>
        %dma_wait3A_305 = tpu.memref_squeeze %dma_wait3A_304 : memref<1x!tpu.dma_semaphore, #tpu.memory_space<semaphore_mem>> -> memref<!tpu.dma_semaphore, #tpu.memory_space<semaphore_mem>>
        %dma_wait3A_306 = arith.constant 0 : i32
        %dma_wait3A_307 = arith.constant 0 : i32
        %dma_wait3A_308 = tpu.memref_slice %arg7[%select_n3A_296, %dma_wait3A_306, %dma_wait3A_307] : memref<2x128x16xf32, #tpu.memory_space<vmem>> -> memref<1x128x16xf32, #tpu.memory_space<vmem>>
        %dma_wait3A_309 = tpu.memref_squeeze %dma_wait3A_308 : memref<1x128x16xf32, #tpu.memory_space<vmem>> -> memref<128x16xf32, #tpu.memory_space<vmem>>
        %dma_wait3A_310 = arith.constant 0 : i32
        %dma_wait3A_311 = arith.constant 0 : i32
        %dma_wait3A_312 = tpu.memref_slice %arg2[%dma_wait3A_310, %dma_wait3A_311] : memref<10000x16xf32, #tpu.memory_space<hbm>> -> memref<128x16xf32, #tpu.memory_space<hbm>>
        tpu.wait_dma2 semaphore(%dma_wait3A_305 : memref<!tpu.dma_semaphore, #tpu.memory_space<semaphore_mem>>) src(%dma_wait3A_312 : memref<128x16xf32, #tpu.memory_space<hbm>>) dst(%dma_wait3A_309 : memref<128x16xf32, #tpu.memory_space<vmem>>)
        %sub3A_313 = arith.constant 1 : i32
        %sub3A_314 = arith.subi %while3A_194, %sub3A_313 : i32
        %add3A_315 = arith.constant 2 : i32
        %add3A_316 = arith.addi %sub3A_314, %add3A_315 : i32
        %lt3A_317 = arith.cmpi slt, %add3A_316, %select_n3A_10 : i32
        %convert_element_type3A_318 = arith.extui %lt3A_317 : i1 to i32
        %cond3A_319 = arith.constant 0 : i32
        %cond3A_320 = arith.cmpi ne, %convert_element_type3A_318, %cond3A_319 : i32
        scf.if %cond3A_320 {
          %jit3A_321 = arith.constant 6 : i32
          %eq3A_322 = arith.constant 0 : i32
          %eq3A_323 = arith.cmpi eq, %jit3A_321, %eq3A_322 : i32
          %jit3A_324 = arith.constant 1 : i32
          %select_n3A_325 = arith.select %eq3A_323, %jit3A_324, %jit3A_321 : i32
          %rem3A_326 = arith.remsi %add3A_316, %select_n3A_325 : i32
          %ne3A_327 = arith.constant 0 : i32
          %ne3A_328 = arith.cmpi ne, %rem3A_326, %ne3A_327 : i32
          %lt3A_329 = arith.constant 0 : i32
          %lt3A_330 = arith.cmpi slt, %rem3A_326, %lt3A_329 : i32
          %lt3A_331 = arith.constant 0 : i32
          %lt3A_332 = arith.cmpi slt, %select_n3A_325, %lt3A_331 : i32
          %ne3A_333 = arith.xori %lt3A_330, %lt3A_332 : i1
          %and3A_334 = arith.andi %ne3A_333, %ne3A_328 : i1
          %add3A_335 = arith.addi %rem3A_326, %select_n3A_325 : i32
          %select_n3A_336 = arith.select %and3A_334, %add3A_335, %rem3A_326 : i32
          %add3A_337 = arith.addi %select_n3A, %add3A_316 : i32
          %dma_wait3A_338 = arith.constant 0 : i32
          %dma_wait3A_339 = arith.constant 0 : i32
          %dma_wait3A_340 = tpu.memref_slice %arg6[%select_n3A_336, %dma_wait3A_338, %dma_wait3A_339] : memref<6x2x128xi32, #tpu.memory_space<vmem>> -> memref<1x2x128xi32, #tpu.memory_space<vmem>>
          %dma_wait3A_341 = tpu.memref_squeeze %dma_wait3A_340 : memref<1x2x128xi32, #tpu.memory_space<vmem>> -> memref<2x128xi32, #tpu.memory_space<vmem>>
          %dma_wait3A_342 = arith.constant 0 : i32
          %dma_wait3A_343 = arith.constant 0 : i32
          %dma_wait3A_344 = tpu.memref_slice %arg3[%add3A_337, %dma_wait3A_342, %dma_wait3A_343] : memref<2560x2x128xi32, #tpu.memory_space<hbm>> -> memref<1x2x128xi32, #tpu.memory_space<hbm>>
          %dma_wait3A_345 = tpu.memref_squeeze %dma_wait3A_344 : memref<1x2x128xi32, #tpu.memory_space<hbm>> -> memref<2x128xi32, #tpu.memory_space<hbm>>
          %dma_wait3A_346 = tpu.memref_slice %arg9[%select_n3A_336] : memref<6x!tpu.dma_semaphore, #tpu.memory_space<semaphore_mem>> -> memref<1x!tpu.dma_semaphore, #tpu.memory_space<semaphore_mem>>
          %dma_wait3A_347 = tpu.memref_squeeze %dma_wait3A_346 : memref<1x!tpu.dma_semaphore, #tpu.memory_space<semaphore_mem>> -> memref<!tpu.dma_semaphore, #tpu.memory_space<semaphore_mem>>
          %dma_wait3A_348 = arith.constant 0 : i32
          %dma_wait3A_349 = arith.constant 0 : i32
          %dma_wait3A_350 = tpu.memref_slice %arg6[%select_n3A_336, %dma_wait3A_348, %dma_wait3A_349] : memref<6x2x128xi32, #tpu.memory_space<vmem>> -> memref<1x2x128xi32, #tpu.memory_space<vmem>>
          %dma_wait3A_351 = tpu.memref_squeeze %dma_wait3A_350 : memref<1x2x128xi32, #tpu.memory_space<vmem>> -> memref<2x128xi32, #tpu.memory_space<vmem>>
          %dma_wait3A_352 = arith.constant 0 : i32
          %dma_wait3A_353 = arith.constant 0 : i32
          %dma_wait3A_354 = tpu.memref_slice %arg3[%add3A_337, %dma_wait3A_352, %dma_wait3A_353] : memref<2560x2x128xi32, #tpu.memory_space<hbm>> -> memref<1x2x128xi32, #tpu.memory_space<hbm>>
          %dma_wait3A_355 = tpu.memref_squeeze %dma_wait3A_354 : memref<1x2x128xi32, #tpu.memory_space<hbm>> -> memref<2x128xi32, #tpu.memory_space<hbm>>
          tpu.wait_dma2 semaphore(%dma_wait3A_347 : memref<!tpu.dma_semaphore, #tpu.memory_space<semaphore_mem>>) src(%dma_wait3A_355 : memref<2x128xi32, #tpu.memory_space<hbm>>) dst(%dma_wait3A_351 : memref<2x128xi32, #tpu.memory_space<vmem>>)
          %jit3A_356 = arith.constant 6 : i32
          %eq3A_357 = arith.constant 0 : i32
          %eq3A_358 = arith.cmpi eq, %jit3A_356, %eq3A_357 : i32
          %jit3A_359 = arith.constant 1 : i32
          %select_n3A_360 = arith.select %eq3A_358, %jit3A_359, %jit3A_356 : i32
          %rem3A_361 = arith.remsi %add3A_316, %select_n3A_360 : i32
          %ne3A_362 = arith.constant 0 : i32
          %ne3A_363 = arith.cmpi ne, %rem3A_361, %ne3A_362 : i32
          %lt3A_364 = arith.constant 0 : i32
          %lt3A_365 = arith.cmpi slt, %rem3A_361, %lt3A_364 : i32
          %lt3A_366 = arith.constant 0 : i32
          %lt3A_367 = arith.cmpi slt, %select_n3A_360, %lt3A_366 : i32
          %ne3A_368 = arith.xori %lt3A_365, %lt3A_367 : i1
          %and3A_369 = arith.andi %ne3A_368, %ne3A_363 : i1
          %add3A_370 = arith.addi %rem3A_361, %select_n3A_360 : i32
          %select_n3A_371 = arith.select %and3A_369, %add3A_370, %rem3A_361 : i32
          %dma_start3A_372 = arith.constant 0 : i32
          %dma_start3A_373 = arith.constant 0 : i32
          %dma_start3A_374 = arith.constant 0 : i32
          %dma_start3A_375 = tpu.memref_slice %arg7[%select_n3A_296, %dma_start3A_373, %dma_start3A_374] : memref<2x128x16xf32, #tpu.memory_space<vmem>> -> memref<1x128x16xf32, #tpu.memory_space<vmem>>
          %dma_start3A_376 = tpu.memref_squeeze %dma_start3A_375 : memref<1x128x16xf32, #tpu.memory_space<vmem>> -> memref<128x16xf32, #tpu.memory_space<vmem>>
          %dma_start3A_377 = arith.constant 0 : i32
          %dma_start3A_378 = tpu.memref_slice %arg6[%select_n3A_371, %dma_start3A_372, %dma_start3A_377] : memref<6x2x128xi32, #tpu.memory_space<vmem>> -> memref<1x1x128xi32, #tpu.memory_space<vmem>>
          %dma_start3A_379 = tpu.memref_squeeze %dma_start3A_378 : memref<1x1x128xi32, #tpu.memory_space<vmem>> -> memref<128xi32, #tpu.memory_space<vmem>>
          %dma_start3A_380 = arith.constant 0 : i32
          %dma_start3A_381 = arith.constant 0 : i32
          %dma_start3A_382 = tpu.memref_slice %arg2[%dma_start3A_380, %dma_start3A_381] : memref<10000x16xf32, #tpu.memory_space<hbm>> -> memref<10000x16xf32, #tpu.memory_space<hbm>>
          %dma_start3A_383 = tpu.memref_slice %arg10[%select_n3A_296] : memref<2x!tpu.dma_semaphore, #tpu.memory_space<semaphore_mem>> -> memref<1x!tpu.dma_semaphore, #tpu.memory_space<semaphore_mem>>
          %dma_start3A_384 = tpu.memref_squeeze %dma_start3A_383 : memref<1x!tpu.dma_semaphore, #tpu.memory_space<semaphore_mem>> -> memref<!tpu.dma_semaphore, #tpu.memory_space<semaphore_mem>>
          tpu.enqueue_indirect_dma source(%dma_start3A_382 : memref<10000x16xf32, #tpu.memory_space<hbm>>) target(%dma_start3A_376 : memref<128x16xf32, #tpu.memory_space<vmem>>) offsets(%dma_start3A_379 : memref<128xi32, #tpu.memory_space<vmem>>) semaphore(%dma_start3A_384 : memref<!tpu.dma_semaphore, #tpu.memory_space<semaphore_mem>>)
        } else {
        }
      } else {
      }
      %while3A_278 = arith.constant 0 : i32
      scf.yield %while3A_278 : i32
    }
    %sub3A = arith.constant 1 : i32
    %sub3A_162 = arith.subi %select_n3A_10, %sub3A : i32
    %sub3A_163 = arith.constant 0 : i32
    %sub3A_164 = arith.subi %sub3A_162, %sub3A_163 : i32
    %jit3A_165 = arith.constant 2 : i32
    %eq3A_166 = arith.constant 0 : i32
    %eq3A_167 = arith.cmpi eq, %jit3A_165, %eq3A_166 : i32
    %jit3A_168 = arith.constant 1 : i32
    %select_n3A_169 = arith.select %eq3A_167, %jit3A_168, %jit3A_165 : i32
    %rem3A = arith.remsi %sub3A_164, %select_n3A_169 : i32
    %ne3A = arith.constant 0 : i32
    %ne3A_170 = arith.cmpi ne, %rem3A, %ne3A : i32
    %lt3A = arith.constant 0 : i32
    %lt3A_171 = arith.cmpi slt, %rem3A, %lt3A : i32
    %lt3A_172 = arith.constant 0 : i32
    %lt3A_173 = arith.cmpi slt, %select_n3A_169, %lt3A_172 : i32
    %ne3A_174 = arith.xori %lt3A_171, %lt3A_173 : i1
    %and3A = arith.andi %ne3A_174, %ne3A_170 : i1
    %add3A_175 = arith.addi %rem3A, %select_n3A_169 : i32
    %select_n3A_176 = arith.select %and3A, %add3A_175, %rem3A : i32
    %dma_wait3A_177 = arith.constant 0 : i32
    %dma_wait3A_178 = arith.constant 0 : i32
    %dma_wait3A_179 = tpu.memref_slice %arg7[%select_n3A_176, %dma_wait3A_177, %dma_wait3A_178] : memref<2x128x16xf32, #tpu.memory_space<vmem>> -> memref<1x128x16xf32, #tpu.memory_space<vmem>>
    %dma_wait3A_180 = tpu.memref_squeeze %dma_wait3A_179 : memref<1x128x16xf32, #tpu.memory_space<vmem>> -> memref<128x16xf32, #tpu.memory_space<vmem>>
    %dma_wait3A_181 = arith.constant 0 : i32
    %dma_wait3A_182 = arith.constant 0 : i32
    %dma_wait3A_183 = tpu.memref_slice %arg2[%dma_wait3A_181, %dma_wait3A_182] : memref<10000x16xf32, #tpu.memory_space<hbm>> -> memref<128x16xf32, #tpu.memory_space<hbm>>
    %dma_wait3A_184 = tpu.memref_slice %arg11[%select_n3A_176] : memref<2x!tpu.dma_semaphore, #tpu.memory_space<semaphore_mem>> -> memref<1x!tpu.dma_semaphore, #tpu.memory_space<semaphore_mem>>
    %dma_wait3A_185 = tpu.memref_squeeze %dma_wait3A_184 : memref<1x!tpu.dma_semaphore, #tpu.memory_space<semaphore_mem>> -> memref<!tpu.dma_semaphore, #tpu.memory_space<semaphore_mem>>
    %dma_wait3A_186 = arith.constant 0 : i32
    %dma_wait3A_187 = arith.constant 0 : i32
    %dma_wait3A_188 = tpu.memref_slice %arg7[%select_n3A_176, %dma_wait3A_186, %dma_wait3A_187] : memref<2x128x16xf32, #tpu.memory_space<vmem>> -> memref<1x128x16xf32, #tpu.memory_space<vmem>>
    %dma_wait3A_189 = tpu.memref_squeeze %dma_wait3A_188 : memref<1x128x16xf32, #tpu.memory_space<vmem>> -> memref<128x16xf32, #tpu.memory_space<vmem>>
    %dma_wait3A_190 = arith.constant 0 : i32
    %dma_wait3A_191 = arith.constant 0 : i32
    %dma_wait3A_192 = tpu.memref_slice %arg2[%dma_wait3A_190, %dma_wait3A_191] : memref<10000x16xf32, #tpu.memory_space<hbm>> -> memref<128x16xf32, #tpu.memory_space<hbm>>
    tpu.wait_dma2 semaphore(%dma_wait3A_185 : memref<!tpu.dma_semaphore, #tpu.memory_space<semaphore_mem>>) src(%dma_wait3A_192 : memref<128x16xf32, #tpu.memory_space<hbm>>) dst(%dma_wait3A_189 : memref<128x16xf32, #tpu.memory_space<vmem>>)
    %barrier3A_193 = arith.constant 0 : index
    tpu.barrier barrier_id(%barrier3A_193)
    "tpu.region"() ({
      %run_scoped3A = tpu.sem_alloc : memref<!tpu.dma_semaphore, #tpu.memory_space<semaphore_mem>>
      %dma_start3A_194 = arith.constant 0 : i32
      %dma_start3A_195 = arith.constant 0 : i32
      %dma_start3A_196 = tpu.memref_slice %arg5[%arg0, %dma_start3A_194, %dma_start3A_195] : memref<2x10016x16xf32, #tpu.memory_space<hbm>> -> memref<1x10016x16xf32, #tpu.memory_space<hbm>>
      %dma_start3A_197 = tpu.memref_squeeze %dma_start3A_196 : memref<1x10016x16xf32, #tpu.memory_space<hbm>> -> memref<10016x16xf32, #tpu.memory_space<hbm>>
      %dma_start3A_198 = arith.constant 0 : i32
      %dma_start3A_199 = tpu.memref_slice %dma_start3A_197[%mul3A_0, %dma_start3A_198] : memref<10016x16xf32, #tpu.memory_space<hbm>> -> memref<626x16xf32, #tpu.memory_space<hbm>>
      %dma_start3A_200 = arith.constant 0 : i32
      %dma_start3A_201 = tpu.memref_slice %arg8[%mul3A_0, %dma_start3A_200] : memref<10016x16xf32, #tpu.memory_space<vmem_shared>> -> memref<626x16xf32, #tpu.memory_space<vmem_shared>>
      tpu.enqueue_dma source(%dma_start3A_201 : memref<626x16xf32, #tpu.memory_space<vmem_shared>>) target(%dma_start3A_199 : memref<626x16xf32, #tpu.memory_space<hbm>>) target_semaphore(%run_scoped3A : memref<!tpu.dma_semaphore, #tpu.memory_space<semaphore_mem>>)
      %dma_wait3A_202 = arith.constant 0 : i32
      %dma_wait3A_203 = arith.constant 0 : i32
      %dma_wait3A_204 = tpu.memref_slice %arg5[%arg0, %dma_wait3A_202, %dma_wait3A_203] : memref<2x10016x16xf32, #tpu.memory_space<hbm>> -> memref<1x10016x16xf32, #tpu.memory_space<hbm>>
      %dma_wait3A_205 = tpu.memref_squeeze %dma_wait3A_204 : memref<1x10016x16xf32, #tpu.memory_space<hbm>> -> memref<10016x16xf32, #tpu.memory_space<hbm>>
      %dma_wait3A_206 = arith.constant 0 : i32
      %dma_wait3A_207 = tpu.memref_slice %dma_wait3A_205[%mul3A_0, %dma_wait3A_206] : memref<10016x16xf32, #tpu.memory_space<hbm>> -> memref<626x16xf32, #tpu.memory_space<hbm>>
      %dma_wait3A_208 = arith.constant 0 : i32
      %dma_wait3A_209 = tpu.memref_slice %arg8[%mul3A_0, %dma_wait3A_208] : memref<10016x16xf32, #tpu.memory_space<vmem_shared>> -> memref<626x16xf32, #tpu.memory_space<vmem_shared>>
      tpu.wait_dma2 semaphore(%run_scoped3A : memref<!tpu.dma_semaphore, #tpu.memory_space<semaphore_mem>>) src(%dma_wait3A_209 : memref<626x16xf32, #tpu.memory_space<vmem_shared>>) dst(%dma_wait3A_207 : memref<626x16xf32, #tpu.memory_space<hbm>>)
      tpu.yield
    }) : () -> ()
    return
  }
}

#map = affine_map<(d0, d1) -> (0, 0)>
#map1 = affine_map<(d0, d1) -> (0, 0, 0)>
module attributes {stable_mosaic.version = 14 : i64} {
  func.func @sc_aggregate(%arg0: i32, %arg1: i32, %arg2: memref<10000x96xf32, #tpu.memory_space<hbm>>, %arg3: memref<2560x2x128xi32, #tpu.memory_space<hbm>>, %arg4: memref<10016x96xf32, #tpu.memory_space<hbm>>, %arg5: memref<2x10016x96xf32, #tpu.memory_space<hbm>>, %arg6: memref<6x2x128xi32, #tpu.memory_space<vmem>>, %arg7: memref<2x128x96xf32, #tpu.memory_space<vmem>>, %arg8: memref<10016x96xf32, #tpu.memory_space<vmem_shared>>, %arg9: memref<6x!tpu.dma_semaphore, #tpu.memory_space<semaphore_mem>>, %arg10: memref<2x!tpu.dma_semaphore, #tpu.memory_space<semaphore_mem>>, %arg11: memref<2x!tpu.dma_semaphore, #tpu.memory_space<semaphore_mem>>) attributes {dimension_semantics = [#tpu.dimension_semantics<core_parallel>, #tpu.dimension_semantics<subcore_parallel>], iteration_bounds = array<i64: 2, 16>, scalar_prefetch = 0 : i64, scratch_operands = 6 : i64, tpu.core_type = #tpu.core_type<sc_vector_subcore>, window_params = [{transform_indices = #map}, {transform_indices = #map1}, {transform_indices = #map}, {transform_indices = #map1}]} {
    %mul3A = arith.constant 626 : i32
    %mul3A_0 = arith.muli %arg1, %mul3A : i32
    %eq3A = arith.constant 0 : i32
    %eq3A_1 = arith.cmpi eq, %arg0, %eq3A : i32
    %mul3A_2 = arith.constant 122 : i32
    %mul3A_3 = arith.muli %arg1, %mul3A_2 : i32
    %mul3A_4 = arith.constant 38 : i32
    %mul3A_5 = arith.muli %arg1, %mul3A_4 : i32
    %add3A = arith.constant 1952 : i32
    %add3A_6 = arith.addi %add3A, %mul3A_5 : i32
    %select_n3A = arith.select %eq3A_1, %mul3A_3, %add3A_6 : i32
    %eq3A_7 = arith.constant 0 : i32
    %eq3A_8 = arith.cmpi eq, %arg0, %eq3A_7 : i32
    %jit3A = arith.constant 122 : i32
    %jit3A_9 = arith.constant 38 : i32
    %select_n3A_10 = arith.select %eq3A_8, %jit3A, %jit3A_9 : i32
    "tpu.region"() ({
      %run_scoped3A = tpu.sem_alloc : memref<!tpu.dma_semaphore, #tpu.memory_space<semaphore_mem>>
      %dma_start3A_194 = arith.constant 0 : i32
      %dma_start3A_195 = tpu.memref_slice %arg8[%mul3A_0, %dma_start3A_194] : memref<10016x96xf32, #tpu.memory_space<vmem_shared>> -> memref<626x96xf32, #tpu.memory_space<vmem_shared>>
      %dma_start3A_196 = arith.constant 0 : i32
      %dma_start3A_197 = tpu.memref_slice %arg4[%mul3A_0, %dma_start3A_196] : memref<10016x96xf32, #tpu.memory_space<hbm>> -> memref<626x96xf32, #tpu.memory_space<hbm>>
      tpu.enqueue_dma source(%dma_start3A_197 : memref<626x96xf32, #tpu.memory_space<hbm>>) target(%dma_start3A_195 : memref<626x96xf32, #tpu.memory_space<vmem_shared>>) target_semaphore(%run_scoped3A : memref<!tpu.dma_semaphore, #tpu.memory_space<semaphore_mem>>)
      %dma_wait3A_198 = arith.constant 0 : i32
      %dma_wait3A_199 = tpu.memref_slice %arg8[%mul3A_0, %dma_wait3A_198] : memref<10016x96xf32, #tpu.memory_space<vmem_shared>> -> memref<626x96xf32, #tpu.memory_space<vmem_shared>>
      %dma_wait3A_200 = arith.constant 0 : i32
      %dma_wait3A_201 = tpu.memref_slice %arg4[%mul3A_0, %dma_wait3A_200] : memref<10016x96xf32, #tpu.memory_space<hbm>> -> memref<626x96xf32, #tpu.memory_space<hbm>>
      tpu.wait_dma2 semaphore(%run_scoped3A : memref<!tpu.dma_semaphore, #tpu.memory_space<semaphore_mem>>) src(%dma_wait3A_201 : memref<626x96xf32, #tpu.memory_space<hbm>>) dst(%dma_wait3A_199 : memref<626x96xf32, #tpu.memory_space<vmem_shared>>)
      tpu.yield
    }) : () -> ()
    %barrier3A = arith.constant 0 : index
    tpu.barrier barrier_id(%barrier3A)
    %add3A_11 = arith.constant 0 : i32
    %add3A_12 = arith.addi %select_n3A, %add3A_11 : i32
    %dma_start3A = arith.constant 0 : i32
    %dma_start3A_13 = arith.constant 0 : i32
    %dma_start3A_14 = arith.constant 0 : i32
    %dma_start3A_15 = arith.constant 0 : i32
    %dma_start3A_16 = tpu.memref_slice %arg6[%dma_start3A, %dma_start3A_14, %dma_start3A_15] : memref<6x2x128xi32, #tpu.memory_space<vmem>> -> memref<1x2x128xi32, #tpu.memory_space<vmem>>
    %dma_start3A_17 = tpu.memref_squeeze %dma_start3A_16 : memref<1x2x128xi32, #tpu.memory_space<vmem>> -> memref<2x128xi32, #tpu.memory_space<vmem>>
    %dma_start3A_18 = arith.constant 0 : i32
    %dma_start3A_19 = arith.constant 0 : i32
    %dma_start3A_20 = tpu.memref_slice %arg3[%add3A_12, %dma_start3A_18, %dma_start3A_19] : memref<2560x2x128xi32, #tpu.memory_space<hbm>> -> memref<1x2x128xi32, #tpu.memory_space<hbm>>
    %dma_start3A_21 = tpu.memref_squeeze %dma_start3A_20 : memref<1x2x128xi32, #tpu.memory_space<hbm>> -> memref<2x128xi32, #tpu.memory_space<hbm>>
    %dma_start3A_22 = tpu.memref_slice %arg9[%dma_start3A_13] : memref<6x!tpu.dma_semaphore, #tpu.memory_space<semaphore_mem>> -> memref<1x!tpu.dma_semaphore, #tpu.memory_space<semaphore_mem>>
    %dma_start3A_23 = tpu.memref_squeeze %dma_start3A_22 : memref<1x!tpu.dma_semaphore, #tpu.memory_space<semaphore_mem>> -> memref<!tpu.dma_semaphore, #tpu.memory_space<semaphore_mem>>
    %dma_start3A_24 = arith.constant 0 : i32
    %dma_start3A_25 = arith.constant 0 : i32
    %dma_start3A_26 = tpu.memref_slice %arg6[%dma_start3A, %dma_start3A_24, %dma_start3A_25] : memref<6x2x128xi32, #tpu.memory_space<vmem>> -> memref<1x2x128xi32, #tpu.memory_space<vmem>>
    %dma_start3A_27 = tpu.memref_squeeze %dma_start3A_26 : memref<1x2x128xi32, #tpu.memory_space<vmem>> -> memref<2x128xi32, #tpu.memory_space<vmem>>
    %dma_start3A_28 = arith.constant 0 : i32
    %dma_start3A_29 = arith.constant 0 : i32
    %dma_start3A_30 = tpu.memref_slice %arg3[%add3A_12, %dma_start3A_28, %dma_start3A_29] : memref<2560x2x128xi32, #tpu.memory_space<hbm>> -> memref<1x2x128xi32, #tpu.memory_space<hbm>>
    %dma_start3A_31 = tpu.memref_squeeze %dma_start3A_30 : memref<1x2x128xi32, #tpu.memory_space<hbm>> -> memref<2x128xi32, #tpu.memory_space<hbm>>
    tpu.enqueue_dma source(%dma_start3A_31 : memref<2x128xi32, #tpu.memory_space<hbm>>) target(%dma_start3A_27 : memref<2x128xi32, #tpu.memory_space<vmem>>) target_semaphore(%dma_start3A_23 : memref<!tpu.dma_semaphore, #tpu.memory_space<semaphore_mem>>)
    %add3A_32 = arith.constant 1 : i32
    %add3A_33 = arith.addi %select_n3A, %add3A_32 : i32
    %dma_start3A_34 = arith.constant 1 : i32
    %dma_start3A_35 = arith.constant 1 : i32
    %dma_start3A_36 = arith.constant 0 : i32
    %dma_start3A_37 = arith.constant 0 : i32
    %dma_start3A_38 = tpu.memref_slice %arg6[%dma_start3A_34, %dma_start3A_36, %dma_start3A_37] : memref<6x2x128xi32, #tpu.memory_space<vmem>> -> memref<1x2x128xi32, #tpu.memory_space<vmem>>
    %dma_start3A_39 = tpu.memref_squeeze %dma_start3A_38 : memref<1x2x128xi32, #tpu.memory_space<vmem>> -> memref<2x128xi32, #tpu.memory_space<vmem>>
    %dma_start3A_40 = arith.constant 0 : i32
    %dma_start3A_41 = arith.constant 0 : i32
    %dma_start3A_42 = tpu.memref_slice %arg3[%add3A_33, %dma_start3A_40, %dma_start3A_41] : memref<2560x2x128xi32, #tpu.memory_space<hbm>> -> memref<1x2x128xi32, #tpu.memory_space<hbm>>
    %dma_start3A_43 = tpu.memref_squeeze %dma_start3A_42 : memref<1x2x128xi32, #tpu.memory_space<hbm>> -> memref<2x128xi32, #tpu.memory_space<hbm>>
    %dma_start3A_44 = tpu.memref_slice %arg9[%dma_start3A_35] : memref<6x!tpu.dma_semaphore, #tpu.memory_space<semaphore_mem>> -> memref<1x!tpu.dma_semaphore, #tpu.memory_space<semaphore_mem>>
    %dma_start3A_45 = tpu.memref_squeeze %dma_start3A_44 : memref<1x!tpu.dma_semaphore, #tpu.memory_space<semaphore_mem>> -> memref<!tpu.dma_semaphore, #tpu.memory_space<semaphore_mem>>
    %dma_start3A_46 = arith.constant 0 : i32
    %dma_start3A_47 = arith.constant 0 : i32
    %dma_start3A_48 = tpu.memref_slice %arg6[%dma_start3A_34, %dma_start3A_46, %dma_start3A_47] : memref<6x2x128xi32, #tpu.memory_space<vmem>> -> memref<1x2x128xi32, #tpu.memory_space<vmem>>
    %dma_start3A_49 = tpu.memref_squeeze %dma_start3A_48 : memref<1x2x128xi32, #tpu.memory_space<vmem>> -> memref<2x128xi32, #tpu.memory_space<vmem>>
    %dma_start3A_50 = arith.constant 0 : i32
    %dma_start3A_51 = arith.constant 0 : i32
    %dma_start3A_52 = tpu.memref_slice %arg3[%add3A_33, %dma_start3A_50, %dma_start3A_51] : memref<2560x2x128xi32, #tpu.memory_space<hbm>> -> memref<1x2x128xi32, #tpu.memory_space<hbm>>
    %dma_start3A_53 = tpu.memref_squeeze %dma_start3A_52 : memref<1x2x128xi32, #tpu.memory_space<hbm>> -> memref<2x128xi32, #tpu.memory_space<hbm>>
    tpu.enqueue_dma source(%dma_start3A_53 : memref<2x128xi32, #tpu.memory_space<hbm>>) target(%dma_start3A_49 : memref<2x128xi32, #tpu.memory_space<vmem>>) target_semaphore(%dma_start3A_45 : memref<!tpu.dma_semaphore, #tpu.memory_space<semaphore_mem>>)
    %add3A_54 = arith.constant 2 : i32
    %add3A_55 = arith.addi %select_n3A, %add3A_54 : i32
    %dma_start3A_56 = arith.constant 2 : i32
    %dma_start3A_57 = arith.constant 2 : i32
    %dma_start3A_58 = arith.constant 0 : i32
    %dma_start3A_59 = arith.constant 0 : i32
    %dma_start3A_60 = tpu.memref_slice %arg6[%dma_start3A_56, %dma_start3A_58, %dma_start3A_59] : memref<6x2x128xi32, #tpu.memory_space<vmem>> -> memref<1x2x128xi32, #tpu.memory_space<vmem>>
    %dma_start3A_61 = tpu.memref_squeeze %dma_start3A_60 : memref<1x2x128xi32, #tpu.memory_space<vmem>> -> memref<2x128xi32, #tpu.memory_space<vmem>>
    %dma_start3A_62 = arith.constant 0 : i32
    %dma_start3A_63 = arith.constant 0 : i32
    %dma_start3A_64 = tpu.memref_slice %arg3[%add3A_55, %dma_start3A_62, %dma_start3A_63] : memref<2560x2x128xi32, #tpu.memory_space<hbm>> -> memref<1x2x128xi32, #tpu.memory_space<hbm>>
    %dma_start3A_65 = tpu.memref_squeeze %dma_start3A_64 : memref<1x2x128xi32, #tpu.memory_space<hbm>> -> memref<2x128xi32, #tpu.memory_space<hbm>>
    %dma_start3A_66 = tpu.memref_slice %arg9[%dma_start3A_57] : memref<6x!tpu.dma_semaphore, #tpu.memory_space<semaphore_mem>> -> memref<1x!tpu.dma_semaphore, #tpu.memory_space<semaphore_mem>>
    %dma_start3A_67 = tpu.memref_squeeze %dma_start3A_66 : memref<1x!tpu.dma_semaphore, #tpu.memory_space<semaphore_mem>> -> memref<!tpu.dma_semaphore, #tpu.memory_space<semaphore_mem>>
    %dma_start3A_68 = arith.constant 0 : i32
    %dma_start3A_69 = arith.constant 0 : i32
    %dma_start3A_70 = tpu.memref_slice %arg6[%dma_start3A_56, %dma_start3A_68, %dma_start3A_69] : memref<6x2x128xi32, #tpu.memory_space<vmem>> -> memref<1x2x128xi32, #tpu.memory_space<vmem>>
    %dma_start3A_71 = tpu.memref_squeeze %dma_start3A_70 : memref<1x2x128xi32, #tpu.memory_space<vmem>> -> memref<2x128xi32, #tpu.memory_space<vmem>>
    %dma_start3A_72 = arith.constant 0 : i32
    %dma_start3A_73 = arith.constant 0 : i32
    %dma_start3A_74 = tpu.memref_slice %arg3[%add3A_55, %dma_start3A_72, %dma_start3A_73] : memref<2560x2x128xi32, #tpu.memory_space<hbm>> -> memref<1x2x128xi32, #tpu.memory_space<hbm>>
    %dma_start3A_75 = tpu.memref_squeeze %dma_start3A_74 : memref<1x2x128xi32, #tpu.memory_space<hbm>> -> memref<2x128xi32, #tpu.memory_space<hbm>>
    tpu.enqueue_dma source(%dma_start3A_75 : memref<2x128xi32, #tpu.memory_space<hbm>>) target(%dma_start3A_71 : memref<2x128xi32, #tpu.memory_space<vmem>>) target_semaphore(%dma_start3A_67 : memref<!tpu.dma_semaphore, #tpu.memory_space<semaphore_mem>>)
    %add3A_76 = arith.constant 0 : i32
    %add3A_77 = arith.addi %select_n3A, %add3A_76 : i32
    %dma_wait3A = arith.constant 0 : i32
    %dma_wait3A_78 = arith.constant 0 : i32
    %dma_wait3A_79 = arith.constant 0 : i32
    %dma_wait3A_80 = arith.constant 0 : i32
    %dma_wait3A_81 = tpu.memref_slice %arg6[%dma_wait3A, %dma_wait3A_79, %dma_wait3A_80] : memref<6x2x128xi32, #tpu.memory_space<vmem>> -> memref<1x2x128xi32, #tpu.memory_space<vmem>>
    %dma_wait3A_82 = tpu.memref_squeeze %dma_wait3A_81 : memref<1x2x128xi32, #tpu.memory_space<vmem>> -> memref<2x128xi32, #tpu.memory_space<vmem>>
    %dma_wait3A_83 = arith.constant 0 : i32
    %dma_wait3A_84 = arith.constant 0 : i32
    %dma_wait3A_85 = tpu.memref_slice %arg3[%add3A_77, %dma_wait3A_83, %dma_wait3A_84] : memref<2560x2x128xi32, #tpu.memory_space<hbm>> -> memref<1x2x128xi32, #tpu.memory_space<hbm>>
    %dma_wait3A_86 = tpu.memref_squeeze %dma_wait3A_85 : memref<1x2x128xi32, #tpu.memory_space<hbm>> -> memref<2x128xi32, #tpu.memory_space<hbm>>
    %dma_wait3A_87 = tpu.memref_slice %arg9[%dma_wait3A_78] : memref<6x!tpu.dma_semaphore, #tpu.memory_space<semaphore_mem>> -> memref<1x!tpu.dma_semaphore, #tpu.memory_space<semaphore_mem>>
    %dma_wait3A_88 = tpu.memref_squeeze %dma_wait3A_87 : memref<1x!tpu.dma_semaphore, #tpu.memory_space<semaphore_mem>> -> memref<!tpu.dma_semaphore, #tpu.memory_space<semaphore_mem>>
    %dma_wait3A_89 = arith.constant 0 : i32
    %dma_wait3A_90 = arith.constant 0 : i32
    %dma_wait3A_91 = tpu.memref_slice %arg6[%dma_wait3A, %dma_wait3A_89, %dma_wait3A_90] : memref<6x2x128xi32, #tpu.memory_space<vmem>> -> memref<1x2x128xi32, #tpu.memory_space<vmem>>
    %dma_wait3A_92 = tpu.memref_squeeze %dma_wait3A_91 : memref<1x2x128xi32, #tpu.memory_space<vmem>> -> memref<2x128xi32, #tpu.memory_space<vmem>>
    %dma_wait3A_93 = arith.constant 0 : i32
    %dma_wait3A_94 = arith.constant 0 : i32
    %dma_wait3A_95 = tpu.memref_slice %arg3[%add3A_77, %dma_wait3A_93, %dma_wait3A_94] : memref<2560x2x128xi32, #tpu.memory_space<hbm>> -> memref<1x2x128xi32, #tpu.memory_space<hbm>>
    %dma_wait3A_96 = tpu.memref_squeeze %dma_wait3A_95 : memref<1x2x128xi32, #tpu.memory_space<hbm>> -> memref<2x128xi32, #tpu.memory_space<hbm>>
    tpu.wait_dma2 semaphore(%dma_wait3A_88 : memref<!tpu.dma_semaphore, #tpu.memory_space<semaphore_mem>>) src(%dma_wait3A_96 : memref<2x128xi32, #tpu.memory_space<hbm>>) dst(%dma_wait3A_92 : memref<2x128xi32, #tpu.memory_space<vmem>>)
    %dma_start3A_97 = arith.constant 0 : i32
    %dma_start3A_98 = arith.constant 0 : i32
    %dma_start3A_99 = arith.constant 0 : i32
    %dma_start3A_100 = arith.constant 0 : i32
    %dma_start3A_101 = arith.constant 0 : i32
    %dma_start3A_102 = arith.constant 0 : i32
    %dma_start3A_103 = tpu.memref_slice %arg7[%dma_start3A_99, %dma_start3A_101, %dma_start3A_102] : memref<2x128x96xf32, #tpu.memory_space<vmem>> -> memref<1x128x96xf32, #tpu.memory_space<vmem>>
    %dma_start3A_104 = tpu.memref_squeeze %dma_start3A_103 : memref<1x128x96xf32, #tpu.memory_space<vmem>> -> memref<128x96xf32, #tpu.memory_space<vmem>>
    %dma_start3A_105 = arith.constant 0 : i32
    %dma_start3A_106 = tpu.memref_slice %arg6[%dma_start3A_97, %dma_start3A_98, %dma_start3A_105] : memref<6x2x128xi32, #tpu.memory_space<vmem>> -> memref<1x1x128xi32, #tpu.memory_space<vmem>>
    %dma_start3A_107 = tpu.memref_squeeze %dma_start3A_106 : memref<1x1x128xi32, #tpu.memory_space<vmem>> -> memref<128xi32, #tpu.memory_space<vmem>>
    %dma_start3A_108 = arith.constant 0 : i32
    %dma_start3A_109 = arith.constant 0 : i32
    %dma_start3A_110 = tpu.memref_slice %arg2[%dma_start3A_108, %dma_start3A_109] : memref<10000x96xf32, #tpu.memory_space<hbm>> -> memref<10000x96xf32, #tpu.memory_space<hbm>>
    %dma_start3A_111 = tpu.memref_slice %arg10[%dma_start3A_100] : memref<2x!tpu.dma_semaphore, #tpu.memory_space<semaphore_mem>> -> memref<1x!tpu.dma_semaphore, #tpu.memory_space<semaphore_mem>>
    %dma_start3A_112 = tpu.memref_squeeze %dma_start3A_111 : memref<1x!tpu.dma_semaphore, #tpu.memory_space<semaphore_mem>> -> memref<!tpu.dma_semaphore, #tpu.memory_space<semaphore_mem>>
    tpu.enqueue_indirect_dma source(%dma_start3A_110 : memref<10000x96xf32, #tpu.memory_space<hbm>>) target(%dma_start3A_104 : memref<128x96xf32, #tpu.memory_space<vmem>>) offsets(%dma_start3A_107 : memref<128xi32, #tpu.memory_space<vmem>>) semaphore(%dma_start3A_112 : memref<!tpu.dma_semaphore, #tpu.memory_space<semaphore_mem>>)
    %add3A_113 = arith.constant 1 : i32
    %add3A_114 = arith.addi %select_n3A, %add3A_113 : i32
    %dma_wait3A_115 = arith.constant 1 : i32
    %dma_wait3A_116 = arith.constant 1 : i32
    %dma_wait3A_117 = arith.constant 0 : i32
    %dma_wait3A_118 = arith.constant 0 : i32
    %dma_wait3A_119 = tpu.memref_slice %arg6[%dma_wait3A_115, %dma_wait3A_117, %dma_wait3A_118] : memref<6x2x128xi32, #tpu.memory_space<vmem>> -> memref<1x2x128xi32, #tpu.memory_space<vmem>>
    %dma_wait3A_120 = tpu.memref_squeeze %dma_wait3A_119 : memref<1x2x128xi32, #tpu.memory_space<vmem>> -> memref<2x128xi32, #tpu.memory_space<vmem>>
    %dma_wait3A_121 = arith.constant 0 : i32
    %dma_wait3A_122 = arith.constant 0 : i32
    %dma_wait3A_123 = tpu.memref_slice %arg3[%add3A_114, %dma_wait3A_121, %dma_wait3A_122] : memref<2560x2x128xi32, #tpu.memory_space<hbm>> -> memref<1x2x128xi32, #tpu.memory_space<hbm>>
    %dma_wait3A_124 = tpu.memref_squeeze %dma_wait3A_123 : memref<1x2x128xi32, #tpu.memory_space<hbm>> -> memref<2x128xi32, #tpu.memory_space<hbm>>
    %dma_wait3A_125 = tpu.memref_slice %arg9[%dma_wait3A_116] : memref<6x!tpu.dma_semaphore, #tpu.memory_space<semaphore_mem>> -> memref<1x!tpu.dma_semaphore, #tpu.memory_space<semaphore_mem>>
    %dma_wait3A_126 = tpu.memref_squeeze %dma_wait3A_125 : memref<1x!tpu.dma_semaphore, #tpu.memory_space<semaphore_mem>> -> memref<!tpu.dma_semaphore, #tpu.memory_space<semaphore_mem>>
    %dma_wait3A_127 = arith.constant 0 : i32
    %dma_wait3A_128 = arith.constant 0 : i32
    %dma_wait3A_129 = tpu.memref_slice %arg6[%dma_wait3A_115, %dma_wait3A_127, %dma_wait3A_128] : memref<6x2x128xi32, #tpu.memory_space<vmem>> -> memref<1x2x128xi32, #tpu.memory_space<vmem>>
    %dma_wait3A_130 = tpu.memref_squeeze %dma_wait3A_129 : memref<1x2x128xi32, #tpu.memory_space<vmem>> -> memref<2x128xi32, #tpu.memory_space<vmem>>
    %dma_wait3A_131 = arith.constant 0 : i32
    %dma_wait3A_132 = arith.constant 0 : i32
    %dma_wait3A_133 = tpu.memref_slice %arg3[%add3A_114, %dma_wait3A_131, %dma_wait3A_132] : memref<2560x2x128xi32, #tpu.memory_space<hbm>> -> memref<1x2x128xi32, #tpu.memory_space<hbm>>
    %dma_wait3A_134 = tpu.memref_squeeze %dma_wait3A_133 : memref<1x2x128xi32, #tpu.memory_space<hbm>> -> memref<2x128xi32, #tpu.memory_space<hbm>>
    tpu.wait_dma2 semaphore(%dma_wait3A_126 : memref<!tpu.dma_semaphore, #tpu.memory_space<semaphore_mem>>) src(%dma_wait3A_134 : memref<2x128xi32, #tpu.memory_space<hbm>>) dst(%dma_wait3A_130 : memref<2x128xi32, #tpu.memory_space<vmem>>)
    %dma_start3A_135 = arith.constant 1 : i32
    %dma_start3A_136 = arith.constant 0 : i32
    %dma_start3A_137 = arith.constant 1 : i32
    %dma_start3A_138 = arith.constant 1 : i32
    %dma_start3A_139 = arith.constant 0 : i32
    %dma_start3A_140 = arith.constant 0 : i32
    %dma_start3A_141 = tpu.memref_slice %arg7[%dma_start3A_137, %dma_start3A_139, %dma_start3A_140] : memref<2x128x96xf32, #tpu.memory_space<vmem>> -> memref<1x128x96xf32, #tpu.memory_space<vmem>>
    %dma_start3A_142 = tpu.memref_squeeze %dma_start3A_141 : memref<1x128x96xf32, #tpu.memory_space<vmem>> -> memref<128x96xf32, #tpu.memory_space<vmem>>
    %dma_start3A_143 = arith.constant 0 : i32
    %dma_start3A_144 = tpu.memref_slice %arg6[%dma_start3A_135, %dma_start3A_136, %dma_start3A_143] : memref<6x2x128xi32, #tpu.memory_space<vmem>> -> memref<1x1x128xi32, #tpu.memory_space<vmem>>
    %dma_start3A_145 = tpu.memref_squeeze %dma_start3A_144 : memref<1x1x128xi32, #tpu.memory_space<vmem>> -> memref<128xi32, #tpu.memory_space<vmem>>
    %dma_start3A_146 = arith.constant 0 : i32
    %dma_start3A_147 = arith.constant 0 : i32
    %dma_start3A_148 = tpu.memref_slice %arg2[%dma_start3A_146, %dma_start3A_147] : memref<10000x96xf32, #tpu.memory_space<hbm>> -> memref<10000x96xf32, #tpu.memory_space<hbm>>
    %dma_start3A_149 = tpu.memref_slice %arg10[%dma_start3A_138] : memref<2x!tpu.dma_semaphore, #tpu.memory_space<semaphore_mem>> -> memref<1x!tpu.dma_semaphore, #tpu.memory_space<semaphore_mem>>
    %dma_start3A_150 = tpu.memref_squeeze %dma_start3A_149 : memref<1x!tpu.dma_semaphore, #tpu.memory_space<semaphore_mem>> -> memref<!tpu.dma_semaphore, #tpu.memory_space<semaphore_mem>>
    tpu.enqueue_indirect_dma source(%dma_start3A_148 : memref<10000x96xf32, #tpu.memory_space<hbm>>) target(%dma_start3A_142 : memref<128x96xf32, #tpu.memory_space<vmem>>) offsets(%dma_start3A_145 : memref<128xi32, #tpu.memory_space<vmem>>) semaphore(%dma_start3A_150 : memref<!tpu.dma_semaphore, #tpu.memory_space<semaphore_mem>>)
    %while3A = arith.constant 0 : i32
    %while3A_151 = arith.constant 0 : i32
    %while3A_152 = arith.subi %select_n3A_10, %while3A : i32
    %while3A_153 = arith.addi %while3A, %while3A_152 : i32
    %while3A_154 = arith.constant 1 : i32
    %while3A_155 = arith.divsi %while3A_152, %while3A_154 : i32
    %while3A_156 = arith.muli %while3A_155, %while3A_154 : i32
    %while3A_157 = arith.addi %while3A, %while3A_156 : i32
    %while3A_158 = arith.constant 1 : i32
    %while3A_159 = scf.for %while3A_194 = %while3A to %while3A_157 step %while3A_158 iter_args(%while3A_195 = %while3A_151) -> (i32)  : i32 {
      %jit3A_196 = arith.constant 2 : i32
      %eq3A_197 = arith.constant 0 : i32
      %eq3A_198 = arith.cmpi eq, %jit3A_196, %eq3A_197 : i32
      %jit3A_199 = arith.constant 1 : i32
      %select_n3A_200 = arith.select %eq3A_198, %jit3A_199, %jit3A_196 : i32
      %rem3A_201 = arith.remsi %while3A_194, %select_n3A_200 : i32
      %ne3A_202 = arith.constant 0 : i32
      %ne3A_203 = arith.cmpi ne, %rem3A_201, %ne3A_202 : i32
      %lt3A_204 = arith.constant 0 : i32
      %lt3A_205 = arith.cmpi slt, %rem3A_201, %lt3A_204 : i32
      %lt3A_206 = arith.constant 0 : i32
      %lt3A_207 = arith.cmpi slt, %select_n3A_200, %lt3A_206 : i32
      %ne3A_208 = arith.xori %lt3A_205, %lt3A_207 : i1
      %and3A_209 = arith.andi %ne3A_208, %ne3A_203 : i1
      %add3A_210 = arith.addi %rem3A_201, %select_n3A_200 : i32
      %select_n3A_211 = arith.select %and3A_209, %add3A_210, %rem3A_201 : i32
      %jit3A_212 = arith.constant 6 : i32
      %eq3A_213 = arith.constant 0 : i32
      %eq3A_214 = arith.cmpi eq, %jit3A_212, %eq3A_213 : i32
      %jit3A_215 = arith.constant 1 : i32
      %select_n3A_216 = arith.select %eq3A_214, %jit3A_215, %jit3A_212 : i32
      %rem3A_217 = arith.remsi %while3A_194, %select_n3A_216 : i32
      %ne3A_218 = arith.constant 0 : i32
      %ne3A_219 = arith.cmpi ne, %rem3A_217, %ne3A_218 : i32
      %lt3A_220 = arith.constant 0 : i32
      %lt3A_221 = arith.cmpi slt, %rem3A_217, %lt3A_220 : i32
      %lt3A_222 = arith.constant 0 : i32
      %lt3A_223 = arith.cmpi slt, %select_n3A_216, %lt3A_222 : i32
      %ne3A_224 = arith.xori %lt3A_221, %lt3A_223 : i1
      %and3A_225 = arith.andi %ne3A_224, %ne3A_219 : i1
      %add3A_226 = arith.addi %rem3A_217, %select_n3A_216 : i32
      %select_n3A_227 = arith.select %and3A_225, %add3A_226, %rem3A_217 : i32
      %dma_wait3A_228 = arith.constant 0 : i32
      %dma_wait3A_229 = arith.constant 0 : i32
      %dma_wait3A_230 = arith.constant 0 : i32
      %dma_wait3A_231 = tpu.memref_slice %arg7[%select_n3A_211, %dma_wait3A_229, %dma_wait3A_230] : memref<2x128x96xf32, #tpu.memory_space<vmem>> -> memref<1x128x96xf32, #tpu.memory_space<vmem>>
      %dma_wait3A_232 = tpu.memref_squeeze %dma_wait3A_231 : memref<1x128x96xf32, #tpu.memory_space<vmem>> -> memref<128x96xf32, #tpu.memory_space<vmem>>
      %dma_wait3A_233 = arith.constant 0 : i32
      %dma_wait3A_234 = tpu.memref_slice %arg6[%select_n3A_227, %dma_wait3A_228, %dma_wait3A_233] : memref<6x2x128xi32, #tpu.memory_space<vmem>> -> memref<1x1x128xi32, #tpu.memory_space<vmem>>
      %dma_wait3A_235 = tpu.memref_squeeze %dma_wait3A_234 : memref<1x1x128xi32, #tpu.memory_space<vmem>> -> memref<128xi32, #tpu.memory_space<vmem>>
      %dma_wait3A_236 = arith.constant 0 : i32
      %dma_wait3A_237 = arith.constant 0 : i32
      %dma_wait3A_238 = tpu.memref_slice %arg2[%dma_wait3A_236, %dma_wait3A_237] : memref<10000x96xf32, #tpu.memory_space<hbm>> -> memref<10000x96xf32, #tpu.memory_space<hbm>>
      %dma_wait3A_239 = tpu.memref_slice %arg10[%select_n3A_211] : memref<2x!tpu.dma_semaphore, #tpu.memory_space<semaphore_mem>> -> memref<1x!tpu.dma_semaphore, #tpu.memory_space<semaphore_mem>>
      %dma_wait3A_240 = tpu.memref_squeeze %dma_wait3A_239 : memref<1x!tpu.dma_semaphore, #tpu.memory_space<semaphore_mem>> -> memref<!tpu.dma_semaphore, #tpu.memory_space<semaphore_mem>>
      tpu.wait_indirect_dma semaphore(%dma_wait3A_240 : memref<!tpu.dma_semaphore, #tpu.memory_space<semaphore_mem>>) src(%dma_wait3A_238 : memref<10000x96xf32, #tpu.memory_space<hbm>>) dst(%dma_wait3A_232 : memref<128x96xf32, #tpu.memory_space<vmem>>)
      %add3A_241 = arith.constant 3 : i32
      %add3A_242 = arith.addi %while3A_194, %add3A_241 : i32
      %lt3A_243 = arith.cmpi slt, %add3A_242, %select_n3A_10 : i32
      %convert_element_type3A = arith.extui %lt3A_243 : i1 to i32
      %cond3A = arith.constant 0 : i32
      %cond3A_244 = arith.cmpi ne, %convert_element_type3A, %cond3A : i32
      scf.if %cond3A_244 {
        %jit3A_279 = arith.constant 6 : i32
        %eq3A_280 = arith.constant 0 : i32
        %eq3A_281 = arith.cmpi eq, %jit3A_279, %eq3A_280 : i32
        %jit3A_282 = arith.constant 1 : i32
        %select_n3A_283 = arith.select %eq3A_281, %jit3A_282, %jit3A_279 : i32
        %rem3A_284 = arith.remsi %add3A_242, %select_n3A_283 : i32
        %ne3A_285 = arith.constant 0 : i32
        %ne3A_286 = arith.cmpi ne, %rem3A_284, %ne3A_285 : i32
        %lt3A_287 = arith.constant 0 : i32
        %lt3A_288 = arith.cmpi slt, %rem3A_284, %lt3A_287 : i32
        %lt3A_289 = arith.constant 0 : i32
        %lt3A_290 = arith.cmpi slt, %select_n3A_283, %lt3A_289 : i32
        %ne3A_291 = arith.xori %lt3A_288, %lt3A_290 : i1
        %and3A_292 = arith.andi %ne3A_291, %ne3A_286 : i1
        %add3A_293 = arith.addi %rem3A_284, %select_n3A_283 : i32
        %select_n3A_294 = arith.select %and3A_292, %add3A_293, %rem3A_284 : i32
        %add3A_295 = arith.addi %select_n3A, %add3A_242 : i32
        %dma_start3A_296 = arith.constant 0 : i32
        %dma_start3A_297 = arith.constant 0 : i32
        %dma_start3A_298 = tpu.memref_slice %arg6[%select_n3A_294, %dma_start3A_296, %dma_start3A_297] : memref<6x2x128xi32, #tpu.memory_space<vmem>> -> memref<1x2x128xi32, #tpu.memory_space<vmem>>
        %dma_start3A_299 = tpu.memref_squeeze %dma_start3A_298 : memref<1x2x128xi32, #tpu.memory_space<vmem>> -> memref<2x128xi32, #tpu.memory_space<vmem>>
        %dma_start3A_300 = arith.constant 0 : i32
        %dma_start3A_301 = arith.constant 0 : i32
        %dma_start3A_302 = tpu.memref_slice %arg3[%add3A_295, %dma_start3A_300, %dma_start3A_301] : memref<2560x2x128xi32, #tpu.memory_space<hbm>> -> memref<1x2x128xi32, #tpu.memory_space<hbm>>
        %dma_start3A_303 = tpu.memref_squeeze %dma_start3A_302 : memref<1x2x128xi32, #tpu.memory_space<hbm>> -> memref<2x128xi32, #tpu.memory_space<hbm>>
        %dma_start3A_304 = tpu.memref_slice %arg9[%select_n3A_294] : memref<6x!tpu.dma_semaphore, #tpu.memory_space<semaphore_mem>> -> memref<1x!tpu.dma_semaphore, #tpu.memory_space<semaphore_mem>>
        %dma_start3A_305 = tpu.memref_squeeze %dma_start3A_304 : memref<1x!tpu.dma_semaphore, #tpu.memory_space<semaphore_mem>> -> memref<!tpu.dma_semaphore, #tpu.memory_space<semaphore_mem>>
        %dma_start3A_306 = arith.constant 0 : i32
        %dma_start3A_307 = arith.constant 0 : i32
        %dma_start3A_308 = tpu.memref_slice %arg6[%select_n3A_294, %dma_start3A_306, %dma_start3A_307] : memref<6x2x128xi32, #tpu.memory_space<vmem>> -> memref<1x2x128xi32, #tpu.memory_space<vmem>>
        %dma_start3A_309 = tpu.memref_squeeze %dma_start3A_308 : memref<1x2x128xi32, #tpu.memory_space<vmem>> -> memref<2x128xi32, #tpu.memory_space<vmem>>
        %dma_start3A_310 = arith.constant 0 : i32
        %dma_start3A_311 = arith.constant 0 : i32
        %dma_start3A_312 = tpu.memref_slice %arg3[%add3A_295, %dma_start3A_310, %dma_start3A_311] : memref<2560x2x128xi32, #tpu.memory_space<hbm>> -> memref<1x2x128xi32, #tpu.memory_space<hbm>>
        %dma_start3A_313 = tpu.memref_squeeze %dma_start3A_312 : memref<1x2x128xi32, #tpu.memory_space<hbm>> -> memref<2x128xi32, #tpu.memory_space<hbm>>
        tpu.enqueue_dma source(%dma_start3A_313 : memref<2x128xi32, #tpu.memory_space<hbm>>) target(%dma_start3A_309 : memref<2x128xi32, #tpu.memory_space<vmem>>) target_semaphore(%dma_start3A_305 : memref<!tpu.dma_semaphore, #tpu.memory_space<semaphore_mem>>)
      } else {
      }
      %jit3A_245 = arith.constant 6 : i32
      %eq3A_246 = arith.constant 0 : i32
      %eq3A_247 = arith.cmpi eq, %jit3A_245, %eq3A_246 : i32
      %jit3A_248 = arith.constant 1 : i32
      %select_n3A_249 = arith.select %eq3A_247, %jit3A_248, %jit3A_245 : i32
      %rem3A_250 = arith.remsi %while3A_194, %select_n3A_249 : i32
      %ne3A_251 = arith.constant 0 : i32
      %ne3A_252 = arith.cmpi ne, %rem3A_250, %ne3A_251 : i32
      %lt3A_253 = arith.constant 0 : i32
      %lt3A_254 = arith.cmpi slt, %rem3A_250, %lt3A_253 : i32
      %lt3A_255 = arith.constant 0 : i32
      %lt3A_256 = arith.cmpi slt, %select_n3A_249, %lt3A_255 : i32
      %ne3A_257 = arith.xori %lt3A_254, %lt3A_256 : i1
      %and3A_258 = arith.andi %ne3A_257, %ne3A_252 : i1
      %add3A_259 = arith.addi %rem3A_250, %select_n3A_249 : i32
      %select_n3A_260 = arith.select %and3A_258, %add3A_259, %rem3A_250 : i32
      %dma_start3A_261 = arith.constant 1 : i32
      %dma_start3A_262 = arith.constant 0 : i32
      %dma_start3A_263 = arith.constant 0 : i32
      %dma_start3A_264 = tpu.memref_slice %arg7[%select_n3A_211, %dma_start3A_262, %dma_start3A_263] : memref<2x128x96xf32, #tpu.memory_space<vmem>> -> memref<1x128x96xf32, #tpu.memory_space<vmem>>
      %dma_start3A_265 = tpu.memref_squeeze %dma_start3A_264 : memref<1x128x96xf32, #tpu.memory_space<vmem>> -> memref<128x96xf32, #tpu.memory_space<vmem>>
      %dma_start3A_266 = arith.constant 0 : i32
      %dma_start3A_267 = tpu.memref_slice %arg6[%select_n3A_260, %dma_start3A_261, %dma_start3A_266] : memref<6x2x128xi32, #tpu.memory_space<vmem>> -> memref<1x1x128xi32, #tpu.memory_space<vmem>>
      %dma_start3A_268 = tpu.memref_squeeze %dma_start3A_267 : memref<1x1x128xi32, #tpu.memory_space<vmem>> -> memref<128xi32, #tpu.memory_space<vmem>>
      %dma_start3A_269 = arith.constant 0 : i32
      %dma_start3A_270 = arith.constant 0 : i32
      %dma_start3A_271 = tpu.memref_slice %arg8[%dma_start3A_269, %dma_start3A_270] : memref<10016x96xf32, #tpu.memory_space<vmem_shared>> -> memref<10016x96xf32, #tpu.memory_space<vmem_shared>>
      %dma_start3A_272 = tpu.memref_slice %arg11[%select_n3A_211] : memref<2x!tpu.dma_semaphore, #tpu.memory_space<semaphore_mem>> -> memref<1x!tpu.dma_semaphore, #tpu.memory_space<semaphore_mem>>
      %dma_start3A_273 = tpu.memref_squeeze %dma_start3A_272 : memref<1x!tpu.dma_semaphore, #tpu.memory_space<semaphore_mem>> -> memref<!tpu.dma_semaphore, #tpu.memory_space<semaphore_mem>>
      tpu.enqueue_indirect_dma source(%dma_start3A_265 : memref<128x96xf32, #tpu.memory_space<vmem>>) target(%dma_start3A_271 : memref<10016x96xf32, #tpu.memory_space<vmem_shared>>) offsets(%dma_start3A_268 : memref<128xi32, #tpu.memory_space<vmem>>) semaphore(%dma_start3A_273 : memref<!tpu.dma_semaphore, #tpu.memory_space<semaphore_mem>>) {add = true}
      %ge3A = arith.constant 1 : i32
      %ge3A_274 = arith.cmpi sge, %while3A_194, %ge3A : i32
      %convert_element_type3A_275 = arith.extui %ge3A_274 : i1 to i32
      %cond3A_276 = arith.constant 0 : i32
      %cond3A_277 = arith.cmpi ne, %convert_element_type3A_275, %cond3A_276 : i32
      scf.if %cond3A_277 {
        %sub3A_279 = arith.constant 1 : i32
        %sub3A_280 = arith.subi %while3A_194, %sub3A_279 : i32
        %jit3A_281 = arith.constant 2 : i32
        %eq3A_282 = arith.constant 0 : i32
        %eq3A_283 = arith.cmpi eq, %jit3A_281, %eq3A_282 : i32
        %jit3A_284 = arith.constant 1 : i32
        %select_n3A_285 = arith.select %eq3A_283, %jit3A_284, %jit3A_281 : i32
        %rem3A_286 = arith.remsi %sub3A_280, %select_n3A_285 : i32
        %ne3A_287 = arith.constant 0 : i32
        %ne3A_288 = arith.cmpi ne, %rem3A_286, %ne3A_287 : i32
        %lt3A_289 = arith.constant 0 : i32
        %lt3A_290 = arith.cmpi slt, %rem3A_286, %lt3A_289 : i32
        %lt3A_291 = arith.constant 0 : i32
        %lt3A_292 = arith.cmpi slt, %select_n3A_285, %lt3A_291 : i32
        %ne3A_293 = arith.xori %lt3A_290, %lt3A_292 : i1
        %and3A_294 = arith.andi %ne3A_293, %ne3A_288 : i1
        %add3A_295 = arith.addi %rem3A_286, %select_n3A_285 : i32
        %select_n3A_296 = arith.select %and3A_294, %add3A_295, %rem3A_286 : i32
        %dma_wait3A_297 = arith.constant 0 : i32
        %dma_wait3A_298 = arith.constant 0 : i32
        %dma_wait3A_299 = tpu.memref_slice %arg7[%select_n3A_296, %dma_wait3A_297, %dma_wait3A_298] : memref<2x128x96xf32, #tpu.memory_space<vmem>> -> memref<1x128x96xf32, #tpu.memory_space<vmem>>
        %dma_wait3A_300 = tpu.memref_squeeze %dma_wait3A_299 : memref<1x128x96xf32, #tpu.memory_space<vmem>> -> memref<128x96xf32, #tpu.memory_space<vmem>>
        %dma_wait3A_301 = arith.constant 0 : i32
        %dma_wait3A_302 = arith.constant 0 : i32
        %dma_wait3A_303 = tpu.memref_slice %arg2[%dma_wait3A_301, %dma_wait3A_302] : memref<10000x96xf32, #tpu.memory_space<hbm>> -> memref<128x96xf32, #tpu.memory_space<hbm>>
        %dma_wait3A_304 = tpu.memref_slice %arg11[%select_n3A_296] : memref<2x!tpu.dma_semaphore, #tpu.memory_space<semaphore_mem>> -> memref<1x!tpu.dma_semaphore, #tpu.memory_space<semaphore_mem>>
        %dma_wait3A_305 = tpu.memref_squeeze %dma_wait3A_304 : memref<1x!tpu.dma_semaphore, #tpu.memory_space<semaphore_mem>> -> memref<!tpu.dma_semaphore, #tpu.memory_space<semaphore_mem>>
        %dma_wait3A_306 = arith.constant 0 : i32
        %dma_wait3A_307 = arith.constant 0 : i32
        %dma_wait3A_308 = tpu.memref_slice %arg7[%select_n3A_296, %dma_wait3A_306, %dma_wait3A_307] : memref<2x128x96xf32, #tpu.memory_space<vmem>> -> memref<1x128x96xf32, #tpu.memory_space<vmem>>
        %dma_wait3A_309 = tpu.memref_squeeze %dma_wait3A_308 : memref<1x128x96xf32, #tpu.memory_space<vmem>> -> memref<128x96xf32, #tpu.memory_space<vmem>>
        %dma_wait3A_310 = arith.constant 0 : i32
        %dma_wait3A_311 = arith.constant 0 : i32
        %dma_wait3A_312 = tpu.memref_slice %arg2[%dma_wait3A_310, %dma_wait3A_311] : memref<10000x96xf32, #tpu.memory_space<hbm>> -> memref<128x96xf32, #tpu.memory_space<hbm>>
        tpu.wait_dma2 semaphore(%dma_wait3A_305 : memref<!tpu.dma_semaphore, #tpu.memory_space<semaphore_mem>>) src(%dma_wait3A_312 : memref<128x96xf32, #tpu.memory_space<hbm>>) dst(%dma_wait3A_309 : memref<128x96xf32, #tpu.memory_space<vmem>>)
        %sub3A_313 = arith.constant 1 : i32
        %sub3A_314 = arith.subi %while3A_194, %sub3A_313 : i32
        %add3A_315 = arith.constant 2 : i32
        %add3A_316 = arith.addi %sub3A_314, %add3A_315 : i32
        %lt3A_317 = arith.cmpi slt, %add3A_316, %select_n3A_10 : i32
        %convert_element_type3A_318 = arith.extui %lt3A_317 : i1 to i32
        %cond3A_319 = arith.constant 0 : i32
        %cond3A_320 = arith.cmpi ne, %convert_element_type3A_318, %cond3A_319 : i32
        scf.if %cond3A_320 {
          %jit3A_321 = arith.constant 6 : i32
          %eq3A_322 = arith.constant 0 : i32
          %eq3A_323 = arith.cmpi eq, %jit3A_321, %eq3A_322 : i32
          %jit3A_324 = arith.constant 1 : i32
          %select_n3A_325 = arith.select %eq3A_323, %jit3A_324, %jit3A_321 : i32
          %rem3A_326 = arith.remsi %add3A_316, %select_n3A_325 : i32
          %ne3A_327 = arith.constant 0 : i32
          %ne3A_328 = arith.cmpi ne, %rem3A_326, %ne3A_327 : i32
          %lt3A_329 = arith.constant 0 : i32
          %lt3A_330 = arith.cmpi slt, %rem3A_326, %lt3A_329 : i32
          %lt3A_331 = arith.constant 0 : i32
          %lt3A_332 = arith.cmpi slt, %select_n3A_325, %lt3A_331 : i32
          %ne3A_333 = arith.xori %lt3A_330, %lt3A_332 : i1
          %and3A_334 = arith.andi %ne3A_333, %ne3A_328 : i1
          %add3A_335 = arith.addi %rem3A_326, %select_n3A_325 : i32
          %select_n3A_336 = arith.select %and3A_334, %add3A_335, %rem3A_326 : i32
          %add3A_337 = arith.addi %select_n3A, %add3A_316 : i32
          %dma_wait3A_338 = arith.constant 0 : i32
          %dma_wait3A_339 = arith.constant 0 : i32
          %dma_wait3A_340 = tpu.memref_slice %arg6[%select_n3A_336, %dma_wait3A_338, %dma_wait3A_339] : memref<6x2x128xi32, #tpu.memory_space<vmem>> -> memref<1x2x128xi32, #tpu.memory_space<vmem>>
          %dma_wait3A_341 = tpu.memref_squeeze %dma_wait3A_340 : memref<1x2x128xi32, #tpu.memory_space<vmem>> -> memref<2x128xi32, #tpu.memory_space<vmem>>
          %dma_wait3A_342 = arith.constant 0 : i32
          %dma_wait3A_343 = arith.constant 0 : i32
          %dma_wait3A_344 = tpu.memref_slice %arg3[%add3A_337, %dma_wait3A_342, %dma_wait3A_343] : memref<2560x2x128xi32, #tpu.memory_space<hbm>> -> memref<1x2x128xi32, #tpu.memory_space<hbm>>
          %dma_wait3A_345 = tpu.memref_squeeze %dma_wait3A_344 : memref<1x2x128xi32, #tpu.memory_space<hbm>> -> memref<2x128xi32, #tpu.memory_space<hbm>>
          %dma_wait3A_346 = tpu.memref_slice %arg9[%select_n3A_336] : memref<6x!tpu.dma_semaphore, #tpu.memory_space<semaphore_mem>> -> memref<1x!tpu.dma_semaphore, #tpu.memory_space<semaphore_mem>>
          %dma_wait3A_347 = tpu.memref_squeeze %dma_wait3A_346 : memref<1x!tpu.dma_semaphore, #tpu.memory_space<semaphore_mem>> -> memref<!tpu.dma_semaphore, #tpu.memory_space<semaphore_mem>>
          %dma_wait3A_348 = arith.constant 0 : i32
          %dma_wait3A_349 = arith.constant 0 : i32
          %dma_wait3A_350 = tpu.memref_slice %arg6[%select_n3A_336, %dma_wait3A_348, %dma_wait3A_349] : memref<6x2x128xi32, #tpu.memory_space<vmem>> -> memref<1x2x128xi32, #tpu.memory_space<vmem>>
          %dma_wait3A_351 = tpu.memref_squeeze %dma_wait3A_350 : memref<1x2x128xi32, #tpu.memory_space<vmem>> -> memref<2x128xi32, #tpu.memory_space<vmem>>
          %dma_wait3A_352 = arith.constant 0 : i32
          %dma_wait3A_353 = arith.constant 0 : i32
          %dma_wait3A_354 = tpu.memref_slice %arg3[%add3A_337, %dma_wait3A_352, %dma_wait3A_353] : memref<2560x2x128xi32, #tpu.memory_space<hbm>> -> memref<1x2x128xi32, #tpu.memory_space<hbm>>
          %dma_wait3A_355 = tpu.memref_squeeze %dma_wait3A_354 : memref<1x2x128xi32, #tpu.memory_space<hbm>> -> memref<2x128xi32, #tpu.memory_space<hbm>>
          tpu.wait_dma2 semaphore(%dma_wait3A_347 : memref<!tpu.dma_semaphore, #tpu.memory_space<semaphore_mem>>) src(%dma_wait3A_355 : memref<2x128xi32, #tpu.memory_space<hbm>>) dst(%dma_wait3A_351 : memref<2x128xi32, #tpu.memory_space<vmem>>)
          %jit3A_356 = arith.constant 6 : i32
          %eq3A_357 = arith.constant 0 : i32
          %eq3A_358 = arith.cmpi eq, %jit3A_356, %eq3A_357 : i32
          %jit3A_359 = arith.constant 1 : i32
          %select_n3A_360 = arith.select %eq3A_358, %jit3A_359, %jit3A_356 : i32
          %rem3A_361 = arith.remsi %add3A_316, %select_n3A_360 : i32
          %ne3A_362 = arith.constant 0 : i32
          %ne3A_363 = arith.cmpi ne, %rem3A_361, %ne3A_362 : i32
          %lt3A_364 = arith.constant 0 : i32
          %lt3A_365 = arith.cmpi slt, %rem3A_361, %lt3A_364 : i32
          %lt3A_366 = arith.constant 0 : i32
          %lt3A_367 = arith.cmpi slt, %select_n3A_360, %lt3A_366 : i32
          %ne3A_368 = arith.xori %lt3A_365, %lt3A_367 : i1
          %and3A_369 = arith.andi %ne3A_368, %ne3A_363 : i1
          %add3A_370 = arith.addi %rem3A_361, %select_n3A_360 : i32
          %select_n3A_371 = arith.select %and3A_369, %add3A_370, %rem3A_361 : i32
          %dma_start3A_372 = arith.constant 0 : i32
          %dma_start3A_373 = arith.constant 0 : i32
          %dma_start3A_374 = arith.constant 0 : i32
          %dma_start3A_375 = tpu.memref_slice %arg7[%select_n3A_296, %dma_start3A_373, %dma_start3A_374] : memref<2x128x96xf32, #tpu.memory_space<vmem>> -> memref<1x128x96xf32, #tpu.memory_space<vmem>>
          %dma_start3A_376 = tpu.memref_squeeze %dma_start3A_375 : memref<1x128x96xf32, #tpu.memory_space<vmem>> -> memref<128x96xf32, #tpu.memory_space<vmem>>
          %dma_start3A_377 = arith.constant 0 : i32
          %dma_start3A_378 = tpu.memref_slice %arg6[%select_n3A_371, %dma_start3A_372, %dma_start3A_377] : memref<6x2x128xi32, #tpu.memory_space<vmem>> -> memref<1x1x128xi32, #tpu.memory_space<vmem>>
          %dma_start3A_379 = tpu.memref_squeeze %dma_start3A_378 : memref<1x1x128xi32, #tpu.memory_space<vmem>> -> memref<128xi32, #tpu.memory_space<vmem>>
          %dma_start3A_380 = arith.constant 0 : i32
          %dma_start3A_381 = arith.constant 0 : i32
          %dma_start3A_382 = tpu.memref_slice %arg2[%dma_start3A_380, %dma_start3A_381] : memref<10000x96xf32, #tpu.memory_space<hbm>> -> memref<10000x96xf32, #tpu.memory_space<hbm>>
          %dma_start3A_383 = tpu.memref_slice %arg10[%select_n3A_296] : memref<2x!tpu.dma_semaphore, #tpu.memory_space<semaphore_mem>> -> memref<1x!tpu.dma_semaphore, #tpu.memory_space<semaphore_mem>>
          %dma_start3A_384 = tpu.memref_squeeze %dma_start3A_383 : memref<1x!tpu.dma_semaphore, #tpu.memory_space<semaphore_mem>> -> memref<!tpu.dma_semaphore, #tpu.memory_space<semaphore_mem>>
          tpu.enqueue_indirect_dma source(%dma_start3A_382 : memref<10000x96xf32, #tpu.memory_space<hbm>>) target(%dma_start3A_376 : memref<128x96xf32, #tpu.memory_space<vmem>>) offsets(%dma_start3A_379 : memref<128xi32, #tpu.memory_space<vmem>>) semaphore(%dma_start3A_384 : memref<!tpu.dma_semaphore, #tpu.memory_space<semaphore_mem>>)
        } else {
        }
      } else {
      }
      %while3A_278 = arith.constant 0 : i32
      scf.yield %while3A_278 : i32
    }
    %while3A_160 = arith.constant 1 : i32
    %while3A_161 = scf.for %while3A_194 = %while3A_157 to %while3A_153 step %while3A_160 iter_args(%while3A_195 = %while3A_159) -> (i32)  : i32 {
      %jit3A_196 = arith.constant 2 : i32
      %eq3A_197 = arith.constant 0 : i32
      %eq3A_198 = arith.cmpi eq, %jit3A_196, %eq3A_197 : i32
      %jit3A_199 = arith.constant 1 : i32
      %select_n3A_200 = arith.select %eq3A_198, %jit3A_199, %jit3A_196 : i32
      %rem3A_201 = arith.remsi %while3A_194, %select_n3A_200 : i32
      %ne3A_202 = arith.constant 0 : i32
      %ne3A_203 = arith.cmpi ne, %rem3A_201, %ne3A_202 : i32
      %lt3A_204 = arith.constant 0 : i32
      %lt3A_205 = arith.cmpi slt, %rem3A_201, %lt3A_204 : i32
      %lt3A_206 = arith.constant 0 : i32
      %lt3A_207 = arith.cmpi slt, %select_n3A_200, %lt3A_206 : i32
      %ne3A_208 = arith.xori %lt3A_205, %lt3A_207 : i1
      %and3A_209 = arith.andi %ne3A_208, %ne3A_203 : i1
      %add3A_210 = arith.addi %rem3A_201, %select_n3A_200 : i32
      %select_n3A_211 = arith.select %and3A_209, %add3A_210, %rem3A_201 : i32
      %jit3A_212 = arith.constant 6 : i32
      %eq3A_213 = arith.constant 0 : i32
      %eq3A_214 = arith.cmpi eq, %jit3A_212, %eq3A_213 : i32
      %jit3A_215 = arith.constant 1 : i32
      %select_n3A_216 = arith.select %eq3A_214, %jit3A_215, %jit3A_212 : i32
      %rem3A_217 = arith.remsi %while3A_194, %select_n3A_216 : i32
      %ne3A_218 = arith.constant 0 : i32
      %ne3A_219 = arith.cmpi ne, %rem3A_217, %ne3A_218 : i32
      %lt3A_220 = arith.constant 0 : i32
      %lt3A_221 = arith.cmpi slt, %rem3A_217, %lt3A_220 : i32
      %lt3A_222 = arith.constant 0 : i32
      %lt3A_223 = arith.cmpi slt, %select_n3A_216, %lt3A_222 : i32
      %ne3A_224 = arith.xori %lt3A_221, %lt3A_223 : i1
      %and3A_225 = arith.andi %ne3A_224, %ne3A_219 : i1
      %add3A_226 = arith.addi %rem3A_217, %select_n3A_216 : i32
      %select_n3A_227 = arith.select %and3A_225, %add3A_226, %rem3A_217 : i32
      %dma_wait3A_228 = arith.constant 0 : i32
      %dma_wait3A_229 = arith.constant 0 : i32
      %dma_wait3A_230 = arith.constant 0 : i32
      %dma_wait3A_231 = tpu.memref_slice %arg7[%select_n3A_211, %dma_wait3A_229, %dma_wait3A_230] : memref<2x128x96xf32, #tpu.memory_space<vmem>> -> memref<1x128x96xf32, #tpu.memory_space<vmem>>
      %dma_wait3A_232 = tpu.memref_squeeze %dma_wait3A_231 : memref<1x128x96xf32, #tpu.memory_space<vmem>> -> memref<128x96xf32, #tpu.memory_space<vmem>>
      %dma_wait3A_233 = arith.constant 0 : i32
      %dma_wait3A_234 = tpu.memref_slice %arg6[%select_n3A_227, %dma_wait3A_228, %dma_wait3A_233] : memref<6x2x128xi32, #tpu.memory_space<vmem>> -> memref<1x1x128xi32, #tpu.memory_space<vmem>>
      %dma_wait3A_235 = tpu.memref_squeeze %dma_wait3A_234 : memref<1x1x128xi32, #tpu.memory_space<vmem>> -> memref<128xi32, #tpu.memory_space<vmem>>
      %dma_wait3A_236 = arith.constant 0 : i32
      %dma_wait3A_237 = arith.constant 0 : i32
      %dma_wait3A_238 = tpu.memref_slice %arg2[%dma_wait3A_236, %dma_wait3A_237] : memref<10000x96xf32, #tpu.memory_space<hbm>> -> memref<10000x96xf32, #tpu.memory_space<hbm>>
      %dma_wait3A_239 = tpu.memref_slice %arg10[%select_n3A_211] : memref<2x!tpu.dma_semaphore, #tpu.memory_space<semaphore_mem>> -> memref<1x!tpu.dma_semaphore, #tpu.memory_space<semaphore_mem>>
      %dma_wait3A_240 = tpu.memref_squeeze %dma_wait3A_239 : memref<1x!tpu.dma_semaphore, #tpu.memory_space<semaphore_mem>> -> memref<!tpu.dma_semaphore, #tpu.memory_space<semaphore_mem>>
      tpu.wait_indirect_dma semaphore(%dma_wait3A_240 : memref<!tpu.dma_semaphore, #tpu.memory_space<semaphore_mem>>) src(%dma_wait3A_238 : memref<10000x96xf32, #tpu.memory_space<hbm>>) dst(%dma_wait3A_232 : memref<128x96xf32, #tpu.memory_space<vmem>>)
      %add3A_241 = arith.constant 3 : i32
      %add3A_242 = arith.addi %while3A_194, %add3A_241 : i32
      %lt3A_243 = arith.cmpi slt, %add3A_242, %select_n3A_10 : i32
      %convert_element_type3A = arith.extui %lt3A_243 : i1 to i32
      %cond3A = arith.constant 0 : i32
      %cond3A_244 = arith.cmpi ne, %convert_element_type3A, %cond3A : i32
      scf.if %cond3A_244 {
        %jit3A_279 = arith.constant 6 : i32
        %eq3A_280 = arith.constant 0 : i32
        %eq3A_281 = arith.cmpi eq, %jit3A_279, %eq3A_280 : i32
        %jit3A_282 = arith.constant 1 : i32
        %select_n3A_283 = arith.select %eq3A_281, %jit3A_282, %jit3A_279 : i32
        %rem3A_284 = arith.remsi %add3A_242, %select_n3A_283 : i32
        %ne3A_285 = arith.constant 0 : i32
        %ne3A_286 = arith.cmpi ne, %rem3A_284, %ne3A_285 : i32
        %lt3A_287 = arith.constant 0 : i32
        %lt3A_288 = arith.cmpi slt, %rem3A_284, %lt3A_287 : i32
        %lt3A_289 = arith.constant 0 : i32
        %lt3A_290 = arith.cmpi slt, %select_n3A_283, %lt3A_289 : i32
        %ne3A_291 = arith.xori %lt3A_288, %lt3A_290 : i1
        %and3A_292 = arith.andi %ne3A_291, %ne3A_286 : i1
        %add3A_293 = arith.addi %rem3A_284, %select_n3A_283 : i32
        %select_n3A_294 = arith.select %and3A_292, %add3A_293, %rem3A_284 : i32
        %add3A_295 = arith.addi %select_n3A, %add3A_242 : i32
        %dma_start3A_296 = arith.constant 0 : i32
        %dma_start3A_297 = arith.constant 0 : i32
        %dma_start3A_298 = tpu.memref_slice %arg6[%select_n3A_294, %dma_start3A_296, %dma_start3A_297] : memref<6x2x128xi32, #tpu.memory_space<vmem>> -> memref<1x2x128xi32, #tpu.memory_space<vmem>>
        %dma_start3A_299 = tpu.memref_squeeze %dma_start3A_298 : memref<1x2x128xi32, #tpu.memory_space<vmem>> -> memref<2x128xi32, #tpu.memory_space<vmem>>
        %dma_start3A_300 = arith.constant 0 : i32
        %dma_start3A_301 = arith.constant 0 : i32
        %dma_start3A_302 = tpu.memref_slice %arg3[%add3A_295, %dma_start3A_300, %dma_start3A_301] : memref<2560x2x128xi32, #tpu.memory_space<hbm>> -> memref<1x2x128xi32, #tpu.memory_space<hbm>>
        %dma_start3A_303 = tpu.memref_squeeze %dma_start3A_302 : memref<1x2x128xi32, #tpu.memory_space<hbm>> -> memref<2x128xi32, #tpu.memory_space<hbm>>
        %dma_start3A_304 = tpu.memref_slice %arg9[%select_n3A_294] : memref<6x!tpu.dma_semaphore, #tpu.memory_space<semaphore_mem>> -> memref<1x!tpu.dma_semaphore, #tpu.memory_space<semaphore_mem>>
        %dma_start3A_305 = tpu.memref_squeeze %dma_start3A_304 : memref<1x!tpu.dma_semaphore, #tpu.memory_space<semaphore_mem>> -> memref<!tpu.dma_semaphore, #tpu.memory_space<semaphore_mem>>
        %dma_start3A_306 = arith.constant 0 : i32
        %dma_start3A_307 = arith.constant 0 : i32
        %dma_start3A_308 = tpu.memref_slice %arg6[%select_n3A_294, %dma_start3A_306, %dma_start3A_307] : memref<6x2x128xi32, #tpu.memory_space<vmem>> -> memref<1x2x128xi32, #tpu.memory_space<vmem>>
        %dma_start3A_309 = tpu.memref_squeeze %dma_start3A_308 : memref<1x2x128xi32, #tpu.memory_space<vmem>> -> memref<2x128xi32, #tpu.memory_space<vmem>>
        %dma_start3A_310 = arith.constant 0 : i32
        %dma_start3A_311 = arith.constant 0 : i32
        %dma_start3A_312 = tpu.memref_slice %arg3[%add3A_295, %dma_start3A_310, %dma_start3A_311] : memref<2560x2x128xi32, #tpu.memory_space<hbm>> -> memref<1x2x128xi32, #tpu.memory_space<hbm>>
        %dma_start3A_313 = tpu.memref_squeeze %dma_start3A_312 : memref<1x2x128xi32, #tpu.memory_space<hbm>> -> memref<2x128xi32, #tpu.memory_space<hbm>>
        tpu.enqueue_dma source(%dma_start3A_313 : memref<2x128xi32, #tpu.memory_space<hbm>>) target(%dma_start3A_309 : memref<2x128xi32, #tpu.memory_space<vmem>>) target_semaphore(%dma_start3A_305 : memref<!tpu.dma_semaphore, #tpu.memory_space<semaphore_mem>>)
      } else {
      }
      %jit3A_245 = arith.constant 6 : i32
      %eq3A_246 = arith.constant 0 : i32
      %eq3A_247 = arith.cmpi eq, %jit3A_245, %eq3A_246 : i32
      %jit3A_248 = arith.constant 1 : i32
      %select_n3A_249 = arith.select %eq3A_247, %jit3A_248, %jit3A_245 : i32
      %rem3A_250 = arith.remsi %while3A_194, %select_n3A_249 : i32
      %ne3A_251 = arith.constant 0 : i32
      %ne3A_252 = arith.cmpi ne, %rem3A_250, %ne3A_251 : i32
      %lt3A_253 = arith.constant 0 : i32
      %lt3A_254 = arith.cmpi slt, %rem3A_250, %lt3A_253 : i32
      %lt3A_255 = arith.constant 0 : i32
      %lt3A_256 = arith.cmpi slt, %select_n3A_249, %lt3A_255 : i32
      %ne3A_257 = arith.xori %lt3A_254, %lt3A_256 : i1
      %and3A_258 = arith.andi %ne3A_257, %ne3A_252 : i1
      %add3A_259 = arith.addi %rem3A_250, %select_n3A_249 : i32
      %select_n3A_260 = arith.select %and3A_258, %add3A_259, %rem3A_250 : i32
      %dma_start3A_261 = arith.constant 1 : i32
      %dma_start3A_262 = arith.constant 0 : i32
      %dma_start3A_263 = arith.constant 0 : i32
      %dma_start3A_264 = tpu.memref_slice %arg7[%select_n3A_211, %dma_start3A_262, %dma_start3A_263] : memref<2x128x96xf32, #tpu.memory_space<vmem>> -> memref<1x128x96xf32, #tpu.memory_space<vmem>>
      %dma_start3A_265 = tpu.memref_squeeze %dma_start3A_264 : memref<1x128x96xf32, #tpu.memory_space<vmem>> -> memref<128x96xf32, #tpu.memory_space<vmem>>
      %dma_start3A_266 = arith.constant 0 : i32
      %dma_start3A_267 = tpu.memref_slice %arg6[%select_n3A_260, %dma_start3A_261, %dma_start3A_266] : memref<6x2x128xi32, #tpu.memory_space<vmem>> -> memref<1x1x128xi32, #tpu.memory_space<vmem>>
      %dma_start3A_268 = tpu.memref_squeeze %dma_start3A_267 : memref<1x1x128xi32, #tpu.memory_space<vmem>> -> memref<128xi32, #tpu.memory_space<vmem>>
      %dma_start3A_269 = arith.constant 0 : i32
      %dma_start3A_270 = arith.constant 0 : i32
      %dma_start3A_271 = tpu.memref_slice %arg8[%dma_start3A_269, %dma_start3A_270] : memref<10016x96xf32, #tpu.memory_space<vmem_shared>> -> memref<10016x96xf32, #tpu.memory_space<vmem_shared>>
      %dma_start3A_272 = tpu.memref_slice %arg11[%select_n3A_211] : memref<2x!tpu.dma_semaphore, #tpu.memory_space<semaphore_mem>> -> memref<1x!tpu.dma_semaphore, #tpu.memory_space<semaphore_mem>>
      %dma_start3A_273 = tpu.memref_squeeze %dma_start3A_272 : memref<1x!tpu.dma_semaphore, #tpu.memory_space<semaphore_mem>> -> memref<!tpu.dma_semaphore, #tpu.memory_space<semaphore_mem>>
      tpu.enqueue_indirect_dma source(%dma_start3A_265 : memref<128x96xf32, #tpu.memory_space<vmem>>) target(%dma_start3A_271 : memref<10016x96xf32, #tpu.memory_space<vmem_shared>>) offsets(%dma_start3A_268 : memref<128xi32, #tpu.memory_space<vmem>>) semaphore(%dma_start3A_273 : memref<!tpu.dma_semaphore, #tpu.memory_space<semaphore_mem>>) {add = true}
      %ge3A = arith.constant 1 : i32
      %ge3A_274 = arith.cmpi sge, %while3A_194, %ge3A : i32
      %convert_element_type3A_275 = arith.extui %ge3A_274 : i1 to i32
      %cond3A_276 = arith.constant 0 : i32
      %cond3A_277 = arith.cmpi ne, %convert_element_type3A_275, %cond3A_276 : i32
      scf.if %cond3A_277 {
        %sub3A_279 = arith.constant 1 : i32
        %sub3A_280 = arith.subi %while3A_194, %sub3A_279 : i32
        %jit3A_281 = arith.constant 2 : i32
        %eq3A_282 = arith.constant 0 : i32
        %eq3A_283 = arith.cmpi eq, %jit3A_281, %eq3A_282 : i32
        %jit3A_284 = arith.constant 1 : i32
        %select_n3A_285 = arith.select %eq3A_283, %jit3A_284, %jit3A_281 : i32
        %rem3A_286 = arith.remsi %sub3A_280, %select_n3A_285 : i32
        %ne3A_287 = arith.constant 0 : i32
        %ne3A_288 = arith.cmpi ne, %rem3A_286, %ne3A_287 : i32
        %lt3A_289 = arith.constant 0 : i32
        %lt3A_290 = arith.cmpi slt, %rem3A_286, %lt3A_289 : i32
        %lt3A_291 = arith.constant 0 : i32
        %lt3A_292 = arith.cmpi slt, %select_n3A_285, %lt3A_291 : i32
        %ne3A_293 = arith.xori %lt3A_290, %lt3A_292 : i1
        %and3A_294 = arith.andi %ne3A_293, %ne3A_288 : i1
        %add3A_295 = arith.addi %rem3A_286, %select_n3A_285 : i32
        %select_n3A_296 = arith.select %and3A_294, %add3A_295, %rem3A_286 : i32
        %dma_wait3A_297 = arith.constant 0 : i32
        %dma_wait3A_298 = arith.constant 0 : i32
        %dma_wait3A_299 = tpu.memref_slice %arg7[%select_n3A_296, %dma_wait3A_297, %dma_wait3A_298] : memref<2x128x96xf32, #tpu.memory_space<vmem>> -> memref<1x128x96xf32, #tpu.memory_space<vmem>>
        %dma_wait3A_300 = tpu.memref_squeeze %dma_wait3A_299 : memref<1x128x96xf32, #tpu.memory_space<vmem>> -> memref<128x96xf32, #tpu.memory_space<vmem>>
        %dma_wait3A_301 = arith.constant 0 : i32
        %dma_wait3A_302 = arith.constant 0 : i32
        %dma_wait3A_303 = tpu.memref_slice %arg2[%dma_wait3A_301, %dma_wait3A_302] : memref<10000x96xf32, #tpu.memory_space<hbm>> -> memref<128x96xf32, #tpu.memory_space<hbm>>
        %dma_wait3A_304 = tpu.memref_slice %arg11[%select_n3A_296] : memref<2x!tpu.dma_semaphore, #tpu.memory_space<semaphore_mem>> -> memref<1x!tpu.dma_semaphore, #tpu.memory_space<semaphore_mem>>
        %dma_wait3A_305 = tpu.memref_squeeze %dma_wait3A_304 : memref<1x!tpu.dma_semaphore, #tpu.memory_space<semaphore_mem>> -> memref<!tpu.dma_semaphore, #tpu.memory_space<semaphore_mem>>
        %dma_wait3A_306 = arith.constant 0 : i32
        %dma_wait3A_307 = arith.constant 0 : i32
        %dma_wait3A_308 = tpu.memref_slice %arg7[%select_n3A_296, %dma_wait3A_306, %dma_wait3A_307] : memref<2x128x96xf32, #tpu.memory_space<vmem>> -> memref<1x128x96xf32, #tpu.memory_space<vmem>>
        %dma_wait3A_309 = tpu.memref_squeeze %dma_wait3A_308 : memref<1x128x96xf32, #tpu.memory_space<vmem>> -> memref<128x96xf32, #tpu.memory_space<vmem>>
        %dma_wait3A_310 = arith.constant 0 : i32
        %dma_wait3A_311 = arith.constant 0 : i32
        %dma_wait3A_312 = tpu.memref_slice %arg2[%dma_wait3A_310, %dma_wait3A_311] : memref<10000x96xf32, #tpu.memory_space<hbm>> -> memref<128x96xf32, #tpu.memory_space<hbm>>
        tpu.wait_dma2 semaphore(%dma_wait3A_305 : memref<!tpu.dma_semaphore, #tpu.memory_space<semaphore_mem>>) src(%dma_wait3A_312 : memref<128x96xf32, #tpu.memory_space<hbm>>) dst(%dma_wait3A_309 : memref<128x96xf32, #tpu.memory_space<vmem>>)
        %sub3A_313 = arith.constant 1 : i32
        %sub3A_314 = arith.subi %while3A_194, %sub3A_313 : i32
        %add3A_315 = arith.constant 2 : i32
        %add3A_316 = arith.addi %sub3A_314, %add3A_315 : i32
        %lt3A_317 = arith.cmpi slt, %add3A_316, %select_n3A_10 : i32
        %convert_element_type3A_318 = arith.extui %lt3A_317 : i1 to i32
        %cond3A_319 = arith.constant 0 : i32
        %cond3A_320 = arith.cmpi ne, %convert_element_type3A_318, %cond3A_319 : i32
        scf.if %cond3A_320 {
          %jit3A_321 = arith.constant 6 : i32
          %eq3A_322 = arith.constant 0 : i32
          %eq3A_323 = arith.cmpi eq, %jit3A_321, %eq3A_322 : i32
          %jit3A_324 = arith.constant 1 : i32
          %select_n3A_325 = arith.select %eq3A_323, %jit3A_324, %jit3A_321 : i32
          %rem3A_326 = arith.remsi %add3A_316, %select_n3A_325 : i32
          %ne3A_327 = arith.constant 0 : i32
          %ne3A_328 = arith.cmpi ne, %rem3A_326, %ne3A_327 : i32
          %lt3A_329 = arith.constant 0 : i32
          %lt3A_330 = arith.cmpi slt, %rem3A_326, %lt3A_329 : i32
          %lt3A_331 = arith.constant 0 : i32
          %lt3A_332 = arith.cmpi slt, %select_n3A_325, %lt3A_331 : i32
          %ne3A_333 = arith.xori %lt3A_330, %lt3A_332 : i1
          %and3A_334 = arith.andi %ne3A_333, %ne3A_328 : i1
          %add3A_335 = arith.addi %rem3A_326, %select_n3A_325 : i32
          %select_n3A_336 = arith.select %and3A_334, %add3A_335, %rem3A_326 : i32
          %add3A_337 = arith.addi %select_n3A, %add3A_316 : i32
          %dma_wait3A_338 = arith.constant 0 : i32
          %dma_wait3A_339 = arith.constant 0 : i32
          %dma_wait3A_340 = tpu.memref_slice %arg6[%select_n3A_336, %dma_wait3A_338, %dma_wait3A_339] : memref<6x2x128xi32, #tpu.memory_space<vmem>> -> memref<1x2x128xi32, #tpu.memory_space<vmem>>
          %dma_wait3A_341 = tpu.memref_squeeze %dma_wait3A_340 : memref<1x2x128xi32, #tpu.memory_space<vmem>> -> memref<2x128xi32, #tpu.memory_space<vmem>>
          %dma_wait3A_342 = arith.constant 0 : i32
          %dma_wait3A_343 = arith.constant 0 : i32
          %dma_wait3A_344 = tpu.memref_slice %arg3[%add3A_337, %dma_wait3A_342, %dma_wait3A_343] : memref<2560x2x128xi32, #tpu.memory_space<hbm>> -> memref<1x2x128xi32, #tpu.memory_space<hbm>>
          %dma_wait3A_345 = tpu.memref_squeeze %dma_wait3A_344 : memref<1x2x128xi32, #tpu.memory_space<hbm>> -> memref<2x128xi32, #tpu.memory_space<hbm>>
          %dma_wait3A_346 = tpu.memref_slice %arg9[%select_n3A_336] : memref<6x!tpu.dma_semaphore, #tpu.memory_space<semaphore_mem>> -> memref<1x!tpu.dma_semaphore, #tpu.memory_space<semaphore_mem>>
          %dma_wait3A_347 = tpu.memref_squeeze %dma_wait3A_346 : memref<1x!tpu.dma_semaphore, #tpu.memory_space<semaphore_mem>> -> memref<!tpu.dma_semaphore, #tpu.memory_space<semaphore_mem>>
          %dma_wait3A_348 = arith.constant 0 : i32
          %dma_wait3A_349 = arith.constant 0 : i32
          %dma_wait3A_350 = tpu.memref_slice %arg6[%select_n3A_336, %dma_wait3A_348, %dma_wait3A_349] : memref<6x2x128xi32, #tpu.memory_space<vmem>> -> memref<1x2x128xi32, #tpu.memory_space<vmem>>
          %dma_wait3A_351 = tpu.memref_squeeze %dma_wait3A_350 : memref<1x2x128xi32, #tpu.memory_space<vmem>> -> memref<2x128xi32, #tpu.memory_space<vmem>>
          %dma_wait3A_352 = arith.constant 0 : i32
          %dma_wait3A_353 = arith.constant 0 : i32
          %dma_wait3A_354 = tpu.memref_slice %arg3[%add3A_337, %dma_wait3A_352, %dma_wait3A_353] : memref<2560x2x128xi32, #tpu.memory_space<hbm>> -> memref<1x2x128xi32, #tpu.memory_space<hbm>>
          %dma_wait3A_355 = tpu.memref_squeeze %dma_wait3A_354 : memref<1x2x128xi32, #tpu.memory_space<hbm>> -> memref<2x128xi32, #tpu.memory_space<hbm>>
          tpu.wait_dma2 semaphore(%dma_wait3A_347 : memref<!tpu.dma_semaphore, #tpu.memory_space<semaphore_mem>>) src(%dma_wait3A_355 : memref<2x128xi32, #tpu.memory_space<hbm>>) dst(%dma_wait3A_351 : memref<2x128xi32, #tpu.memory_space<vmem>>)
          %jit3A_356 = arith.constant 6 : i32
          %eq3A_357 = arith.constant 0 : i32
          %eq3A_358 = arith.cmpi eq, %jit3A_356, %eq3A_357 : i32
          %jit3A_359 = arith.constant 1 : i32
          %select_n3A_360 = arith.select %eq3A_358, %jit3A_359, %jit3A_356 : i32
          %rem3A_361 = arith.remsi %add3A_316, %select_n3A_360 : i32
          %ne3A_362 = arith.constant 0 : i32
          %ne3A_363 = arith.cmpi ne, %rem3A_361, %ne3A_362 : i32
          %lt3A_364 = arith.constant 0 : i32
          %lt3A_365 = arith.cmpi slt, %rem3A_361, %lt3A_364 : i32
          %lt3A_366 = arith.constant 0 : i32
          %lt3A_367 = arith.cmpi slt, %select_n3A_360, %lt3A_366 : i32
          %ne3A_368 = arith.xori %lt3A_365, %lt3A_367 : i1
          %and3A_369 = arith.andi %ne3A_368, %ne3A_363 : i1
          %add3A_370 = arith.addi %rem3A_361, %select_n3A_360 : i32
          %select_n3A_371 = arith.select %and3A_369, %add3A_370, %rem3A_361 : i32
          %dma_start3A_372 = arith.constant 0 : i32
          %dma_start3A_373 = arith.constant 0 : i32
          %dma_start3A_374 = arith.constant 0 : i32
          %dma_start3A_375 = tpu.memref_slice %arg7[%select_n3A_296, %dma_start3A_373, %dma_start3A_374] : memref<2x128x96xf32, #tpu.memory_space<vmem>> -> memref<1x128x96xf32, #tpu.memory_space<vmem>>
          %dma_start3A_376 = tpu.memref_squeeze %dma_start3A_375 : memref<1x128x96xf32, #tpu.memory_space<vmem>> -> memref<128x96xf32, #tpu.memory_space<vmem>>
          %dma_start3A_377 = arith.constant 0 : i32
          %dma_start3A_378 = tpu.memref_slice %arg6[%select_n3A_371, %dma_start3A_372, %dma_start3A_377] : memref<6x2x128xi32, #tpu.memory_space<vmem>> -> memref<1x1x128xi32, #tpu.memory_space<vmem>>
          %dma_start3A_379 = tpu.memref_squeeze %dma_start3A_378 : memref<1x1x128xi32, #tpu.memory_space<vmem>> -> memref<128xi32, #tpu.memory_space<vmem>>
          %dma_start3A_380 = arith.constant 0 : i32
          %dma_start3A_381 = arith.constant 0 : i32
          %dma_start3A_382 = tpu.memref_slice %arg2[%dma_start3A_380, %dma_start3A_381] : memref<10000x96xf32, #tpu.memory_space<hbm>> -> memref<10000x96xf32, #tpu.memory_space<hbm>>
          %dma_start3A_383 = tpu.memref_slice %arg10[%select_n3A_296] : memref<2x!tpu.dma_semaphore, #tpu.memory_space<semaphore_mem>> -> memref<1x!tpu.dma_semaphore, #tpu.memory_space<semaphore_mem>>
          %dma_start3A_384 = tpu.memref_squeeze %dma_start3A_383 : memref<1x!tpu.dma_semaphore, #tpu.memory_space<semaphore_mem>> -> memref<!tpu.dma_semaphore, #tpu.memory_space<semaphore_mem>>
          tpu.enqueue_indirect_dma source(%dma_start3A_382 : memref<10000x96xf32, #tpu.memory_space<hbm>>) target(%dma_start3A_376 : memref<128x96xf32, #tpu.memory_space<vmem>>) offsets(%dma_start3A_379 : memref<128xi32, #tpu.memory_space<vmem>>) semaphore(%dma_start3A_384 : memref<!tpu.dma_semaphore, #tpu.memory_space<semaphore_mem>>)
        } else {
        }
      } else {
      }
      %while3A_278 = arith.constant 0 : i32
      scf.yield %while3A_278 : i32
    }
    %sub3A = arith.constant 1 : i32
    %sub3A_162 = arith.subi %select_n3A_10, %sub3A : i32
    %sub3A_163 = arith.constant 0 : i32
    %sub3A_164 = arith.subi %sub3A_162, %sub3A_163 : i32
    %jit3A_165 = arith.constant 2 : i32
    %eq3A_166 = arith.constant 0 : i32
    %eq3A_167 = arith.cmpi eq, %jit3A_165, %eq3A_166 : i32
    %jit3A_168 = arith.constant 1 : i32
    %select_n3A_169 = arith.select %eq3A_167, %jit3A_168, %jit3A_165 : i32
    %rem3A = arith.remsi %sub3A_164, %select_n3A_169 : i32
    %ne3A = arith.constant 0 : i32
    %ne3A_170 = arith.cmpi ne, %rem3A, %ne3A : i32
    %lt3A = arith.constant 0 : i32
    %lt3A_171 = arith.cmpi slt, %rem3A, %lt3A : i32
    %lt3A_172 = arith.constant 0 : i32
    %lt3A_173 = arith.cmpi slt, %select_n3A_169, %lt3A_172 : i32
    %ne3A_174 = arith.xori %lt3A_171, %lt3A_173 : i1
    %and3A = arith.andi %ne3A_174, %ne3A_170 : i1
    %add3A_175 = arith.addi %rem3A, %select_n3A_169 : i32
    %select_n3A_176 = arith.select %and3A, %add3A_175, %rem3A : i32
    %dma_wait3A_177 = arith.constant 0 : i32
    %dma_wait3A_178 = arith.constant 0 : i32
    %dma_wait3A_179 = tpu.memref_slice %arg7[%select_n3A_176, %dma_wait3A_177, %dma_wait3A_178] : memref<2x128x96xf32, #tpu.memory_space<vmem>> -> memref<1x128x96xf32, #tpu.memory_space<vmem>>
    %dma_wait3A_180 = tpu.memref_squeeze %dma_wait3A_179 : memref<1x128x96xf32, #tpu.memory_space<vmem>> -> memref<128x96xf32, #tpu.memory_space<vmem>>
    %dma_wait3A_181 = arith.constant 0 : i32
    %dma_wait3A_182 = arith.constant 0 : i32
    %dma_wait3A_183 = tpu.memref_slice %arg2[%dma_wait3A_181, %dma_wait3A_182] : memref<10000x96xf32, #tpu.memory_space<hbm>> -> memref<128x96xf32, #tpu.memory_space<hbm>>
    %dma_wait3A_184 = tpu.memref_slice %arg11[%select_n3A_176] : memref<2x!tpu.dma_semaphore, #tpu.memory_space<semaphore_mem>> -> memref<1x!tpu.dma_semaphore, #tpu.memory_space<semaphore_mem>>
    %dma_wait3A_185 = tpu.memref_squeeze %dma_wait3A_184 : memref<1x!tpu.dma_semaphore, #tpu.memory_space<semaphore_mem>> -> memref<!tpu.dma_semaphore, #tpu.memory_space<semaphore_mem>>
    %dma_wait3A_186 = arith.constant 0 : i32
    %dma_wait3A_187 = arith.constant 0 : i32
    %dma_wait3A_188 = tpu.memref_slice %arg7[%select_n3A_176, %dma_wait3A_186, %dma_wait3A_187] : memref<2x128x96xf32, #tpu.memory_space<vmem>> -> memref<1x128x96xf32, #tpu.memory_space<vmem>>
    %dma_wait3A_189 = tpu.memref_squeeze %dma_wait3A_188 : memref<1x128x96xf32, #tpu.memory_space<vmem>> -> memref<128x96xf32, #tpu.memory_space<vmem>>
    %dma_wait3A_190 = arith.constant 0 : i32
    %dma_wait3A_191 = arith.constant 0 : i32
    %dma_wait3A_192 = tpu.memref_slice %arg2[%dma_wait3A_190, %dma_wait3A_191] : memref<10000x96xf32, #tpu.memory_space<hbm>> -> memref<128x96xf32, #tpu.memory_space<hbm>>
    tpu.wait_dma2 semaphore(%dma_wait3A_185 : memref<!tpu.dma_semaphore, #tpu.memory_space<semaphore_mem>>) src(%dma_wait3A_192 : memref<128x96xf32, #tpu.memory_space<hbm>>) dst(%dma_wait3A_189 : memref<128x96xf32, #tpu.memory_space<vmem>>)
    %barrier3A_193 = arith.constant 0 : index
    tpu.barrier barrier_id(%barrier3A_193)
    "tpu.region"() ({
      %run_scoped3A = tpu.sem_alloc : memref<!tpu.dma_semaphore, #tpu.memory_space<semaphore_mem>>
      %dma_start3A_194 = arith.constant 0 : i32
      %dma_start3A_195 = arith.constant 0 : i32
      %dma_start3A_196 = tpu.memref_slice %arg5[%arg0, %dma_start3A_194, %dma_start3A_195] : memref<2x10016x96xf32, #tpu.memory_space<hbm>> -> memref<1x10016x96xf32, #tpu.memory_space<hbm>>
      %dma_start3A_197 = tpu.memref_squeeze %dma_start3A_196 : memref<1x10016x96xf32, #tpu.memory_space<hbm>> -> memref<10016x96xf32, #tpu.memory_space<hbm>>
      %dma_start3A_198 = arith.constant 0 : i32
      %dma_start3A_199 = tpu.memref_slice %dma_start3A_197[%mul3A_0, %dma_start3A_198] : memref<10016x96xf32, #tpu.memory_space<hbm>> -> memref<626x96xf32, #tpu.memory_space<hbm>>
      %dma_start3A_200 = arith.constant 0 : i32
      %dma_start3A_201 = tpu.memref_slice %arg8[%mul3A_0, %dma_start3A_200] : memref<10016x96xf32, #tpu.memory_space<vmem_shared>> -> memref<626x96xf32, #tpu.memory_space<vmem_shared>>
      tpu.enqueue_dma source(%dma_start3A_201 : memref<626x96xf32, #tpu.memory_space<vmem_shared>>) target(%dma_start3A_199 : memref<626x96xf32, #tpu.memory_space<hbm>>) target_semaphore(%run_scoped3A : memref<!tpu.dma_semaphore, #tpu.memory_space<semaphore_mem>>)
      %dma_wait3A_202 = arith.constant 0 : i32
      %dma_wait3A_203 = arith.constant 0 : i32
      %dma_wait3A_204 = tpu.memref_slice %arg5[%arg0, %dma_wait3A_202, %dma_wait3A_203] : memref<2x10016x96xf32, #tpu.memory_space<hbm>> -> memref<1x10016x96xf32, #tpu.memory_space<hbm>>
      %dma_wait3A_205 = tpu.memref_squeeze %dma_wait3A_204 : memref<1x10016x96xf32, #tpu.memory_space<hbm>> -> memref<10016x96xf32, #tpu.memory_space<hbm>>
      %dma_wait3A_206 = arith.constant 0 : i32
      %dma_wait3A_207 = tpu.memref_slice %dma_wait3A_205[%mul3A_0, %dma_wait3A_206] : memref<10016x96xf32, #tpu.memory_space<hbm>> -> memref<626x96xf32, #tpu.memory_space<hbm>>
      %dma_wait3A_208 = arith.constant 0 : i32
      %dma_wait3A_209 = tpu.memref_slice %arg8[%mul3A_0, %dma_wait3A_208] : memref<10016x96xf32, #tpu.memory_space<vmem_shared>> -> memref<626x96xf32, #tpu.memory_space<vmem_shared>>
      tpu.wait_dma2 semaphore(%run_scoped3A : memref<!tpu.dma_semaphore, #tpu.memory_space<semaphore_mem>>) src(%dma_wait3A_209 : memref<626x96xf32, #tpu.memory_space<vmem_shared>>) dst(%dma_wait3A_207 : memref<626x96xf32, #tpu.memory_space<hbm>>)
      tpu.yield
    }) : () -> ()
    return
  }
}

#map = affine_map<(d0, d1) -> (0, 0)>
#map1 = affine_map<(d0, d1) -> (0, 0, 0)>
module attributes {stable_mosaic.version = 14 : i64} {
  func.func @sc_aggregate(%arg0: i32, %arg1: i32, %arg2: memref<10000x64xf32, #tpu.memory_space<hbm>>, %arg3: memref<2560x2x128xi32, #tpu.memory_space<hbm>>, %arg4: memref<10016x64xf32, #tpu.memory_space<hbm>>, %arg5: memref<2x10016x64xf32, #tpu.memory_space<hbm>>, %arg6: memref<6x2x128xi32, #tpu.memory_space<vmem>>, %arg7: memref<2x128x64xf32, #tpu.memory_space<vmem>>, %arg8: memref<10016x64xf32, #tpu.memory_space<vmem_shared>>, %arg9: memref<6x!tpu.dma_semaphore, #tpu.memory_space<semaphore_mem>>, %arg10: memref<2x!tpu.dma_semaphore, #tpu.memory_space<semaphore_mem>>, %arg11: memref<2x!tpu.dma_semaphore, #tpu.memory_space<semaphore_mem>>) attributes {dimension_semantics = [#tpu.dimension_semantics<core_parallel>, #tpu.dimension_semantics<subcore_parallel>], iteration_bounds = array<i64: 2, 16>, scalar_prefetch = 0 : i64, scratch_operands = 6 : i64, tpu.core_type = #tpu.core_type<sc_vector_subcore>, window_params = [{transform_indices = #map}, {transform_indices = #map1}, {transform_indices = #map}, {transform_indices = #map1}]} {
    %mul3A = arith.constant 626 : i32
    %mul3A_0 = arith.muli %arg1, %mul3A : i32
    %eq3A = arith.constant 0 : i32
    %eq3A_1 = arith.cmpi eq, %arg0, %eq3A : i32
    %mul3A_2 = arith.constant 118 : i32
    %mul3A_3 = arith.muli %arg1, %mul3A_2 : i32
    %mul3A_4 = arith.constant 42 : i32
    %mul3A_5 = arith.muli %arg1, %mul3A_4 : i32
    %add3A = arith.constant 1888 : i32
    %add3A_6 = arith.addi %add3A, %mul3A_5 : i32
    %select_n3A = arith.select %eq3A_1, %mul3A_3, %add3A_6 : i32
    %eq3A_7 = arith.constant 0 : i32
    %eq3A_8 = arith.cmpi eq, %arg0, %eq3A_7 : i32
    %jit3A = arith.constant 118 : i32
    %jit3A_9 = arith.constant 42 : i32
    %select_n3A_10 = arith.select %eq3A_8, %jit3A, %jit3A_9 : i32
    "tpu.region"() ({
      %run_scoped3A = tpu.sem_alloc : memref<!tpu.dma_semaphore, #tpu.memory_space<semaphore_mem>>
      %dma_start3A_194 = arith.constant 0 : i32
      %dma_start3A_195 = tpu.memref_slice %arg8[%mul3A_0, %dma_start3A_194] : memref<10016x64xf32, #tpu.memory_space<vmem_shared>> -> memref<626x64xf32, #tpu.memory_space<vmem_shared>>
      %dma_start3A_196 = arith.constant 0 : i32
      %dma_start3A_197 = tpu.memref_slice %arg4[%mul3A_0, %dma_start3A_196] : memref<10016x64xf32, #tpu.memory_space<hbm>> -> memref<626x64xf32, #tpu.memory_space<hbm>>
      tpu.enqueue_dma source(%dma_start3A_197 : memref<626x64xf32, #tpu.memory_space<hbm>>) target(%dma_start3A_195 : memref<626x64xf32, #tpu.memory_space<vmem_shared>>) target_semaphore(%run_scoped3A : memref<!tpu.dma_semaphore, #tpu.memory_space<semaphore_mem>>)
      %dma_wait3A_198 = arith.constant 0 : i32
      %dma_wait3A_199 = tpu.memref_slice %arg8[%mul3A_0, %dma_wait3A_198] : memref<10016x64xf32, #tpu.memory_space<vmem_shared>> -> memref<626x64xf32, #tpu.memory_space<vmem_shared>>
      %dma_wait3A_200 = arith.constant 0 : i32
      %dma_wait3A_201 = tpu.memref_slice %arg4[%mul3A_0, %dma_wait3A_200] : memref<10016x64xf32, #tpu.memory_space<hbm>> -> memref<626x64xf32, #tpu.memory_space<hbm>>
      tpu.wait_dma2 semaphore(%run_scoped3A : memref<!tpu.dma_semaphore, #tpu.memory_space<semaphore_mem>>) src(%dma_wait3A_201 : memref<626x64xf32, #tpu.memory_space<hbm>>) dst(%dma_wait3A_199 : memref<626x64xf32, #tpu.memory_space<vmem_shared>>)
      tpu.yield
    }) : () -> ()
    %barrier3A = arith.constant 0 : index
    tpu.barrier barrier_id(%barrier3A)
    %add3A_11 = arith.constant 0 : i32
    %add3A_12 = arith.addi %select_n3A, %add3A_11 : i32
    %dma_start3A = arith.constant 0 : i32
    %dma_start3A_13 = arith.constant 0 : i32
    %dma_start3A_14 = arith.constant 0 : i32
    %dma_start3A_15 = arith.constant 0 : i32
    %dma_start3A_16 = tpu.memref_slice %arg6[%dma_start3A, %dma_start3A_14, %dma_start3A_15] : memref<6x2x128xi32, #tpu.memory_space<vmem>> -> memref<1x2x128xi32, #tpu.memory_space<vmem>>
    %dma_start3A_17 = tpu.memref_squeeze %dma_start3A_16 : memref<1x2x128xi32, #tpu.memory_space<vmem>> -> memref<2x128xi32, #tpu.memory_space<vmem>>
    %dma_start3A_18 = arith.constant 0 : i32
    %dma_start3A_19 = arith.constant 0 : i32
    %dma_start3A_20 = tpu.memref_slice %arg3[%add3A_12, %dma_start3A_18, %dma_start3A_19] : memref<2560x2x128xi32, #tpu.memory_space<hbm>> -> memref<1x2x128xi32, #tpu.memory_space<hbm>>
    %dma_start3A_21 = tpu.memref_squeeze %dma_start3A_20 : memref<1x2x128xi32, #tpu.memory_space<hbm>> -> memref<2x128xi32, #tpu.memory_space<hbm>>
    %dma_start3A_22 = tpu.memref_slice %arg9[%dma_start3A_13] : memref<6x!tpu.dma_semaphore, #tpu.memory_space<semaphore_mem>> -> memref<1x!tpu.dma_semaphore, #tpu.memory_space<semaphore_mem>>
    %dma_start3A_23 = tpu.memref_squeeze %dma_start3A_22 : memref<1x!tpu.dma_semaphore, #tpu.memory_space<semaphore_mem>> -> memref<!tpu.dma_semaphore, #tpu.memory_space<semaphore_mem>>
    %dma_start3A_24 = arith.constant 0 : i32
    %dma_start3A_25 = arith.constant 0 : i32
    %dma_start3A_26 = tpu.memref_slice %arg6[%dma_start3A, %dma_start3A_24, %dma_start3A_25] : memref<6x2x128xi32, #tpu.memory_space<vmem>> -> memref<1x2x128xi32, #tpu.memory_space<vmem>>
    %dma_start3A_27 = tpu.memref_squeeze %dma_start3A_26 : memref<1x2x128xi32, #tpu.memory_space<vmem>> -> memref<2x128xi32, #tpu.memory_space<vmem>>
    %dma_start3A_28 = arith.constant 0 : i32
    %dma_start3A_29 = arith.constant 0 : i32
    %dma_start3A_30 = tpu.memref_slice %arg3[%add3A_12, %dma_start3A_28, %dma_start3A_29] : memref<2560x2x128xi32, #tpu.memory_space<hbm>> -> memref<1x2x128xi32, #tpu.memory_space<hbm>>
    %dma_start3A_31 = tpu.memref_squeeze %dma_start3A_30 : memref<1x2x128xi32, #tpu.memory_space<hbm>> -> memref<2x128xi32, #tpu.memory_space<hbm>>
    tpu.enqueue_dma source(%dma_start3A_31 : memref<2x128xi32, #tpu.memory_space<hbm>>) target(%dma_start3A_27 : memref<2x128xi32, #tpu.memory_space<vmem>>) target_semaphore(%dma_start3A_23 : memref<!tpu.dma_semaphore, #tpu.memory_space<semaphore_mem>>)
    %add3A_32 = arith.constant 1 : i32
    %add3A_33 = arith.addi %select_n3A, %add3A_32 : i32
    %dma_start3A_34 = arith.constant 1 : i32
    %dma_start3A_35 = arith.constant 1 : i32
    %dma_start3A_36 = arith.constant 0 : i32
    %dma_start3A_37 = arith.constant 0 : i32
    %dma_start3A_38 = tpu.memref_slice %arg6[%dma_start3A_34, %dma_start3A_36, %dma_start3A_37] : memref<6x2x128xi32, #tpu.memory_space<vmem>> -> memref<1x2x128xi32, #tpu.memory_space<vmem>>
    %dma_start3A_39 = tpu.memref_squeeze %dma_start3A_38 : memref<1x2x128xi32, #tpu.memory_space<vmem>> -> memref<2x128xi32, #tpu.memory_space<vmem>>
    %dma_start3A_40 = arith.constant 0 : i32
    %dma_start3A_41 = arith.constant 0 : i32
    %dma_start3A_42 = tpu.memref_slice %arg3[%add3A_33, %dma_start3A_40, %dma_start3A_41] : memref<2560x2x128xi32, #tpu.memory_space<hbm>> -> memref<1x2x128xi32, #tpu.memory_space<hbm>>
    %dma_start3A_43 = tpu.memref_squeeze %dma_start3A_42 : memref<1x2x128xi32, #tpu.memory_space<hbm>> -> memref<2x128xi32, #tpu.memory_space<hbm>>
    %dma_start3A_44 = tpu.memref_slice %arg9[%dma_start3A_35] : memref<6x!tpu.dma_semaphore, #tpu.memory_space<semaphore_mem>> -> memref<1x!tpu.dma_semaphore, #tpu.memory_space<semaphore_mem>>
    %dma_start3A_45 = tpu.memref_squeeze %dma_start3A_44 : memref<1x!tpu.dma_semaphore, #tpu.memory_space<semaphore_mem>> -> memref<!tpu.dma_semaphore, #tpu.memory_space<semaphore_mem>>
    %dma_start3A_46 = arith.constant 0 : i32
    %dma_start3A_47 = arith.constant 0 : i32
    %dma_start3A_48 = tpu.memref_slice %arg6[%dma_start3A_34, %dma_start3A_46, %dma_start3A_47] : memref<6x2x128xi32, #tpu.memory_space<vmem>> -> memref<1x2x128xi32, #tpu.memory_space<vmem>>
    %dma_start3A_49 = tpu.memref_squeeze %dma_start3A_48 : memref<1x2x128xi32, #tpu.memory_space<vmem>> -> memref<2x128xi32, #tpu.memory_space<vmem>>
    %dma_start3A_50 = arith.constant 0 : i32
    %dma_start3A_51 = arith.constant 0 : i32
    %dma_start3A_52 = tpu.memref_slice %arg3[%add3A_33, %dma_start3A_50, %dma_start3A_51] : memref<2560x2x128xi32, #tpu.memory_space<hbm>> -> memref<1x2x128xi32, #tpu.memory_space<hbm>>
    %dma_start3A_53 = tpu.memref_squeeze %dma_start3A_52 : memref<1x2x128xi32, #tpu.memory_space<hbm>> -> memref<2x128xi32, #tpu.memory_space<hbm>>
    tpu.enqueue_dma source(%dma_start3A_53 : memref<2x128xi32, #tpu.memory_space<hbm>>) target(%dma_start3A_49 : memref<2x128xi32, #tpu.memory_space<vmem>>) target_semaphore(%dma_start3A_45 : memref<!tpu.dma_semaphore, #tpu.memory_space<semaphore_mem>>)
    %add3A_54 = arith.constant 2 : i32
    %add3A_55 = arith.addi %select_n3A, %add3A_54 : i32
    %dma_start3A_56 = arith.constant 2 : i32
    %dma_start3A_57 = arith.constant 2 : i32
    %dma_start3A_58 = arith.constant 0 : i32
    %dma_start3A_59 = arith.constant 0 : i32
    %dma_start3A_60 = tpu.memref_slice %arg6[%dma_start3A_56, %dma_start3A_58, %dma_start3A_59] : memref<6x2x128xi32, #tpu.memory_space<vmem>> -> memref<1x2x128xi32, #tpu.memory_space<vmem>>
    %dma_start3A_61 = tpu.memref_squeeze %dma_start3A_60 : memref<1x2x128xi32, #tpu.memory_space<vmem>> -> memref<2x128xi32, #tpu.memory_space<vmem>>
    %dma_start3A_62 = arith.constant 0 : i32
    %dma_start3A_63 = arith.constant 0 : i32
    %dma_start3A_64 = tpu.memref_slice %arg3[%add3A_55, %dma_start3A_62, %dma_start3A_63] : memref<2560x2x128xi32, #tpu.memory_space<hbm>> -> memref<1x2x128xi32, #tpu.memory_space<hbm>>
    %dma_start3A_65 = tpu.memref_squeeze %dma_start3A_64 : memref<1x2x128xi32, #tpu.memory_space<hbm>> -> memref<2x128xi32, #tpu.memory_space<hbm>>
    %dma_start3A_66 = tpu.memref_slice %arg9[%dma_start3A_57] : memref<6x!tpu.dma_semaphore, #tpu.memory_space<semaphore_mem>> -> memref<1x!tpu.dma_semaphore, #tpu.memory_space<semaphore_mem>>
    %dma_start3A_67 = tpu.memref_squeeze %dma_start3A_66 : memref<1x!tpu.dma_semaphore, #tpu.memory_space<semaphore_mem>> -> memref<!tpu.dma_semaphore, #tpu.memory_space<semaphore_mem>>
    %dma_start3A_68 = arith.constant 0 : i32
    %dma_start3A_69 = arith.constant 0 : i32
    %dma_start3A_70 = tpu.memref_slice %arg6[%dma_start3A_56, %dma_start3A_68, %dma_start3A_69] : memref<6x2x128xi32, #tpu.memory_space<vmem>> -> memref<1x2x128xi32, #tpu.memory_space<vmem>>
    %dma_start3A_71 = tpu.memref_squeeze %dma_start3A_70 : memref<1x2x128xi32, #tpu.memory_space<vmem>> -> memref<2x128xi32, #tpu.memory_space<vmem>>
    %dma_start3A_72 = arith.constant 0 : i32
    %dma_start3A_73 = arith.constant 0 : i32
    %dma_start3A_74 = tpu.memref_slice %arg3[%add3A_55, %dma_start3A_72, %dma_start3A_73] : memref<2560x2x128xi32, #tpu.memory_space<hbm>> -> memref<1x2x128xi32, #tpu.memory_space<hbm>>
    %dma_start3A_75 = tpu.memref_squeeze %dma_start3A_74 : memref<1x2x128xi32, #tpu.memory_space<hbm>> -> memref<2x128xi32, #tpu.memory_space<hbm>>
    tpu.enqueue_dma source(%dma_start3A_75 : memref<2x128xi32, #tpu.memory_space<hbm>>) target(%dma_start3A_71 : memref<2x128xi32, #tpu.memory_space<vmem>>) target_semaphore(%dma_start3A_67 : memref<!tpu.dma_semaphore, #tpu.memory_space<semaphore_mem>>)
    %add3A_76 = arith.constant 0 : i32
    %add3A_77 = arith.addi %select_n3A, %add3A_76 : i32
    %dma_wait3A = arith.constant 0 : i32
    %dma_wait3A_78 = arith.constant 0 : i32
    %dma_wait3A_79 = arith.constant 0 : i32
    %dma_wait3A_80 = arith.constant 0 : i32
    %dma_wait3A_81 = tpu.memref_slice %arg6[%dma_wait3A, %dma_wait3A_79, %dma_wait3A_80] : memref<6x2x128xi32, #tpu.memory_space<vmem>> -> memref<1x2x128xi32, #tpu.memory_space<vmem>>
    %dma_wait3A_82 = tpu.memref_squeeze %dma_wait3A_81 : memref<1x2x128xi32, #tpu.memory_space<vmem>> -> memref<2x128xi32, #tpu.memory_space<vmem>>
    %dma_wait3A_83 = arith.constant 0 : i32
    %dma_wait3A_84 = arith.constant 0 : i32
    %dma_wait3A_85 = tpu.memref_slice %arg3[%add3A_77, %dma_wait3A_83, %dma_wait3A_84] : memref<2560x2x128xi32, #tpu.memory_space<hbm>> -> memref<1x2x128xi32, #tpu.memory_space<hbm>>
    %dma_wait3A_86 = tpu.memref_squeeze %dma_wait3A_85 : memref<1x2x128xi32, #tpu.memory_space<hbm>> -> memref<2x128xi32, #tpu.memory_space<hbm>>
    %dma_wait3A_87 = tpu.memref_slice %arg9[%dma_wait3A_78] : memref<6x!tpu.dma_semaphore, #tpu.memory_space<semaphore_mem>> -> memref<1x!tpu.dma_semaphore, #tpu.memory_space<semaphore_mem>>
    %dma_wait3A_88 = tpu.memref_squeeze %dma_wait3A_87 : memref<1x!tpu.dma_semaphore, #tpu.memory_space<semaphore_mem>> -> memref<!tpu.dma_semaphore, #tpu.memory_space<semaphore_mem>>
    %dma_wait3A_89 = arith.constant 0 : i32
    %dma_wait3A_90 = arith.constant 0 : i32
    %dma_wait3A_91 = tpu.memref_slice %arg6[%dma_wait3A, %dma_wait3A_89, %dma_wait3A_90] : memref<6x2x128xi32, #tpu.memory_space<vmem>> -> memref<1x2x128xi32, #tpu.memory_space<vmem>>
    %dma_wait3A_92 = tpu.memref_squeeze %dma_wait3A_91 : memref<1x2x128xi32, #tpu.memory_space<vmem>> -> memref<2x128xi32, #tpu.memory_space<vmem>>
    %dma_wait3A_93 = arith.constant 0 : i32
    %dma_wait3A_94 = arith.constant 0 : i32
    %dma_wait3A_95 = tpu.memref_slice %arg3[%add3A_77, %dma_wait3A_93, %dma_wait3A_94] : memref<2560x2x128xi32, #tpu.memory_space<hbm>> -> memref<1x2x128xi32, #tpu.memory_space<hbm>>
    %dma_wait3A_96 = tpu.memref_squeeze %dma_wait3A_95 : memref<1x2x128xi32, #tpu.memory_space<hbm>> -> memref<2x128xi32, #tpu.memory_space<hbm>>
    tpu.wait_dma2 semaphore(%dma_wait3A_88 : memref<!tpu.dma_semaphore, #tpu.memory_space<semaphore_mem>>) src(%dma_wait3A_96 : memref<2x128xi32, #tpu.memory_space<hbm>>) dst(%dma_wait3A_92 : memref<2x128xi32, #tpu.memory_space<vmem>>)
    %dma_start3A_97 = arith.constant 0 : i32
    %dma_start3A_98 = arith.constant 0 : i32
    %dma_start3A_99 = arith.constant 0 : i32
    %dma_start3A_100 = arith.constant 0 : i32
    %dma_start3A_101 = arith.constant 0 : i32
    %dma_start3A_102 = arith.constant 0 : i32
    %dma_start3A_103 = tpu.memref_slice %arg7[%dma_start3A_99, %dma_start3A_101, %dma_start3A_102] : memref<2x128x64xf32, #tpu.memory_space<vmem>> -> memref<1x128x64xf32, #tpu.memory_space<vmem>>
    %dma_start3A_104 = tpu.memref_squeeze %dma_start3A_103 : memref<1x128x64xf32, #tpu.memory_space<vmem>> -> memref<128x64xf32, #tpu.memory_space<vmem>>
    %dma_start3A_105 = arith.constant 0 : i32
    %dma_start3A_106 = tpu.memref_slice %arg6[%dma_start3A_97, %dma_start3A_98, %dma_start3A_105] : memref<6x2x128xi32, #tpu.memory_space<vmem>> -> memref<1x1x128xi32, #tpu.memory_space<vmem>>
    %dma_start3A_107 = tpu.memref_squeeze %dma_start3A_106 : memref<1x1x128xi32, #tpu.memory_space<vmem>> -> memref<128xi32, #tpu.memory_space<vmem>>
    %dma_start3A_108 = arith.constant 0 : i32
    %dma_start3A_109 = arith.constant 0 : i32
    %dma_start3A_110 = tpu.memref_slice %arg2[%dma_start3A_108, %dma_start3A_109] : memref<10000x64xf32, #tpu.memory_space<hbm>> -> memref<10000x64xf32, #tpu.memory_space<hbm>>
    %dma_start3A_111 = tpu.memref_slice %arg10[%dma_start3A_100] : memref<2x!tpu.dma_semaphore, #tpu.memory_space<semaphore_mem>> -> memref<1x!tpu.dma_semaphore, #tpu.memory_space<semaphore_mem>>
    %dma_start3A_112 = tpu.memref_squeeze %dma_start3A_111 : memref<1x!tpu.dma_semaphore, #tpu.memory_space<semaphore_mem>> -> memref<!tpu.dma_semaphore, #tpu.memory_space<semaphore_mem>>
    tpu.enqueue_indirect_dma source(%dma_start3A_110 : memref<10000x64xf32, #tpu.memory_space<hbm>>) target(%dma_start3A_104 : memref<128x64xf32, #tpu.memory_space<vmem>>) offsets(%dma_start3A_107 : memref<128xi32, #tpu.memory_space<vmem>>) semaphore(%dma_start3A_112 : memref<!tpu.dma_semaphore, #tpu.memory_space<semaphore_mem>>)
    %add3A_113 = arith.constant 1 : i32
    %add3A_114 = arith.addi %select_n3A, %add3A_113 : i32
    %dma_wait3A_115 = arith.constant 1 : i32
    %dma_wait3A_116 = arith.constant 1 : i32
    %dma_wait3A_117 = arith.constant 0 : i32
    %dma_wait3A_118 = arith.constant 0 : i32
    %dma_wait3A_119 = tpu.memref_slice %arg6[%dma_wait3A_115, %dma_wait3A_117, %dma_wait3A_118] : memref<6x2x128xi32, #tpu.memory_space<vmem>> -> memref<1x2x128xi32, #tpu.memory_space<vmem>>
    %dma_wait3A_120 = tpu.memref_squeeze %dma_wait3A_119 : memref<1x2x128xi32, #tpu.memory_space<vmem>> -> memref<2x128xi32, #tpu.memory_space<vmem>>
    %dma_wait3A_121 = arith.constant 0 : i32
    %dma_wait3A_122 = arith.constant 0 : i32
    %dma_wait3A_123 = tpu.memref_slice %arg3[%add3A_114, %dma_wait3A_121, %dma_wait3A_122] : memref<2560x2x128xi32, #tpu.memory_space<hbm>> -> memref<1x2x128xi32, #tpu.memory_space<hbm>>
    %dma_wait3A_124 = tpu.memref_squeeze %dma_wait3A_123 : memref<1x2x128xi32, #tpu.memory_space<hbm>> -> memref<2x128xi32, #tpu.memory_space<hbm>>
    %dma_wait3A_125 = tpu.memref_slice %arg9[%dma_wait3A_116] : memref<6x!tpu.dma_semaphore, #tpu.memory_space<semaphore_mem>> -> memref<1x!tpu.dma_semaphore, #tpu.memory_space<semaphore_mem>>
    %dma_wait3A_126 = tpu.memref_squeeze %dma_wait3A_125 : memref<1x!tpu.dma_semaphore, #tpu.memory_space<semaphore_mem>> -> memref<!tpu.dma_semaphore, #tpu.memory_space<semaphore_mem>>
    %dma_wait3A_127 = arith.constant 0 : i32
    %dma_wait3A_128 = arith.constant 0 : i32
    %dma_wait3A_129 = tpu.memref_slice %arg6[%dma_wait3A_115, %dma_wait3A_127, %dma_wait3A_128] : memref<6x2x128xi32, #tpu.memory_space<vmem>> -> memref<1x2x128xi32, #tpu.memory_space<vmem>>
    %dma_wait3A_130 = tpu.memref_squeeze %dma_wait3A_129 : memref<1x2x128xi32, #tpu.memory_space<vmem>> -> memref<2x128xi32, #tpu.memory_space<vmem>>
    %dma_wait3A_131 = arith.constant 0 : i32
    %dma_wait3A_132 = arith.constant 0 : i32
    %dma_wait3A_133 = tpu.memref_slice %arg3[%add3A_114, %dma_wait3A_131, %dma_wait3A_132] : memref<2560x2x128xi32, #tpu.memory_space<hbm>> -> memref<1x2x128xi32, #tpu.memory_space<hbm>>
    %dma_wait3A_134 = tpu.memref_squeeze %dma_wait3A_133 : memref<1x2x128xi32, #tpu.memory_space<hbm>> -> memref<2x128xi32, #tpu.memory_space<hbm>>
    tpu.wait_dma2 semaphore(%dma_wait3A_126 : memref<!tpu.dma_semaphore, #tpu.memory_space<semaphore_mem>>) src(%dma_wait3A_134 : memref<2x128xi32, #tpu.memory_space<hbm>>) dst(%dma_wait3A_130 : memref<2x128xi32, #tpu.memory_space<vmem>>)
    %dma_start3A_135 = arith.constant 1 : i32
    %dma_start3A_136 = arith.constant 0 : i32
    %dma_start3A_137 = arith.constant 1 : i32
    %dma_start3A_138 = arith.constant 1 : i32
    %dma_start3A_139 = arith.constant 0 : i32
    %dma_start3A_140 = arith.constant 0 : i32
    %dma_start3A_141 = tpu.memref_slice %arg7[%dma_start3A_137, %dma_start3A_139, %dma_start3A_140] : memref<2x128x64xf32, #tpu.memory_space<vmem>> -> memref<1x128x64xf32, #tpu.memory_space<vmem>>
    %dma_start3A_142 = tpu.memref_squeeze %dma_start3A_141 : memref<1x128x64xf32, #tpu.memory_space<vmem>> -> memref<128x64xf32, #tpu.memory_space<vmem>>
    %dma_start3A_143 = arith.constant 0 : i32
    %dma_start3A_144 = tpu.memref_slice %arg6[%dma_start3A_135, %dma_start3A_136, %dma_start3A_143] : memref<6x2x128xi32, #tpu.memory_space<vmem>> -> memref<1x1x128xi32, #tpu.memory_space<vmem>>
    %dma_start3A_145 = tpu.memref_squeeze %dma_start3A_144 : memref<1x1x128xi32, #tpu.memory_space<vmem>> -> memref<128xi32, #tpu.memory_space<vmem>>
    %dma_start3A_146 = arith.constant 0 : i32
    %dma_start3A_147 = arith.constant 0 : i32
    %dma_start3A_148 = tpu.memref_slice %arg2[%dma_start3A_146, %dma_start3A_147] : memref<10000x64xf32, #tpu.memory_space<hbm>> -> memref<10000x64xf32, #tpu.memory_space<hbm>>
    %dma_start3A_149 = tpu.memref_slice %arg10[%dma_start3A_138] : memref<2x!tpu.dma_semaphore, #tpu.memory_space<semaphore_mem>> -> memref<1x!tpu.dma_semaphore, #tpu.memory_space<semaphore_mem>>
    %dma_start3A_150 = tpu.memref_squeeze %dma_start3A_149 : memref<1x!tpu.dma_semaphore, #tpu.memory_space<semaphore_mem>> -> memref<!tpu.dma_semaphore, #tpu.memory_space<semaphore_mem>>
    tpu.enqueue_indirect_dma source(%dma_start3A_148 : memref<10000x64xf32, #tpu.memory_space<hbm>>) target(%dma_start3A_142 : memref<128x64xf32, #tpu.memory_space<vmem>>) offsets(%dma_start3A_145 : memref<128xi32, #tpu.memory_space<vmem>>) semaphore(%dma_start3A_150 : memref<!tpu.dma_semaphore, #tpu.memory_space<semaphore_mem>>)
    %while3A = arith.constant 0 : i32
    %while3A_151 = arith.constant 0 : i32
    %while3A_152 = arith.subi %select_n3A_10, %while3A : i32
    %while3A_153 = arith.addi %while3A, %while3A_152 : i32
    %while3A_154 = arith.constant 1 : i32
    %while3A_155 = arith.divsi %while3A_152, %while3A_154 : i32
    %while3A_156 = arith.muli %while3A_155, %while3A_154 : i32
    %while3A_157 = arith.addi %while3A, %while3A_156 : i32
    %while3A_158 = arith.constant 1 : i32
    %while3A_159 = scf.for %while3A_194 = %while3A to %while3A_157 step %while3A_158 iter_args(%while3A_195 = %while3A_151) -> (i32)  : i32 {
      %jit3A_196 = arith.constant 2 : i32
      %eq3A_197 = arith.constant 0 : i32
      %eq3A_198 = arith.cmpi eq, %jit3A_196, %eq3A_197 : i32
      %jit3A_199 = arith.constant 1 : i32
      %select_n3A_200 = arith.select %eq3A_198, %jit3A_199, %jit3A_196 : i32
      %rem3A_201 = arith.remsi %while3A_194, %select_n3A_200 : i32
      %ne3A_202 = arith.constant 0 : i32
      %ne3A_203 = arith.cmpi ne, %rem3A_201, %ne3A_202 : i32
      %lt3A_204 = arith.constant 0 : i32
      %lt3A_205 = arith.cmpi slt, %rem3A_201, %lt3A_204 : i32
      %lt3A_206 = arith.constant 0 : i32
      %lt3A_207 = arith.cmpi slt, %select_n3A_200, %lt3A_206 : i32
      %ne3A_208 = arith.xori %lt3A_205, %lt3A_207 : i1
      %and3A_209 = arith.andi %ne3A_208, %ne3A_203 : i1
      %add3A_210 = arith.addi %rem3A_201, %select_n3A_200 : i32
      %select_n3A_211 = arith.select %and3A_209, %add3A_210, %rem3A_201 : i32
      %jit3A_212 = arith.constant 6 : i32
      %eq3A_213 = arith.constant 0 : i32
      %eq3A_214 = arith.cmpi eq, %jit3A_212, %eq3A_213 : i32
      %jit3A_215 = arith.constant 1 : i32
      %select_n3A_216 = arith.select %eq3A_214, %jit3A_215, %jit3A_212 : i32
      %rem3A_217 = arith.remsi %while3A_194, %select_n3A_216 : i32
      %ne3A_218 = arith.constant 0 : i32
      %ne3A_219 = arith.cmpi ne, %rem3A_217, %ne3A_218 : i32
      %lt3A_220 = arith.constant 0 : i32
      %lt3A_221 = arith.cmpi slt, %rem3A_217, %lt3A_220 : i32
      %lt3A_222 = arith.constant 0 : i32
      %lt3A_223 = arith.cmpi slt, %select_n3A_216, %lt3A_222 : i32
      %ne3A_224 = arith.xori %lt3A_221, %lt3A_223 : i1
      %and3A_225 = arith.andi %ne3A_224, %ne3A_219 : i1
      %add3A_226 = arith.addi %rem3A_217, %select_n3A_216 : i32
      %select_n3A_227 = arith.select %and3A_225, %add3A_226, %rem3A_217 : i32
      %dma_wait3A_228 = arith.constant 0 : i32
      %dma_wait3A_229 = arith.constant 0 : i32
      %dma_wait3A_230 = arith.constant 0 : i32
      %dma_wait3A_231 = tpu.memref_slice %arg7[%select_n3A_211, %dma_wait3A_229, %dma_wait3A_230] : memref<2x128x64xf32, #tpu.memory_space<vmem>> -> memref<1x128x64xf32, #tpu.memory_space<vmem>>
      %dma_wait3A_232 = tpu.memref_squeeze %dma_wait3A_231 : memref<1x128x64xf32, #tpu.memory_space<vmem>> -> memref<128x64xf32, #tpu.memory_space<vmem>>
      %dma_wait3A_233 = arith.constant 0 : i32
      %dma_wait3A_234 = tpu.memref_slice %arg6[%select_n3A_227, %dma_wait3A_228, %dma_wait3A_233] : memref<6x2x128xi32, #tpu.memory_space<vmem>> -> memref<1x1x128xi32, #tpu.memory_space<vmem>>
      %dma_wait3A_235 = tpu.memref_squeeze %dma_wait3A_234 : memref<1x1x128xi32, #tpu.memory_space<vmem>> -> memref<128xi32, #tpu.memory_space<vmem>>
      %dma_wait3A_236 = arith.constant 0 : i32
      %dma_wait3A_237 = arith.constant 0 : i32
      %dma_wait3A_238 = tpu.memref_slice %arg2[%dma_wait3A_236, %dma_wait3A_237] : memref<10000x64xf32, #tpu.memory_space<hbm>> -> memref<10000x64xf32, #tpu.memory_space<hbm>>
      %dma_wait3A_239 = tpu.memref_slice %arg10[%select_n3A_211] : memref<2x!tpu.dma_semaphore, #tpu.memory_space<semaphore_mem>> -> memref<1x!tpu.dma_semaphore, #tpu.memory_space<semaphore_mem>>
      %dma_wait3A_240 = tpu.memref_squeeze %dma_wait3A_239 : memref<1x!tpu.dma_semaphore, #tpu.memory_space<semaphore_mem>> -> memref<!tpu.dma_semaphore, #tpu.memory_space<semaphore_mem>>
      tpu.wait_indirect_dma semaphore(%dma_wait3A_240 : memref<!tpu.dma_semaphore, #tpu.memory_space<semaphore_mem>>) src(%dma_wait3A_238 : memref<10000x64xf32, #tpu.memory_space<hbm>>) dst(%dma_wait3A_232 : memref<128x64xf32, #tpu.memory_space<vmem>>)
      %add3A_241 = arith.constant 3 : i32
      %add3A_242 = arith.addi %while3A_194, %add3A_241 : i32
      %lt3A_243 = arith.cmpi slt, %add3A_242, %select_n3A_10 : i32
      %convert_element_type3A = arith.extui %lt3A_243 : i1 to i32
      %cond3A = arith.constant 0 : i32
      %cond3A_244 = arith.cmpi ne, %convert_element_type3A, %cond3A : i32
      scf.if %cond3A_244 {
        %jit3A_279 = arith.constant 6 : i32
        %eq3A_280 = arith.constant 0 : i32
        %eq3A_281 = arith.cmpi eq, %jit3A_279, %eq3A_280 : i32
        %jit3A_282 = arith.constant 1 : i32
        %select_n3A_283 = arith.select %eq3A_281, %jit3A_282, %jit3A_279 : i32
        %rem3A_284 = arith.remsi %add3A_242, %select_n3A_283 : i32
        %ne3A_285 = arith.constant 0 : i32
        %ne3A_286 = arith.cmpi ne, %rem3A_284, %ne3A_285 : i32
        %lt3A_287 = arith.constant 0 : i32
        %lt3A_288 = arith.cmpi slt, %rem3A_284, %lt3A_287 : i32
        %lt3A_289 = arith.constant 0 : i32
        %lt3A_290 = arith.cmpi slt, %select_n3A_283, %lt3A_289 : i32
        %ne3A_291 = arith.xori %lt3A_288, %lt3A_290 : i1
        %and3A_292 = arith.andi %ne3A_291, %ne3A_286 : i1
        %add3A_293 = arith.addi %rem3A_284, %select_n3A_283 : i32
        %select_n3A_294 = arith.select %and3A_292, %add3A_293, %rem3A_284 : i32
        %add3A_295 = arith.addi %select_n3A, %add3A_242 : i32
        %dma_start3A_296 = arith.constant 0 : i32
        %dma_start3A_297 = arith.constant 0 : i32
        %dma_start3A_298 = tpu.memref_slice %arg6[%select_n3A_294, %dma_start3A_296, %dma_start3A_297] : memref<6x2x128xi32, #tpu.memory_space<vmem>> -> memref<1x2x128xi32, #tpu.memory_space<vmem>>
        %dma_start3A_299 = tpu.memref_squeeze %dma_start3A_298 : memref<1x2x128xi32, #tpu.memory_space<vmem>> -> memref<2x128xi32, #tpu.memory_space<vmem>>
        %dma_start3A_300 = arith.constant 0 : i32
        %dma_start3A_301 = arith.constant 0 : i32
        %dma_start3A_302 = tpu.memref_slice %arg3[%add3A_295, %dma_start3A_300, %dma_start3A_301] : memref<2560x2x128xi32, #tpu.memory_space<hbm>> -> memref<1x2x128xi32, #tpu.memory_space<hbm>>
        %dma_start3A_303 = tpu.memref_squeeze %dma_start3A_302 : memref<1x2x128xi32, #tpu.memory_space<hbm>> -> memref<2x128xi32, #tpu.memory_space<hbm>>
        %dma_start3A_304 = tpu.memref_slice %arg9[%select_n3A_294] : memref<6x!tpu.dma_semaphore, #tpu.memory_space<semaphore_mem>> -> memref<1x!tpu.dma_semaphore, #tpu.memory_space<semaphore_mem>>
        %dma_start3A_305 = tpu.memref_squeeze %dma_start3A_304 : memref<1x!tpu.dma_semaphore, #tpu.memory_space<semaphore_mem>> -> memref<!tpu.dma_semaphore, #tpu.memory_space<semaphore_mem>>
        %dma_start3A_306 = arith.constant 0 : i32
        %dma_start3A_307 = arith.constant 0 : i32
        %dma_start3A_308 = tpu.memref_slice %arg6[%select_n3A_294, %dma_start3A_306, %dma_start3A_307] : memref<6x2x128xi32, #tpu.memory_space<vmem>> -> memref<1x2x128xi32, #tpu.memory_space<vmem>>
        %dma_start3A_309 = tpu.memref_squeeze %dma_start3A_308 : memref<1x2x128xi32, #tpu.memory_space<vmem>> -> memref<2x128xi32, #tpu.memory_space<vmem>>
        %dma_start3A_310 = arith.constant 0 : i32
        %dma_start3A_311 = arith.constant 0 : i32
        %dma_start3A_312 = tpu.memref_slice %arg3[%add3A_295, %dma_start3A_310, %dma_start3A_311] : memref<2560x2x128xi32, #tpu.memory_space<hbm>> -> memref<1x2x128xi32, #tpu.memory_space<hbm>>
        %dma_start3A_313 = tpu.memref_squeeze %dma_start3A_312 : memref<1x2x128xi32, #tpu.memory_space<hbm>> -> memref<2x128xi32, #tpu.memory_space<hbm>>
        tpu.enqueue_dma source(%dma_start3A_313 : memref<2x128xi32, #tpu.memory_space<hbm>>) target(%dma_start3A_309 : memref<2x128xi32, #tpu.memory_space<vmem>>) target_semaphore(%dma_start3A_305 : memref<!tpu.dma_semaphore, #tpu.memory_space<semaphore_mem>>)
      } else {
      }
      %jit3A_245 = arith.constant 6 : i32
      %eq3A_246 = arith.constant 0 : i32
      %eq3A_247 = arith.cmpi eq, %jit3A_245, %eq3A_246 : i32
      %jit3A_248 = arith.constant 1 : i32
      %select_n3A_249 = arith.select %eq3A_247, %jit3A_248, %jit3A_245 : i32
      %rem3A_250 = arith.remsi %while3A_194, %select_n3A_249 : i32
      %ne3A_251 = arith.constant 0 : i32
      %ne3A_252 = arith.cmpi ne, %rem3A_250, %ne3A_251 : i32
      %lt3A_253 = arith.constant 0 : i32
      %lt3A_254 = arith.cmpi slt, %rem3A_250, %lt3A_253 : i32
      %lt3A_255 = arith.constant 0 : i32
      %lt3A_256 = arith.cmpi slt, %select_n3A_249, %lt3A_255 : i32
      %ne3A_257 = arith.xori %lt3A_254, %lt3A_256 : i1
      %and3A_258 = arith.andi %ne3A_257, %ne3A_252 : i1
      %add3A_259 = arith.addi %rem3A_250, %select_n3A_249 : i32
      %select_n3A_260 = arith.select %and3A_258, %add3A_259, %rem3A_250 : i32
      %dma_start3A_261 = arith.constant 1 : i32
      %dma_start3A_262 = arith.constant 0 : i32
      %dma_start3A_263 = arith.constant 0 : i32
      %dma_start3A_264 = tpu.memref_slice %arg7[%select_n3A_211, %dma_start3A_262, %dma_start3A_263] : memref<2x128x64xf32, #tpu.memory_space<vmem>> -> memref<1x128x64xf32, #tpu.memory_space<vmem>>
      %dma_start3A_265 = tpu.memref_squeeze %dma_start3A_264 : memref<1x128x64xf32, #tpu.memory_space<vmem>> -> memref<128x64xf32, #tpu.memory_space<vmem>>
      %dma_start3A_266 = arith.constant 0 : i32
      %dma_start3A_267 = tpu.memref_slice %arg6[%select_n3A_260, %dma_start3A_261, %dma_start3A_266] : memref<6x2x128xi32, #tpu.memory_space<vmem>> -> memref<1x1x128xi32, #tpu.memory_space<vmem>>
      %dma_start3A_268 = tpu.memref_squeeze %dma_start3A_267 : memref<1x1x128xi32, #tpu.memory_space<vmem>> -> memref<128xi32, #tpu.memory_space<vmem>>
      %dma_start3A_269 = arith.constant 0 : i32
      %dma_start3A_270 = arith.constant 0 : i32
      %dma_start3A_271 = tpu.memref_slice %arg8[%dma_start3A_269, %dma_start3A_270] : memref<10016x64xf32, #tpu.memory_space<vmem_shared>> -> memref<10016x64xf32, #tpu.memory_space<vmem_shared>>
      %dma_start3A_272 = tpu.memref_slice %arg11[%select_n3A_211] : memref<2x!tpu.dma_semaphore, #tpu.memory_space<semaphore_mem>> -> memref<1x!tpu.dma_semaphore, #tpu.memory_space<semaphore_mem>>
      %dma_start3A_273 = tpu.memref_squeeze %dma_start3A_272 : memref<1x!tpu.dma_semaphore, #tpu.memory_space<semaphore_mem>> -> memref<!tpu.dma_semaphore, #tpu.memory_space<semaphore_mem>>
      tpu.enqueue_indirect_dma source(%dma_start3A_265 : memref<128x64xf32, #tpu.memory_space<vmem>>) target(%dma_start3A_271 : memref<10016x64xf32, #tpu.memory_space<vmem_shared>>) offsets(%dma_start3A_268 : memref<128xi32, #tpu.memory_space<vmem>>) semaphore(%dma_start3A_273 : memref<!tpu.dma_semaphore, #tpu.memory_space<semaphore_mem>>) {add = true}
      %ge3A = arith.constant 1 : i32
      %ge3A_274 = arith.cmpi sge, %while3A_194, %ge3A : i32
      %convert_element_type3A_275 = arith.extui %ge3A_274 : i1 to i32
      %cond3A_276 = arith.constant 0 : i32
      %cond3A_277 = arith.cmpi ne, %convert_element_type3A_275, %cond3A_276 : i32
      scf.if %cond3A_277 {
        %sub3A_279 = arith.constant 1 : i32
        %sub3A_280 = arith.subi %while3A_194, %sub3A_279 : i32
        %jit3A_281 = arith.constant 2 : i32
        %eq3A_282 = arith.constant 0 : i32
        %eq3A_283 = arith.cmpi eq, %jit3A_281, %eq3A_282 : i32
        %jit3A_284 = arith.constant 1 : i32
        %select_n3A_285 = arith.select %eq3A_283, %jit3A_284, %jit3A_281 : i32
        %rem3A_286 = arith.remsi %sub3A_280, %select_n3A_285 : i32
        %ne3A_287 = arith.constant 0 : i32
        %ne3A_288 = arith.cmpi ne, %rem3A_286, %ne3A_287 : i32
        %lt3A_289 = arith.constant 0 : i32
        %lt3A_290 = arith.cmpi slt, %rem3A_286, %lt3A_289 : i32
        %lt3A_291 = arith.constant 0 : i32
        %lt3A_292 = arith.cmpi slt, %select_n3A_285, %lt3A_291 : i32
        %ne3A_293 = arith.xori %lt3A_290, %lt3A_292 : i1
        %and3A_294 = arith.andi %ne3A_293, %ne3A_288 : i1
        %add3A_295 = arith.addi %rem3A_286, %select_n3A_285 : i32
        %select_n3A_296 = arith.select %and3A_294, %add3A_295, %rem3A_286 : i32
        %dma_wait3A_297 = arith.constant 0 : i32
        %dma_wait3A_298 = arith.constant 0 : i32
        %dma_wait3A_299 = tpu.memref_slice %arg7[%select_n3A_296, %dma_wait3A_297, %dma_wait3A_298] : memref<2x128x64xf32, #tpu.memory_space<vmem>> -> memref<1x128x64xf32, #tpu.memory_space<vmem>>
        %dma_wait3A_300 = tpu.memref_squeeze %dma_wait3A_299 : memref<1x128x64xf32, #tpu.memory_space<vmem>> -> memref<128x64xf32, #tpu.memory_space<vmem>>
        %dma_wait3A_301 = arith.constant 0 : i32
        %dma_wait3A_302 = arith.constant 0 : i32
        %dma_wait3A_303 = tpu.memref_slice %arg2[%dma_wait3A_301, %dma_wait3A_302] : memref<10000x64xf32, #tpu.memory_space<hbm>> -> memref<128x64xf32, #tpu.memory_space<hbm>>
        %dma_wait3A_304 = tpu.memref_slice %arg11[%select_n3A_296] : memref<2x!tpu.dma_semaphore, #tpu.memory_space<semaphore_mem>> -> memref<1x!tpu.dma_semaphore, #tpu.memory_space<semaphore_mem>>
        %dma_wait3A_305 = tpu.memref_squeeze %dma_wait3A_304 : memref<1x!tpu.dma_semaphore, #tpu.memory_space<semaphore_mem>> -> memref<!tpu.dma_semaphore, #tpu.memory_space<semaphore_mem>>
        %dma_wait3A_306 = arith.constant 0 : i32
        %dma_wait3A_307 = arith.constant 0 : i32
        %dma_wait3A_308 = tpu.memref_slice %arg7[%select_n3A_296, %dma_wait3A_306, %dma_wait3A_307] : memref<2x128x64xf32, #tpu.memory_space<vmem>> -> memref<1x128x64xf32, #tpu.memory_space<vmem>>
        %dma_wait3A_309 = tpu.memref_squeeze %dma_wait3A_308 : memref<1x128x64xf32, #tpu.memory_space<vmem>> -> memref<128x64xf32, #tpu.memory_space<vmem>>
        %dma_wait3A_310 = arith.constant 0 : i32
        %dma_wait3A_311 = arith.constant 0 : i32
        %dma_wait3A_312 = tpu.memref_slice %arg2[%dma_wait3A_310, %dma_wait3A_311] : memref<10000x64xf32, #tpu.memory_space<hbm>> -> memref<128x64xf32, #tpu.memory_space<hbm>>
        tpu.wait_dma2 semaphore(%dma_wait3A_305 : memref<!tpu.dma_semaphore, #tpu.memory_space<semaphore_mem>>) src(%dma_wait3A_312 : memref<128x64xf32, #tpu.memory_space<hbm>>) dst(%dma_wait3A_309 : memref<128x64xf32, #tpu.memory_space<vmem>>)
        %sub3A_313 = arith.constant 1 : i32
        %sub3A_314 = arith.subi %while3A_194, %sub3A_313 : i32
        %add3A_315 = arith.constant 2 : i32
        %add3A_316 = arith.addi %sub3A_314, %add3A_315 : i32
        %lt3A_317 = arith.cmpi slt, %add3A_316, %select_n3A_10 : i32
        %convert_element_type3A_318 = arith.extui %lt3A_317 : i1 to i32
        %cond3A_319 = arith.constant 0 : i32
        %cond3A_320 = arith.cmpi ne, %convert_element_type3A_318, %cond3A_319 : i32
        scf.if %cond3A_320 {
          %jit3A_321 = arith.constant 6 : i32
          %eq3A_322 = arith.constant 0 : i32
          %eq3A_323 = arith.cmpi eq, %jit3A_321, %eq3A_322 : i32
          %jit3A_324 = arith.constant 1 : i32
          %select_n3A_325 = arith.select %eq3A_323, %jit3A_324, %jit3A_321 : i32
          %rem3A_326 = arith.remsi %add3A_316, %select_n3A_325 : i32
          %ne3A_327 = arith.constant 0 : i32
          %ne3A_328 = arith.cmpi ne, %rem3A_326, %ne3A_327 : i32
          %lt3A_329 = arith.constant 0 : i32
          %lt3A_330 = arith.cmpi slt, %rem3A_326, %lt3A_329 : i32
          %lt3A_331 = arith.constant 0 : i32
          %lt3A_332 = arith.cmpi slt, %select_n3A_325, %lt3A_331 : i32
          %ne3A_333 = arith.xori %lt3A_330, %lt3A_332 : i1
          %and3A_334 = arith.andi %ne3A_333, %ne3A_328 : i1
          %add3A_335 = arith.addi %rem3A_326, %select_n3A_325 : i32
          %select_n3A_336 = arith.select %and3A_334, %add3A_335, %rem3A_326 : i32
          %add3A_337 = arith.addi %select_n3A, %add3A_316 : i32
          %dma_wait3A_338 = arith.constant 0 : i32
          %dma_wait3A_339 = arith.constant 0 : i32
          %dma_wait3A_340 = tpu.memref_slice %arg6[%select_n3A_336, %dma_wait3A_338, %dma_wait3A_339] : memref<6x2x128xi32, #tpu.memory_space<vmem>> -> memref<1x2x128xi32, #tpu.memory_space<vmem>>
          %dma_wait3A_341 = tpu.memref_squeeze %dma_wait3A_340 : memref<1x2x128xi32, #tpu.memory_space<vmem>> -> memref<2x128xi32, #tpu.memory_space<vmem>>
          %dma_wait3A_342 = arith.constant 0 : i32
          %dma_wait3A_343 = arith.constant 0 : i32
          %dma_wait3A_344 = tpu.memref_slice %arg3[%add3A_337, %dma_wait3A_342, %dma_wait3A_343] : memref<2560x2x128xi32, #tpu.memory_space<hbm>> -> memref<1x2x128xi32, #tpu.memory_space<hbm>>
          %dma_wait3A_345 = tpu.memref_squeeze %dma_wait3A_344 : memref<1x2x128xi32, #tpu.memory_space<hbm>> -> memref<2x128xi32, #tpu.memory_space<hbm>>
          %dma_wait3A_346 = tpu.memref_slice %arg9[%select_n3A_336] : memref<6x!tpu.dma_semaphore, #tpu.memory_space<semaphore_mem>> -> memref<1x!tpu.dma_semaphore, #tpu.memory_space<semaphore_mem>>
          %dma_wait3A_347 = tpu.memref_squeeze %dma_wait3A_346 : memref<1x!tpu.dma_semaphore, #tpu.memory_space<semaphore_mem>> -> memref<!tpu.dma_semaphore, #tpu.memory_space<semaphore_mem>>
          %dma_wait3A_348 = arith.constant 0 : i32
          %dma_wait3A_349 = arith.constant 0 : i32
          %dma_wait3A_350 = tpu.memref_slice %arg6[%select_n3A_336, %dma_wait3A_348, %dma_wait3A_349] : memref<6x2x128xi32, #tpu.memory_space<vmem>> -> memref<1x2x128xi32, #tpu.memory_space<vmem>>
          %dma_wait3A_351 = tpu.memref_squeeze %dma_wait3A_350 : memref<1x2x128xi32, #tpu.memory_space<vmem>> -> memref<2x128xi32, #tpu.memory_space<vmem>>
          %dma_wait3A_352 = arith.constant 0 : i32
          %dma_wait3A_353 = arith.constant 0 : i32
          %dma_wait3A_354 = tpu.memref_slice %arg3[%add3A_337, %dma_wait3A_352, %dma_wait3A_353] : memref<2560x2x128xi32, #tpu.memory_space<hbm>> -> memref<1x2x128xi32, #tpu.memory_space<hbm>>
          %dma_wait3A_355 = tpu.memref_squeeze %dma_wait3A_354 : memref<1x2x128xi32, #tpu.memory_space<hbm>> -> memref<2x128xi32, #tpu.memory_space<hbm>>
          tpu.wait_dma2 semaphore(%dma_wait3A_347 : memref<!tpu.dma_semaphore, #tpu.memory_space<semaphore_mem>>) src(%dma_wait3A_355 : memref<2x128xi32, #tpu.memory_space<hbm>>) dst(%dma_wait3A_351 : memref<2x128xi32, #tpu.memory_space<vmem>>)
          %jit3A_356 = arith.constant 6 : i32
          %eq3A_357 = arith.constant 0 : i32
          %eq3A_358 = arith.cmpi eq, %jit3A_356, %eq3A_357 : i32
          %jit3A_359 = arith.constant 1 : i32
          %select_n3A_360 = arith.select %eq3A_358, %jit3A_359, %jit3A_356 : i32
          %rem3A_361 = arith.remsi %add3A_316, %select_n3A_360 : i32
          %ne3A_362 = arith.constant 0 : i32
          %ne3A_363 = arith.cmpi ne, %rem3A_361, %ne3A_362 : i32
          %lt3A_364 = arith.constant 0 : i32
          %lt3A_365 = arith.cmpi slt, %rem3A_361, %lt3A_364 : i32
          %lt3A_366 = arith.constant 0 : i32
          %lt3A_367 = arith.cmpi slt, %select_n3A_360, %lt3A_366 : i32
          %ne3A_368 = arith.xori %lt3A_365, %lt3A_367 : i1
          %and3A_369 = arith.andi %ne3A_368, %ne3A_363 : i1
          %add3A_370 = arith.addi %rem3A_361, %select_n3A_360 : i32
          %select_n3A_371 = arith.select %and3A_369, %add3A_370, %rem3A_361 : i32
          %dma_start3A_372 = arith.constant 0 : i32
          %dma_start3A_373 = arith.constant 0 : i32
          %dma_start3A_374 = arith.constant 0 : i32
          %dma_start3A_375 = tpu.memref_slice %arg7[%select_n3A_296, %dma_start3A_373, %dma_start3A_374] : memref<2x128x64xf32, #tpu.memory_space<vmem>> -> memref<1x128x64xf32, #tpu.memory_space<vmem>>
          %dma_start3A_376 = tpu.memref_squeeze %dma_start3A_375 : memref<1x128x64xf32, #tpu.memory_space<vmem>> -> memref<128x64xf32, #tpu.memory_space<vmem>>
          %dma_start3A_377 = arith.constant 0 : i32
          %dma_start3A_378 = tpu.memref_slice %arg6[%select_n3A_371, %dma_start3A_372, %dma_start3A_377] : memref<6x2x128xi32, #tpu.memory_space<vmem>> -> memref<1x1x128xi32, #tpu.memory_space<vmem>>
          %dma_start3A_379 = tpu.memref_squeeze %dma_start3A_378 : memref<1x1x128xi32, #tpu.memory_space<vmem>> -> memref<128xi32, #tpu.memory_space<vmem>>
          %dma_start3A_380 = arith.constant 0 : i32
          %dma_start3A_381 = arith.constant 0 : i32
          %dma_start3A_382 = tpu.memref_slice %arg2[%dma_start3A_380, %dma_start3A_381] : memref<10000x64xf32, #tpu.memory_space<hbm>> -> memref<10000x64xf32, #tpu.memory_space<hbm>>
          %dma_start3A_383 = tpu.memref_slice %arg10[%select_n3A_296] : memref<2x!tpu.dma_semaphore, #tpu.memory_space<semaphore_mem>> -> memref<1x!tpu.dma_semaphore, #tpu.memory_space<semaphore_mem>>
          %dma_start3A_384 = tpu.memref_squeeze %dma_start3A_383 : memref<1x!tpu.dma_semaphore, #tpu.memory_space<semaphore_mem>> -> memref<!tpu.dma_semaphore, #tpu.memory_space<semaphore_mem>>
          tpu.enqueue_indirect_dma source(%dma_start3A_382 : memref<10000x64xf32, #tpu.memory_space<hbm>>) target(%dma_start3A_376 : memref<128x64xf32, #tpu.memory_space<vmem>>) offsets(%dma_start3A_379 : memref<128xi32, #tpu.memory_space<vmem>>) semaphore(%dma_start3A_384 : memref<!tpu.dma_semaphore, #tpu.memory_space<semaphore_mem>>)
        } else {
        }
      } else {
      }
      %while3A_278 = arith.constant 0 : i32
      scf.yield %while3A_278 : i32
    }
    %while3A_160 = arith.constant 1 : i32
    %while3A_161 = scf.for %while3A_194 = %while3A_157 to %while3A_153 step %while3A_160 iter_args(%while3A_195 = %while3A_159) -> (i32)  : i32 {
      %jit3A_196 = arith.constant 2 : i32
      %eq3A_197 = arith.constant 0 : i32
      %eq3A_198 = arith.cmpi eq, %jit3A_196, %eq3A_197 : i32
      %jit3A_199 = arith.constant 1 : i32
      %select_n3A_200 = arith.select %eq3A_198, %jit3A_199, %jit3A_196 : i32
      %rem3A_201 = arith.remsi %while3A_194, %select_n3A_200 : i32
      %ne3A_202 = arith.constant 0 : i32
      %ne3A_203 = arith.cmpi ne, %rem3A_201, %ne3A_202 : i32
      %lt3A_204 = arith.constant 0 : i32
      %lt3A_205 = arith.cmpi slt, %rem3A_201, %lt3A_204 : i32
      %lt3A_206 = arith.constant 0 : i32
      %lt3A_207 = arith.cmpi slt, %select_n3A_200, %lt3A_206 : i32
      %ne3A_208 = arith.xori %lt3A_205, %lt3A_207 : i1
      %and3A_209 = arith.andi %ne3A_208, %ne3A_203 : i1
      %add3A_210 = arith.addi %rem3A_201, %select_n3A_200 : i32
      %select_n3A_211 = arith.select %and3A_209, %add3A_210, %rem3A_201 : i32
      %jit3A_212 = arith.constant 6 : i32
      %eq3A_213 = arith.constant 0 : i32
      %eq3A_214 = arith.cmpi eq, %jit3A_212, %eq3A_213 : i32
      %jit3A_215 = arith.constant 1 : i32
      %select_n3A_216 = arith.select %eq3A_214, %jit3A_215, %jit3A_212 : i32
      %rem3A_217 = arith.remsi %while3A_194, %select_n3A_216 : i32
      %ne3A_218 = arith.constant 0 : i32
      %ne3A_219 = arith.cmpi ne, %rem3A_217, %ne3A_218 : i32
      %lt3A_220 = arith.constant 0 : i32
      %lt3A_221 = arith.cmpi slt, %rem3A_217, %lt3A_220 : i32
      %lt3A_222 = arith.constant 0 : i32
      %lt3A_223 = arith.cmpi slt, %select_n3A_216, %lt3A_222 : i32
      %ne3A_224 = arith.xori %lt3A_221, %lt3A_223 : i1
      %and3A_225 = arith.andi %ne3A_224, %ne3A_219 : i1
      %add3A_226 = arith.addi %rem3A_217, %select_n3A_216 : i32
      %select_n3A_227 = arith.select %and3A_225, %add3A_226, %rem3A_217 : i32
      %dma_wait3A_228 = arith.constant 0 : i32
      %dma_wait3A_229 = arith.constant 0 : i32
      %dma_wait3A_230 = arith.constant 0 : i32
      %dma_wait3A_231 = tpu.memref_slice %arg7[%select_n3A_211, %dma_wait3A_229, %dma_wait3A_230] : memref<2x128x64xf32, #tpu.memory_space<vmem>> -> memref<1x128x64xf32, #tpu.memory_space<vmem>>
      %dma_wait3A_232 = tpu.memref_squeeze %dma_wait3A_231 : memref<1x128x64xf32, #tpu.memory_space<vmem>> -> memref<128x64xf32, #tpu.memory_space<vmem>>
      %dma_wait3A_233 = arith.constant 0 : i32
      %dma_wait3A_234 = tpu.memref_slice %arg6[%select_n3A_227, %dma_wait3A_228, %dma_wait3A_233] : memref<6x2x128xi32, #tpu.memory_space<vmem>> -> memref<1x1x128xi32, #tpu.memory_space<vmem>>
      %dma_wait3A_235 = tpu.memref_squeeze %dma_wait3A_234 : memref<1x1x128xi32, #tpu.memory_space<vmem>> -> memref<128xi32, #tpu.memory_space<vmem>>
      %dma_wait3A_236 = arith.constant 0 : i32
      %dma_wait3A_237 = arith.constant 0 : i32
      %dma_wait3A_238 = tpu.memref_slice %arg2[%dma_wait3A_236, %dma_wait3A_237] : memref<10000x64xf32, #tpu.memory_space<hbm>> -> memref<10000x64xf32, #tpu.memory_space<hbm>>
      %dma_wait3A_239 = tpu.memref_slice %arg10[%select_n3A_211] : memref<2x!tpu.dma_semaphore, #tpu.memory_space<semaphore_mem>> -> memref<1x!tpu.dma_semaphore, #tpu.memory_space<semaphore_mem>>
      %dma_wait3A_240 = tpu.memref_squeeze %dma_wait3A_239 : memref<1x!tpu.dma_semaphore, #tpu.memory_space<semaphore_mem>> -> memref<!tpu.dma_semaphore, #tpu.memory_space<semaphore_mem>>
      tpu.wait_indirect_dma semaphore(%dma_wait3A_240 : memref<!tpu.dma_semaphore, #tpu.memory_space<semaphore_mem>>) src(%dma_wait3A_238 : memref<10000x64xf32, #tpu.memory_space<hbm>>) dst(%dma_wait3A_232 : memref<128x64xf32, #tpu.memory_space<vmem>>)
      %add3A_241 = arith.constant 3 : i32
      %add3A_242 = arith.addi %while3A_194, %add3A_241 : i32
      %lt3A_243 = arith.cmpi slt, %add3A_242, %select_n3A_10 : i32
      %convert_element_type3A = arith.extui %lt3A_243 : i1 to i32
      %cond3A = arith.constant 0 : i32
      %cond3A_244 = arith.cmpi ne, %convert_element_type3A, %cond3A : i32
      scf.if %cond3A_244 {
        %jit3A_279 = arith.constant 6 : i32
        %eq3A_280 = arith.constant 0 : i32
        %eq3A_281 = arith.cmpi eq, %jit3A_279, %eq3A_280 : i32
        %jit3A_282 = arith.constant 1 : i32
        %select_n3A_283 = arith.select %eq3A_281, %jit3A_282, %jit3A_279 : i32
        %rem3A_284 = arith.remsi %add3A_242, %select_n3A_283 : i32
        %ne3A_285 = arith.constant 0 : i32
        %ne3A_286 = arith.cmpi ne, %rem3A_284, %ne3A_285 : i32
        %lt3A_287 = arith.constant 0 : i32
        %lt3A_288 = arith.cmpi slt, %rem3A_284, %lt3A_287 : i32
        %lt3A_289 = arith.constant 0 : i32
        %lt3A_290 = arith.cmpi slt, %select_n3A_283, %lt3A_289 : i32
        %ne3A_291 = arith.xori %lt3A_288, %lt3A_290 : i1
        %and3A_292 = arith.andi %ne3A_291, %ne3A_286 : i1
        %add3A_293 = arith.addi %rem3A_284, %select_n3A_283 : i32
        %select_n3A_294 = arith.select %and3A_292, %add3A_293, %rem3A_284 : i32
        %add3A_295 = arith.addi %select_n3A, %add3A_242 : i32
        %dma_start3A_296 = arith.constant 0 : i32
        %dma_start3A_297 = arith.constant 0 : i32
        %dma_start3A_298 = tpu.memref_slice %arg6[%select_n3A_294, %dma_start3A_296, %dma_start3A_297] : memref<6x2x128xi32, #tpu.memory_space<vmem>> -> memref<1x2x128xi32, #tpu.memory_space<vmem>>
        %dma_start3A_299 = tpu.memref_squeeze %dma_start3A_298 : memref<1x2x128xi32, #tpu.memory_space<vmem>> -> memref<2x128xi32, #tpu.memory_space<vmem>>
        %dma_start3A_300 = arith.constant 0 : i32
        %dma_start3A_301 = arith.constant 0 : i32
        %dma_start3A_302 = tpu.memref_slice %arg3[%add3A_295, %dma_start3A_300, %dma_start3A_301] : memref<2560x2x128xi32, #tpu.memory_space<hbm>> -> memref<1x2x128xi32, #tpu.memory_space<hbm>>
        %dma_start3A_303 = tpu.memref_squeeze %dma_start3A_302 : memref<1x2x128xi32, #tpu.memory_space<hbm>> -> memref<2x128xi32, #tpu.memory_space<hbm>>
        %dma_start3A_304 = tpu.memref_slice %arg9[%select_n3A_294] : memref<6x!tpu.dma_semaphore, #tpu.memory_space<semaphore_mem>> -> memref<1x!tpu.dma_semaphore, #tpu.memory_space<semaphore_mem>>
        %dma_start3A_305 = tpu.memref_squeeze %dma_start3A_304 : memref<1x!tpu.dma_semaphore, #tpu.memory_space<semaphore_mem>> -> memref<!tpu.dma_semaphore, #tpu.memory_space<semaphore_mem>>
        %dma_start3A_306 = arith.constant 0 : i32
        %dma_start3A_307 = arith.constant 0 : i32
        %dma_start3A_308 = tpu.memref_slice %arg6[%select_n3A_294, %dma_start3A_306, %dma_start3A_307] : memref<6x2x128xi32, #tpu.memory_space<vmem>> -> memref<1x2x128xi32, #tpu.memory_space<vmem>>
        %dma_start3A_309 = tpu.memref_squeeze %dma_start3A_308 : memref<1x2x128xi32, #tpu.memory_space<vmem>> -> memref<2x128xi32, #tpu.memory_space<vmem>>
        %dma_start3A_310 = arith.constant 0 : i32
        %dma_start3A_311 = arith.constant 0 : i32
        %dma_start3A_312 = tpu.memref_slice %arg3[%add3A_295, %dma_start3A_310, %dma_start3A_311] : memref<2560x2x128xi32, #tpu.memory_space<hbm>> -> memref<1x2x128xi32, #tpu.memory_space<hbm>>
        %dma_start3A_313 = tpu.memref_squeeze %dma_start3A_312 : memref<1x2x128xi32, #tpu.memory_space<hbm>> -> memref<2x128xi32, #tpu.memory_space<hbm>>
        tpu.enqueue_dma source(%dma_start3A_313 : memref<2x128xi32, #tpu.memory_space<hbm>>) target(%dma_start3A_309 : memref<2x128xi32, #tpu.memory_space<vmem>>) target_semaphore(%dma_start3A_305 : memref<!tpu.dma_semaphore, #tpu.memory_space<semaphore_mem>>)
      } else {
      }
      %jit3A_245 = arith.constant 6 : i32
      %eq3A_246 = arith.constant 0 : i32
      %eq3A_247 = arith.cmpi eq, %jit3A_245, %eq3A_246 : i32
      %jit3A_248 = arith.constant 1 : i32
      %select_n3A_249 = arith.select %eq3A_247, %jit3A_248, %jit3A_245 : i32
      %rem3A_250 = arith.remsi %while3A_194, %select_n3A_249 : i32
      %ne3A_251 = arith.constant 0 : i32
      %ne3A_252 = arith.cmpi ne, %rem3A_250, %ne3A_251 : i32
      %lt3A_253 = arith.constant 0 : i32
      %lt3A_254 = arith.cmpi slt, %rem3A_250, %lt3A_253 : i32
      %lt3A_255 = arith.constant 0 : i32
      %lt3A_256 = arith.cmpi slt, %select_n3A_249, %lt3A_255 : i32
      %ne3A_257 = arith.xori %lt3A_254, %lt3A_256 : i1
      %and3A_258 = arith.andi %ne3A_257, %ne3A_252 : i1
      %add3A_259 = arith.addi %rem3A_250, %select_n3A_249 : i32
      %select_n3A_260 = arith.select %and3A_258, %add3A_259, %rem3A_250 : i32
      %dma_start3A_261 = arith.constant 1 : i32
      %dma_start3A_262 = arith.constant 0 : i32
      %dma_start3A_263 = arith.constant 0 : i32
      %dma_start3A_264 = tpu.memref_slice %arg7[%select_n3A_211, %dma_start3A_262, %dma_start3A_263] : memref<2x128x64xf32, #tpu.memory_space<vmem>> -> memref<1x128x64xf32, #tpu.memory_space<vmem>>
      %dma_start3A_265 = tpu.memref_squeeze %dma_start3A_264 : memref<1x128x64xf32, #tpu.memory_space<vmem>> -> memref<128x64xf32, #tpu.memory_space<vmem>>
      %dma_start3A_266 = arith.constant 0 : i32
      %dma_start3A_267 = tpu.memref_slice %arg6[%select_n3A_260, %dma_start3A_261, %dma_start3A_266] : memref<6x2x128xi32, #tpu.memory_space<vmem>> -> memref<1x1x128xi32, #tpu.memory_space<vmem>>
      %dma_start3A_268 = tpu.memref_squeeze %dma_start3A_267 : memref<1x1x128xi32, #tpu.memory_space<vmem>> -> memref<128xi32, #tpu.memory_space<vmem>>
      %dma_start3A_269 = arith.constant 0 : i32
      %dma_start3A_270 = arith.constant 0 : i32
      %dma_start3A_271 = tpu.memref_slice %arg8[%dma_start3A_269, %dma_start3A_270] : memref<10016x64xf32, #tpu.memory_space<vmem_shared>> -> memref<10016x64xf32, #tpu.memory_space<vmem_shared>>
      %dma_start3A_272 = tpu.memref_slice %arg11[%select_n3A_211] : memref<2x!tpu.dma_semaphore, #tpu.memory_space<semaphore_mem>> -> memref<1x!tpu.dma_semaphore, #tpu.memory_space<semaphore_mem>>
      %dma_start3A_273 = tpu.memref_squeeze %dma_start3A_272 : memref<1x!tpu.dma_semaphore, #tpu.memory_space<semaphore_mem>> -> memref<!tpu.dma_semaphore, #tpu.memory_space<semaphore_mem>>
      tpu.enqueue_indirect_dma source(%dma_start3A_265 : memref<128x64xf32, #tpu.memory_space<vmem>>) target(%dma_start3A_271 : memref<10016x64xf32, #tpu.memory_space<vmem_shared>>) offsets(%dma_start3A_268 : memref<128xi32, #tpu.memory_space<vmem>>) semaphore(%dma_start3A_273 : memref<!tpu.dma_semaphore, #tpu.memory_space<semaphore_mem>>) {add = true}
      %ge3A = arith.constant 1 : i32
      %ge3A_274 = arith.cmpi sge, %while3A_194, %ge3A : i32
      %convert_element_type3A_275 = arith.extui %ge3A_274 : i1 to i32
      %cond3A_276 = arith.constant 0 : i32
      %cond3A_277 = arith.cmpi ne, %convert_element_type3A_275, %cond3A_276 : i32
      scf.if %cond3A_277 {
        %sub3A_279 = arith.constant 1 : i32
        %sub3A_280 = arith.subi %while3A_194, %sub3A_279 : i32
        %jit3A_281 = arith.constant 2 : i32
        %eq3A_282 = arith.constant 0 : i32
        %eq3A_283 = arith.cmpi eq, %jit3A_281, %eq3A_282 : i32
        %jit3A_284 = arith.constant 1 : i32
        %select_n3A_285 = arith.select %eq3A_283, %jit3A_284, %jit3A_281 : i32
        %rem3A_286 = arith.remsi %sub3A_280, %select_n3A_285 : i32
        %ne3A_287 = arith.constant 0 : i32
        %ne3A_288 = arith.cmpi ne, %rem3A_286, %ne3A_287 : i32
        %lt3A_289 = arith.constant 0 : i32
        %lt3A_290 = arith.cmpi slt, %rem3A_286, %lt3A_289 : i32
        %lt3A_291 = arith.constant 0 : i32
        %lt3A_292 = arith.cmpi slt, %select_n3A_285, %lt3A_291 : i32
        %ne3A_293 = arith.xori %lt3A_290, %lt3A_292 : i1
        %and3A_294 = arith.andi %ne3A_293, %ne3A_288 : i1
        %add3A_295 = arith.addi %rem3A_286, %select_n3A_285 : i32
        %select_n3A_296 = arith.select %and3A_294, %add3A_295, %rem3A_286 : i32
        %dma_wait3A_297 = arith.constant 0 : i32
        %dma_wait3A_298 = arith.constant 0 : i32
        %dma_wait3A_299 = tpu.memref_slice %arg7[%select_n3A_296, %dma_wait3A_297, %dma_wait3A_298] : memref<2x128x64xf32, #tpu.memory_space<vmem>> -> memref<1x128x64xf32, #tpu.memory_space<vmem>>
        %dma_wait3A_300 = tpu.memref_squeeze %dma_wait3A_299 : memref<1x128x64xf32, #tpu.memory_space<vmem>> -> memref<128x64xf32, #tpu.memory_space<vmem>>
        %dma_wait3A_301 = arith.constant 0 : i32
        %dma_wait3A_302 = arith.constant 0 : i32
        %dma_wait3A_303 = tpu.memref_slice %arg2[%dma_wait3A_301, %dma_wait3A_302] : memref<10000x64xf32, #tpu.memory_space<hbm>> -> memref<128x64xf32, #tpu.memory_space<hbm>>
        %dma_wait3A_304 = tpu.memref_slice %arg11[%select_n3A_296] : memref<2x!tpu.dma_semaphore, #tpu.memory_space<semaphore_mem>> -> memref<1x!tpu.dma_semaphore, #tpu.memory_space<semaphore_mem>>
        %dma_wait3A_305 = tpu.memref_squeeze %dma_wait3A_304 : memref<1x!tpu.dma_semaphore, #tpu.memory_space<semaphore_mem>> -> memref<!tpu.dma_semaphore, #tpu.memory_space<semaphore_mem>>
        %dma_wait3A_306 = arith.constant 0 : i32
        %dma_wait3A_307 = arith.constant 0 : i32
        %dma_wait3A_308 = tpu.memref_slice %arg7[%select_n3A_296, %dma_wait3A_306, %dma_wait3A_307] : memref<2x128x64xf32, #tpu.memory_space<vmem>> -> memref<1x128x64xf32, #tpu.memory_space<vmem>>
        %dma_wait3A_309 = tpu.memref_squeeze %dma_wait3A_308 : memref<1x128x64xf32, #tpu.memory_space<vmem>> -> memref<128x64xf32, #tpu.memory_space<vmem>>
        %dma_wait3A_310 = arith.constant 0 : i32
        %dma_wait3A_311 = arith.constant 0 : i32
        %dma_wait3A_312 = tpu.memref_slice %arg2[%dma_wait3A_310, %dma_wait3A_311] : memref<10000x64xf32, #tpu.memory_space<hbm>> -> memref<128x64xf32, #tpu.memory_space<hbm>>
        tpu.wait_dma2 semaphore(%dma_wait3A_305 : memref<!tpu.dma_semaphore, #tpu.memory_space<semaphore_mem>>) src(%dma_wait3A_312 : memref<128x64xf32, #tpu.memory_space<hbm>>) dst(%dma_wait3A_309 : memref<128x64xf32, #tpu.memory_space<vmem>>)
        %sub3A_313 = arith.constant 1 : i32
        %sub3A_314 = arith.subi %while3A_194, %sub3A_313 : i32
        %add3A_315 = arith.constant 2 : i32
        %add3A_316 = arith.addi %sub3A_314, %add3A_315 : i32
        %lt3A_317 = arith.cmpi slt, %add3A_316, %select_n3A_10 : i32
        %convert_element_type3A_318 = arith.extui %lt3A_317 : i1 to i32
        %cond3A_319 = arith.constant 0 : i32
        %cond3A_320 = arith.cmpi ne, %convert_element_type3A_318, %cond3A_319 : i32
        scf.if %cond3A_320 {
          %jit3A_321 = arith.constant 6 : i32
          %eq3A_322 = arith.constant 0 : i32
          %eq3A_323 = arith.cmpi eq, %jit3A_321, %eq3A_322 : i32
          %jit3A_324 = arith.constant 1 : i32
          %select_n3A_325 = arith.select %eq3A_323, %jit3A_324, %jit3A_321 : i32
          %rem3A_326 = arith.remsi %add3A_316, %select_n3A_325 : i32
          %ne3A_327 = arith.constant 0 : i32
          %ne3A_328 = arith.cmpi ne, %rem3A_326, %ne3A_327 : i32
          %lt3A_329 = arith.constant 0 : i32
          %lt3A_330 = arith.cmpi slt, %rem3A_326, %lt3A_329 : i32
          %lt3A_331 = arith.constant 0 : i32
          %lt3A_332 = arith.cmpi slt, %select_n3A_325, %lt3A_331 : i32
          %ne3A_333 = arith.xori %lt3A_330, %lt3A_332 : i1
          %and3A_334 = arith.andi %ne3A_333, %ne3A_328 : i1
          %add3A_335 = arith.addi %rem3A_326, %select_n3A_325 : i32
          %select_n3A_336 = arith.select %and3A_334, %add3A_335, %rem3A_326 : i32
          %add3A_337 = arith.addi %select_n3A, %add3A_316 : i32
          %dma_wait3A_338 = arith.constant 0 : i32
          %dma_wait3A_339 = arith.constant 0 : i32
          %dma_wait3A_340 = tpu.memref_slice %arg6[%select_n3A_336, %dma_wait3A_338, %dma_wait3A_339] : memref<6x2x128xi32, #tpu.memory_space<vmem>> -> memref<1x2x128xi32, #tpu.memory_space<vmem>>
          %dma_wait3A_341 = tpu.memref_squeeze %dma_wait3A_340 : memref<1x2x128xi32, #tpu.memory_space<vmem>> -> memref<2x128xi32, #tpu.memory_space<vmem>>
          %dma_wait3A_342 = arith.constant 0 : i32
          %dma_wait3A_343 = arith.constant 0 : i32
          %dma_wait3A_344 = tpu.memref_slice %arg3[%add3A_337, %dma_wait3A_342, %dma_wait3A_343] : memref<2560x2x128xi32, #tpu.memory_space<hbm>> -> memref<1x2x128xi32, #tpu.memory_space<hbm>>
          %dma_wait3A_345 = tpu.memref_squeeze %dma_wait3A_344 : memref<1x2x128xi32, #tpu.memory_space<hbm>> -> memref<2x128xi32, #tpu.memory_space<hbm>>
          %dma_wait3A_346 = tpu.memref_slice %arg9[%select_n3A_336] : memref<6x!tpu.dma_semaphore, #tpu.memory_space<semaphore_mem>> -> memref<1x!tpu.dma_semaphore, #tpu.memory_space<semaphore_mem>>
          %dma_wait3A_347 = tpu.memref_squeeze %dma_wait3A_346 : memref<1x!tpu.dma_semaphore, #tpu.memory_space<semaphore_mem>> -> memref<!tpu.dma_semaphore, #tpu.memory_space<semaphore_mem>>
          %dma_wait3A_348 = arith.constant 0 : i32
          %dma_wait3A_349 = arith.constant 0 : i32
          %dma_wait3A_350 = tpu.memref_slice %arg6[%select_n3A_336, %dma_wait3A_348, %dma_wait3A_349] : memref<6x2x128xi32, #tpu.memory_space<vmem>> -> memref<1x2x128xi32, #tpu.memory_space<vmem>>
          %dma_wait3A_351 = tpu.memref_squeeze %dma_wait3A_350 : memref<1x2x128xi32, #tpu.memory_space<vmem>> -> memref<2x128xi32, #tpu.memory_space<vmem>>
          %dma_wait3A_352 = arith.constant 0 : i32
          %dma_wait3A_353 = arith.constant 0 : i32
          %dma_wait3A_354 = tpu.memref_slice %arg3[%add3A_337, %dma_wait3A_352, %dma_wait3A_353] : memref<2560x2x128xi32, #tpu.memory_space<hbm>> -> memref<1x2x128xi32, #tpu.memory_space<hbm>>
          %dma_wait3A_355 = tpu.memref_squeeze %dma_wait3A_354 : memref<1x2x128xi32, #tpu.memory_space<hbm>> -> memref<2x128xi32, #tpu.memory_space<hbm>>
          tpu.wait_dma2 semaphore(%dma_wait3A_347 : memref<!tpu.dma_semaphore, #tpu.memory_space<semaphore_mem>>) src(%dma_wait3A_355 : memref<2x128xi32, #tpu.memory_space<hbm>>) dst(%dma_wait3A_351 : memref<2x128xi32, #tpu.memory_space<vmem>>)
          %jit3A_356 = arith.constant 6 : i32
          %eq3A_357 = arith.constant 0 : i32
          %eq3A_358 = arith.cmpi eq, %jit3A_356, %eq3A_357 : i32
          %jit3A_359 = arith.constant 1 : i32
          %select_n3A_360 = arith.select %eq3A_358, %jit3A_359, %jit3A_356 : i32
          %rem3A_361 = arith.remsi %add3A_316, %select_n3A_360 : i32
          %ne3A_362 = arith.constant 0 : i32
          %ne3A_363 = arith.cmpi ne, %rem3A_361, %ne3A_362 : i32
          %lt3A_364 = arith.constant 0 : i32
          %lt3A_365 = arith.cmpi slt, %rem3A_361, %lt3A_364 : i32
          %lt3A_366 = arith.constant 0 : i32
          %lt3A_367 = arith.cmpi slt, %select_n3A_360, %lt3A_366 : i32
          %ne3A_368 = arith.xori %lt3A_365, %lt3A_367 : i1
          %and3A_369 = arith.andi %ne3A_368, %ne3A_363 : i1
          %add3A_370 = arith.addi %rem3A_361, %select_n3A_360 : i32
          %select_n3A_371 = arith.select %and3A_369, %add3A_370, %rem3A_361 : i32
          %dma_start3A_372 = arith.constant 0 : i32
          %dma_start3A_373 = arith.constant 0 : i32
          %dma_start3A_374 = arith.constant 0 : i32
          %dma_start3A_375 = tpu.memref_slice %arg7[%select_n3A_296, %dma_start3A_373, %dma_start3A_374] : memref<2x128x64xf32, #tpu.memory_space<vmem>> -> memref<1x128x64xf32, #tpu.memory_space<vmem>>
          %dma_start3A_376 = tpu.memref_squeeze %dma_start3A_375 : memref<1x128x64xf32, #tpu.memory_space<vmem>> -> memref<128x64xf32, #tpu.memory_space<vmem>>
          %dma_start3A_377 = arith.constant 0 : i32
          %dma_start3A_378 = tpu.memref_slice %arg6[%select_n3A_371, %dma_start3A_372, %dma_start3A_377] : memref<6x2x128xi32, #tpu.memory_space<vmem>> -> memref<1x1x128xi32, #tpu.memory_space<vmem>>
          %dma_start3A_379 = tpu.memref_squeeze %dma_start3A_378 : memref<1x1x128xi32, #tpu.memory_space<vmem>> -> memref<128xi32, #tpu.memory_space<vmem>>
          %dma_start3A_380 = arith.constant 0 : i32
          %dma_start3A_381 = arith.constant 0 : i32
          %dma_start3A_382 = tpu.memref_slice %arg2[%dma_start3A_380, %dma_start3A_381] : memref<10000x64xf32, #tpu.memory_space<hbm>> -> memref<10000x64xf32, #tpu.memory_space<hbm>>
          %dma_start3A_383 = tpu.memref_slice %arg10[%select_n3A_296] : memref<2x!tpu.dma_semaphore, #tpu.memory_space<semaphore_mem>> -> memref<1x!tpu.dma_semaphore, #tpu.memory_space<semaphore_mem>>
          %dma_start3A_384 = tpu.memref_squeeze %dma_start3A_383 : memref<1x!tpu.dma_semaphore, #tpu.memory_space<semaphore_mem>> -> memref<!tpu.dma_semaphore, #tpu.memory_space<semaphore_mem>>
          tpu.enqueue_indirect_dma source(%dma_start3A_382 : memref<10000x64xf32, #tpu.memory_space<hbm>>) target(%dma_start3A_376 : memref<128x64xf32, #tpu.memory_space<vmem>>) offsets(%dma_start3A_379 : memref<128xi32, #tpu.memory_space<vmem>>) semaphore(%dma_start3A_384 : memref<!tpu.dma_semaphore, #tpu.memory_space<semaphore_mem>>)
        } else {
        }
      } else {
      }
      %while3A_278 = arith.constant 0 : i32
      scf.yield %while3A_278 : i32
    }
    %sub3A = arith.constant 1 : i32
    %sub3A_162 = arith.subi %select_n3A_10, %sub3A : i32
    %sub3A_163 = arith.constant 0 : i32
    %sub3A_164 = arith.subi %sub3A_162, %sub3A_163 : i32
    %jit3A_165 = arith.constant 2 : i32
    %eq3A_166 = arith.constant 0 : i32
    %eq3A_167 = arith.cmpi eq, %jit3A_165, %eq3A_166 : i32
    %jit3A_168 = arith.constant 1 : i32
    %select_n3A_169 = arith.select %eq3A_167, %jit3A_168, %jit3A_165 : i32
    %rem3A = arith.remsi %sub3A_164, %select_n3A_169 : i32
    %ne3A = arith.constant 0 : i32
    %ne3A_170 = arith.cmpi ne, %rem3A, %ne3A : i32
    %lt3A = arith.constant 0 : i32
    %lt3A_171 = arith.cmpi slt, %rem3A, %lt3A : i32
    %lt3A_172 = arith.constant 0 : i32
    %lt3A_173 = arith.cmpi slt, %select_n3A_169, %lt3A_172 : i32
    %ne3A_174 = arith.xori %lt3A_171, %lt3A_173 : i1
    %and3A = arith.andi %ne3A_174, %ne3A_170 : i1
    %add3A_175 = arith.addi %rem3A, %select_n3A_169 : i32
    %select_n3A_176 = arith.select %and3A, %add3A_175, %rem3A : i32
    %dma_wait3A_177 = arith.constant 0 : i32
    %dma_wait3A_178 = arith.constant 0 : i32
    %dma_wait3A_179 = tpu.memref_slice %arg7[%select_n3A_176, %dma_wait3A_177, %dma_wait3A_178] : memref<2x128x64xf32, #tpu.memory_space<vmem>> -> memref<1x128x64xf32, #tpu.memory_space<vmem>>
    %dma_wait3A_180 = tpu.memref_squeeze %dma_wait3A_179 : memref<1x128x64xf32, #tpu.memory_space<vmem>> -> memref<128x64xf32, #tpu.memory_space<vmem>>
    %dma_wait3A_181 = arith.constant 0 : i32
    %dma_wait3A_182 = arith.constant 0 : i32
    %dma_wait3A_183 = tpu.memref_slice %arg2[%dma_wait3A_181, %dma_wait3A_182] : memref<10000x64xf32, #tpu.memory_space<hbm>> -> memref<128x64xf32, #tpu.memory_space<hbm>>
    %dma_wait3A_184 = tpu.memref_slice %arg11[%select_n3A_176] : memref<2x!tpu.dma_semaphore, #tpu.memory_space<semaphore_mem>> -> memref<1x!tpu.dma_semaphore, #tpu.memory_space<semaphore_mem>>
    %dma_wait3A_185 = tpu.memref_squeeze %dma_wait3A_184 : memref<1x!tpu.dma_semaphore, #tpu.memory_space<semaphore_mem>> -> memref<!tpu.dma_semaphore, #tpu.memory_space<semaphore_mem>>
    %dma_wait3A_186 = arith.constant 0 : i32
    %dma_wait3A_187 = arith.constant 0 : i32
    %dma_wait3A_188 = tpu.memref_slice %arg7[%select_n3A_176, %dma_wait3A_186, %dma_wait3A_187] : memref<2x128x64xf32, #tpu.memory_space<vmem>> -> memref<1x128x64xf32, #tpu.memory_space<vmem>>
    %dma_wait3A_189 = tpu.memref_squeeze %dma_wait3A_188 : memref<1x128x64xf32, #tpu.memory_space<vmem>> -> memref<128x64xf32, #tpu.memory_space<vmem>>
    %dma_wait3A_190 = arith.constant 0 : i32
    %dma_wait3A_191 = arith.constant 0 : i32
    %dma_wait3A_192 = tpu.memref_slice %arg2[%dma_wait3A_190, %dma_wait3A_191] : memref<10000x64xf32, #tpu.memory_space<hbm>> -> memref<128x64xf32, #tpu.memory_space<hbm>>
    tpu.wait_dma2 semaphore(%dma_wait3A_185 : memref<!tpu.dma_semaphore, #tpu.memory_space<semaphore_mem>>) src(%dma_wait3A_192 : memref<128x64xf32, #tpu.memory_space<hbm>>) dst(%dma_wait3A_189 : memref<128x64xf32, #tpu.memory_space<vmem>>)
    %barrier3A_193 = arith.constant 0 : index
    tpu.barrier barrier_id(%barrier3A_193)
    "tpu.region"() ({
      %run_scoped3A = tpu.sem_alloc : memref<!tpu.dma_semaphore, #tpu.memory_space<semaphore_mem>>
      %dma_start3A_194 = arith.constant 0 : i32
      %dma_start3A_195 = arith.constant 0 : i32
      %dma_start3A_196 = tpu.memref_slice %arg5[%arg0, %dma_start3A_194, %dma_start3A_195] : memref<2x10016x64xf32, #tpu.memory_space<hbm>> -> memref<1x10016x64xf32, #tpu.memory_space<hbm>>
      %dma_start3A_197 = tpu.memref_squeeze %dma_start3A_196 : memref<1x10016x64xf32, #tpu.memory_space<hbm>> -> memref<10016x64xf32, #tpu.memory_space<hbm>>
      %dma_start3A_198 = arith.constant 0 : i32
      %dma_start3A_199 = tpu.memref_slice %dma_start3A_197[%mul3A_0, %dma_start3A_198] : memref<10016x64xf32, #tpu.memory_space<hbm>> -> memref<626x64xf32, #tpu.memory_space<hbm>>
      %dma_start3A_200 = arith.constant 0 : i32
      %dma_start3A_201 = tpu.memref_slice %arg8[%mul3A_0, %dma_start3A_200] : memref<10016x64xf32, #tpu.memory_space<vmem_shared>> -> memref<626x64xf32, #tpu.memory_space<vmem_shared>>
      tpu.enqueue_dma source(%dma_start3A_201 : memref<626x64xf32, #tpu.memory_space<vmem_shared>>) target(%dma_start3A_199 : memref<626x64xf32, #tpu.memory_space<hbm>>) target_semaphore(%run_scoped3A : memref<!tpu.dma_semaphore, #tpu.memory_space<semaphore_mem>>)
      %dma_wait3A_202 = arith.constant 0 : i32
      %dma_wait3A_203 = arith.constant 0 : i32
      %dma_wait3A_204 = tpu.memref_slice %arg5[%arg0, %dma_wait3A_202, %dma_wait3A_203] : memref<2x10016x64xf32, #tpu.memory_space<hbm>> -> memref<1x10016x64xf32, #tpu.memory_space<hbm>>
      %dma_wait3A_205 = tpu.memref_squeeze %dma_wait3A_204 : memref<1x10016x64xf32, #tpu.memory_space<hbm>> -> memref<10016x64xf32, #tpu.memory_space<hbm>>
      %dma_wait3A_206 = arith.constant 0 : i32
      %dma_wait3A_207 = tpu.memref_slice %dma_wait3A_205[%mul3A_0, %dma_wait3A_206] : memref<10016x64xf32, #tpu.memory_space<hbm>> -> memref<626x64xf32, #tpu.memory_space<hbm>>
      %dma_wait3A_208 = arith.constant 0 : i32
      %dma_wait3A_209 = tpu.memref_slice %arg8[%mul3A_0, %dma_wait3A_208] : memref<10016x64xf32, #tpu.memory_space<vmem_shared>> -> memref<626x64xf32, #tpu.memory_space<vmem_shared>>
      tpu.wait_dma2 semaphore(%run_scoped3A : memref<!tpu.dma_semaphore, #tpu.memory_space<semaphore_mem>>) src(%dma_wait3A_209 : memref<626x64xf32, #tpu.memory_space<vmem_shared>>) dst(%dma_wait3A_207 : memref<626x64xf32, #tpu.memory_space<hbm>>)
      tpu.yield
    }) : () -> ()
    return
  }
}

#map = affine_map<(d0, d1) -> (0, 0)>
#map1 = affine_map<(d0, d1) -> (0, 0, 0)>
module attributes {stable_mosaic.version = 14 : i64} {
  func.func @sc_aggregate(%arg0: i32, %arg1: i32, %arg2: memref<10000x32xf32, #tpu.memory_space<hbm>>, %arg3: memref<2560x2x128xi32, #tpu.memory_space<hbm>>, %arg4: memref<10016x32xf32, #tpu.memory_space<hbm>>, %arg5: memref<2x10016x32xf32, #tpu.memory_space<hbm>>, %arg6: memref<6x2x128xi32, #tpu.memory_space<vmem>>, %arg7: memref<2x128x32xf32, #tpu.memory_space<vmem>>, %arg8: memref<10016x32xf32, #tpu.memory_space<vmem_shared>>, %arg9: memref<6x!tpu.dma_semaphore, #tpu.memory_space<semaphore_mem>>, %arg10: memref<2x!tpu.dma_semaphore, #tpu.memory_space<semaphore_mem>>, %arg11: memref<2x!tpu.dma_semaphore, #tpu.memory_space<semaphore_mem>>) attributes {dimension_semantics = [#tpu.dimension_semantics<core_parallel>, #tpu.dimension_semantics<subcore_parallel>], iteration_bounds = array<i64: 2, 16>, scalar_prefetch = 0 : i64, scratch_operands = 6 : i64, tpu.core_type = #tpu.core_type<sc_vector_subcore>, window_params = [{transform_indices = #map}, {transform_indices = #map1}, {transform_indices = #map}, {transform_indices = #map1}]} {
    %mul3A = arith.constant 626 : i32
    %mul3A_0 = arith.muli %arg1, %mul3A : i32
    %eq3A = arith.constant 0 : i32
    %eq3A_1 = arith.cmpi eq, %arg0, %eq3A : i32
    %mul3A_2 = arith.constant 107 : i32
    %mul3A_3 = arith.muli %arg1, %mul3A_2 : i32
    %mul3A_4 = arith.constant 53 : i32
    %mul3A_5 = arith.muli %arg1, %mul3A_4 : i32
    %add3A = arith.constant 1712 : i32
    %add3A_6 = arith.addi %add3A, %mul3A_5 : i32
    %select_n3A = arith.select %eq3A_1, %mul3A_3, %add3A_6 : i32
    %eq3A_7 = arith.constant 0 : i32
    %eq3A_8 = arith.cmpi eq, %arg0, %eq3A_7 : i32
    %jit3A = arith.constant 107 : i32
    %jit3A_9 = arith.constant 53 : i32
    %select_n3A_10 = arith.select %eq3A_8, %jit3A, %jit3A_9 : i32
    "tpu.region"() ({
      %run_scoped3A = tpu.sem_alloc : memref<!tpu.dma_semaphore, #tpu.memory_space<semaphore_mem>>
      %dma_start3A_194 = arith.constant 0 : i32
      %dma_start3A_195 = tpu.memref_slice %arg8[%mul3A_0, %dma_start3A_194] : memref<10016x32xf32, #tpu.memory_space<vmem_shared>> -> memref<626x32xf32, #tpu.memory_space<vmem_shared>>
      %dma_start3A_196 = arith.constant 0 : i32
      %dma_start3A_197 = tpu.memref_slice %arg4[%mul3A_0, %dma_start3A_196] : memref<10016x32xf32, #tpu.memory_space<hbm>> -> memref<626x32xf32, #tpu.memory_space<hbm>>
      tpu.enqueue_dma source(%dma_start3A_197 : memref<626x32xf32, #tpu.memory_space<hbm>>) target(%dma_start3A_195 : memref<626x32xf32, #tpu.memory_space<vmem_shared>>) target_semaphore(%run_scoped3A : memref<!tpu.dma_semaphore, #tpu.memory_space<semaphore_mem>>)
      %dma_wait3A_198 = arith.constant 0 : i32
      %dma_wait3A_199 = tpu.memref_slice %arg8[%mul3A_0, %dma_wait3A_198] : memref<10016x32xf32, #tpu.memory_space<vmem_shared>> -> memref<626x32xf32, #tpu.memory_space<vmem_shared>>
      %dma_wait3A_200 = arith.constant 0 : i32
      %dma_wait3A_201 = tpu.memref_slice %arg4[%mul3A_0, %dma_wait3A_200] : memref<10016x32xf32, #tpu.memory_space<hbm>> -> memref<626x32xf32, #tpu.memory_space<hbm>>
      tpu.wait_dma2 semaphore(%run_scoped3A : memref<!tpu.dma_semaphore, #tpu.memory_space<semaphore_mem>>) src(%dma_wait3A_201 : memref<626x32xf32, #tpu.memory_space<hbm>>) dst(%dma_wait3A_199 : memref<626x32xf32, #tpu.memory_space<vmem_shared>>)
      tpu.yield
    }) : () -> ()
    %barrier3A = arith.constant 0 : index
    tpu.barrier barrier_id(%barrier3A)
    %add3A_11 = arith.constant 0 : i32
    %add3A_12 = arith.addi %select_n3A, %add3A_11 : i32
    %dma_start3A = arith.constant 0 : i32
    %dma_start3A_13 = arith.constant 0 : i32
    %dma_start3A_14 = arith.constant 0 : i32
    %dma_start3A_15 = arith.constant 0 : i32
    %dma_start3A_16 = tpu.memref_slice %arg6[%dma_start3A, %dma_start3A_14, %dma_start3A_15] : memref<6x2x128xi32, #tpu.memory_space<vmem>> -> memref<1x2x128xi32, #tpu.memory_space<vmem>>
    %dma_start3A_17 = tpu.memref_squeeze %dma_start3A_16 : memref<1x2x128xi32, #tpu.memory_space<vmem>> -> memref<2x128xi32, #tpu.memory_space<vmem>>
    %dma_start3A_18 = arith.constant 0 : i32
    %dma_start3A_19 = arith.constant 0 : i32
    %dma_start3A_20 = tpu.memref_slice %arg3[%add3A_12, %dma_start3A_18, %dma_start3A_19] : memref<2560x2x128xi32, #tpu.memory_space<hbm>> -> memref<1x2x128xi32, #tpu.memory_space<hbm>>
    %dma_start3A_21 = tpu.memref_squeeze %dma_start3A_20 : memref<1x2x128xi32, #tpu.memory_space<hbm>> -> memref<2x128xi32, #tpu.memory_space<hbm>>
    %dma_start3A_22 = tpu.memref_slice %arg9[%dma_start3A_13] : memref<6x!tpu.dma_semaphore, #tpu.memory_space<semaphore_mem>> -> memref<1x!tpu.dma_semaphore, #tpu.memory_space<semaphore_mem>>
    %dma_start3A_23 = tpu.memref_squeeze %dma_start3A_22 : memref<1x!tpu.dma_semaphore, #tpu.memory_space<semaphore_mem>> -> memref<!tpu.dma_semaphore, #tpu.memory_space<semaphore_mem>>
    %dma_start3A_24 = arith.constant 0 : i32
    %dma_start3A_25 = arith.constant 0 : i32
    %dma_start3A_26 = tpu.memref_slice %arg6[%dma_start3A, %dma_start3A_24, %dma_start3A_25] : memref<6x2x128xi32, #tpu.memory_space<vmem>> -> memref<1x2x128xi32, #tpu.memory_space<vmem>>
    %dma_start3A_27 = tpu.memref_squeeze %dma_start3A_26 : memref<1x2x128xi32, #tpu.memory_space<vmem>> -> memref<2x128xi32, #tpu.memory_space<vmem>>
    %dma_start3A_28 = arith.constant 0 : i32
    %dma_start3A_29 = arith.constant 0 : i32
    %dma_start3A_30 = tpu.memref_slice %arg3[%add3A_12, %dma_start3A_28, %dma_start3A_29] : memref<2560x2x128xi32, #tpu.memory_space<hbm>> -> memref<1x2x128xi32, #tpu.memory_space<hbm>>
    %dma_start3A_31 = tpu.memref_squeeze %dma_start3A_30 : memref<1x2x128xi32, #tpu.memory_space<hbm>> -> memref<2x128xi32, #tpu.memory_space<hbm>>
    tpu.enqueue_dma source(%dma_start3A_31 : memref<2x128xi32, #tpu.memory_space<hbm>>) target(%dma_start3A_27 : memref<2x128xi32, #tpu.memory_space<vmem>>) target_semaphore(%dma_start3A_23 : memref<!tpu.dma_semaphore, #tpu.memory_space<semaphore_mem>>)
    %add3A_32 = arith.constant 1 : i32
    %add3A_33 = arith.addi %select_n3A, %add3A_32 : i32
    %dma_start3A_34 = arith.constant 1 : i32
    %dma_start3A_35 = arith.constant 1 : i32
    %dma_start3A_36 = arith.constant 0 : i32
    %dma_start3A_37 = arith.constant 0 : i32
    %dma_start3A_38 = tpu.memref_slice %arg6[%dma_start3A_34, %dma_start3A_36, %dma_start3A_37] : memref<6x2x128xi32, #tpu.memory_space<vmem>> -> memref<1x2x128xi32, #tpu.memory_space<vmem>>
    %dma_start3A_39 = tpu.memref_squeeze %dma_start3A_38 : memref<1x2x128xi32, #tpu.memory_space<vmem>> -> memref<2x128xi32, #tpu.memory_space<vmem>>
    %dma_start3A_40 = arith.constant 0 : i32
    %dma_start3A_41 = arith.constant 0 : i32
    %dma_start3A_42 = tpu.memref_slice %arg3[%add3A_33, %dma_start3A_40, %dma_start3A_41] : memref<2560x2x128xi32, #tpu.memory_space<hbm>> -> memref<1x2x128xi32, #tpu.memory_space<hbm>>
    %dma_start3A_43 = tpu.memref_squeeze %dma_start3A_42 : memref<1x2x128xi32, #tpu.memory_space<hbm>> -> memref<2x128xi32, #tpu.memory_space<hbm>>
    %dma_start3A_44 = tpu.memref_slice %arg9[%dma_start3A_35] : memref<6x!tpu.dma_semaphore, #tpu.memory_space<semaphore_mem>> -> memref<1x!tpu.dma_semaphore, #tpu.memory_space<semaphore_mem>>
    %dma_start3A_45 = tpu.memref_squeeze %dma_start3A_44 : memref<1x!tpu.dma_semaphore, #tpu.memory_space<semaphore_mem>> -> memref<!tpu.dma_semaphore, #tpu.memory_space<semaphore_mem>>
    %dma_start3A_46 = arith.constant 0 : i32
    %dma_start3A_47 = arith.constant 0 : i32
    %dma_start3A_48 = tpu.memref_slice %arg6[%dma_start3A_34, %dma_start3A_46, %dma_start3A_47] : memref<6x2x128xi32, #tpu.memory_space<vmem>> -> memref<1x2x128xi32, #tpu.memory_space<vmem>>
    %dma_start3A_49 = tpu.memref_squeeze %dma_start3A_48 : memref<1x2x128xi32, #tpu.memory_space<vmem>> -> memref<2x128xi32, #tpu.memory_space<vmem>>
    %dma_start3A_50 = arith.constant 0 : i32
    %dma_start3A_51 = arith.constant 0 : i32
    %dma_start3A_52 = tpu.memref_slice %arg3[%add3A_33, %dma_start3A_50, %dma_start3A_51] : memref<2560x2x128xi32, #tpu.memory_space<hbm>> -> memref<1x2x128xi32, #tpu.memory_space<hbm>>
    %dma_start3A_53 = tpu.memref_squeeze %dma_start3A_52 : memref<1x2x128xi32, #tpu.memory_space<hbm>> -> memref<2x128xi32, #tpu.memory_space<hbm>>
    tpu.enqueue_dma source(%dma_start3A_53 : memref<2x128xi32, #tpu.memory_space<hbm>>) target(%dma_start3A_49 : memref<2x128xi32, #tpu.memory_space<vmem>>) target_semaphore(%dma_start3A_45 : memref<!tpu.dma_semaphore, #tpu.memory_space<semaphore_mem>>)
    %add3A_54 = arith.constant 2 : i32
    %add3A_55 = arith.addi %select_n3A, %add3A_54 : i32
    %dma_start3A_56 = arith.constant 2 : i32
    %dma_start3A_57 = arith.constant 2 : i32
    %dma_start3A_58 = arith.constant 0 : i32
    %dma_start3A_59 = arith.constant 0 : i32
    %dma_start3A_60 = tpu.memref_slice %arg6[%dma_start3A_56, %dma_start3A_58, %dma_start3A_59] : memref<6x2x128xi32, #tpu.memory_space<vmem>> -> memref<1x2x128xi32, #tpu.memory_space<vmem>>
    %dma_start3A_61 = tpu.memref_squeeze %dma_start3A_60 : memref<1x2x128xi32, #tpu.memory_space<vmem>> -> memref<2x128xi32, #tpu.memory_space<vmem>>
    %dma_start3A_62 = arith.constant 0 : i32
    %dma_start3A_63 = arith.constant 0 : i32
    %dma_start3A_64 = tpu.memref_slice %arg3[%add3A_55, %dma_start3A_62, %dma_start3A_63] : memref<2560x2x128xi32, #tpu.memory_space<hbm>> -> memref<1x2x128xi32, #tpu.memory_space<hbm>>
    %dma_start3A_65 = tpu.memref_squeeze %dma_start3A_64 : memref<1x2x128xi32, #tpu.memory_space<hbm>> -> memref<2x128xi32, #tpu.memory_space<hbm>>
    %dma_start3A_66 = tpu.memref_slice %arg9[%dma_start3A_57] : memref<6x!tpu.dma_semaphore, #tpu.memory_space<semaphore_mem>> -> memref<1x!tpu.dma_semaphore, #tpu.memory_space<semaphore_mem>>
    %dma_start3A_67 = tpu.memref_squeeze %dma_start3A_66 : memref<1x!tpu.dma_semaphore, #tpu.memory_space<semaphore_mem>> -> memref<!tpu.dma_semaphore, #tpu.memory_space<semaphore_mem>>
    %dma_start3A_68 = arith.constant 0 : i32
    %dma_start3A_69 = arith.constant 0 : i32
    %dma_start3A_70 = tpu.memref_slice %arg6[%dma_start3A_56, %dma_start3A_68, %dma_start3A_69] : memref<6x2x128xi32, #tpu.memory_space<vmem>> -> memref<1x2x128xi32, #tpu.memory_space<vmem>>
    %dma_start3A_71 = tpu.memref_squeeze %dma_start3A_70 : memref<1x2x128xi32, #tpu.memory_space<vmem>> -> memref<2x128xi32, #tpu.memory_space<vmem>>
    %dma_start3A_72 = arith.constant 0 : i32
    %dma_start3A_73 = arith.constant 0 : i32
    %dma_start3A_74 = tpu.memref_slice %arg3[%add3A_55, %dma_start3A_72, %dma_start3A_73] : memref<2560x2x128xi32, #tpu.memory_space<hbm>> -> memref<1x2x128xi32, #tpu.memory_space<hbm>>
    %dma_start3A_75 = tpu.memref_squeeze %dma_start3A_74 : memref<1x2x128xi32, #tpu.memory_space<hbm>> -> memref<2x128xi32, #tpu.memory_space<hbm>>
    tpu.enqueue_dma source(%dma_start3A_75 : memref<2x128xi32, #tpu.memory_space<hbm>>) target(%dma_start3A_71 : memref<2x128xi32, #tpu.memory_space<vmem>>) target_semaphore(%dma_start3A_67 : memref<!tpu.dma_semaphore, #tpu.memory_space<semaphore_mem>>)
    %add3A_76 = arith.constant 0 : i32
    %add3A_77 = arith.addi %select_n3A, %add3A_76 : i32
    %dma_wait3A = arith.constant 0 : i32
    %dma_wait3A_78 = arith.constant 0 : i32
    %dma_wait3A_79 = arith.constant 0 : i32
    %dma_wait3A_80 = arith.constant 0 : i32
    %dma_wait3A_81 = tpu.memref_slice %arg6[%dma_wait3A, %dma_wait3A_79, %dma_wait3A_80] : memref<6x2x128xi32, #tpu.memory_space<vmem>> -> memref<1x2x128xi32, #tpu.memory_space<vmem>>
    %dma_wait3A_82 = tpu.memref_squeeze %dma_wait3A_81 : memref<1x2x128xi32, #tpu.memory_space<vmem>> -> memref<2x128xi32, #tpu.memory_space<vmem>>
    %dma_wait3A_83 = arith.constant 0 : i32
    %dma_wait3A_84 = arith.constant 0 : i32
    %dma_wait3A_85 = tpu.memref_slice %arg3[%add3A_77, %dma_wait3A_83, %dma_wait3A_84] : memref<2560x2x128xi32, #tpu.memory_space<hbm>> -> memref<1x2x128xi32, #tpu.memory_space<hbm>>
    %dma_wait3A_86 = tpu.memref_squeeze %dma_wait3A_85 : memref<1x2x128xi32, #tpu.memory_space<hbm>> -> memref<2x128xi32, #tpu.memory_space<hbm>>
    %dma_wait3A_87 = tpu.memref_slice %arg9[%dma_wait3A_78] : memref<6x!tpu.dma_semaphore, #tpu.memory_space<semaphore_mem>> -> memref<1x!tpu.dma_semaphore, #tpu.memory_space<semaphore_mem>>
    %dma_wait3A_88 = tpu.memref_squeeze %dma_wait3A_87 : memref<1x!tpu.dma_semaphore, #tpu.memory_space<semaphore_mem>> -> memref<!tpu.dma_semaphore, #tpu.memory_space<semaphore_mem>>
    %dma_wait3A_89 = arith.constant 0 : i32
    %dma_wait3A_90 = arith.constant 0 : i32
    %dma_wait3A_91 = tpu.memref_slice %arg6[%dma_wait3A, %dma_wait3A_89, %dma_wait3A_90] : memref<6x2x128xi32, #tpu.memory_space<vmem>> -> memref<1x2x128xi32, #tpu.memory_space<vmem>>
    %dma_wait3A_92 = tpu.memref_squeeze %dma_wait3A_91 : memref<1x2x128xi32, #tpu.memory_space<vmem>> -> memref<2x128xi32, #tpu.memory_space<vmem>>
    %dma_wait3A_93 = arith.constant 0 : i32
    %dma_wait3A_94 = arith.constant 0 : i32
    %dma_wait3A_95 = tpu.memref_slice %arg3[%add3A_77, %dma_wait3A_93, %dma_wait3A_94] : memref<2560x2x128xi32, #tpu.memory_space<hbm>> -> memref<1x2x128xi32, #tpu.memory_space<hbm>>
    %dma_wait3A_96 = tpu.memref_squeeze %dma_wait3A_95 : memref<1x2x128xi32, #tpu.memory_space<hbm>> -> memref<2x128xi32, #tpu.memory_space<hbm>>
    tpu.wait_dma2 semaphore(%dma_wait3A_88 : memref<!tpu.dma_semaphore, #tpu.memory_space<semaphore_mem>>) src(%dma_wait3A_96 : memref<2x128xi32, #tpu.memory_space<hbm>>) dst(%dma_wait3A_92 : memref<2x128xi32, #tpu.memory_space<vmem>>)
    %dma_start3A_97 = arith.constant 0 : i32
    %dma_start3A_98 = arith.constant 0 : i32
    %dma_start3A_99 = arith.constant 0 : i32
    %dma_start3A_100 = arith.constant 0 : i32
    %dma_start3A_101 = arith.constant 0 : i32
    %dma_start3A_102 = arith.constant 0 : i32
    %dma_start3A_103 = tpu.memref_slice %arg7[%dma_start3A_99, %dma_start3A_101, %dma_start3A_102] : memref<2x128x32xf32, #tpu.memory_space<vmem>> -> memref<1x128x32xf32, #tpu.memory_space<vmem>>
    %dma_start3A_104 = tpu.memref_squeeze %dma_start3A_103 : memref<1x128x32xf32, #tpu.memory_space<vmem>> -> memref<128x32xf32, #tpu.memory_space<vmem>>
    %dma_start3A_105 = arith.constant 0 : i32
    %dma_start3A_106 = tpu.memref_slice %arg6[%dma_start3A_97, %dma_start3A_98, %dma_start3A_105] : memref<6x2x128xi32, #tpu.memory_space<vmem>> -> memref<1x1x128xi32, #tpu.memory_space<vmem>>
    %dma_start3A_107 = tpu.memref_squeeze %dma_start3A_106 : memref<1x1x128xi32, #tpu.memory_space<vmem>> -> memref<128xi32, #tpu.memory_space<vmem>>
    %dma_start3A_108 = arith.constant 0 : i32
    %dma_start3A_109 = arith.constant 0 : i32
    %dma_start3A_110 = tpu.memref_slice %arg2[%dma_start3A_108, %dma_start3A_109] : memref<10000x32xf32, #tpu.memory_space<hbm>> -> memref<10000x32xf32, #tpu.memory_space<hbm>>
    %dma_start3A_111 = tpu.memref_slice %arg10[%dma_start3A_100] : memref<2x!tpu.dma_semaphore, #tpu.memory_space<semaphore_mem>> -> memref<1x!tpu.dma_semaphore, #tpu.memory_space<semaphore_mem>>
    %dma_start3A_112 = tpu.memref_squeeze %dma_start3A_111 : memref<1x!tpu.dma_semaphore, #tpu.memory_space<semaphore_mem>> -> memref<!tpu.dma_semaphore, #tpu.memory_space<semaphore_mem>>
    tpu.enqueue_indirect_dma source(%dma_start3A_110 : memref<10000x32xf32, #tpu.memory_space<hbm>>) target(%dma_start3A_104 : memref<128x32xf32, #tpu.memory_space<vmem>>) offsets(%dma_start3A_107 : memref<128xi32, #tpu.memory_space<vmem>>) semaphore(%dma_start3A_112 : memref<!tpu.dma_semaphore, #tpu.memory_space<semaphore_mem>>)
    %add3A_113 = arith.constant 1 : i32
    %add3A_114 = arith.addi %select_n3A, %add3A_113 : i32
    %dma_wait3A_115 = arith.constant 1 : i32
    %dma_wait3A_116 = arith.constant 1 : i32
    %dma_wait3A_117 = arith.constant 0 : i32
    %dma_wait3A_118 = arith.constant 0 : i32
    %dma_wait3A_119 = tpu.memref_slice %arg6[%dma_wait3A_115, %dma_wait3A_117, %dma_wait3A_118] : memref<6x2x128xi32, #tpu.memory_space<vmem>> -> memref<1x2x128xi32, #tpu.memory_space<vmem>>
    %dma_wait3A_120 = tpu.memref_squeeze %dma_wait3A_119 : memref<1x2x128xi32, #tpu.memory_space<vmem>> -> memref<2x128xi32, #tpu.memory_space<vmem>>
    %dma_wait3A_121 = arith.constant 0 : i32
    %dma_wait3A_122 = arith.constant 0 : i32
    %dma_wait3A_123 = tpu.memref_slice %arg3[%add3A_114, %dma_wait3A_121, %dma_wait3A_122] : memref<2560x2x128xi32, #tpu.memory_space<hbm>> -> memref<1x2x128xi32, #tpu.memory_space<hbm>>
    %dma_wait3A_124 = tpu.memref_squeeze %dma_wait3A_123 : memref<1x2x128xi32, #tpu.memory_space<hbm>> -> memref<2x128xi32, #tpu.memory_space<hbm>>
    %dma_wait3A_125 = tpu.memref_slice %arg9[%dma_wait3A_116] : memref<6x!tpu.dma_semaphore, #tpu.memory_space<semaphore_mem>> -> memref<1x!tpu.dma_semaphore, #tpu.memory_space<semaphore_mem>>
    %dma_wait3A_126 = tpu.memref_squeeze %dma_wait3A_125 : memref<1x!tpu.dma_semaphore, #tpu.memory_space<semaphore_mem>> -> memref<!tpu.dma_semaphore, #tpu.memory_space<semaphore_mem>>
    %dma_wait3A_127 = arith.constant 0 : i32
    %dma_wait3A_128 = arith.constant 0 : i32
    %dma_wait3A_129 = tpu.memref_slice %arg6[%dma_wait3A_115, %dma_wait3A_127, %dma_wait3A_128] : memref<6x2x128xi32, #tpu.memory_space<vmem>> -> memref<1x2x128xi32, #tpu.memory_space<vmem>>
    %dma_wait3A_130 = tpu.memref_squeeze %dma_wait3A_129 : memref<1x2x128xi32, #tpu.memory_space<vmem>> -> memref<2x128xi32, #tpu.memory_space<vmem>>
    %dma_wait3A_131 = arith.constant 0 : i32
    %dma_wait3A_132 = arith.constant 0 : i32
    %dma_wait3A_133 = tpu.memref_slice %arg3[%add3A_114, %dma_wait3A_131, %dma_wait3A_132] : memref<2560x2x128xi32, #tpu.memory_space<hbm>> -> memref<1x2x128xi32, #tpu.memory_space<hbm>>
    %dma_wait3A_134 = tpu.memref_squeeze %dma_wait3A_133 : memref<1x2x128xi32, #tpu.memory_space<hbm>> -> memref<2x128xi32, #tpu.memory_space<hbm>>
    tpu.wait_dma2 semaphore(%dma_wait3A_126 : memref<!tpu.dma_semaphore, #tpu.memory_space<semaphore_mem>>) src(%dma_wait3A_134 : memref<2x128xi32, #tpu.memory_space<hbm>>) dst(%dma_wait3A_130 : memref<2x128xi32, #tpu.memory_space<vmem>>)
    %dma_start3A_135 = arith.constant 1 : i32
    %dma_start3A_136 = arith.constant 0 : i32
    %dma_start3A_137 = arith.constant 1 : i32
    %dma_start3A_138 = arith.constant 1 : i32
    %dma_start3A_139 = arith.constant 0 : i32
    %dma_start3A_140 = arith.constant 0 : i32
    %dma_start3A_141 = tpu.memref_slice %arg7[%dma_start3A_137, %dma_start3A_139, %dma_start3A_140] : memref<2x128x32xf32, #tpu.memory_space<vmem>> -> memref<1x128x32xf32, #tpu.memory_space<vmem>>
    %dma_start3A_142 = tpu.memref_squeeze %dma_start3A_141 : memref<1x128x32xf32, #tpu.memory_space<vmem>> -> memref<128x32xf32, #tpu.memory_space<vmem>>
    %dma_start3A_143 = arith.constant 0 : i32
    %dma_start3A_144 = tpu.memref_slice %arg6[%dma_start3A_135, %dma_start3A_136, %dma_start3A_143] : memref<6x2x128xi32, #tpu.memory_space<vmem>> -> memref<1x1x128xi32, #tpu.memory_space<vmem>>
    %dma_start3A_145 = tpu.memref_squeeze %dma_start3A_144 : memref<1x1x128xi32, #tpu.memory_space<vmem>> -> memref<128xi32, #tpu.memory_space<vmem>>
    %dma_start3A_146 = arith.constant 0 : i32
    %dma_start3A_147 = arith.constant 0 : i32
    %dma_start3A_148 = tpu.memref_slice %arg2[%dma_start3A_146, %dma_start3A_147] : memref<10000x32xf32, #tpu.memory_space<hbm>> -> memref<10000x32xf32, #tpu.memory_space<hbm>>
    %dma_start3A_149 = tpu.memref_slice %arg10[%dma_start3A_138] : memref<2x!tpu.dma_semaphore, #tpu.memory_space<semaphore_mem>> -> memref<1x!tpu.dma_semaphore, #tpu.memory_space<semaphore_mem>>
    %dma_start3A_150 = tpu.memref_squeeze %dma_start3A_149 : memref<1x!tpu.dma_semaphore, #tpu.memory_space<semaphore_mem>> -> memref<!tpu.dma_semaphore, #tpu.memory_space<semaphore_mem>>
    tpu.enqueue_indirect_dma source(%dma_start3A_148 : memref<10000x32xf32, #tpu.memory_space<hbm>>) target(%dma_start3A_142 : memref<128x32xf32, #tpu.memory_space<vmem>>) offsets(%dma_start3A_145 : memref<128xi32, #tpu.memory_space<vmem>>) semaphore(%dma_start3A_150 : memref<!tpu.dma_semaphore, #tpu.memory_space<semaphore_mem>>)
    %while3A = arith.constant 0 : i32
    %while3A_151 = arith.constant 0 : i32
    %while3A_152 = arith.subi %select_n3A_10, %while3A : i32
    %while3A_153 = arith.addi %while3A, %while3A_152 : i32
    %while3A_154 = arith.constant 1 : i32
    %while3A_155 = arith.divsi %while3A_152, %while3A_154 : i32
    %while3A_156 = arith.muli %while3A_155, %while3A_154 : i32
    %while3A_157 = arith.addi %while3A, %while3A_156 : i32
    %while3A_158 = arith.constant 1 : i32
    %while3A_159 = scf.for %while3A_194 = %while3A to %while3A_157 step %while3A_158 iter_args(%while3A_195 = %while3A_151) -> (i32)  : i32 {
      %jit3A_196 = arith.constant 2 : i32
      %eq3A_197 = arith.constant 0 : i32
      %eq3A_198 = arith.cmpi eq, %jit3A_196, %eq3A_197 : i32
      %jit3A_199 = arith.constant 1 : i32
      %select_n3A_200 = arith.select %eq3A_198, %jit3A_199, %jit3A_196 : i32
      %rem3A_201 = arith.remsi %while3A_194, %select_n3A_200 : i32
      %ne3A_202 = arith.constant 0 : i32
      %ne3A_203 = arith.cmpi ne, %rem3A_201, %ne3A_202 : i32
      %lt3A_204 = arith.constant 0 : i32
      %lt3A_205 = arith.cmpi slt, %rem3A_201, %lt3A_204 : i32
      %lt3A_206 = arith.constant 0 : i32
      %lt3A_207 = arith.cmpi slt, %select_n3A_200, %lt3A_206 : i32
      %ne3A_208 = arith.xori %lt3A_205, %lt3A_207 : i1
      %and3A_209 = arith.andi %ne3A_208, %ne3A_203 : i1
      %add3A_210 = arith.addi %rem3A_201, %select_n3A_200 : i32
      %select_n3A_211 = arith.select %and3A_209, %add3A_210, %rem3A_201 : i32
      %jit3A_212 = arith.constant 6 : i32
      %eq3A_213 = arith.constant 0 : i32
      %eq3A_214 = arith.cmpi eq, %jit3A_212, %eq3A_213 : i32
      %jit3A_215 = arith.constant 1 : i32
      %select_n3A_216 = arith.select %eq3A_214, %jit3A_215, %jit3A_212 : i32
      %rem3A_217 = arith.remsi %while3A_194, %select_n3A_216 : i32
      %ne3A_218 = arith.constant 0 : i32
      %ne3A_219 = arith.cmpi ne, %rem3A_217, %ne3A_218 : i32
      %lt3A_220 = arith.constant 0 : i32
      %lt3A_221 = arith.cmpi slt, %rem3A_217, %lt3A_220 : i32
      %lt3A_222 = arith.constant 0 : i32
      %lt3A_223 = arith.cmpi slt, %select_n3A_216, %lt3A_222 : i32
      %ne3A_224 = arith.xori %lt3A_221, %lt3A_223 : i1
      %and3A_225 = arith.andi %ne3A_224, %ne3A_219 : i1
      %add3A_226 = arith.addi %rem3A_217, %select_n3A_216 : i32
      %select_n3A_227 = arith.select %and3A_225, %add3A_226, %rem3A_217 : i32
      %dma_wait3A_228 = arith.constant 0 : i32
      %dma_wait3A_229 = arith.constant 0 : i32
      %dma_wait3A_230 = arith.constant 0 : i32
      %dma_wait3A_231 = tpu.memref_slice %arg7[%select_n3A_211, %dma_wait3A_229, %dma_wait3A_230] : memref<2x128x32xf32, #tpu.memory_space<vmem>> -> memref<1x128x32xf32, #tpu.memory_space<vmem>>
      %dma_wait3A_232 = tpu.memref_squeeze %dma_wait3A_231 : memref<1x128x32xf32, #tpu.memory_space<vmem>> -> memref<128x32xf32, #tpu.memory_space<vmem>>
      %dma_wait3A_233 = arith.constant 0 : i32
      %dma_wait3A_234 = tpu.memref_slice %arg6[%select_n3A_227, %dma_wait3A_228, %dma_wait3A_233] : memref<6x2x128xi32, #tpu.memory_space<vmem>> -> memref<1x1x128xi32, #tpu.memory_space<vmem>>
      %dma_wait3A_235 = tpu.memref_squeeze %dma_wait3A_234 : memref<1x1x128xi32, #tpu.memory_space<vmem>> -> memref<128xi32, #tpu.memory_space<vmem>>
      %dma_wait3A_236 = arith.constant 0 : i32
      %dma_wait3A_237 = arith.constant 0 : i32
      %dma_wait3A_238 = tpu.memref_slice %arg2[%dma_wait3A_236, %dma_wait3A_237] : memref<10000x32xf32, #tpu.memory_space<hbm>> -> memref<10000x32xf32, #tpu.memory_space<hbm>>
      %dma_wait3A_239 = tpu.memref_slice %arg10[%select_n3A_211] : memref<2x!tpu.dma_semaphore, #tpu.memory_space<semaphore_mem>> -> memref<1x!tpu.dma_semaphore, #tpu.memory_space<semaphore_mem>>
      %dma_wait3A_240 = tpu.memref_squeeze %dma_wait3A_239 : memref<1x!tpu.dma_semaphore, #tpu.memory_space<semaphore_mem>> -> memref<!tpu.dma_semaphore, #tpu.memory_space<semaphore_mem>>
      tpu.wait_indirect_dma semaphore(%dma_wait3A_240 : memref<!tpu.dma_semaphore, #tpu.memory_space<semaphore_mem>>) src(%dma_wait3A_238 : memref<10000x32xf32, #tpu.memory_space<hbm>>) dst(%dma_wait3A_232 : memref<128x32xf32, #tpu.memory_space<vmem>>)
      %add3A_241 = arith.constant 3 : i32
      %add3A_242 = arith.addi %while3A_194, %add3A_241 : i32
      %lt3A_243 = arith.cmpi slt, %add3A_242, %select_n3A_10 : i32
      %convert_element_type3A = arith.extui %lt3A_243 : i1 to i32
      %cond3A = arith.constant 0 : i32
      %cond3A_244 = arith.cmpi ne, %convert_element_type3A, %cond3A : i32
      scf.if %cond3A_244 {
        %jit3A_279 = arith.constant 6 : i32
        %eq3A_280 = arith.constant 0 : i32
        %eq3A_281 = arith.cmpi eq, %jit3A_279, %eq3A_280 : i32
        %jit3A_282 = arith.constant 1 : i32
        %select_n3A_283 = arith.select %eq3A_281, %jit3A_282, %jit3A_279 : i32
        %rem3A_284 = arith.remsi %add3A_242, %select_n3A_283 : i32
        %ne3A_285 = arith.constant 0 : i32
        %ne3A_286 = arith.cmpi ne, %rem3A_284, %ne3A_285 : i32
        %lt3A_287 = arith.constant 0 : i32
        %lt3A_288 = arith.cmpi slt, %rem3A_284, %lt3A_287 : i32
        %lt3A_289 = arith.constant 0 : i32
        %lt3A_290 = arith.cmpi slt, %select_n3A_283, %lt3A_289 : i32
        %ne3A_291 = arith.xori %lt3A_288, %lt3A_290 : i1
        %and3A_292 = arith.andi %ne3A_291, %ne3A_286 : i1
        %add3A_293 = arith.addi %rem3A_284, %select_n3A_283 : i32
        %select_n3A_294 = arith.select %and3A_292, %add3A_293, %rem3A_284 : i32
        %add3A_295 = arith.addi %select_n3A, %add3A_242 : i32
        %dma_start3A_296 = arith.constant 0 : i32
        %dma_start3A_297 = arith.constant 0 : i32
        %dma_start3A_298 = tpu.memref_slice %arg6[%select_n3A_294, %dma_start3A_296, %dma_start3A_297] : memref<6x2x128xi32, #tpu.memory_space<vmem>> -> memref<1x2x128xi32, #tpu.memory_space<vmem>>
        %dma_start3A_299 = tpu.memref_squeeze %dma_start3A_298 : memref<1x2x128xi32, #tpu.memory_space<vmem>> -> memref<2x128xi32, #tpu.memory_space<vmem>>
        %dma_start3A_300 = arith.constant 0 : i32
        %dma_start3A_301 = arith.constant 0 : i32
        %dma_start3A_302 = tpu.memref_slice %arg3[%add3A_295, %dma_start3A_300, %dma_start3A_301] : memref<2560x2x128xi32, #tpu.memory_space<hbm>> -> memref<1x2x128xi32, #tpu.memory_space<hbm>>
        %dma_start3A_303 = tpu.memref_squeeze %dma_start3A_302 : memref<1x2x128xi32, #tpu.memory_space<hbm>> -> memref<2x128xi32, #tpu.memory_space<hbm>>
        %dma_start3A_304 = tpu.memref_slice %arg9[%select_n3A_294] : memref<6x!tpu.dma_semaphore, #tpu.memory_space<semaphore_mem>> -> memref<1x!tpu.dma_semaphore, #tpu.memory_space<semaphore_mem>>
        %dma_start3A_305 = tpu.memref_squeeze %dma_start3A_304 : memref<1x!tpu.dma_semaphore, #tpu.memory_space<semaphore_mem>> -> memref<!tpu.dma_semaphore, #tpu.memory_space<semaphore_mem>>
        %dma_start3A_306 = arith.constant 0 : i32
        %dma_start3A_307 = arith.constant 0 : i32
        %dma_start3A_308 = tpu.memref_slice %arg6[%select_n3A_294, %dma_start3A_306, %dma_start3A_307] : memref<6x2x128xi32, #tpu.memory_space<vmem>> -> memref<1x2x128xi32, #tpu.memory_space<vmem>>
        %dma_start3A_309 = tpu.memref_squeeze %dma_start3A_308 : memref<1x2x128xi32, #tpu.memory_space<vmem>> -> memref<2x128xi32, #tpu.memory_space<vmem>>
        %dma_start3A_310 = arith.constant 0 : i32
        %dma_start3A_311 = arith.constant 0 : i32
        %dma_start3A_312 = tpu.memref_slice %arg3[%add3A_295, %dma_start3A_310, %dma_start3A_311] : memref<2560x2x128xi32, #tpu.memory_space<hbm>> -> memref<1x2x128xi32, #tpu.memory_space<hbm>>
        %dma_start3A_313 = tpu.memref_squeeze %dma_start3A_312 : memref<1x2x128xi32, #tpu.memory_space<hbm>> -> memref<2x128xi32, #tpu.memory_space<hbm>>
        tpu.enqueue_dma source(%dma_start3A_313 : memref<2x128xi32, #tpu.memory_space<hbm>>) target(%dma_start3A_309 : memref<2x128xi32, #tpu.memory_space<vmem>>) target_semaphore(%dma_start3A_305 : memref<!tpu.dma_semaphore, #tpu.memory_space<semaphore_mem>>)
      } else {
      }
      %jit3A_245 = arith.constant 6 : i32
      %eq3A_246 = arith.constant 0 : i32
      %eq3A_247 = arith.cmpi eq, %jit3A_245, %eq3A_246 : i32
      %jit3A_248 = arith.constant 1 : i32
      %select_n3A_249 = arith.select %eq3A_247, %jit3A_248, %jit3A_245 : i32
      %rem3A_250 = arith.remsi %while3A_194, %select_n3A_249 : i32
      %ne3A_251 = arith.constant 0 : i32
      %ne3A_252 = arith.cmpi ne, %rem3A_250, %ne3A_251 : i32
      %lt3A_253 = arith.constant 0 : i32
      %lt3A_254 = arith.cmpi slt, %rem3A_250, %lt3A_253 : i32
      %lt3A_255 = arith.constant 0 : i32
      %lt3A_256 = arith.cmpi slt, %select_n3A_249, %lt3A_255 : i32
      %ne3A_257 = arith.xori %lt3A_254, %lt3A_256 : i1
      %and3A_258 = arith.andi %ne3A_257, %ne3A_252 : i1
      %add3A_259 = arith.addi %rem3A_250, %select_n3A_249 : i32
      %select_n3A_260 = arith.select %and3A_258, %add3A_259, %rem3A_250 : i32
      %dma_start3A_261 = arith.constant 1 : i32
      %dma_start3A_262 = arith.constant 0 : i32
      %dma_start3A_263 = arith.constant 0 : i32
      %dma_start3A_264 = tpu.memref_slice %arg7[%select_n3A_211, %dma_start3A_262, %dma_start3A_263] : memref<2x128x32xf32, #tpu.memory_space<vmem>> -> memref<1x128x32xf32, #tpu.memory_space<vmem>>
      %dma_start3A_265 = tpu.memref_squeeze %dma_start3A_264 : memref<1x128x32xf32, #tpu.memory_space<vmem>> -> memref<128x32xf32, #tpu.memory_space<vmem>>
      %dma_start3A_266 = arith.constant 0 : i32
      %dma_start3A_267 = tpu.memref_slice %arg6[%select_n3A_260, %dma_start3A_261, %dma_start3A_266] : memref<6x2x128xi32, #tpu.memory_space<vmem>> -> memref<1x1x128xi32, #tpu.memory_space<vmem>>
      %dma_start3A_268 = tpu.memref_squeeze %dma_start3A_267 : memref<1x1x128xi32, #tpu.memory_space<vmem>> -> memref<128xi32, #tpu.memory_space<vmem>>
      %dma_start3A_269 = arith.constant 0 : i32
      %dma_start3A_270 = arith.constant 0 : i32
      %dma_start3A_271 = tpu.memref_slice %arg8[%dma_start3A_269, %dma_start3A_270] : memref<10016x32xf32, #tpu.memory_space<vmem_shared>> -> memref<10016x32xf32, #tpu.memory_space<vmem_shared>>
      %dma_start3A_272 = tpu.memref_slice %arg11[%select_n3A_211] : memref<2x!tpu.dma_semaphore, #tpu.memory_space<semaphore_mem>> -> memref<1x!tpu.dma_semaphore, #tpu.memory_space<semaphore_mem>>
      %dma_start3A_273 = tpu.memref_squeeze %dma_start3A_272 : memref<1x!tpu.dma_semaphore, #tpu.memory_space<semaphore_mem>> -> memref<!tpu.dma_semaphore, #tpu.memory_space<semaphore_mem>>
      tpu.enqueue_indirect_dma source(%dma_start3A_265 : memref<128x32xf32, #tpu.memory_space<vmem>>) target(%dma_start3A_271 : memref<10016x32xf32, #tpu.memory_space<vmem_shared>>) offsets(%dma_start3A_268 : memref<128xi32, #tpu.memory_space<vmem>>) semaphore(%dma_start3A_273 : memref<!tpu.dma_semaphore, #tpu.memory_space<semaphore_mem>>) {add = true}
      %ge3A = arith.constant 1 : i32
      %ge3A_274 = arith.cmpi sge, %while3A_194, %ge3A : i32
      %convert_element_type3A_275 = arith.extui %ge3A_274 : i1 to i32
      %cond3A_276 = arith.constant 0 : i32
      %cond3A_277 = arith.cmpi ne, %convert_element_type3A_275, %cond3A_276 : i32
      scf.if %cond3A_277 {
        %sub3A_279 = arith.constant 1 : i32
        %sub3A_280 = arith.subi %while3A_194, %sub3A_279 : i32
        %jit3A_281 = arith.constant 2 : i32
        %eq3A_282 = arith.constant 0 : i32
        %eq3A_283 = arith.cmpi eq, %jit3A_281, %eq3A_282 : i32
        %jit3A_284 = arith.constant 1 : i32
        %select_n3A_285 = arith.select %eq3A_283, %jit3A_284, %jit3A_281 : i32
        %rem3A_286 = arith.remsi %sub3A_280, %select_n3A_285 : i32
        %ne3A_287 = arith.constant 0 : i32
        %ne3A_288 = arith.cmpi ne, %rem3A_286, %ne3A_287 : i32
        %lt3A_289 = arith.constant 0 : i32
        %lt3A_290 = arith.cmpi slt, %rem3A_286, %lt3A_289 : i32
        %lt3A_291 = arith.constant 0 : i32
        %lt3A_292 = arith.cmpi slt, %select_n3A_285, %lt3A_291 : i32
        %ne3A_293 = arith.xori %lt3A_290, %lt3A_292 : i1
        %and3A_294 = arith.andi %ne3A_293, %ne3A_288 : i1
        %add3A_295 = arith.addi %rem3A_286, %select_n3A_285 : i32
        %select_n3A_296 = arith.select %and3A_294, %add3A_295, %rem3A_286 : i32
        %dma_wait3A_297 = arith.constant 0 : i32
        %dma_wait3A_298 = arith.constant 0 : i32
        %dma_wait3A_299 = tpu.memref_slice %arg7[%select_n3A_296, %dma_wait3A_297, %dma_wait3A_298] : memref<2x128x32xf32, #tpu.memory_space<vmem>> -> memref<1x128x32xf32, #tpu.memory_space<vmem>>
        %dma_wait3A_300 = tpu.memref_squeeze %dma_wait3A_299 : memref<1x128x32xf32, #tpu.memory_space<vmem>> -> memref<128x32xf32, #tpu.memory_space<vmem>>
        %dma_wait3A_301 = arith.constant 0 : i32
        %dma_wait3A_302 = arith.constant 0 : i32
        %dma_wait3A_303 = tpu.memref_slice %arg2[%dma_wait3A_301, %dma_wait3A_302] : memref<10000x32xf32, #tpu.memory_space<hbm>> -> memref<128x32xf32, #tpu.memory_space<hbm>>
        %dma_wait3A_304 = tpu.memref_slice %arg11[%select_n3A_296] : memref<2x!tpu.dma_semaphore, #tpu.memory_space<semaphore_mem>> -> memref<1x!tpu.dma_semaphore, #tpu.memory_space<semaphore_mem>>
        %dma_wait3A_305 = tpu.memref_squeeze %dma_wait3A_304 : memref<1x!tpu.dma_semaphore, #tpu.memory_space<semaphore_mem>> -> memref<!tpu.dma_semaphore, #tpu.memory_space<semaphore_mem>>
        %dma_wait3A_306 = arith.constant 0 : i32
        %dma_wait3A_307 = arith.constant 0 : i32
        %dma_wait3A_308 = tpu.memref_slice %arg7[%select_n3A_296, %dma_wait3A_306, %dma_wait3A_307] : memref<2x128x32xf32, #tpu.memory_space<vmem>> -> memref<1x128x32xf32, #tpu.memory_space<vmem>>
        %dma_wait3A_309 = tpu.memref_squeeze %dma_wait3A_308 : memref<1x128x32xf32, #tpu.memory_space<vmem>> -> memref<128x32xf32, #tpu.memory_space<vmem>>
        %dma_wait3A_310 = arith.constant 0 : i32
        %dma_wait3A_311 = arith.constant 0 : i32
        %dma_wait3A_312 = tpu.memref_slice %arg2[%dma_wait3A_310, %dma_wait3A_311] : memref<10000x32xf32, #tpu.memory_space<hbm>> -> memref<128x32xf32, #tpu.memory_space<hbm>>
        tpu.wait_dma2 semaphore(%dma_wait3A_305 : memref<!tpu.dma_semaphore, #tpu.memory_space<semaphore_mem>>) src(%dma_wait3A_312 : memref<128x32xf32, #tpu.memory_space<hbm>>) dst(%dma_wait3A_309 : memref<128x32xf32, #tpu.memory_space<vmem>>)
        %sub3A_313 = arith.constant 1 : i32
        %sub3A_314 = arith.subi %while3A_194, %sub3A_313 : i32
        %add3A_315 = arith.constant 2 : i32
        %add3A_316 = arith.addi %sub3A_314, %add3A_315 : i32
        %lt3A_317 = arith.cmpi slt, %add3A_316, %select_n3A_10 : i32
        %convert_element_type3A_318 = arith.extui %lt3A_317 : i1 to i32
        %cond3A_319 = arith.constant 0 : i32
        %cond3A_320 = arith.cmpi ne, %convert_element_type3A_318, %cond3A_319 : i32
        scf.if %cond3A_320 {
          %jit3A_321 = arith.constant 6 : i32
          %eq3A_322 = arith.constant 0 : i32
          %eq3A_323 = arith.cmpi eq, %jit3A_321, %eq3A_322 : i32
          %jit3A_324 = arith.constant 1 : i32
          %select_n3A_325 = arith.select %eq3A_323, %jit3A_324, %jit3A_321 : i32
          %rem3A_326 = arith.remsi %add3A_316, %select_n3A_325 : i32
          %ne3A_327 = arith.constant 0 : i32
          %ne3A_328 = arith.cmpi ne, %rem3A_326, %ne3A_327 : i32
          %lt3A_329 = arith.constant 0 : i32
          %lt3A_330 = arith.cmpi slt, %rem3A_326, %lt3A_329 : i32
          %lt3A_331 = arith.constant 0 : i32
          %lt3A_332 = arith.cmpi slt, %select_n3A_325, %lt3A_331 : i32
          %ne3A_333 = arith.xori %lt3A_330, %lt3A_332 : i1
          %and3A_334 = arith.andi %ne3A_333, %ne3A_328 : i1
          %add3A_335 = arith.addi %rem3A_326, %select_n3A_325 : i32
          %select_n3A_336 = arith.select %and3A_334, %add3A_335, %rem3A_326 : i32
          %add3A_337 = arith.addi %select_n3A, %add3A_316 : i32
          %dma_wait3A_338 = arith.constant 0 : i32
          %dma_wait3A_339 = arith.constant 0 : i32
          %dma_wait3A_340 = tpu.memref_slice %arg6[%select_n3A_336, %dma_wait3A_338, %dma_wait3A_339] : memref<6x2x128xi32, #tpu.memory_space<vmem>> -> memref<1x2x128xi32, #tpu.memory_space<vmem>>
          %dma_wait3A_341 = tpu.memref_squeeze %dma_wait3A_340 : memref<1x2x128xi32, #tpu.memory_space<vmem>> -> memref<2x128xi32, #tpu.memory_space<vmem>>
          %dma_wait3A_342 = arith.constant 0 : i32
          %dma_wait3A_343 = arith.constant 0 : i32
          %dma_wait3A_344 = tpu.memref_slice %arg3[%add3A_337, %dma_wait3A_342, %dma_wait3A_343] : memref<2560x2x128xi32, #tpu.memory_space<hbm>> -> memref<1x2x128xi32, #tpu.memory_space<hbm>>
          %dma_wait3A_345 = tpu.memref_squeeze %dma_wait3A_344 : memref<1x2x128xi32, #tpu.memory_space<hbm>> -> memref<2x128xi32, #tpu.memory_space<hbm>>
          %dma_wait3A_346 = tpu.memref_slice %arg9[%select_n3A_336] : memref<6x!tpu.dma_semaphore, #tpu.memory_space<semaphore_mem>> -> memref<1x!tpu.dma_semaphore, #tpu.memory_space<semaphore_mem>>
          %dma_wait3A_347 = tpu.memref_squeeze %dma_wait3A_346 : memref<1x!tpu.dma_semaphore, #tpu.memory_space<semaphore_mem>> -> memref<!tpu.dma_semaphore, #tpu.memory_space<semaphore_mem>>
          %dma_wait3A_348 = arith.constant 0 : i32
          %dma_wait3A_349 = arith.constant 0 : i32
          %dma_wait3A_350 = tpu.memref_slice %arg6[%select_n3A_336, %dma_wait3A_348, %dma_wait3A_349] : memref<6x2x128xi32, #tpu.memory_space<vmem>> -> memref<1x2x128xi32, #tpu.memory_space<vmem>>
          %dma_wait3A_351 = tpu.memref_squeeze %dma_wait3A_350 : memref<1x2x128xi32, #tpu.memory_space<vmem>> -> memref<2x128xi32, #tpu.memory_space<vmem>>
          %dma_wait3A_352 = arith.constant 0 : i32
          %dma_wait3A_353 = arith.constant 0 : i32
          %dma_wait3A_354 = tpu.memref_slice %arg3[%add3A_337, %dma_wait3A_352, %dma_wait3A_353] : memref<2560x2x128xi32, #tpu.memory_space<hbm>> -> memref<1x2x128xi32, #tpu.memory_space<hbm>>
          %dma_wait3A_355 = tpu.memref_squeeze %dma_wait3A_354 : memref<1x2x128xi32, #tpu.memory_space<hbm>> -> memref<2x128xi32, #tpu.memory_space<hbm>>
          tpu.wait_dma2 semaphore(%dma_wait3A_347 : memref<!tpu.dma_semaphore, #tpu.memory_space<semaphore_mem>>) src(%dma_wait3A_355 : memref<2x128xi32, #tpu.memory_space<hbm>>) dst(%dma_wait3A_351 : memref<2x128xi32, #tpu.memory_space<vmem>>)
          %jit3A_356 = arith.constant 6 : i32
          %eq3A_357 = arith.constant 0 : i32
          %eq3A_358 = arith.cmpi eq, %jit3A_356, %eq3A_357 : i32
          %jit3A_359 = arith.constant 1 : i32
          %select_n3A_360 = arith.select %eq3A_358, %jit3A_359, %jit3A_356 : i32
          %rem3A_361 = arith.remsi %add3A_316, %select_n3A_360 : i32
          %ne3A_362 = arith.constant 0 : i32
          %ne3A_363 = arith.cmpi ne, %rem3A_361, %ne3A_362 : i32
          %lt3A_364 = arith.constant 0 : i32
          %lt3A_365 = arith.cmpi slt, %rem3A_361, %lt3A_364 : i32
          %lt3A_366 = arith.constant 0 : i32
          %lt3A_367 = arith.cmpi slt, %select_n3A_360, %lt3A_366 : i32
          %ne3A_368 = arith.xori %lt3A_365, %lt3A_367 : i1
          %and3A_369 = arith.andi %ne3A_368, %ne3A_363 : i1
          %add3A_370 = arith.addi %rem3A_361, %select_n3A_360 : i32
          %select_n3A_371 = arith.select %and3A_369, %add3A_370, %rem3A_361 : i32
          %dma_start3A_372 = arith.constant 0 : i32
          %dma_start3A_373 = arith.constant 0 : i32
          %dma_start3A_374 = arith.constant 0 : i32
          %dma_start3A_375 = tpu.memref_slice %arg7[%select_n3A_296, %dma_start3A_373, %dma_start3A_374] : memref<2x128x32xf32, #tpu.memory_space<vmem>> -> memref<1x128x32xf32, #tpu.memory_space<vmem>>
          %dma_start3A_376 = tpu.memref_squeeze %dma_start3A_375 : memref<1x128x32xf32, #tpu.memory_space<vmem>> -> memref<128x32xf32, #tpu.memory_space<vmem>>
          %dma_start3A_377 = arith.constant 0 : i32
          %dma_start3A_378 = tpu.memref_slice %arg6[%select_n3A_371, %dma_start3A_372, %dma_start3A_377] : memref<6x2x128xi32, #tpu.memory_space<vmem>> -> memref<1x1x128xi32, #tpu.memory_space<vmem>>
          %dma_start3A_379 = tpu.memref_squeeze %dma_start3A_378 : memref<1x1x128xi32, #tpu.memory_space<vmem>> -> memref<128xi32, #tpu.memory_space<vmem>>
          %dma_start3A_380 = arith.constant 0 : i32
          %dma_start3A_381 = arith.constant 0 : i32
          %dma_start3A_382 = tpu.memref_slice %arg2[%dma_start3A_380, %dma_start3A_381] : memref<10000x32xf32, #tpu.memory_space<hbm>> -> memref<10000x32xf32, #tpu.memory_space<hbm>>
          %dma_start3A_383 = tpu.memref_slice %arg10[%select_n3A_296] : memref<2x!tpu.dma_semaphore, #tpu.memory_space<semaphore_mem>> -> memref<1x!tpu.dma_semaphore, #tpu.memory_space<semaphore_mem>>
          %dma_start3A_384 = tpu.memref_squeeze %dma_start3A_383 : memref<1x!tpu.dma_semaphore, #tpu.memory_space<semaphore_mem>> -> memref<!tpu.dma_semaphore, #tpu.memory_space<semaphore_mem>>
          tpu.enqueue_indirect_dma source(%dma_start3A_382 : memref<10000x32xf32, #tpu.memory_space<hbm>>) target(%dma_start3A_376 : memref<128x32xf32, #tpu.memory_space<vmem>>) offsets(%dma_start3A_379 : memref<128xi32, #tpu.memory_space<vmem>>) semaphore(%dma_start3A_384 : memref<!tpu.dma_semaphore, #tpu.memory_space<semaphore_mem>>)
        } else {
        }
      } else {
      }
      %while3A_278 = arith.constant 0 : i32
      scf.yield %while3A_278 : i32
    }
    %while3A_160 = arith.constant 1 : i32
    %while3A_161 = scf.for %while3A_194 = %while3A_157 to %while3A_153 step %while3A_160 iter_args(%while3A_195 = %while3A_159) -> (i32)  : i32 {
      %jit3A_196 = arith.constant 2 : i32
      %eq3A_197 = arith.constant 0 : i32
      %eq3A_198 = arith.cmpi eq, %jit3A_196, %eq3A_197 : i32
      %jit3A_199 = arith.constant 1 : i32
      %select_n3A_200 = arith.select %eq3A_198, %jit3A_199, %jit3A_196 : i32
      %rem3A_201 = arith.remsi %while3A_194, %select_n3A_200 : i32
      %ne3A_202 = arith.constant 0 : i32
      %ne3A_203 = arith.cmpi ne, %rem3A_201, %ne3A_202 : i32
      %lt3A_204 = arith.constant 0 : i32
      %lt3A_205 = arith.cmpi slt, %rem3A_201, %lt3A_204 : i32
      %lt3A_206 = arith.constant 0 : i32
      %lt3A_207 = arith.cmpi slt, %select_n3A_200, %lt3A_206 : i32
      %ne3A_208 = arith.xori %lt3A_205, %lt3A_207 : i1
      %and3A_209 = arith.andi %ne3A_208, %ne3A_203 : i1
      %add3A_210 = arith.addi %rem3A_201, %select_n3A_200 : i32
      %select_n3A_211 = arith.select %and3A_209, %add3A_210, %rem3A_201 : i32
      %jit3A_212 = arith.constant 6 : i32
      %eq3A_213 = arith.constant 0 : i32
      %eq3A_214 = arith.cmpi eq, %jit3A_212, %eq3A_213 : i32
      %jit3A_215 = arith.constant 1 : i32
      %select_n3A_216 = arith.select %eq3A_214, %jit3A_215, %jit3A_212 : i32
      %rem3A_217 = arith.remsi %while3A_194, %select_n3A_216 : i32
      %ne3A_218 = arith.constant 0 : i32
      %ne3A_219 = arith.cmpi ne, %rem3A_217, %ne3A_218 : i32
      %lt3A_220 = arith.constant 0 : i32
      %lt3A_221 = arith.cmpi slt, %rem3A_217, %lt3A_220 : i32
      %lt3A_222 = arith.constant 0 : i32
      %lt3A_223 = arith.cmpi slt, %select_n3A_216, %lt3A_222 : i32
      %ne3A_224 = arith.xori %lt3A_221, %lt3A_223 : i1
      %and3A_225 = arith.andi %ne3A_224, %ne3A_219 : i1
      %add3A_226 = arith.addi %rem3A_217, %select_n3A_216 : i32
      %select_n3A_227 = arith.select %and3A_225, %add3A_226, %rem3A_217 : i32
      %dma_wait3A_228 = arith.constant 0 : i32
      %dma_wait3A_229 = arith.constant 0 : i32
      %dma_wait3A_230 = arith.constant 0 : i32
      %dma_wait3A_231 = tpu.memref_slice %arg7[%select_n3A_211, %dma_wait3A_229, %dma_wait3A_230] : memref<2x128x32xf32, #tpu.memory_space<vmem>> -> memref<1x128x32xf32, #tpu.memory_space<vmem>>
      %dma_wait3A_232 = tpu.memref_squeeze %dma_wait3A_231 : memref<1x128x32xf32, #tpu.memory_space<vmem>> -> memref<128x32xf32, #tpu.memory_space<vmem>>
      %dma_wait3A_233 = arith.constant 0 : i32
      %dma_wait3A_234 = tpu.memref_slice %arg6[%select_n3A_227, %dma_wait3A_228, %dma_wait3A_233] : memref<6x2x128xi32, #tpu.memory_space<vmem>> -> memref<1x1x128xi32, #tpu.memory_space<vmem>>
      %dma_wait3A_235 = tpu.memref_squeeze %dma_wait3A_234 : memref<1x1x128xi32, #tpu.memory_space<vmem>> -> memref<128xi32, #tpu.memory_space<vmem>>
      %dma_wait3A_236 = arith.constant 0 : i32
      %dma_wait3A_237 = arith.constant 0 : i32
      %dma_wait3A_238 = tpu.memref_slice %arg2[%dma_wait3A_236, %dma_wait3A_237] : memref<10000x32xf32, #tpu.memory_space<hbm>> -> memref<10000x32xf32, #tpu.memory_space<hbm>>
      %dma_wait3A_239 = tpu.memref_slice %arg10[%select_n3A_211] : memref<2x!tpu.dma_semaphore, #tpu.memory_space<semaphore_mem>> -> memref<1x!tpu.dma_semaphore, #tpu.memory_space<semaphore_mem>>
      %dma_wait3A_240 = tpu.memref_squeeze %dma_wait3A_239 : memref<1x!tpu.dma_semaphore, #tpu.memory_space<semaphore_mem>> -> memref<!tpu.dma_semaphore, #tpu.memory_space<semaphore_mem>>
      tpu.wait_indirect_dma semaphore(%dma_wait3A_240 : memref<!tpu.dma_semaphore, #tpu.memory_space<semaphore_mem>>) src(%dma_wait3A_238 : memref<10000x32xf32, #tpu.memory_space<hbm>>) dst(%dma_wait3A_232 : memref<128x32xf32, #tpu.memory_space<vmem>>)
      %add3A_241 = arith.constant 3 : i32
      %add3A_242 = arith.addi %while3A_194, %add3A_241 : i32
      %lt3A_243 = arith.cmpi slt, %add3A_242, %select_n3A_10 : i32
      %convert_element_type3A = arith.extui %lt3A_243 : i1 to i32
      %cond3A = arith.constant 0 : i32
      %cond3A_244 = arith.cmpi ne, %convert_element_type3A, %cond3A : i32
      scf.if %cond3A_244 {
        %jit3A_279 = arith.constant 6 : i32
        %eq3A_280 = arith.constant 0 : i32
        %eq3A_281 = arith.cmpi eq, %jit3A_279, %eq3A_280 : i32
        %jit3A_282 = arith.constant 1 : i32
        %select_n3A_283 = arith.select %eq3A_281, %jit3A_282, %jit3A_279 : i32
        %rem3A_284 = arith.remsi %add3A_242, %select_n3A_283 : i32
        %ne3A_285 = arith.constant 0 : i32
        %ne3A_286 = arith.cmpi ne, %rem3A_284, %ne3A_285 : i32
        %lt3A_287 = arith.constant 0 : i32
        %lt3A_288 = arith.cmpi slt, %rem3A_284, %lt3A_287 : i32
        %lt3A_289 = arith.constant 0 : i32
        %lt3A_290 = arith.cmpi slt, %select_n3A_283, %lt3A_289 : i32
        %ne3A_291 = arith.xori %lt3A_288, %lt3A_290 : i1
        %and3A_292 = arith.andi %ne3A_291, %ne3A_286 : i1
        %add3A_293 = arith.addi %rem3A_284, %select_n3A_283 : i32
        %select_n3A_294 = arith.select %and3A_292, %add3A_293, %rem3A_284 : i32
        %add3A_295 = arith.addi %select_n3A, %add3A_242 : i32
        %dma_start3A_296 = arith.constant 0 : i32
        %dma_start3A_297 = arith.constant 0 : i32
        %dma_start3A_298 = tpu.memref_slice %arg6[%select_n3A_294, %dma_start3A_296, %dma_start3A_297] : memref<6x2x128xi32, #tpu.memory_space<vmem>> -> memref<1x2x128xi32, #tpu.memory_space<vmem>>
        %dma_start3A_299 = tpu.memref_squeeze %dma_start3A_298 : memref<1x2x128xi32, #tpu.memory_space<vmem>> -> memref<2x128xi32, #tpu.memory_space<vmem>>
        %dma_start3A_300 = arith.constant 0 : i32
        %dma_start3A_301 = arith.constant 0 : i32
        %dma_start3A_302 = tpu.memref_slice %arg3[%add3A_295, %dma_start3A_300, %dma_start3A_301] : memref<2560x2x128xi32, #tpu.memory_space<hbm>> -> memref<1x2x128xi32, #tpu.memory_space<hbm>>
        %dma_start3A_303 = tpu.memref_squeeze %dma_start3A_302 : memref<1x2x128xi32, #tpu.memory_space<hbm>> -> memref<2x128xi32, #tpu.memory_space<hbm>>
        %dma_start3A_304 = tpu.memref_slice %arg9[%select_n3A_294] : memref<6x!tpu.dma_semaphore, #tpu.memory_space<semaphore_mem>> -> memref<1x!tpu.dma_semaphore, #tpu.memory_space<semaphore_mem>>
        %dma_start3A_305 = tpu.memref_squeeze %dma_start3A_304 : memref<1x!tpu.dma_semaphore, #tpu.memory_space<semaphore_mem>> -> memref<!tpu.dma_semaphore, #tpu.memory_space<semaphore_mem>>
        %dma_start3A_306 = arith.constant 0 : i32
        %dma_start3A_307 = arith.constant 0 : i32
        %dma_start3A_308 = tpu.memref_slice %arg6[%select_n3A_294, %dma_start3A_306, %dma_start3A_307] : memref<6x2x128xi32, #tpu.memory_space<vmem>> -> memref<1x2x128xi32, #tpu.memory_space<vmem>>
        %dma_start3A_309 = tpu.memref_squeeze %dma_start3A_308 : memref<1x2x128xi32, #tpu.memory_space<vmem>> -> memref<2x128xi32, #tpu.memory_space<vmem>>
        %dma_start3A_310 = arith.constant 0 : i32
        %dma_start3A_311 = arith.constant 0 : i32
        %dma_start3A_312 = tpu.memref_slice %arg3[%add3A_295, %dma_start3A_310, %dma_start3A_311] : memref<2560x2x128xi32, #tpu.memory_space<hbm>> -> memref<1x2x128xi32, #tpu.memory_space<hbm>>
        %dma_start3A_313 = tpu.memref_squeeze %dma_start3A_312 : memref<1x2x128xi32, #tpu.memory_space<hbm>> -> memref<2x128xi32, #tpu.memory_space<hbm>>
        tpu.enqueue_dma source(%dma_start3A_313 : memref<2x128xi32, #tpu.memory_space<hbm>>) target(%dma_start3A_309 : memref<2x128xi32, #tpu.memory_space<vmem>>) target_semaphore(%dma_start3A_305 : memref<!tpu.dma_semaphore, #tpu.memory_space<semaphore_mem>>)
      } else {
      }
      %jit3A_245 = arith.constant 6 : i32
      %eq3A_246 = arith.constant 0 : i32
      %eq3A_247 = arith.cmpi eq, %jit3A_245, %eq3A_246 : i32
      %jit3A_248 = arith.constant 1 : i32
      %select_n3A_249 = arith.select %eq3A_247, %jit3A_248, %jit3A_245 : i32
      %rem3A_250 = arith.remsi %while3A_194, %select_n3A_249 : i32
      %ne3A_251 = arith.constant 0 : i32
      %ne3A_252 = arith.cmpi ne, %rem3A_250, %ne3A_251 : i32
      %lt3A_253 = arith.constant 0 : i32
      %lt3A_254 = arith.cmpi slt, %rem3A_250, %lt3A_253 : i32
      %lt3A_255 = arith.constant 0 : i32
      %lt3A_256 = arith.cmpi slt, %select_n3A_249, %lt3A_255 : i32
      %ne3A_257 = arith.xori %lt3A_254, %lt3A_256 : i1
      %and3A_258 = arith.andi %ne3A_257, %ne3A_252 : i1
      %add3A_259 = arith.addi %rem3A_250, %select_n3A_249 : i32
      %select_n3A_260 = arith.select %and3A_258, %add3A_259, %rem3A_250 : i32
      %dma_start3A_261 = arith.constant 1 : i32
      %dma_start3A_262 = arith.constant 0 : i32
      %dma_start3A_263 = arith.constant 0 : i32
      %dma_start3A_264 = tpu.memref_slice %arg7[%select_n3A_211, %dma_start3A_262, %dma_start3A_263] : memref<2x128x32xf32, #tpu.memory_space<vmem>> -> memref<1x128x32xf32, #tpu.memory_space<vmem>>
      %dma_start3A_265 = tpu.memref_squeeze %dma_start3A_264 : memref<1x128x32xf32, #tpu.memory_space<vmem>> -> memref<128x32xf32, #tpu.memory_space<vmem>>
      %dma_start3A_266 = arith.constant 0 : i32
      %dma_start3A_267 = tpu.memref_slice %arg6[%select_n3A_260, %dma_start3A_261, %dma_start3A_266] : memref<6x2x128xi32, #tpu.memory_space<vmem>> -> memref<1x1x128xi32, #tpu.memory_space<vmem>>
      %dma_start3A_268 = tpu.memref_squeeze %dma_start3A_267 : memref<1x1x128xi32, #tpu.memory_space<vmem>> -> memref<128xi32, #tpu.memory_space<vmem>>
      %dma_start3A_269 = arith.constant 0 : i32
      %dma_start3A_270 = arith.constant 0 : i32
      %dma_start3A_271 = tpu.memref_slice %arg8[%dma_start3A_269, %dma_start3A_270] : memref<10016x32xf32, #tpu.memory_space<vmem_shared>> -> memref<10016x32xf32, #tpu.memory_space<vmem_shared>>
      %dma_start3A_272 = tpu.memref_slice %arg11[%select_n3A_211] : memref<2x!tpu.dma_semaphore, #tpu.memory_space<semaphore_mem>> -> memref<1x!tpu.dma_semaphore, #tpu.memory_space<semaphore_mem>>
      %dma_start3A_273 = tpu.memref_squeeze %dma_start3A_272 : memref<1x!tpu.dma_semaphore, #tpu.memory_space<semaphore_mem>> -> memref<!tpu.dma_semaphore, #tpu.memory_space<semaphore_mem>>
      tpu.enqueue_indirect_dma source(%dma_start3A_265 : memref<128x32xf32, #tpu.memory_space<vmem>>) target(%dma_start3A_271 : memref<10016x32xf32, #tpu.memory_space<vmem_shared>>) offsets(%dma_start3A_268 : memref<128xi32, #tpu.memory_space<vmem>>) semaphore(%dma_start3A_273 : memref<!tpu.dma_semaphore, #tpu.memory_space<semaphore_mem>>) {add = true}
      %ge3A = arith.constant 1 : i32
      %ge3A_274 = arith.cmpi sge, %while3A_194, %ge3A : i32
      %convert_element_type3A_275 = arith.extui %ge3A_274 : i1 to i32
      %cond3A_276 = arith.constant 0 : i32
      %cond3A_277 = arith.cmpi ne, %convert_element_type3A_275, %cond3A_276 : i32
      scf.if %cond3A_277 {
        %sub3A_279 = arith.constant 1 : i32
        %sub3A_280 = arith.subi %while3A_194, %sub3A_279 : i32
        %jit3A_281 = arith.constant 2 : i32
        %eq3A_282 = arith.constant 0 : i32
        %eq3A_283 = arith.cmpi eq, %jit3A_281, %eq3A_282 : i32
        %jit3A_284 = arith.constant 1 : i32
        %select_n3A_285 = arith.select %eq3A_283, %jit3A_284, %jit3A_281 : i32
        %rem3A_286 = arith.remsi %sub3A_280, %select_n3A_285 : i32
        %ne3A_287 = arith.constant 0 : i32
        %ne3A_288 = arith.cmpi ne, %rem3A_286, %ne3A_287 : i32
        %lt3A_289 = arith.constant 0 : i32
        %lt3A_290 = arith.cmpi slt, %rem3A_286, %lt3A_289 : i32
        %lt3A_291 = arith.constant 0 : i32
        %lt3A_292 = arith.cmpi slt, %select_n3A_285, %lt3A_291 : i32
        %ne3A_293 = arith.xori %lt3A_290, %lt3A_292 : i1
        %and3A_294 = arith.andi %ne3A_293, %ne3A_288 : i1
        %add3A_295 = arith.addi %rem3A_286, %select_n3A_285 : i32
        %select_n3A_296 = arith.select %and3A_294, %add3A_295, %rem3A_286 : i32
        %dma_wait3A_297 = arith.constant 0 : i32
        %dma_wait3A_298 = arith.constant 0 : i32
        %dma_wait3A_299 = tpu.memref_slice %arg7[%select_n3A_296, %dma_wait3A_297, %dma_wait3A_298] : memref<2x128x32xf32, #tpu.memory_space<vmem>> -> memref<1x128x32xf32, #tpu.memory_space<vmem>>
        %dma_wait3A_300 = tpu.memref_squeeze %dma_wait3A_299 : memref<1x128x32xf32, #tpu.memory_space<vmem>> -> memref<128x32xf32, #tpu.memory_space<vmem>>
        %dma_wait3A_301 = arith.constant 0 : i32
        %dma_wait3A_302 = arith.constant 0 : i32
        %dma_wait3A_303 = tpu.memref_slice %arg2[%dma_wait3A_301, %dma_wait3A_302] : memref<10000x32xf32, #tpu.memory_space<hbm>> -> memref<128x32xf32, #tpu.memory_space<hbm>>
        %dma_wait3A_304 = tpu.memref_slice %arg11[%select_n3A_296] : memref<2x!tpu.dma_semaphore, #tpu.memory_space<semaphore_mem>> -> memref<1x!tpu.dma_semaphore, #tpu.memory_space<semaphore_mem>>
        %dma_wait3A_305 = tpu.memref_squeeze %dma_wait3A_304 : memref<1x!tpu.dma_semaphore, #tpu.memory_space<semaphore_mem>> -> memref<!tpu.dma_semaphore, #tpu.memory_space<semaphore_mem>>
        %dma_wait3A_306 = arith.constant 0 : i32
        %dma_wait3A_307 = arith.constant 0 : i32
        %dma_wait3A_308 = tpu.memref_slice %arg7[%select_n3A_296, %dma_wait3A_306, %dma_wait3A_307] : memref<2x128x32xf32, #tpu.memory_space<vmem>> -> memref<1x128x32xf32, #tpu.memory_space<vmem>>
        %dma_wait3A_309 = tpu.memref_squeeze %dma_wait3A_308 : memref<1x128x32xf32, #tpu.memory_space<vmem>> -> memref<128x32xf32, #tpu.memory_space<vmem>>
        %dma_wait3A_310 = arith.constant 0 : i32
        %dma_wait3A_311 = arith.constant 0 : i32
        %dma_wait3A_312 = tpu.memref_slice %arg2[%dma_wait3A_310, %dma_wait3A_311] : memref<10000x32xf32, #tpu.memory_space<hbm>> -> memref<128x32xf32, #tpu.memory_space<hbm>>
        tpu.wait_dma2 semaphore(%dma_wait3A_305 : memref<!tpu.dma_semaphore, #tpu.memory_space<semaphore_mem>>) src(%dma_wait3A_312 : memref<128x32xf32, #tpu.memory_space<hbm>>) dst(%dma_wait3A_309 : memref<128x32xf32, #tpu.memory_space<vmem>>)
        %sub3A_313 = arith.constant 1 : i32
        %sub3A_314 = arith.subi %while3A_194, %sub3A_313 : i32
        %add3A_315 = arith.constant 2 : i32
        %add3A_316 = arith.addi %sub3A_314, %add3A_315 : i32
        %lt3A_317 = arith.cmpi slt, %add3A_316, %select_n3A_10 : i32
        %convert_element_type3A_318 = arith.extui %lt3A_317 : i1 to i32
        %cond3A_319 = arith.constant 0 : i32
        %cond3A_320 = arith.cmpi ne, %convert_element_type3A_318, %cond3A_319 : i32
        scf.if %cond3A_320 {
          %jit3A_321 = arith.constant 6 : i32
          %eq3A_322 = arith.constant 0 : i32
          %eq3A_323 = arith.cmpi eq, %jit3A_321, %eq3A_322 : i32
          %jit3A_324 = arith.constant 1 : i32
          %select_n3A_325 = arith.select %eq3A_323, %jit3A_324, %jit3A_321 : i32
          %rem3A_326 = arith.remsi %add3A_316, %select_n3A_325 : i32
          %ne3A_327 = arith.constant 0 : i32
          %ne3A_328 = arith.cmpi ne, %rem3A_326, %ne3A_327 : i32
          %lt3A_329 = arith.constant 0 : i32
          %lt3A_330 = arith.cmpi slt, %rem3A_326, %lt3A_329 : i32
          %lt3A_331 = arith.constant 0 : i32
          %lt3A_332 = arith.cmpi slt, %select_n3A_325, %lt3A_331 : i32
          %ne3A_333 = arith.xori %lt3A_330, %lt3A_332 : i1
          %and3A_334 = arith.andi %ne3A_333, %ne3A_328 : i1
          %add3A_335 = arith.addi %rem3A_326, %select_n3A_325 : i32
          %select_n3A_336 = arith.select %and3A_334, %add3A_335, %rem3A_326 : i32
          %add3A_337 = arith.addi %select_n3A, %add3A_316 : i32
          %dma_wait3A_338 = arith.constant 0 : i32
          %dma_wait3A_339 = arith.constant 0 : i32
          %dma_wait3A_340 = tpu.memref_slice %arg6[%select_n3A_336, %dma_wait3A_338, %dma_wait3A_339] : memref<6x2x128xi32, #tpu.memory_space<vmem>> -> memref<1x2x128xi32, #tpu.memory_space<vmem>>
          %dma_wait3A_341 = tpu.memref_squeeze %dma_wait3A_340 : memref<1x2x128xi32, #tpu.memory_space<vmem>> -> memref<2x128xi32, #tpu.memory_space<vmem>>
          %dma_wait3A_342 = arith.constant 0 : i32
          %dma_wait3A_343 = arith.constant 0 : i32
          %dma_wait3A_344 = tpu.memref_slice %arg3[%add3A_337, %dma_wait3A_342, %dma_wait3A_343] : memref<2560x2x128xi32, #tpu.memory_space<hbm>> -> memref<1x2x128xi32, #tpu.memory_space<hbm>>
          %dma_wait3A_345 = tpu.memref_squeeze %dma_wait3A_344 : memref<1x2x128xi32, #tpu.memory_space<hbm>> -> memref<2x128xi32, #tpu.memory_space<hbm>>
          %dma_wait3A_346 = tpu.memref_slice %arg9[%select_n3A_336] : memref<6x!tpu.dma_semaphore, #tpu.memory_space<semaphore_mem>> -> memref<1x!tpu.dma_semaphore, #tpu.memory_space<semaphore_mem>>
          %dma_wait3A_347 = tpu.memref_squeeze %dma_wait3A_346 : memref<1x!tpu.dma_semaphore, #tpu.memory_space<semaphore_mem>> -> memref<!tpu.dma_semaphore, #tpu.memory_space<semaphore_mem>>
          %dma_wait3A_348 = arith.constant 0 : i32
          %dma_wait3A_349 = arith.constant 0 : i32
          %dma_wait3A_350 = tpu.memref_slice %arg6[%select_n3A_336, %dma_wait3A_348, %dma_wait3A_349] : memref<6x2x128xi32, #tpu.memory_space<vmem>> -> memref<1x2x128xi32, #tpu.memory_space<vmem>>
          %dma_wait3A_351 = tpu.memref_squeeze %dma_wait3A_350 : memref<1x2x128xi32, #tpu.memory_space<vmem>> -> memref<2x128xi32, #tpu.memory_space<vmem>>
          %dma_wait3A_352 = arith.constant 0 : i32
          %dma_wait3A_353 = arith.constant 0 : i32
          %dma_wait3A_354 = tpu.memref_slice %arg3[%add3A_337, %dma_wait3A_352, %dma_wait3A_353] : memref<2560x2x128xi32, #tpu.memory_space<hbm>> -> memref<1x2x128xi32, #tpu.memory_space<hbm>>
          %dma_wait3A_355 = tpu.memref_squeeze %dma_wait3A_354 : memref<1x2x128xi32, #tpu.memory_space<hbm>> -> memref<2x128xi32, #tpu.memory_space<hbm>>
          tpu.wait_dma2 semaphore(%dma_wait3A_347 : memref<!tpu.dma_semaphore, #tpu.memory_space<semaphore_mem>>) src(%dma_wait3A_355 : memref<2x128xi32, #tpu.memory_space<hbm>>) dst(%dma_wait3A_351 : memref<2x128xi32, #tpu.memory_space<vmem>>)
          %jit3A_356 = arith.constant 6 : i32
          %eq3A_357 = arith.constant 0 : i32
          %eq3A_358 = arith.cmpi eq, %jit3A_356, %eq3A_357 : i32
          %jit3A_359 = arith.constant 1 : i32
          %select_n3A_360 = arith.select %eq3A_358, %jit3A_359, %jit3A_356 : i32
          %rem3A_361 = arith.remsi %add3A_316, %select_n3A_360 : i32
          %ne3A_362 = arith.constant 0 : i32
          %ne3A_363 = arith.cmpi ne, %rem3A_361, %ne3A_362 : i32
          %lt3A_364 = arith.constant 0 : i32
          %lt3A_365 = arith.cmpi slt, %rem3A_361, %lt3A_364 : i32
          %lt3A_366 = arith.constant 0 : i32
          %lt3A_367 = arith.cmpi slt, %select_n3A_360, %lt3A_366 : i32
          %ne3A_368 = arith.xori %lt3A_365, %lt3A_367 : i1
          %and3A_369 = arith.andi %ne3A_368, %ne3A_363 : i1
          %add3A_370 = arith.addi %rem3A_361, %select_n3A_360 : i32
          %select_n3A_371 = arith.select %and3A_369, %add3A_370, %rem3A_361 : i32
          %dma_start3A_372 = arith.constant 0 : i32
          %dma_start3A_373 = arith.constant 0 : i32
          %dma_start3A_374 = arith.constant 0 : i32
          %dma_start3A_375 = tpu.memref_slice %arg7[%select_n3A_296, %dma_start3A_373, %dma_start3A_374] : memref<2x128x32xf32, #tpu.memory_space<vmem>> -> memref<1x128x32xf32, #tpu.memory_space<vmem>>
          %dma_start3A_376 = tpu.memref_squeeze %dma_start3A_375 : memref<1x128x32xf32, #tpu.memory_space<vmem>> -> memref<128x32xf32, #tpu.memory_space<vmem>>
          %dma_start3A_377 = arith.constant 0 : i32
          %dma_start3A_378 = tpu.memref_slice %arg6[%select_n3A_371, %dma_start3A_372, %dma_start3A_377] : memref<6x2x128xi32, #tpu.memory_space<vmem>> -> memref<1x1x128xi32, #tpu.memory_space<vmem>>
          %dma_start3A_379 = tpu.memref_squeeze %dma_start3A_378 : memref<1x1x128xi32, #tpu.memory_space<vmem>> -> memref<128xi32, #tpu.memory_space<vmem>>
          %dma_start3A_380 = arith.constant 0 : i32
          %dma_start3A_381 = arith.constant 0 : i32
          %dma_start3A_382 = tpu.memref_slice %arg2[%dma_start3A_380, %dma_start3A_381] : memref<10000x32xf32, #tpu.memory_space<hbm>> -> memref<10000x32xf32, #tpu.memory_space<hbm>>
          %dma_start3A_383 = tpu.memref_slice %arg10[%select_n3A_296] : memref<2x!tpu.dma_semaphore, #tpu.memory_space<semaphore_mem>> -> memref<1x!tpu.dma_semaphore, #tpu.memory_space<semaphore_mem>>
          %dma_start3A_384 = tpu.memref_squeeze %dma_start3A_383 : memref<1x!tpu.dma_semaphore, #tpu.memory_space<semaphore_mem>> -> memref<!tpu.dma_semaphore, #tpu.memory_space<semaphore_mem>>
          tpu.enqueue_indirect_dma source(%dma_start3A_382 : memref<10000x32xf32, #tpu.memory_space<hbm>>) target(%dma_start3A_376 : memref<128x32xf32, #tpu.memory_space<vmem>>) offsets(%dma_start3A_379 : memref<128xi32, #tpu.memory_space<vmem>>) semaphore(%dma_start3A_384 : memref<!tpu.dma_semaphore, #tpu.memory_space<semaphore_mem>>)
        } else {
        }
      } else {
      }
      %while3A_278 = arith.constant 0 : i32
      scf.yield %while3A_278 : i32
    }
    %sub3A = arith.constant 1 : i32
    %sub3A_162 = arith.subi %select_n3A_10, %sub3A : i32
    %sub3A_163 = arith.constant 0 : i32
    %sub3A_164 = arith.subi %sub3A_162, %sub3A_163 : i32
    %jit3A_165 = arith.constant 2 : i32
    %eq3A_166 = arith.constant 0 : i32
    %eq3A_167 = arith.cmpi eq, %jit3A_165, %eq3A_166 : i32
    %jit3A_168 = arith.constant 1 : i32
    %select_n3A_169 = arith.select %eq3A_167, %jit3A_168, %jit3A_165 : i32
    %rem3A = arith.remsi %sub3A_164, %select_n3A_169 : i32
    %ne3A = arith.constant 0 : i32
    %ne3A_170 = arith.cmpi ne, %rem3A, %ne3A : i32
    %lt3A = arith.constant 0 : i32
    %lt3A_171 = arith.cmpi slt, %rem3A, %lt3A : i32
    %lt3A_172 = arith.constant 0 : i32
    %lt3A_173 = arith.cmpi slt, %select_n3A_169, %lt3A_172 : i32
    %ne3A_174 = arith.xori %lt3A_171, %lt3A_173 : i1
    %and3A = arith.andi %ne3A_174, %ne3A_170 : i1
    %add3A_175 = arith.addi %rem3A, %select_n3A_169 : i32
    %select_n3A_176 = arith.select %and3A, %add3A_175, %rem3A : i32
    %dma_wait3A_177 = arith.constant 0 : i32
    %dma_wait3A_178 = arith.constant 0 : i32
    %dma_wait3A_179 = tpu.memref_slice %arg7[%select_n3A_176, %dma_wait3A_177, %dma_wait3A_178] : memref<2x128x32xf32, #tpu.memory_space<vmem>> -> memref<1x128x32xf32, #tpu.memory_space<vmem>>
    %dma_wait3A_180 = tpu.memref_squeeze %dma_wait3A_179 : memref<1x128x32xf32, #tpu.memory_space<vmem>> -> memref<128x32xf32, #tpu.memory_space<vmem>>
    %dma_wait3A_181 = arith.constant 0 : i32
    %dma_wait3A_182 = arith.constant 0 : i32
    %dma_wait3A_183 = tpu.memref_slice %arg2[%dma_wait3A_181, %dma_wait3A_182] : memref<10000x32xf32, #tpu.memory_space<hbm>> -> memref<128x32xf32, #tpu.memory_space<hbm>>
    %dma_wait3A_184 = tpu.memref_slice %arg11[%select_n3A_176] : memref<2x!tpu.dma_semaphore, #tpu.memory_space<semaphore_mem>> -> memref<1x!tpu.dma_semaphore, #tpu.memory_space<semaphore_mem>>
    %dma_wait3A_185 = tpu.memref_squeeze %dma_wait3A_184 : memref<1x!tpu.dma_semaphore, #tpu.memory_space<semaphore_mem>> -> memref<!tpu.dma_semaphore, #tpu.memory_space<semaphore_mem>>
    %dma_wait3A_186 = arith.constant 0 : i32
    %dma_wait3A_187 = arith.constant 0 : i32
    %dma_wait3A_188 = tpu.memref_slice %arg7[%select_n3A_176, %dma_wait3A_186, %dma_wait3A_187] : memref<2x128x32xf32, #tpu.memory_space<vmem>> -> memref<1x128x32xf32, #tpu.memory_space<vmem>>
    %dma_wait3A_189 = tpu.memref_squeeze %dma_wait3A_188 : memref<1x128x32xf32, #tpu.memory_space<vmem>> -> memref<128x32xf32, #tpu.memory_space<vmem>>
    %dma_wait3A_190 = arith.constant 0 : i32
    %dma_wait3A_191 = arith.constant 0 : i32
    %dma_wait3A_192 = tpu.memref_slice %arg2[%dma_wait3A_190, %dma_wait3A_191] : memref<10000x32xf32, #tpu.memory_space<hbm>> -> memref<128x32xf32, #tpu.memory_space<hbm>>
    tpu.wait_dma2 semaphore(%dma_wait3A_185 : memref<!tpu.dma_semaphore, #tpu.memory_space<semaphore_mem>>) src(%dma_wait3A_192 : memref<128x32xf32, #tpu.memory_space<hbm>>) dst(%dma_wait3A_189 : memref<128x32xf32, #tpu.memory_space<vmem>>)
    %barrier3A_193 = arith.constant 0 : index
    tpu.barrier barrier_id(%barrier3A_193)
    "tpu.region"() ({
      %run_scoped3A = tpu.sem_alloc : memref<!tpu.dma_semaphore, #tpu.memory_space<semaphore_mem>>
      %dma_start3A_194 = arith.constant 0 : i32
      %dma_start3A_195 = arith.constant 0 : i32
      %dma_start3A_196 = tpu.memref_slice %arg5[%arg0, %dma_start3A_194, %dma_start3A_195] : memref<2x10016x32xf32, #tpu.memory_space<hbm>> -> memref<1x10016x32xf32, #tpu.memory_space<hbm>>
      %dma_start3A_197 = tpu.memref_squeeze %dma_start3A_196 : memref<1x10016x32xf32, #tpu.memory_space<hbm>> -> memref<10016x32xf32, #tpu.memory_space<hbm>>
      %dma_start3A_198 = arith.constant 0 : i32
      %dma_start3A_199 = tpu.memref_slice %dma_start3A_197[%mul3A_0, %dma_start3A_198] : memref<10016x32xf32, #tpu.memory_space<hbm>> -> memref<626x32xf32, #tpu.memory_space<hbm>>
      %dma_start3A_200 = arith.constant 0 : i32
      %dma_start3A_201 = tpu.memref_slice %arg8[%mul3A_0, %dma_start3A_200] : memref<10016x32xf32, #tpu.memory_space<vmem_shared>> -> memref<626x32xf32, #tpu.memory_space<vmem_shared>>
      tpu.enqueue_dma source(%dma_start3A_201 : memref<626x32xf32, #tpu.memory_space<vmem_shared>>) target(%dma_start3A_199 : memref<626x32xf32, #tpu.memory_space<hbm>>) target_semaphore(%run_scoped3A : memref<!tpu.dma_semaphore, #tpu.memory_space<semaphore_mem>>)
      %dma_wait3A_202 = arith.constant 0 : i32
      %dma_wait3A_203 = arith.constant 0 : i32
      %dma_wait3A_204 = tpu.memref_slice %arg5[%arg0, %dma_wait3A_202, %dma_wait3A_203] : memref<2x10016x32xf32, #tpu.memory_space<hbm>> -> memref<1x10016x32xf32, #tpu.memory_space<hbm>>
      %dma_wait3A_205 = tpu.memref_squeeze %dma_wait3A_204 : memref<1x10016x32xf32, #tpu.memory_space<hbm>> -> memref<10016x32xf32, #tpu.memory_space<hbm>>
      %dma_wait3A_206 = arith.constant 0 : i32
      %dma_wait3A_207 = tpu.memref_slice %dma_wait3A_205[%mul3A_0, %dma_wait3A_206] : memref<10016x32xf32, #tpu.memory_space<hbm>> -> memref<626x32xf32, #tpu.memory_space<hbm>>
      %dma_wait3A_208 = arith.constant 0 : i32
      %dma_wait3A_209 = tpu.memref_slice %arg8[%mul3A_0, %dma_wait3A_208] : memref<10016x32xf32, #tpu.memory_space<vmem_shared>> -> memref<626x32xf32, #tpu.memory_space<vmem_shared>>
      tpu.wait_dma2 semaphore(%run_scoped3A : memref<!tpu.dma_semaphore, #tpu.memory_space<semaphore_mem>>) src(%dma_wait3A_209 : memref<626x32xf32, #tpu.memory_space<vmem_shared>>) dst(%dma_wait3A_207 : memref<626x32xf32, #tpu.memory_space<hbm>>)
      tpu.yield
    }) : () -> ()
    return
  }
}

module attributes {stable_mosaic.version = 14 : i64} {
  func.func @_tc0_body(%arg0: i32, %arg1: memref<1000x128xf32, #tpu.memory_space<vmem>>, %arg2: memref<128x96xf32, #tpu.memory_space<vmem>>, %arg3: memref<1x96xf32, #tpu.memory_space<vmem>>, %arg4: memref<1000x96xf32, #tpu.memory_space<vmem>>) attributes {dimension_semantics = [#tpu.dimension_semantics<arbitrary>], iteration_bounds = array<i64: 10>, scalar_prefetch = 0 : i64, scratch_operands = 0 : i64, tpu.core_type = #tpu.core_type<tc>, window_params = [{transform_indices = @transform_0, window_bounds = array<i64: 1000, 128>}, {pipeline_mode = #tpu.pipeline_mode<synchronous>, transform_indices = @transform_1, window_bounds = array<i64: 128, 96>}, {pipeline_mode = #tpu.pipeline_mode<synchronous>, transform_indices = @transform_2, window_bounds = array<i64: 1, 96>}, {transform_indices = @transform_3, window_bounds = array<i64: 1000, 96>}]} {
    %get3A = arith.constant 0 : index
    %get3A_0 = arith.constant 0 : index
    %get3A_1 = vector.load %arg1[%get3A, %get3A_0] : memref<1000x128xf32, #tpu.memory_space<vmem>>, vector<1000x128xf32>
    %get3A_2 = arith.constant 0 : index
    %get3A_3 = arith.constant 0 : index
    %get3A_4 = vector.load %arg2[%get3A_2, %get3A_3] : memref<128x96xf32, #tpu.memory_space<vmem>>, vector<128x96xf32>
    %dot_general3A = arith.constant dense<0.000000e+00> : vector<1000x96xf32>
    %dot_general3A_5 = tpu.matmul %get3A_1, %get3A_4, %dot_general3A {dimension_numbers = #tpu.dot_dimension_numbers<[1], [0], [0], [1], [0, 0, 1, 1], [], []>, transpose_lhs_hint = false} : vector<1000x128xf32>, vector<128x96xf32>, vector<1000x96xf32> -> vector<1000x96xf32>
    %get3A_6 = arith.constant 0 : index
    %get3A_7 = arith.constant 0 : index
    %get3A_8 = vector.load %arg3[%get3A_6, %get3A_7] : memref<1x96xf32, #tpu.memory_space<vmem>>, vector<1x96xf32>
    %add3A = vector.broadcast %get3A_8 : vector<1x96xf32> to vector<1000x96xf32>
    %add3A_9 = arith.addf %dot_general3A_5, %add3A : vector<1000x96xf32>
    %swap3A = arith.constant 0 : index
    %swap3A_10 = arith.constant 0 : index
    %swap3A_11 = vector.load %arg4[%swap3A, %swap3A_10] : memref<1000x96xf32, #tpu.memory_space<vmem>>, vector<1000x96xf32>
    tpu.vector_store %arg4[%swap3A, %swap3A_10], %add3A_9 {strides = array<i32>} : memref<1000x96xf32, #tpu.memory_space<vmem>>, vector<1000x96xf32>,
    return
  }
  func.func @transform_0(%arg0: i32) -> (i32, i32) {
    %c0_i32 = arith.constant 0 : i32
    %c0_i32_0 = arith.constant 0 : i32
    return %arg0, %c0_i32 : i32, i32
  }
  func.func @transform_1(%arg0: i32) -> (i32, i32) {
    %c0_i32 = arith.constant 0 : i32
    %c0_i32_0 = arith.constant 0 : i32
    %c0_i32_1 = arith.constant 0 : i32
    return %c0_i32, %c0_i32_0 : i32, i32
  }
  func.func @transform_2(%arg0: i32) -> (i32, i32) {
    %c0_i32 = arith.constant 0 : i32
    %c0_i32_0 = arith.constant 0 : i32
    %c0_i32_1 = arith.constant 0 : i32
    return %c0_i32, %c0_i32_0 : i32, i32
  }
  func.func @transform_3(%arg0: i32) -> (i32, i32) {
    %c0_i32 = arith.constant 0 : i32
    %c0_i32_0 = arith.constant 0 : i32
    return %arg0, %c0_i32 : i32, i32
  }
}

module attributes {stable_mosaic.version = 14 : i64} {
  func.func @_tc1_body(%arg0: i32, %arg1: memref<2x1000x96xf32, #tpu.memory_space<vmem>>, %arg2: memref<1000x128xf32, #tpu.memory_space<vmem>>, %arg3: memref<128x85xf32, #tpu.memory_space<vmem>>, %arg4: memref<1x85xf32, #tpu.memory_space<vmem>>, %arg5: memref<85x64xf32, #tpu.memory_space<vmem>>, %arg6: memref<1000x85xf32, #tpu.memory_space<vmem>>, %arg7: memref<1000x64xf32, #tpu.memory_space<vmem>>, %arg8: memref<1000x1xf32, #tpu.memory_space<vmem>>) attributes {dimension_semantics = [#tpu.dimension_semantics<arbitrary>], iteration_bounds = array<i64: 10>, scalar_prefetch = 0 : i64, scratch_operands = 0 : i64, tpu.core_type = #tpu.core_type<tc>, window_params = [{transform_indices = @transform_0, window_bounds = array<i64: 2, 1000, 96>}, {transform_indices = @transform_1, window_bounds = array<i64: 1000, 128>}, {pipeline_mode = #tpu.pipeline_mode<synchronous>, transform_indices = @transform_2, window_bounds = array<i64: 128, 85>}, {pipeline_mode = #tpu.pipeline_mode<synchronous>, transform_indices = @transform_3, window_bounds = array<i64: 1, 85>}, {pipeline_mode = #tpu.pipeline_mode<synchronous>, transform_indices = @transform_4, window_bounds = array<i64: 85, 64>}, {transform_indices = @transform_5, window_bounds = array<i64: 1000, 85>}, {transform_indices = @transform_6, window_bounds = array<i64: 1000, 64>}, {transform_indices = @transform_7, window_bounds = array<i64: 1000, 1>}]} {
    %get3A = arith.constant 0 : index
    %get3A_0 = arith.constant 0 : index
    %get3A_1 = arith.constant 0 : index
    %get3A_2 = vector.load %arg1[%get3A, %get3A_0, %get3A_1] : memref<2x1000x96xf32, #tpu.memory_space<vmem>>, vector<1x1000x96xf32>
    %get3A_3 = vector.shape_cast %get3A_2 : vector<1x1000x96xf32> to vector<1000x96xf32>
    %get3A_4 = arith.constant 1 : index
    %get3A_5 = arith.constant 0 : index
    %get3A_6 = arith.constant 0 : index
    %get3A_7 = vector.load %arg1[%get3A_4, %get3A_5, %get3A_6] : memref<2x1000x96xf32, #tpu.memory_space<vmem>>, vector<1x1000x96xf32>
    %get3A_8 = vector.shape_cast %get3A_7 : vector<1x1000x96xf32> to vector<1000x96xf32>
    %add3A = arith.addf %get3A_3, %get3A_8 : vector<1000x96xf32>
    %slice3A = vector.extract_strided_slice %add3A {offsets = [0, 85], sizes = [1000, 1], strides = [1, 1]} : vector<1000x96xf32> to vector<1000x1xf32>
    %max3A = arith.constant 1.000000e+00 : f32
    %max3A_9 = vector.broadcast %max3A : f32 to vector<1000x1xf32>
    %max3A_10 = arith.maximumf %slice3A, %max3A_9 : vector<1000x1xf32>
    %slice3A_11 = vector.extract_strided_slice %add3A {offsets = [0, 0], sizes = [1000, 85], strides = [1, 1]} : vector<1000x96xf32> to vector<1000x85xf32>
    %div3A = vector.broadcast %max3A_10 : vector<1000x1xf32> to vector<1000x85xf32>
    %div3A_12 = arith.divf %slice3A_11, %div3A : vector<1000x85xf32>
    %get3A_13 = arith.constant 0 : index
    %get3A_14 = arith.constant 0 : index
    %get3A_15 = vector.load %arg2[%get3A_13, %get3A_14] : memref<1000x128xf32, #tpu.memory_space<vmem>>, vector<1000x128xf32>
    %get3A_16 = arith.constant 0 : index
    %get3A_17 = arith.constant 0 : index
    %get3A_18 = vector.load %arg3[%get3A_16, %get3A_17] : memref<128x85xf32, #tpu.memory_space<vmem>>, vector<128x85xf32>
    %dot_general3A = arith.constant dense<0.000000e+00> : vector<1000x85xf32>
    %dot_general3A_19 = tpu.matmul %get3A_15, %get3A_18, %dot_general3A {dimension_numbers = #tpu.dot_dimension_numbers<[1], [0], [0], [1], [0, 0, 1, 1], [], []>, transpose_lhs_hint = false} : vector<1000x128xf32>, vector<128x85xf32>, vector<1000x85xf32> -> vector<1000x85xf32>
    %add3A_20 = arith.addf %div3A_12, %dot_general3A_19 : vector<1000x85xf32>
    %get3A_21 = arith.constant 0 : index
    %get3A_22 = arith.constant 0 : index
    %get3A_23 = vector.load %arg4[%get3A_21, %get3A_22] : memref<1x85xf32, #tpu.memory_space<vmem>>, vector<1x85xf32>
    %add3A_24 = vector.broadcast %get3A_23 : vector<1x85xf32> to vector<1000x85xf32>
    %add3A_25 = arith.addf %add3A_20, %add3A_24 : vector<1000x85xf32>
    %swap3A = arith.constant 0 : index
    %swap3A_26 = arith.constant 0 : index
    %swap3A_27 = vector.load %arg6[%swap3A, %swap3A_26] : memref<1000x85xf32, #tpu.memory_space<vmem>>, vector<1000x85xf32>
    tpu.vector_store %arg6[%swap3A, %swap3A_26], %add3A_25 {strides = array<i32>} : memref<1000x85xf32, #tpu.memory_space<vmem>>, vector<1000x85xf32>,
    %get3A_28 = arith.constant 0 : index
    %get3A_29 = arith.constant 0 : index
    %get3A_30 = vector.load %arg5[%get3A_28, %get3A_29] : memref<85x64xf32, #tpu.memory_space<vmem>>, vector<85x64xf32>
    %dot_general3A_31 = arith.constant dense<0.000000e+00> : vector<1000x64xf32>
    %dot_general3A_32 = tpu.matmul %add3A_25, %get3A_30, %dot_general3A_31 {dimension_numbers = #tpu.dot_dimension_numbers<[1], [0], [0], [1], [0, 0, 1, 1], [], []>, transpose_lhs_hint = false} : vector<1000x85xf32>, vector<85x64xf32>, vector<1000x64xf32> -> vector<1000x64xf32>
    %swap3A_33 = arith.constant 0 : index
    %swap3A_34 = arith.constant 0 : index
    %swap3A_35 = vector.load %arg7[%swap3A_33, %swap3A_34] : memref<1000x64xf32, #tpu.memory_space<vmem>>, vector<1000x64xf32>
    tpu.vector_store %arg7[%swap3A_33, %swap3A_34], %dot_general3A_32 {strides = array<i32>} : memref<1000x64xf32, #tpu.memory_space<vmem>>, vector<1000x64xf32>,
    %swap3A_36 = arith.constant 0 : index
    %swap3A_37 = arith.constant 0 : index
    %swap3A_38 = vector.load %arg8[%swap3A_36, %swap3A_37] : memref<1000x1xf32, #tpu.memory_space<vmem>>, vector<1000x1xf32>
    tpu.vector_store %arg8[%swap3A_36, %swap3A_37], %max3A_10 {strides = array<i32>} : memref<1000x1xf32, #tpu.memory_space<vmem>>, vector<1000x1xf32>,
    return
  }
  func.func @transform_0(%arg0: i32) -> (i32, i32, i32) {
    %c0_i32 = arith.constant 0 : i32
    %c0_i32_0 = arith.constant 0 : i32
    %c0_i32_1 = arith.constant 0 : i32
    return %c0_i32, %arg0, %c0_i32_0 : i32, i32, i32
  }
  func.func @transform_1(%arg0: i32) -> (i32, i32) {
    %c0_i32 = arith.constant 0 : i32
    %c0_i32_0 = arith.constant 0 : i32
    return %arg0, %c0_i32 : i32, i32
  }
  func.func @transform_2(%arg0: i32) -> (i32, i32) {
    %c0_i32 = arith.constant 0 : i32
    %c0_i32_0 = arith.constant 0 : i32
    %c0_i32_1 = arith.constant 0 : i32
    return %c0_i32, %c0_i32_0 : i32, i32
  }
  func.func @transform_3(%arg0: i32) -> (i32, i32) {
    %c0_i32 = arith.constant 0 : i32
    %c0_i32_0 = arith.constant 0 : i32
    %c0_i32_1 = arith.constant 0 : i32
    return %c0_i32, %c0_i32_0 : i32, i32
  }
  func.func @transform_4(%arg0: i32) -> (i32, i32) {
    %c0_i32 = arith.constant 0 : i32
    %c0_i32_0 = arith.constant 0 : i32
    %c0_i32_1 = arith.constant 0 : i32
    return %c0_i32, %c0_i32_0 : i32, i32
  }
  func.func @transform_5(%arg0: i32) -> (i32, i32) {
    %c0_i32 = arith.constant 0 : i32
    %c0_i32_0 = arith.constant 0 : i32
    return %arg0, %c0_i32 : i32, i32
  }
  func.func @transform_6(%arg0: i32) -> (i32, i32) {
    %c0_i32 = arith.constant 0 : i32
    %c0_i32_0 = arith.constant 0 : i32
    return %arg0, %c0_i32 : i32, i32
  }
  func.func @transform_7(%arg0: i32) -> (i32, i32) {
    %c0_i32 = arith.constant 0 : i32
    %c0_i32_0 = arith.constant 0 : i32
    return %arg0, %c0_i32 : i32, i32
  }
}

module attributes {stable_mosaic.version = 14 : i64} {
  func.func @body(%arg0: i32, %arg1: memref<2x1000x64xf32, #tpu.memory_space<vmem>>, %arg2: memref<1000x1xf32, #tpu.memory_space<vmem>>, %arg3: memref<1000x85xf32, #tpu.memory_space<vmem>>, %arg4: memref<85x56xf32, #tpu.memory_space<vmem>>, %arg5: memref<1x56xf32, #tpu.memory_space<vmem>>, %arg6: memref<56x32xf32, #tpu.memory_space<vmem>>, %arg7: memref<1000x56xf32, #tpu.memory_space<vmem>>, %arg8: memref<1000x32xf32, #tpu.memory_space<vmem>>) attributes {dimension_semantics = [#tpu.dimension_semantics<arbitrary>], iteration_bounds = array<i64: 10>, scalar_prefetch = 0 : i64, scratch_operands = 0 : i64, tpu.core_type = #tpu.core_type<tc>, window_params = [{transform_indices = @transform_0, window_bounds = array<i64: 2, 1000, 64>}, {transform_indices = @transform_1, window_bounds = array<i64: 1000, 1>}, {transform_indices = @transform_2, window_bounds = array<i64: 1000, 85>}, {pipeline_mode = #tpu.pipeline_mode<synchronous>, transform_indices = @transform_3, window_bounds = array<i64: 85, 56>}, {pipeline_mode = #tpu.pipeline_mode<synchronous>, transform_indices = @transform_4, window_bounds = array<i64: 1, 56>}, {pipeline_mode = #tpu.pipeline_mode<synchronous>, transform_indices = @transform_5, window_bounds = array<i64: 56, 32>}, {transform_indices = @transform_6, window_bounds = array<i64: 1000, 56>}, {transform_indices = @transform_7, window_bounds = array<i64: 1000, 32>}]} {
    %get3A = arith.constant 0 : index
    %get3A_0 = arith.constant 0 : index
    %get3A_1 = arith.constant 0 : index
    %get3A_2 = vector.load %arg1[%get3A, %get3A_0, %get3A_1] : memref<2x1000x64xf32, #tpu.memory_space<vmem>>, vector<1x1000x64xf32>
    %get3A_3 = vector.shape_cast %get3A_2 : vector<1x1000x64xf32> to vector<1000x64xf32>
    %get3A_4 = arith.constant 1 : index
    %get3A_5 = arith.constant 0 : index
    %get3A_6 = arith.constant 0 : index
    %get3A_7 = vector.load %arg1[%get3A_4, %get3A_5, %get3A_6] : memref<2x1000x64xf32, #tpu.memory_space<vmem>>, vector<1x1000x64xf32>
    %get3A_8 = vector.shape_cast %get3A_7 : vector<1x1000x64xf32> to vector<1000x64xf32>
    %add3A = arith.addf %get3A_3, %get3A_8 : vector<1000x64xf32>
    %slice3A = vector.extract_strided_slice %add3A {offsets = [0, 0], sizes = [1000, 56], strides = [1, 1]} : vector<1000x64xf32> to vector<1000x56xf32>
    %get3A_9 = arith.constant 0 : index
    %get3A_10 = arith.constant 0 : index
    %get3A_11 = vector.load %arg2[%get3A_9, %get3A_10] : memref<1000x1xf32, #tpu.memory_space<vmem>>, vector<1000x1xf32>
    %div3A = vector.broadcast %get3A_11 : vector<1000x1xf32> to vector<1000x56xf32>
    %div3A_12 = arith.divf %slice3A, %div3A : vector<1000x56xf32>
    %get3A_13 = arith.constant 0 : index
    %get3A_14 = arith.constant 0 : index
    %get3A_15 = vector.load %arg3[%get3A_13, %get3A_14] : memref<1000x85xf32, #tpu.memory_space<vmem>>, vector<1000x85xf32>
    %get3A_16 = arith.constant 0 : index
    %get3A_17 = arith.constant 0 : index
    %get3A_18 = vector.load %arg4[%get3A_16, %get3A_17] : memref<85x56xf32, #tpu.memory_space<vmem>>, vector<85x56xf32>
    %dot_general3A = arith.constant dense<0.000000e+00> : vector<1000x56xf32>
    %dot_general3A_19 = tpu.matmul %get3A_15, %get3A_18, %dot_general3A {dimension_numbers = #tpu.dot_dimension_numbers<[1], [0], [0], [1], [0, 0, 1, 1], [], []>, transpose_lhs_hint = false} : vector<1000x85xf32>, vector<85x56xf32>, vector<1000x56xf32> -> vector<1000x56xf32>
    %add3A_20 = arith.addf %div3A_12, %dot_general3A_19 : vector<1000x56xf32>
    %get3A_21 = arith.constant 0 : index
    %get3A_22 = arith.constant 0 : index
    %get3A_23 = vector.load %arg5[%get3A_21, %get3A_22] : memref<1x56xf32, #tpu.memory_space<vmem>>, vector<1x56xf32>
    %add3A_24 = vector.broadcast %get3A_23 : vector<1x56xf32> to vector<1000x56xf32>
    %add3A_25 = arith.addf %add3A_20, %add3A_24 : vector<1000x56xf32>
    %swap3A = arith.constant 0 : index
    %swap3A_26 = arith.constant 0 : index
    %swap3A_27 = vector.load %arg7[%swap3A, %swap3A_26] : memref<1000x56xf32, #tpu.memory_space<vmem>>, vector<1000x56xf32>
    tpu.vector_store %arg7[%swap3A, %swap3A_26], %add3A_25 {strides = array<i32>} : memref<1000x56xf32, #tpu.memory_space<vmem>>, vector<1000x56xf32>,
    %get3A_28 = arith.constant 0 : index
    %get3A_29 = arith.constant 0 : index
    %get3A_30 = vector.load %arg6[%get3A_28, %get3A_29] : memref<56x32xf32, #tpu.memory_space<vmem>>, vector<56x32xf32>
    %dot_general3A_31 = arith.constant dense<0.000000e+00> : vector<1000x32xf32>
    %dot_general3A_32 = tpu.matmul %add3A_25, %get3A_30, %dot_general3A_31 {dimension_numbers = #tpu.dot_dimension_numbers<[1], [0], [0], [1], [0, 0, 1, 1], [], []>, transpose_lhs_hint = false} : vector<1000x56xf32>, vector<56x32xf32>, vector<1000x32xf32> -> vector<1000x32xf32>
    %swap3A_33 = arith.constant 0 : index
    %swap3A_34 = arith.constant 0 : index
    %swap3A_35 = vector.load %arg8[%swap3A_33, %swap3A_34] : memref<1000x32xf32, #tpu.memory_space<vmem>>, vector<1000x32xf32>
    tpu.vector_store %arg8[%swap3A_33, %swap3A_34], %dot_general3A_32 {strides = array<i32>} : memref<1000x32xf32, #tpu.memory_space<vmem>>, vector<1000x32xf32>,
    return
  }
  func.func @transform_0(%arg0: i32) -> (i32, i32, i32) {
    %c0_i32 = arith.constant 0 : i32
    %c0_i32_0 = arith.constant 0 : i32
    %c0_i32_1 = arith.constant 0 : i32
    return %c0_i32, %arg0, %c0_i32_0 : i32, i32, i32
  }
  func.func @transform_1(%arg0: i32) -> (i32, i32) {
    %c0_i32 = arith.constant 0 : i32
    %c0_i32_0 = arith.constant 0 : i32
    return %arg0, %c0_i32 : i32, i32
  }
  func.func @transform_2(%arg0: i32) -> (i32, i32) {
    %c0_i32 = arith.constant 0 : i32
    %c0_i32_0 = arith.constant 0 : i32
    return %arg0, %c0_i32 : i32, i32
  }
  func.func @transform_3(%arg0: i32) -> (i32, i32) {
    %c0_i32 = arith.constant 0 : i32
    %c0_i32_0 = arith.constant 0 : i32
    %c0_i32_1 = arith.constant 0 : i32
    return %c0_i32, %c0_i32_0 : i32, i32
  }
  func.func @transform_4(%arg0: i32) -> (i32, i32) {
    %c0_i32 = arith.constant 0 : i32
    %c0_i32_0 = arith.constant 0 : i32
    %c0_i32_1 = arith.constant 0 : i32
    return %c0_i32, %c0_i32_0 : i32, i32
  }
  func.func @transform_5(%arg0: i32) -> (i32, i32) {
    %c0_i32 = arith.constant 0 : i32
    %c0_i32_0 = arith.constant 0 : i32
    %c0_i32_1 = arith.constant 0 : i32
    return %c0_i32, %c0_i32_0 : i32, i32
  }
  func.func @transform_6(%arg0: i32) -> (i32, i32) {
    %c0_i32 = arith.constant 0 : i32
    %c0_i32_0 = arith.constant 0 : i32
    return %arg0, %c0_i32 : i32, i32
  }
  func.func @transform_7(%arg0: i32) -> (i32, i32) {
    %c0_i32 = arith.constant 0 : i32
    %c0_i32_0 = arith.constant 0 : i32
    return %arg0, %c0_i32 : i32, i32
  }
}

module attributes {stable_mosaic.version = 14 : i64} {
  func.func @body(%arg0: i32, %arg1: memref<2x1000x32xf32, #tpu.memory_space<vmem>>, %arg2: memref<1000x1xf32, #tpu.memory_space<vmem>>, %arg3: memref<1000x56xf32, #tpu.memory_space<vmem>>, %arg4: memref<56x28xf32, #tpu.memory_space<vmem>>, %arg5: memref<1x28xf32, #tpu.memory_space<vmem>>, %arg6: memref<28x16xf32, #tpu.memory_space<vmem>>, %arg7: memref<1000x28xf32, #tpu.memory_space<vmem>>, %arg8: memref<1000x16xf32, #tpu.memory_space<vmem>>) attributes {dimension_semantics = [#tpu.dimension_semantics<arbitrary>], iteration_bounds = array<i64: 10>, scalar_prefetch = 0 : i64, scratch_operands = 0 : i64, tpu.core_type = #tpu.core_type<tc>, window_params = [{transform_indices = @transform_0, window_bounds = array<i64: 2, 1000, 32>}, {transform_indices = @transform_1, window_bounds = array<i64: 1000, 1>}, {transform_indices = @transform_2, window_bounds = array<i64: 1000, 56>}, {pipeline_mode = #tpu.pipeline_mode<synchronous>, transform_indices = @transform_3, window_bounds = array<i64: 56, 28>}, {pipeline_mode = #tpu.pipeline_mode<synchronous>, transform_indices = @transform_4, window_bounds = array<i64: 1, 28>}, {pipeline_mode = #tpu.pipeline_mode<synchronous>, transform_indices = @transform_5, window_bounds = array<i64: 28, 16>}, {transform_indices = @transform_6, window_bounds = array<i64: 1000, 28>}, {transform_indices = @transform_7, window_bounds = array<i64: 1000, 16>}]} {
    %get3A = arith.constant 0 : index
    %get3A_0 = arith.constant 0 : index
    %get3A_1 = arith.constant 0 : index
    %get3A_2 = vector.load %arg1[%get3A, %get3A_0, %get3A_1] : memref<2x1000x32xf32, #tpu.memory_space<vmem>>, vector<1x1000x32xf32>
    %get3A_3 = vector.shape_cast %get3A_2 : vector<1x1000x32xf32> to vector<1000x32xf32>
    %get3A_4 = arith.constant 1 : index
    %get3A_5 = arith.constant 0 : index
    %get3A_6 = arith.constant 0 : index
    %get3A_7 = vector.load %arg1[%get3A_4, %get3A_5, %get3A_6] : memref<2x1000x32xf32, #tpu.memory_space<vmem>>, vector<1x1000x32xf32>
    %get3A_8 = vector.shape_cast %get3A_7 : vector<1x1000x32xf32> to vector<1000x32xf32>
    %add3A = arith.addf %get3A_3, %get3A_8 : vector<1000x32xf32>
    %slice3A = vector.extract_strided_slice %add3A {offsets = [0, 0], sizes = [1000, 28], strides = [1, 1]} : vector<1000x32xf32> to vector<1000x28xf32>
    %get3A_9 = arith.constant 0 : index
    %get3A_10 = arith.constant 0 : index
    %get3A_11 = vector.load %arg2[%get3A_9, %get3A_10] : memref<1000x1xf32, #tpu.memory_space<vmem>>, vector<1000x1xf32>
    %div3A = vector.broadcast %get3A_11 : vector<1000x1xf32> to vector<1000x28xf32>
    %div3A_12 = arith.divf %slice3A, %div3A : vector<1000x28xf32>
    %get3A_13 = arith.constant 0 : index
    %get3A_14 = arith.constant 0 : index
    %get3A_15 = vector.load %arg3[%get3A_13, %get3A_14] : memref<1000x56xf32, #tpu.memory_space<vmem>>, vector<1000x56xf32>
    %get3A_16 = arith.constant 0 : index
    %get3A_17 = arith.constant 0 : index
    %get3A_18 = vector.load %arg4[%get3A_16, %get3A_17] : memref<56x28xf32, #tpu.memory_space<vmem>>, vector<56x28xf32>
    %dot_general3A = arith.constant dense<0.000000e+00> : vector<1000x28xf32>
    %dot_general3A_19 = tpu.matmul %get3A_15, %get3A_18, %dot_general3A {dimension_numbers = #tpu.dot_dimension_numbers<[1], [0], [0], [1], [0, 0, 1, 1], [], []>, transpose_lhs_hint = false} : vector<1000x56xf32>, vector<56x28xf32>, vector<1000x28xf32> -> vector<1000x28xf32>
    %add3A_20 = arith.addf %div3A_12, %dot_general3A_19 : vector<1000x28xf32>
    %get3A_21 = arith.constant 0 : index
    %get3A_22 = arith.constant 0 : index
    %get3A_23 = vector.load %arg5[%get3A_21, %get3A_22] : memref<1x28xf32, #tpu.memory_space<vmem>>, vector<1x28xf32>
    %add3A_24 = vector.broadcast %get3A_23 : vector<1x28xf32> to vector<1000x28xf32>
    %add3A_25 = arith.addf %add3A_20, %add3A_24 : vector<1000x28xf32>
    %swap3A = arith.constant 0 : index
    %swap3A_26 = arith.constant 0 : index
    %swap3A_27 = vector.load %arg7[%swap3A, %swap3A_26] : memref<1000x28xf32, #tpu.memory_space<vmem>>, vector<1000x28xf32>
    tpu.vector_store %arg7[%swap3A, %swap3A_26], %add3A_25 {strides = array<i32>} : memref<1000x28xf32, #tpu.memory_space<vmem>>, vector<1000x28xf32>,
    %get3A_28 = arith.constant 0 : index
    %get3A_29 = arith.constant 0 : index
    %get3A_30 = vector.load %arg6[%get3A_28, %get3A_29] : memref<28x16xf32, #tpu.memory_space<vmem>>, vector<28x16xf32>
    %dot_general3A_31 = arith.constant dense<0.000000e+00> : vector<1000x16xf32>
    %dot_general3A_32 = tpu.matmul %add3A_25, %get3A_30, %dot_general3A_31 {dimension_numbers = #tpu.dot_dimension_numbers<[1], [0], [0], [1], [0, 0, 1, 1], [], []>, transpose_lhs_hint = false} : vector<1000x28xf32>, vector<28x16xf32>, vector<1000x16xf32> -> vector<1000x16xf32>
    %swap3A_33 = arith.constant 0 : index
    %swap3A_34 = arith.constant 0 : index
    %swap3A_35 = vector.load %arg8[%swap3A_33, %swap3A_34] : memref<1000x16xf32, #tpu.memory_space<vmem>>, vector<1000x16xf32>
    tpu.vector_store %arg8[%swap3A_33, %swap3A_34], %dot_general3A_32 {strides = array<i32>} : memref<1000x16xf32, #tpu.memory_space<vmem>>, vector<1000x16xf32>,
    return
  }
  func.func @transform_0(%arg0: i32) -> (i32, i32, i32) {
    %c0_i32 = arith.constant 0 : i32
    %c0_i32_0 = arith.constant 0 : i32
    %c0_i32_1 = arith.constant 0 : i32
    return %c0_i32, %arg0, %c0_i32_0 : i32, i32, i32
  }
  func.func @transform_1(%arg0: i32) -> (i32, i32) {
    %c0_i32 = arith.constant 0 : i32
    %c0_i32_0 = arith.constant 0 : i32
    return %arg0, %c0_i32 : i32, i32
  }
  func.func @transform_2(%arg0: i32) -> (i32, i32) {
    %c0_i32 = arith.constant 0 : i32
    %c0_i32_0 = arith.constant 0 : i32
    return %arg0, %c0_i32 : i32, i32
  }
  func.func @transform_3(%arg0: i32) -> (i32, i32) {
    %c0_i32 = arith.constant 0 : i32
    %c0_i32_0 = arith.constant 0 : i32
    %c0_i32_1 = arith.constant 0 : i32
    return %c0_i32, %c0_i32_0 : i32, i32
  }
  func.func @transform_4(%arg0: i32) -> (i32, i32) {
    %c0_i32 = arith.constant 0 : i32
    %c0_i32_0 = arith.constant 0 : i32
    %c0_i32_1 = arith.constant 0 : i32
    return %c0_i32, %c0_i32_0 : i32, i32
  }
  func.func @transform_5(%arg0: i32) -> (i32, i32) {
    %c0_i32 = arith.constant 0 : i32
    %c0_i32_0 = arith.constant 0 : i32
    %c0_i32_1 = arith.constant 0 : i32
    return %c0_i32, %c0_i32_0 : i32, i32
  }
  func.func @transform_6(%arg0: i32) -> (i32, i32) {
    %c0_i32 = arith.constant 0 : i32
    %c0_i32_0 = arith.constant 0 : i32
    return %arg0, %c0_i32 : i32, i32
  }
  func.func @transform_7(%arg0: i32) -> (i32, i32) {
    %c0_i32 = arith.constant 0 : i32
    %c0_i32_0 = arith.constant 0 : i32
    return %arg0, %c0_i32 : i32, i32
  }
}

module attributes {stable_mosaic.version = 14 : i64} {
  func.func @_tc_fin_body(%arg0: i32, %arg1: memref<2x1000x16xf32, #tpu.memory_space<vmem>>, %arg2: memref<1000x1xf32, #tpu.memory_space<vmem>>, %arg3: memref<1000x28xf32, #tpu.memory_space<vmem>>, %arg4: memref<28x16xf32, #tpu.memory_space<vmem>>, %arg5: memref<1x16xf32, #tpu.memory_space<vmem>>, %arg6: memref<1000x16xf32, #tpu.memory_space<vmem>>) attributes {dimension_semantics = [#tpu.dimension_semantics<arbitrary>], iteration_bounds = array<i64: 10>, scalar_prefetch = 0 : i64, scratch_operands = 0 : i64, tpu.core_type = #tpu.core_type<tc>, window_params = [{transform_indices = @transform_0, window_bounds = array<i64: 2, 1000, 16>}, {transform_indices = @transform_1, window_bounds = array<i64: 1000, 1>}, {transform_indices = @transform_2, window_bounds = array<i64: 1000, 28>}, {pipeline_mode = #tpu.pipeline_mode<synchronous>, transform_indices = @transform_3, window_bounds = array<i64: 28, 16>}, {pipeline_mode = #tpu.pipeline_mode<synchronous>, transform_indices = @transform_4, window_bounds = array<i64: 1, 16>}, {transform_indices = @transform_5, window_bounds = array<i64: 1000, 16>}]} {
    %get3A = arith.constant 0 : index
    %get3A_0 = arith.constant 0 : index
    %get3A_1 = arith.constant 0 : index
    %get3A_2 = vector.load %arg1[%get3A, %get3A_0, %get3A_1] : memref<2x1000x16xf32, #tpu.memory_space<vmem>>, vector<1x1000x16xf32>
    %get3A_3 = vector.shape_cast %get3A_2 : vector<1x1000x16xf32> to vector<1000x16xf32>
    %get3A_4 = arith.constant 1 : index
    %get3A_5 = arith.constant 0 : index
    %get3A_6 = arith.constant 0 : index
    %get3A_7 = vector.load %arg1[%get3A_4, %get3A_5, %get3A_6] : memref<2x1000x16xf32, #tpu.memory_space<vmem>>, vector<1x1000x16xf32>
    %get3A_8 = vector.shape_cast %get3A_7 : vector<1x1000x16xf32> to vector<1000x16xf32>
    %add3A = arith.addf %get3A_3, %get3A_8 : vector<1000x16xf32>
    %get3A_9 = arith.constant 0 : index
    %get3A_10 = arith.constant 0 : index
    %get3A_11 = vector.load %arg2[%get3A_9, %get3A_10] : memref<1000x1xf32, #tpu.memory_space<vmem>>, vector<1000x1xf32>
    %div3A = vector.broadcast %get3A_11 : vector<1000x1xf32> to vector<1000x16xf32>
    %div3A_12 = arith.divf %add3A, %div3A : vector<1000x16xf32>
    %get3A_13 = arith.constant 0 : index
    %get3A_14 = arith.constant 0 : index
    %get3A_15 = vector.load %arg3[%get3A_13, %get3A_14] : memref<1000x28xf32, #tpu.memory_space<vmem>>, vector<1000x28xf32>
    %get3A_16 = arith.constant 0 : index
    %get3A_17 = arith.constant 0 : index
    %get3A_18 = vector.load %arg4[%get3A_16, %get3A_17] : memref<28x16xf32, #tpu.memory_space<vmem>>, vector<28x16xf32>
    %dot_general3A = arith.constant dense<0.000000e+00> : vector<1000x16xf32>
    %dot_general3A_19 = tpu.matmul %get3A_15, %get3A_18, %dot_general3A {dimension_numbers = #tpu.dot_dimension_numbers<[1], [0], [0], [1], [0, 0, 1, 1], [], []>, transpose_lhs_hint = false} : vector<1000x28xf32>, vector<28x16xf32>, vector<1000x16xf32> -> vector<1000x16xf32>
    %add3A_20 = arith.addf %div3A_12, %dot_general3A_19 : vector<1000x16xf32>
    %get3A_21 = arith.constant 0 : index
    %get3A_22 = arith.constant 0 : index
    %get3A_23 = vector.load %arg5[%get3A_21, %get3A_22] : memref<1x16xf32, #tpu.memory_space<vmem>>, vector<1x16xf32>
    %add3A_24 = vector.broadcast %get3A_23 : vector<1x16xf32> to vector<1000x16xf32>
    %add3A_25 = arith.addf %add3A_20, %add3A_24 : vector<1000x16xf32>
    %swap3A = arith.constant 0 : index
    %swap3A_26 = arith.constant 0 : index
    %swap3A_27 = vector.load %arg6[%swap3A, %swap3A_26] : memref<1000x16xf32, #tpu.memory_space<vmem>>, vector<1000x16xf32>
    tpu.vector_store %arg6[%swap3A, %swap3A_26], %add3A_25 {strides = array<i32>} : memref<1000x16xf32, #tpu.memory_space<vmem>>, vector<1000x16xf32>,
    return
  }
  func.func @transform_0(%arg0: i32) -> (i32, i32, i32) {
    %c0_i32 = arith.constant 0 : i32
    %c0_i32_0 = arith.constant 0 : i32
    %c0_i32_1 = arith.constant 0 : i32
    return %c0_i32, %arg0, %c0_i32_0 : i32, i32, i32
  }
  func.func @transform_1(%arg0: i32) -> (i32, i32) {
    %c0_i32 = arith.constant 0 : i32
    %c0_i32_0 = arith.constant 0 : i32
    return %arg0, %c0_i32 : i32, i32
  }
  func.func @transform_2(%arg0: i32) -> (i32, i32) {
    %c0_i32 = arith.constant 0 : i32
    %c0_i32_0 = arith.constant 0 : i32
    return %arg0, %c0_i32 : i32, i32
  }
  func.func @transform_3(%arg0: i32) -> (i32, i32) {
    %c0_i32 = arith.constant 0 : i32
    %c0_i32_0 = arith.constant 0 : i32
    %c0_i32_1 = arith.constant 0 : i32
    return %c0_i32, %c0_i32_0 : i32, i32
  }
  func.func @transform_4(%arg0: i32) -> (i32, i32) {
    %c0_i32 = arith.constant 0 : i32
    %c0_i32_0 = arith.constant 0 : i32
    %c0_i32_1 = arith.constant 0 : i32
    return %c0_i32, %c0_i32_0 : i32, i32
  }
  func.func @transform_5(%arg0: i32) -> (i32, i32) {
    %c0_i32 = arith.constant 0 : i32
    %c0_i32_0 = arith.constant 0 : i32
    return %arg0, %c0_i32 : i32, i32
  }
}

</mosaic_0001>

<sc_bundles>
// kernel: kernel.11.cloned.1.call-start
scs
__scs_entry_jumppad:
0x0: {  	(pc) =	sbr.rel $0x88, $3  }
0x1: {  	(tag) =	ssettag $0x0;
	lr =	simm.s32 $0x1  }
0x2: {  	[smem:$0x3F93] =	sst lr;
	_ =	strace $0xD0000000  }
0x3: {  	_ = 	snop  }
0x4: {  	_ = 	snop  }
0x5: {  	_ = 	snop  }
0x6: {  	_ = 	snop  }
0x7: {  	_ = 	snop  }
__scs_overlays_trampoline_lowered:
0x8: {  	[smem:$0x3FA2] =	sst s0  }
0x9: {  	[smem:$0x3FA3] =	sst s1  }
0xa: {  	[smem:$0x3FA4] =	sst s2  }
0xb: {  	[smem:$0x3FA5] =	sst s3  }
0xc: {  	[smem:$0x3FA6] =	sst s4  }
0xd: {  	[smem:$0x3FA7] =	sst s5  }
0xe: {  	[smem:$0x3FA8] =	sst s6  }
0xf: {  	[smem:$0x3FA9] =	sst s7  }
0x10: {  	[smem:$0x3FAA] =	sst s8  }
0x11: {  	[smem:$0x3FAB] =	sst s9;
	s0 =	simm.s32 @!p0 $0x0  }
0x12: {  	s1 =	sld [smem:$0x3F91];
	s0 =	simm.s32 @p0 $0x1  }
0x13: {  	[smem:$0x3FAC] =	sst s0;
	s0 =	simm.s32 @!p1 $0x0  }
0x14: {  	s2 =	sld [smem:$0x3F90];
	s0 =	simm.s32 @p1 $0x1  }
0x15: {  	[smem:$0x3FAD] =	sst s0;
	s0 =	simm.s32 @!p2 $0x0  }
0x16: {  	s3 =	sld [smem:$0x3FDB];
	s0 =	simm.s32 @p2 $0x1  }
0x17: {  	s4 =	simm.s32 $0x1BF5;
	[smem:$0x3FAF] =	sst s0  }
0x18: {  	s0 =	sld [smem:$0x3F92];
	_ =	swait.ge [sflag:s4], $0x0  }
0x19: {  	s7 =	sld [smem:$0x3F93]  }
0x1a: {  	s8 =	sadd.s32 $0xFFFFE003, lr  }
0x1b: {  	s9 =	sadd.s32 $0xFFFFFEF7, lr;
	s5 =	simm.s32 $0xFFFFFFFF;
	p2 =	slt.u32 s8, $0xFFFFF086  }
0x1c: {  	p1 =	slt.u32 s9, $0xF7A;
	s5 =	simm.s32 @!p2 $0x0  }
0x1d: {  	s5 =	simm.s32 @p1 $0x1;
	p0 =	seq.s32 s7, s2  }
0x1e: {  	s7 =	smul.u32 @!p0 $0xF7A, s2;
	p2 =	seq.s32 @!p0 s5, $0x0  }
0x1f: {  	s9 =	smul.u32 $0xF7A, s1;
	s8 =	simm.s32 @!p0 $0x1BF5;
	p2 =	por !p2, p0  }
0x20: {  	[sflag:s8] =	ssyncset.s32 @!p0 $0xFFFFF086;
	s6 =	sadd.s32 @!p0 s3, s7;
	s7 =	simm.s32 @!p0 $0x108  }
0x21: {  	s3 =	sadd.s32 s3, s9;
	s6 =	sadd.s32 @!p0 $0x88, s6;
	s7 =	simm.s32 @p2 $0x1082  }
0x22: {  	[simem:s7], [sflag:s8] =	dma.local @!p0 [hbm:s6], $0xF7A  }
0x23: {  	s9 =	sor.u32 $0xD0000000, s2;
	s6 =	simm.s32 $0x108;
	_ =	swait.ge @!p0 [sflag:s8], $0x0  }
0x24: {  	s3 =	sadd.s32 $0x88, s3;
	s6 =	simm.s32 @!p1 $0x1082;
	[sflag:s4] =	ssyncset.s32 $0xFFFFF086  }
0x25: {  	[simem:s6], [sflag:s4] =	dma.local [hbm:s3], $0xF7A  }
0x26: {  	[smem:$0x3F93] =	sst s1;
	(tag) =	ssettag s2;
	_ =	strace s9  }
0x27: {  	s1 =	sld [smem:$0x3FA3]  }
0x28: {  	s2 =	sld [smem:$0x3FA4]  }
0x29: {  	s4 =	sld [smem:$0x3FA6]  }
0x2a: {  	p0 =	seq.s32 s5, $0x0;
	s5 =	sld [smem:$0x3FA7]  }
0x2b: {  	s6 =	sld [smem:$0x3FA8]  }
0x2c: {  	s7 =	sld [smem:$0x3FA9]  }
0x2d: {  	s3 =	simm.s32 $0x108;
	s8 =	sld [smem:$0x3FAA]  }
0x2e: {  	s3 =	simm.s32 @!p0 $0x1082;
	s9 =	sld [smem:$0x3FAB]  }
0x2f: {  	lr =	sadd.s32 s0, s3;
	s0 =	sld [smem:$0x3FA2]  }
0x30: {  	s3 =	sld [smem:$0x3FA5]  }
0x31: {  	[smem:$0x3FAE] =	sst s10  }
0x32: {  	s10 =	sld [smem:$0x3FAC];
	_ =	sdelay $0x3  }
0x33: {  	p0 =	seq.s32 s10, $0x1;
	s10 =	sld [smem:$0x3FAE];
	_ =	sdelay $0x3  }
0x34: {  	[smem:$0x3FAE] =	sst s10  }
0x35: {  	s10 =	sld [smem:$0x3FAD];
	_ =	sdelay $0x3  }
0x36: {  	p1 =	seq.s32 s10, $0x1;
	s10 =	sld [smem:$0x3FAE];
	_ =	sdelay $0x3  }
0x37: {  	[smem:$0x3FAE] =	sst s10  }
0x38: {  	s10 =	sld [smem:$0x3FAF]  }
0x39: {  	_ = 	snop;
	(pc) =	sbr.ind lr, $3  }
0x3a: {  	_ = 	snop  }
0x3b: {  	_ = 	snop  }
0x3c: {  	p2 =	seq.s32 s10, $0x1;
	s10 =	sld [smem:$0x3FAE]  }
0x3d: {  	_ =	shalt  }
0x3e: {  	_ =	shalt  }
0x3f: {  	_ =	shalt  }
0x40: {  	_ =	shalt  }
0x41: {  	_ =	shalt  }
0x42: {  	_ =	shalt  }
0x43: {  	_ =	shalt  }
0x44: {  	_ =	shalt  }
0x45: {  	_ =	shalt  }
0x46: {  	_ =	shalt  }
0x47: {  	_ =	shalt  }
0x48: {  	_ =	shalt  }
0x49: {  	_ =	shalt  }
0x4a: {  	_ =	shalt  }
0x4b: {  	_ =	shalt  }
0x4c: {  	_ =	shalt  }
0x4d: {  	_ =	shalt  }
0x4e: {  	_ =	shalt  }
0x4f: {  	_ =	shalt  }
0x50: {  	_ =	shalt  }
0x51: {  	_ =	shalt  }
0x52: {  	_ =	shalt  }
0x53: {  	_ =	shalt  }
0x54: {  	_ =	shalt  }
0x55: {  	_ =	shalt  }
0x56: {  	_ =	shalt  }
0x57: {  	_ =	shalt  }
0x58: {  	_ =	shalt  }
0x59: {  	_ =	shalt  }
0x5a: {  	_ =	shalt  }
0x5b: {  	_ =	shalt  }
0x5c: {  	_ =	shalt  }
0x5d: {  	_ =	shalt  }
0x5e: {  	_ =	shalt  }
0x5f: {  	_ =	shalt  }
0x60: {  	_ =	shalt  }
0x61: {  	_ =	shalt  }
0x62: {  	_ =	shalt  }
0x63: {  	_ =	shalt  }
0x64: {  	_ =	shalt  }
0x65: {  	_ =	shalt  }
0x66: {  	_ =	shalt  }
0x67: {  	_ =	shalt  }
0x68: {  	_ =	shalt  }
0x69: {  	_ =	shalt  }
0x6a: {  	_ =	shalt  }
0x6b: {  	_ =	shalt  }
0x6c: {  	_ =	shalt  }
0x6d: {  	_ =	shalt  }
0x6e: {  	_ =	shalt  }
0x6f: {  	_ =	shalt  }
0x70: {  	_ =	shalt  }
0x71: {  	_ =	shalt  }
0x72: {  	_ =	shalt  }
0x73: {  	_ =	shalt  }
0x74: {  	_ =	shalt  }
0x75: {  	_ =	shalt  }
0x76: {  	_ =	shalt  }
0x77: {  	_ =	shalt  }
0x78: {  	_ =	shalt  }
0x79: {  	_ =	shalt  }
0x7a: {  	_ =	shalt  }
0x7b: {  	_ =	shalt  }
0x7c: {  	_ =	shalt  }
0x7d: {  	_ =	shalt  }
0x7e: {  	_ =	shalt  }
0x7f: {  	_ =	shalt  }
0x80: {  	_ =	shalt  }
0x81: {  	_ =	shalt  }
0x82: {  	_ =	shalt  }
0x83: {  	_ =	shalt  }
0x84: {  	_ =	shalt  }
0x85: {  	_ =	shalt  }
0x86: {  	_ =	shalt  }
0x87: {  	_ =	shalt  }
.Lfunc_end0:
.L_simem_size_0:
called_computation_lowered:
.L_overlay_start_0:
0x88: {  	s2 =	sld [smem:$0x3FD9]  }
0x89: {  	s3 =	sld [smem:$0x3FFE];
	_ =	sdelay $0x1  }
0x8a: {  	s1 =	srdreg.scid  }
0x8b: {  	s0 =	sand.u32 $0x1, s1  }
0x8c: {  	s16 =	sshll.u32 s0, $0xA;
	s2 =	sadd.s32 s3, s2  }
0x8d: {  	s2 =	sadd.s32 s2, s16  }
0x8e: {  	[smem:$0x3FBA] =	sst s2  }
0x8f: {  	_ = 	snop  }
0x90: {  	(tm) =	ssettm $0x1  }
0x91: {  	s17 =	sld [smem:$0x3FFB];
	_ =	sdelay $0x3  }
0x92: {  	_ =	strace s17  }
0x93: {  	s2 =	sld [smem:$0x3FFC];
	_ =	sdelay $0x3  }
0x94: {  	_ =	strace s2  }
0x95: {  	s2 =	sld [smem:$0x3FFD];
	_ =	sdelay $0x3  }
0x96: {  	_ =	strace s2  }
0x97: {  	_ =	strace $0x8FFFFFFF  }
0x98: {  	s18 =	sld [smem:$0x3FDB];
	_ =	sdelay $0x1  }
0x99: {  	s19 =	simm.s32 $_scs_section_size  }
0x9a: {  	s4 =	simm.s32 $_size__tile_overlayer_lowered;
	s5 =	simm.s32 $_tile_overlayer_lowered  }
0x9b: {  	s22 =	simm.s32 $0x1BFF;
	s21 =	sshll.u32 s5, $0x1;
	s2 =	sadd.s32 s19, s18  }
0x9c: {  	s6 =	simm.s32 $0x0;
	s20 =	sshll.u32 s4, $0x1;
	s4 =	sadd.s32 s21, s2  }
0x9d: {  	[timem:s6], [sflag:s22] =	dma.local [hbm:s4], s20  }
0x9e: {  	_ =	swait.ge [sflag:s22], s20  }
0x9f: {  	s3 =	ssub.s32 $0x0, s20;
	[sflag:s22] =	ssyncset.done $0x0  }
0xa0: {  	[sflag:s22] =	ssyncadd.s32 s3;
	_ =	sdelay $0x1  }
0xa1: {  	s23 =	simm.s32 $0x1B8B  }
0xa2: {  	_ =	swait.ge [sflag:s23], $0x1  }
0xa3: {  	[sflag:s23] =	ssyncset.done $0x0  }
0xa4: {  	s25 =	simm.s32 $0x1B8E;
	s24 =	sld [smem:$0x3FFE];
	[sflag:s23] =	ssyncadd.s32 $0xFFFFFFFF  }
0xa5: {  	s26 =	simm.s32 $execute0_lowered;
	[smem:$0x3FD2] =	sst s25  }
0xa6: {  	s4 =	sshll.u32 s26, $0x1;
	_ =	strace $0x80000046;
	[dreg:$0x1] =	wrdreg $0xFFFFFFFF  }
0xa7: {  	s28 =	simm.s32 $_size_execute0_lowered;
	s2 =	sadd.s32 s2, s4;
	[dreg:$0x0] =	wrdreg $0x0  }
0xa8: {  	s4 =	sshll.u32 s28, $0x1;
	[dreg:$0x2] =	wrdreg s2  }
0xa9: {  	[dreg:$0x3] =	wrdreg s4  }
0xaa: {  	[dreg:$0x4] =	wrdreg $0xC0  }
0xab: {  	_ =	task [dreg:s6], $0x5FFFF  }
0xac: {  	[dreg:$0x1] =	wrdreg $0xFFFFFFFF  }
0xad: {  	[dreg:$0x0] =	wrdreg $0x60  }
0xae: {  	[dreg:$0x2] =	wrdreg s24  }
0xaf: {  	[dreg:$0x3] =	wrdreg $0x66000  }
0xb0: {  	[dreg:$0x4] =	wrdreg $0x9  }
0xb1: {  	_ =	task.clear_ibuf [dreg:s6], $0x5FFFF;
	_ =	strace $0x90000046  }
0xb2: {  	s29 =	simm.s32 $0x9;
	_ =	strace $0x80000048  }
0xb3: {  	_ =	swait.ge [sflag:s29], $0x1  }
0xb4: {  	[sflag:s29] =	ssyncadd.s32 $0xFFFFFFFF  }
0xb5: {  	_ =	strace $0x90000048  }
0xb6: {  	_ =	sfence  }
0xb7: {  	s30 =	sld [smem:$0x0];
	_ =	sdelay $0x2  }
0xb8: {  	s31 =	sshll.u32 s1, $0xD;
	s1 =	sshrl.u32 s1, $0x2  }
0xb9: {  	s3 =	sand.u32 $0x4000, s31;
	s1 =	sadd.s32 s1, s30  }
0xba: {  	s0 =	sor.u32 s3, s0;
	s1 =	sshll.u32 s1, $0x11  }
0xbb: {  	s0 =	sor.u32 s1, s0  }
0xbc: {  	s0 =	sadd.s32 $0x8F2B, s0  }
0xbd: {  	[sflag:s0] =	ssyncadd.remote.s32 $0x1  }
0xbe: {  	_ =	sfence.sel $0xFFFF  }
0xbf: {  	[dreg:$0x0] =	wrdreg $0xFFFFFFFF;
	(pc) =	sbr.abs _section_cstart, $3  }
0xc0: {  	[dreg:$0x1] =	wrdreg $0xFFFFFFFF  }
0xc1: {  	_ =	task.clear_ibuf [dreg:s6], $0x2FFFF;
	_ =	strace $0x9FFFFFFF  }
0xc2: {  	(tm) =	ssettm $0x7FFFFFFF  }
0xc3: {  	_ =	shalt  }
tec
execute0_lowered:
.L_overlay_start_1:
0x0: {  	(tag) =	ssettag $0x1  }
0x1: {  	s6 =	rddreg [dreg:$0x0]  }
0x2: {  	s2 =	rddreg [dreg:$0x1]  }
0x3: {  	s3 =	simm.s32 $0x0;
	s0 =	stileid.u32;
	s4 =	srdreg.scid  }
0x4: {  	s16 =	simm.s32 $0x100;
	s17 =	simm.s32 $0x200;
	s18 =	simm.s32 $0x1  }
0x5: {  	s19 =	simm.s32 $0x80;
	s20 =	simm.s32 $0x600;
	s21 =	simm.s32 $0x2  }
0x6: {  	s22 =	simm.s32 $0x3600;
	s23 =	simm.s32 $0xA;
	[smem:$0x7FF] =	sst s3  }
0x7: {  	s8 =	smul.u32 $0xEAC0, s0;
	s7 =	sand.u32 $0x1, s4;
	s4 =	sadd.s32 $0x2000, s6  }
0x8: {  	s5 =	sadd.s32 $0x1F600, s6;
	s10 =	smul.u32 $0x26, s0;
	s31 =	sshll.u32 s0, $0x6  }
0x9: {  	_ =	strace $0x80000047;
	s9 =	smul.u32 $0x1D580, s7;
	s12 =	ssub.s32 $0x2, s7  }
0xa: {  	p0 =	seq.s32 s7, $0x0;
	s7 =	simm.s32 $0x7A;
	s24 =	sshrl.u32 s8, $0x3  }
0xb: {  	s30 =	sshrl.u32 s12, $0x1;
	s7 =	simm.s32 @!p0 $0x26;
	s15 =	sadd.s32 s8, s2  }
0xc: {  	s11 =	sadd.s32 s24, s6;
	s13 =	sadd.s32 s9, s6;
	s9 =	smul.u32 $0x7A, s0  }
0xd: {  	s6 =	sadd.s32 $0x7A0, s10;
	s14 =	ssub.s32 s12, s30;
	s10 =	sor.u32 $0x1C0B, s31  }
0xe: {  	s25 =	sadd.s32 $0x50C00, s13;
	s13 =	smax.u32 s14, $0x1;
	s6 =	smov.u32 @p0 s9  }
0xf: {  	s14 =	sshrl.u32 s15, $0x3;
	s15 =	simm.s32 $0xB;
	s9 =	sshll.u32 s6, $0x5  }
0x10: {  	s24 =	sadd.s32 s24, s25;
	s25 =	simm.s32 $0x0;
	s8 =	sadd.s32 s5, s9  }
0x11: {  	s9 =	sadd.s32 $0x33600, s11;
	s11 =	sadd.s32 $0x20, s8;
	s12 =	sadd.s32 $0x40, s8  }
.LBB2_1:
0x12: {  	[spmem:s14], [sflag:s10] =	dma.local [hbm:s9], $0x1D58  }
0x13: {  	_ =	swait.ge [sflag:s15], $0x1D58  }
0x14: {  	[sflag:s15] =	ssyncset.done $0x0  }
0x15: {  	[sflag:s15] =	ssyncadd.s32 $0xFFFFE2A8  }
0x16: {  	[bflag:$0x0] =	sbarrier.arrive $0xFFFF  }
0x17: {  	[tilespmem:s3], [sflag:$0x1] =	stream.linear.gather [hbm4b:s8+s3], $0x100, $0x38;
	[tilespmem:$0x150C0] =	vst v63  }
0x18: {  	_ = 	snop  }
0x19: {  	[tilespmem:s16], [sflag:$0x2] =	stream.linear.gather [hbm4b:s11+s3], $0x100, $0x38;
	[tilespmem:$0x150C0] =	vst v63  }
0x1a: {  	_ = 	snop  }
0x1b: {  	[tilespmem:s17], [sflag:$0x3] =	stream.linear.gather [hbm4b:s12+s3], $0x100, $0x38;
	[tilespmem:$0x150C0] =	vst v63  }
0x1c: {  	_ =	swait.ge [sflag:s18], $0x100  }
0x1d: {  	[sflag:s18] =	ssyncset.done $0x0  }
0x1e: {  	[sflag:s18] =	ssyncadd.s32 $0xFFFFFF00  }
0x1f: {  	[tilespmem:s20], [sflag:$0x7] =	stream.indirect.gather [hbm4b:s4+s19], $0x60, s3, s19, $0xb8;
	[tilespmem:$0x150C0] =	vst v63  }
0x20: {  	_ =	swait.ge [sflag:s21], $0x100  }
0x21: {  	[sflag:s21] =	ssyncset.done $0x0  }
0x22: {  	s26 =	simm.s32 $0x0;
	[sflag:s21] =	ssyncadd.s32 $0xFFFFFF00  }
0x23: {  	[tilespmem:s22], [sflag:$0x8] =	stream.indirect.gather [hbm4b:s4+s19], $0x60, s16, s19, $0xb8;
	[tilespmem:$0x150C0] =	vst v63  }
.LBB2_2:
0x24: {  	s28 =	sadd.s32 $0x3, s26  }
0x25: {  	p0 =	sge.u32 s28, s7  }
0x26: {  	s29 =	smulhi.u32 @!p0 $0xAAAAAAAB, s28;
	_ =	sdelay $0x1  }
0x27: {  	s30 =	sand.u32 $0x1, s26;
	s0 =	smulhi.u32 $0xAAAAAAAB, s26;
	s29 =	sshrl.u32 @!p0 s29, $0x2  }
0x28: {  	s31 =	sadd.s32 $0x7, s30;
	s29 =	smul.u32 @!p0 $0x6, s29  }
0x29: {  	_ =	swait.ge [sflag:s31], $0x3000;
	s0 =	sshrl.u32 s0, $0x2;
	s1 =	simm.s32 @!p0 $0x0  }
0x2a: {  	[sflag:s31] =	ssyncset.done $0x0;
	s29 =	ssub.s32 @!p0 s28, s29;
	s28 =	sadd.s32 @!p0 s6, s28  }
0x2b: {  	s0 =	smul.u32 $0x6, s0;
	[sflag:s31] =	ssyncadd.s32 $0xFFFFD000;
	s28 =	sshll.u32 @!p0 s28, $0x5  }
0x2c: {  	s31 =	sshll.u32 @!p0 s29, $0x8;
	s29 =	sadd.s32 @!p0 $0x1, s29;
	s28 =	sadd.s32 @!p0 s5, s28  }
0x2d: {  	[tilespmem:s31], [sflag:s29] =	stream.linear.gather @!p0 [hbm4b:s28+s1], $0x100, $0x38;
	[tilespmem:$0x150C0] =	vst v63  }
0x2e: {  	p0 =	seq.s32 s26, $0x0  }
0x2f: {  	s0 =	ssub.s32 s26, s0;
	s29 =	smul.u32 $0xC000, s30;
	s26 =	sadd.s32 @!p0 $0x1, s26  }
0x30: {  	s0 =	sshll.u32 s0, $0x8;
	p1 =	sge.u32 @!p0 s26, s7  }
0x31: {  	s0 =	sor.u32 $0x80, s0;
	s1 =	sshrl.u32 s29, $0x2;
	p1 =	por p1, p0  }
0x32: {  	s31 =	sadd.s32 $0x9, s30;
	s1 =	sor.u32 $0x600, s1;
	s29 =	smulhi.u32 @!p1 $0xAAAAAAAB, s26  }
0x33: {  	[spmem:s2] =	stream.indirect.scatter.add.f32 [tilespmem:s1], [sflag:s31], $0x60, s0, s19, $0xb8;
	[tilespmem:$0x150C0] =	vst v63  }
0x34: {  	s0 =	sxor.u32 @!p0 $0x1, s30;
	s1 =	sshrl.u32 @!p1 s29, $0x2  }
0x35: {  	s28 =	sadd.s32 @!p0 $0x9, s0;
	s1 =	smul.u32 @!p1 $0x6, s1  }
0x36: {  	_ =	swait.ge @!p0 [sflag:s28], $0x3000  }
0x37: {  	[sflag:s28] =	ssyncset.done @!p0 $0x0;
	s1 =	ssub.s32 @!p1 s26, s1;
	s26 =	simm.s32 @p0 $0x1  }
0x38: {  	[sflag:s28] =	ssyncadd.s32 @!p0 $0xFFFFD000;
	s28 =	smul.u32 @!p1 $0xC000, s0;
	p0 =	sne.s32 s26, s7  }
.Ltmp0:
0x39: {  	s29 =	sadd.s32 @!p1 $0x1, s1;
	(pc) =	sbr.rel @p0 .LBB2_2-.Ltmp0, $4  }
0x3a: {  	s0 =	sadd.s32 @!p1 $0x7, s0;
	_ =	swait.ge @!p1 [sflag:s29], $0x100  }
0x3b: {  	s28 =	sshrl.u32 @!p1 s28, $0x2;
	s1 =	sshll.u32 @!p1 s1, $0x8;
	[sflag:s29] =	ssyncset.done @!p1 $0x0  }
0x3c: {  	s28 =	sor.u32 @!p1 $0x600, s28;
	[sflag:s29] =	ssyncadd.s32 @!p1 $0xFFFFFF00;
	s29 =	simm.s32 @!p1 $0x80  }
0x3d: {  	[tilespmem:s28], [sflag:s0] =	stream.indirect.gather @!p1 [hbm4b:s4+s29], $0x60, s1, s29, $0xb8;
	[tilespmem:$0x150C0] =	vst v63  }
0x3e: {  	_ =	swait.ge [sflag:s23], $0x3000  }
0x3f: {  	s25 =	sadd.s32 $0x1, s25;
	[sflag:s23] =	ssyncset.done $0x0  }
0x40: {  	p0 =	sne.s32 s25, s13;
	[sflag:s23] =	ssyncadd.s32 $0xFFFFD000  }
.Ltmp1:
0x41: {  	[bflag:$0x0] =	sbarrier.arrive $0xFFFF;
	(pc) =	sbr.rel @p0 .LBB2_1-.Ltmp1, $4  }
0x42: {  	[hbm:s24], [sflag:s10] =	dma.local [spmem:s14], $0x1D58  }
0x43: {  	_ =	swait.ge [sflag:s15], $0x1D58  }
0x44: {  	[sflag:s15] =	ssyncset.done $0x0  }
0x45: {  	[sflag:s15] =	ssyncadd.s32 $0xFFFFE2A8  }
0x46: {  	_ =	sfence.sel $0x180000  }
0x47: {  	[bflag:$0x0] =	sbarrier.arrive $0xFFFF  }
0x48: {  	_ =	strace $0x90000047  }
0x49: {  	s0 =	stileid.u32;
	[bflag:$0x2] =	sbarrier.arrive $0xFFFF  }
0x4a: {  	p0 =	sne.s32 s0, $0x0;
	s0 =	rddreg [dreg:$0x2]  }
0x4b: {  	s0 =	sadd.s32 @!p0 $0x100000, s0  }
0x4c: {  	[sflag:s0] =	ssyncadd.tile.s32 @!p0 $0x1;
	_ =	shalt  }
.Lfunc_end2:
_tile_overlayer_lowered:
.L_overlay_start_2:
0x4d: {  	(tag) =	ssettag $0x2  }
0x4e: {  	s0 =	rddreg [dreg:$0x0];
	s2 =	stileid.u32  }
0x4f: {  	s1 =	rddreg [dreg:$0x1];
	p0 =	sne.s32 s2, $0x0  }
0x50: {  	s3 =	rddreg [dreg:$0x2];
	[bflag:$0x3] =	sbarrier.arrive $0xFFFF;
	s2 =	simm.s32 @!p0 $0x1C0B  }
0x51: {  	[timem:s3], [sflag:s2] =	dma.local @!p0 [hbm:s0], s1  }
0x52: {  	s0 =	simm.s32 @!p0 $0xB  }
0x53: {  	_ =	swait.ge @!p0 [sflag:s0], s1  }
0x54: {  	s1 =	ssub.s32 @!p0 $0x0, s1;
	[sflag:s0] =	ssyncset.done @!p0 $0x0  }
0x55: {  	[sflag:s0] =	ssyncadd.s32 @!p0 s1  }
0x56: {  	[bflag:$0x3] =	sbarrier.arrive $0xFFFF  }
0x57: {  	_ =	shalt  }

// kernel: kernel.14.cloned.1.call-start
scs
__scs_entry_jumppad:
0x0: {  	(pc) =	sbr.rel $0x88, $3  }
0x1: {  	(tag) =	ssettag $0x0;
	lr =	simm.s32 $0x1  }
0x2: {  	[smem:$0x3F93] =	sst lr;
	_ =	strace $0xD0000000  }
0x3: {  	_ = 	snop  }
0x4: {  	_ = 	snop  }
0x5: {  	_ = 	snop  }
0x6: {  	_ = 	snop  }
0x7: {  	_ = 	snop  }
__scs_overlays_trampoline_lowered:
0x8: {  	[smem:$0x3FA2] =	sst s0  }
0x9: {  	[smem:$0x3FA3] =	sst s1  }
0xa: {  	[smem:$0x3FA4] =	sst s2  }
0xb: {  	[smem:$0x3FA5] =	sst s3  }
0xc: {  	[smem:$0x3FA6] =	sst s4  }
0xd: {  	[smem:$0x3FA7] =	sst s5  }
0xe: {  	[smem:$0x3FA8] =	sst s6  }
0xf: {  	[smem:$0x3FA9] =	sst s7  }
0x10: {  	[smem:$0x3FAA] =	sst s8  }
0x11: {  	[smem:$0x3FAB] =	sst s9;
	s0 =	simm.s32 @!p0 $0x0  }
0x12: {  	s1 =	sld [smem:$0x3F91];
	s0 =	simm.s32 @p0 $0x1  }
0x13: {  	[smem:$0x3FAC] =	sst s0;
	s0 =	simm.s32 @!p1 $0x0  }
0x14: {  	s2 =	sld [smem:$0x3F90];
	s0 =	simm.s32 @p1 $0x1  }
0x15: {  	[smem:$0x3FAD] =	sst s0;
	s0 =	simm.s32 @!p2 $0x0  }
0x16: {  	s3 =	sld [smem:$0x3FDB];
	s0 =	simm.s32 @p2 $0x1  }
0x17: {  	s4 =	simm.s32 $0x1BF5;
	[smem:$0x3FAF] =	sst s0  }
0x18: {  	s0 =	sld [smem:$0x3F92];
	_ =	swait.ge [sflag:s4], $0x0  }
0x19: {  	s7 =	sld [smem:$0x3F93]  }
0x1a: {  	s8 =	sadd.s32 $0xFFFFE003, lr  }
0x1b: {  	s9 =	sadd.s32 $0xFFFFFEF7, lr;
	s5 =	simm.s32 $0xFFFFFFFF;
	p2 =	slt.u32 s8, $0xFFFFF086  }
0x1c: {  	p1 =	slt.u32 s9, $0xF7A;
	s5 =	simm.s32 @!p2 $0x0  }
0x1d: {  	s5 =	simm.s32 @p1 $0x1;
	p0 =	seq.s32 s7, s2  }
0x1e: {  	s7 =	smul.u32 @!p0 $0xF7A, s2;
	p2 =	seq.s32 @!p0 s5, $0x0  }
0x1f: {  	s9 =	smul.u32 $0xF7A, s1;
	s8 =	simm.s32 @!p0 $0x1BF5;
	p2 =	por !p2, p0  }
0x20: {  	[sflag:s8] =	ssyncset.s32 @!p0 $0xFFFFF086;
	s6 =	sadd.s32 @!p0 s3, s7;
	s7 =	simm.s32 @!p0 $0x108  }
0x21: {  	s3 =	sadd.s32 s3, s9;
	s6 =	sadd.s32 @!p0 $0x88, s6;
	s7 =	simm.s32 @p2 $0x1082  }
0x22: {  	[simem:s7], [sflag:s8] =	dma.local @!p0 [hbm:s6], $0xF7A  }
0x23: {  	s9 =	sor.u32 $0xD0000000, s2;
	s6 =	simm.s32 $0x108;
	_ =	swait.ge @!p0 [sflag:s8], $0x0  }
0x24: {  	s3 =	sadd.s32 $0x88, s3;
	s6 =	simm.s32 @!p1 $0x1082;
	[sflag:s4] =	ssyncset.s32 $0xFFFFF086  }
0x25: {  	[simem:s6], [sflag:s4] =	dma.local [hbm:s3], $0xF7A  }
0x26: {  	[smem:$0x3F93] =	sst s1;
	(tag) =	ssettag s2;
	_ =	strace s9  }
0x27: {  	s1 =	sld [smem:$0x3FA3]  }
0x28: {  	s2 =	sld [smem:$0x3FA4]  }
0x29: {  	s4 =	sld [smem:$0x3FA6]  }
0x2a: {  	p0 =	seq.s32 s5, $0x0;
	s5 =	sld [smem:$0x3FA7]  }
0x2b: {  	s6 =	sld [smem:$0x3FA8]  }
0x2c: {  	s7 =	sld [smem:$0x3FA9]  }
0x2d: {  	s3 =	simm.s32 $0x108;
	s8 =	sld [smem:$0x3FAA]  }
0x2e: {  	s3 =	simm.s32 @!p0 $0x1082;
	s9 =	sld [smem:$0x3FAB]  }
0x2f: {  	lr =	sadd.s32 s0, s3;
	s0 =	sld [smem:$0x3FA2]  }
0x30: {  	s3 =	sld [smem:$0x3FA5]  }
0x31: {  	[smem:$0x3FAE] =	sst s10  }
0x32: {  	s10 =	sld [smem:$0x3FAC];
	_ =	sdelay $0x3  }
0x33: {  	p0 =	seq.s32 s10, $0x1;
	s10 =	sld [smem:$0x3FAE];
	_ =	sdelay $0x3  }
0x34: {  	[smem:$0x3FAE] =	sst s10  }
0x35: {  	s10 =	sld [smem:$0x3FAD];
	_ =	sdelay $0x3  }
0x36: {  	p1 =	seq.s32 s10, $0x1;
	s10 =	sld [smem:$0x3FAE];
	_ =	sdelay $0x3  }
0x37: {  	[smem:$0x3FAE] =	sst s10  }
0x38: {  	s10 =	sld [smem:$0x3FAF]  }
0x39: {  	_ = 	snop;
	(pc) =	sbr.ind lr, $3  }
0x3a: {  	_ = 	snop  }
0x3b: {  	_ = 	snop  }
0x3c: {  	p2 =	seq.s32 s10, $0x1;
	s10 =	sld [smem:$0x3FAE]  }
0x3d: {  	_ =	shalt  }
0x3e: {  	_ =	shalt  }
0x3f: {  	_ =	shalt  }
0x40: {  	_ =	shalt  }
0x41: {  	_ =	shalt  }
0x42: {  	_ =	shalt  }
0x43: {  	_ =	shalt  }
0x44: {  	_ =	shalt  }
0x45: {  	_ =	shalt  }
0x46: {  	_ =	shalt  }
0x47: {  	_ =	shalt  }
0x48: {  	_ =	shalt  }
0x49: {  	_ =	shalt  }
0x4a: {  	_ =	shalt  }
0x4b: {  	_ =	shalt  }
0x4c: {  	_ =	shalt  }
0x4d: {  	_ =	shalt  }
0x4e: {  	_ =	shalt  }
0x4f: {  	_ =	shalt  }
0x50: {  	_ =	shalt  }
0x51: {  	_ =	shalt  }
0x52: {  	_ =	shalt  }
0x53: {  	_ =	shalt  }
0x54: {  	_ =	shalt  }
0x55: {  	_ =	shalt  }
0x56: {  	_ =	shalt  }
0x57: {  	_ =	shalt  }
0x58: {  	_ =	shalt  }
0x59: {  	_ =	shalt  }
0x5a: {  	_ =	shalt  }
0x5b: {  	_ =	shalt  }
0x5c: {  	_ =	shalt  }
0x5d: {  	_ =	shalt  }
0x5e: {  	_ =	shalt  }
0x5f: {  	_ =	shalt  }
0x60: {  	_ =	shalt  }
0x61: {  	_ =	shalt  }
0x62: {  	_ =	shalt  }
0x63: {  	_ =	shalt  }
0x64: {  	_ =	shalt  }
0x65: {  	_ =	shalt  }
0x66: {  	_ =	shalt  }
0x67: {  	_ =	shalt  }
0x68: {  	_ =	shalt  }
0x69: {  	_ =	shalt  }
0x6a: {  	_ =	shalt  }
0x6b: {  	_ =	shalt  }
0x6c: {  	_ =	shalt  }
0x6d: {  	_ =	shalt  }
0x6e: {  	_ =	shalt  }
0x6f: {  	_ =	shalt  }
0x70: {  	_ =	shalt  }
0x71: {  	_ =	shalt  }
0x72: {  	_ =	shalt  }
0x73: {  	_ =	shalt  }
0x74: {  	_ =	shalt  }
0x75: {  	_ =	shalt  }
0x76: {  	_ =	shalt  }
0x77: {  	_ =	shalt  }
0x78: {  	_ =	shalt  }
0x79: {  	_ =	shalt  }
0x7a: {  	_ =	shalt  }
0x7b: {  	_ =	shalt  }
0x7c: {  	_ =	shalt  }
0x7d: {  	_ =	shalt  }
0x7e: {  	_ =	shalt  }
0x7f: {  	_ =	shalt  }
0x80: {  	_ =	shalt  }
0x81: {  	_ =	shalt  }
0x82: {  	_ =	shalt  }
0x83: {  	_ =	shalt  }
0x84: {  	_ =	shalt  }
0x85: {  	_ =	shalt  }
0x86: {  	_ =	shalt  }
0x87: {  	_ =	shalt  }
.Lfunc_end0:
.L_simem_size_0:
called_computation.1_lowered:
.L_overlay_start_0:
0x88: {  	s2 =	sld [smem:$0x3FD9]  }
0x89: {  	s3 =	sld [smem:$0x3FFE];
	_ =	sdelay $0x1  }
0x8a: {  	s1 =	srdreg.scid  }
0x8b: {  	s0 =	sand.u32 $0x1, s1  }
0x8c: {  	s16 =	sshll.u32 s0, $0xA;
	s2 =	sadd.s32 s3, s2  }
0x8d: {  	s2 =	sadd.s32 s2, s16  }
0x8e: {  	[smem:$0x3FBA] =	sst s2  }
0x8f: {  	_ = 	snop  }
0x90: {  	(tm) =	ssettm $0x1  }
0x91: {  	s17 =	sld [smem:$0x3FFB];
	_ =	sdelay $0x3  }
0x92: {  	_ =	strace s17  }
0x93: {  	s2 =	sld [smem:$0x3FFC];
	_ =	sdelay $0x3  }
0x94: {  	_ =	strace s2  }
0x95: {  	s2 =	sld [smem:$0x3FFD];
	_ =	sdelay $0x3  }
0x96: {  	_ =	strace s2  }
0x97: {  	_ =	strace $0x8FFFFFFF  }
0x98: {  	s18 =	sld [smem:$0x3FDB];
	_ =	sdelay $0x1  }
0x99: {  	s19 =	simm.s32 $_scs_section_size  }
0x9a: {  	s4 =	simm.s32 $_size__tile_overlayer_lowered;
	s5 =	simm.s32 $_tile_overlayer_lowered  }
0x9b: {  	s22 =	simm.s32 $0x1BFF;
	s21 =	sshll.u32 s5, $0x1;
	s2 =	sadd.s32 s19, s18  }
0x9c: {  	s6 =	simm.s32 $0x0;
	s20 =	sshll.u32 s4, $0x1;
	s4 =	sadd.s32 s21, s2  }
0x9d: {  	[timem:s6], [sflag:s22] =	dma.local [hbm:s4], s20  }
0x9e: {  	_ =	swait.ge [sflag:s22], s20  }
0x9f: {  	s3 =	ssub.s32 $0x0, s20;
	[sflag:s22] =	ssyncset.done $0x0  }
0xa0: {  	[sflag:s22] =	ssyncadd.s32 s3;
	_ =	sdelay $0x1  }
0xa1: {  	s23 =	simm.s32 $0x1B8B  }
0xa2: {  	_ =	swait.ge [sflag:s23], $0x1  }
0xa3: {  	[sflag:s23] =	ssyncset.done $0x0  }
0xa4: {  	s25 =	simm.s32 $0x1B8E;
	s24 =	sld [smem:$0x3FFE];
	[sflag:s23] =	ssyncadd.s32 $0xFFFFFFFF  }
0xa5: {  	s26 =	simm.s32 $execute0_lowered;
	[smem:$0x3FD2] =	sst s25  }
0xa6: {  	s4 =	sshll.u32 s26, $0x1;
	_ =	strace $0x80000049;
	[dreg:$0x1] =	wrdreg $0xFFFFFFFF  }
0xa7: {  	s28 =	simm.s32 $_size_execute0_lowered;
	s2 =	sadd.s32 s2, s4;
	[dreg:$0x0] =	wrdreg $0x0  }
0xa8: {  	s4 =	sshll.u32 s28, $0x1;
	[dreg:$0x2] =	wrdreg s2  }
0xa9: {  	[dreg:$0x3] =	wrdreg s4  }
0xaa: {  	[dreg:$0x4] =	wrdreg $0xC0  }
0xab: {  	_ =	task [dreg:s6], $0x5FFFF  }
0xac: {  	[dreg:$0x1] =	wrdreg $0xFFFFFFFF  }
0xad: {  	[dreg:$0x0] =	wrdreg $0x60  }
0xae: {  	[dreg:$0x2] =	wrdreg s24  }
0xaf: {  	[dreg:$0x3] =	wrdreg $0x46000  }
0xb0: {  	[dreg:$0x4] =	wrdreg $0x9  }
0xb1: {  	_ =	task.clear_ibuf [dreg:s6], $0x5FFFF;
	_ =	strace $0x90000049  }
0xb2: {  	s29 =	simm.s32 $0x9;
	_ =	strace $0x8000004B  }
0xb3: {  	_ =	swait.ge [sflag:s29], $0x1  }
0xb4: {  	[sflag:s29] =	ssyncadd.s32 $0xFFFFFFFF  }
0xb5: {  	_ =	strace $0x9000004B  }
0xb6: {  	_ =	sfence  }
0xb7: {  	s30 =	sld [smem:$0x0];
	_ =	sdelay $0x2  }
0xb8: {  	s31 =	sshll.u32 s1, $0xD;
	s1 =	sshrl.u32 s1, $0x2  }
0xb9: {  	s3 =	sand.u32 $0x4000, s31;
	s1 =	sadd.s32 s1, s30  }
0xba: {  	s0 =	sor.u32 s3, s0;
	s1 =	sshll.u32 s1, $0x11  }
0xbb: {  	s0 =	sor.u32 s1, s0  }
0xbc: {  	s0 =	sadd.s32 $0x8F2B, s0  }
0xbd: {  	[sflag:s0] =	ssyncadd.remote.s32 $0x1  }
0xbe: {  	_ =	sfence.sel $0xFFFF  }
0xbf: {  	[dreg:$0x0] =	wrdreg $0xFFFFFFFF;
	(pc) =	sbr.abs _section_cstart, $3  }
0xc0: {  	[dreg:$0x1] =	wrdreg $0xFFFFFFFF  }
0xc1: {  	_ =	task.clear_ibuf [dreg:s6], $0x2FFFF;
	_ =	strace $0x9FFFFFFF  }
0xc2: {  	(tm) =	ssettm $0x7FFFFFFF  }
0xc3: {  	_ =	shalt  }
tec
execute0_lowered:
.L_overlay_start_1:
0x0: {  	(tag) =	ssettag $0x1  }
0x1: {  	s6 =	rddreg [dreg:$0x0]  }
0x2: {  	s2 =	rddreg [dreg:$0x1]  }
0x3: {  	s3 =	simm.s32 $0x0;
	s0 =	stileid.u32;
	s4 =	srdreg.scid  }
0x4: {  	s16 =	simm.s32 $0x100;
	s17 =	simm.s32 $0x200;
	s18 =	simm.s32 $0x1  }
0x5: {  	s19 =	simm.s32 $0x80;
	s20 =	simm.s32 $0x600;
	s21 =	simm.s32 $0x2  }
0x6: {  	s22 =	simm.s32 $0x2600;
	s23 =	simm.s32 $0xA;
	[smem:$0x7FF] =	sst s3  }
0x7: {  	s8 =	smul.u32 $0x9C80, s0;
	s7 =	sand.u32 $0x1, s4;
	s4 =	sadd.s32 $0x2000, s6  }
0x8: {  	s5 =	sadd.s32 $0x1F600, s6;
	s10 =	smul.u32 $0x2A, s0;
	s31 =	sshll.u32 s0, $0x6  }
0x9: {  	_ =	strace $0x8000004A;
	s9 =	smul.u32 $0x13900, s7;
	s12 =	ssub.s32 $0x2, s7  }
0xa: {  	p0 =	seq.s32 s7, $0x0;
	s7 =	simm.s32 $0x76;
	s24 =	sshrl.u32 s8, $0x3  }
0xb: {  	s30 =	sshrl.u32 s12, $0x1;
	s7 =	simm.s32 @!p0 $0x2A;
	s15 =	sadd.s32 s8, s2  }
0xc: {  	s11 =	sadd.s32 s24, s6;
	s13 =	sadd.s32 s9, s6;
	s9 =	smul.u32 $0x76, s0  }
0xd: {  	s6 =	sadd.s32 $0x760, s10;
	s14 =	ssub.s32 s12, s30;
	s10 =	sor.u32 $0x1C0B, s31  }
0xe: {  	s25 =	sadd.s32 $0x47000, s13;
	s13 =	smax.u32 s14, $0x1;
	s6 =	smov.u32 @p0 s9  }
0xf: {  	s14 =	sshrl.u32 s15, $0x3;
	s15 =	simm.s32 $0xB;
	s9 =	sshll.u32 s6, $0x5  }
0x10: {  	s24 =	sadd.s32 s24, s25;
	s25 =	simm.s32 $0x0;
	s8 =	sadd.s32 s5, s9  }
0x11: {  	s9 =	sadd.s32 $0x33600, s11;
	s11 =	sadd.s32 $0x20, s8;
	s12 =	sadd.s32 $0x40, s8  }
.LBB2_1:
0x12: {  	[spmem:s14], [sflag:s10] =	dma.local [hbm:s9], $0x1390  }
0x13: {  	_ =	swait.ge [sflag:s15], $0x1390  }
0x14: {  	[sflag:s15] =	ssyncset.done $0x0  }
0x15: {  	[sflag:s15] =	ssyncadd.s32 $0xFFFFEC70  }
0x16: {  	[bflag:$0x0] =	sbarrier.arrive $0xFFFF  }
0x17: {  	[tilespmem:s3], [sflag:$0x1] =	stream.linear.gather [hbm4b:s8+s3], $0x100, $0x38;
	[tilespmem:$0xE280] =	vst v63  }
0x18: {  	_ = 	snop  }
0x19: {  	[tilespmem:s16], [sflag:$0x2] =	stream.linear.gather [hbm4b:s11+s3], $0x100, $0x38;
	[tilespmem:$0xE280] =	vst v63  }
0x1a: {  	_ = 	snop  }
0x1b: {  	[tilespmem:s17], [sflag:$0x3] =	stream.linear.gather [hbm4b:s12+s3], $0x100, $0x38;
	[tilespmem:$0xE280] =	vst v63  }
0x1c: {  	_ =	swait.ge [sflag:s18], $0x100  }
0x1d: {  	[sflag:s18] =	ssyncset.done $0x0  }
0x1e: {  	[sflag:s18] =	ssyncadd.s32 $0xFFFFFF00  }
0x1f: {  	[tilespmem:s20], [sflag:$0x7] =	stream.indirect.gather [hbm4b:s4+s19], $0x40, s3, s19, $0xb8;
	[tilespmem:$0xE280] =	vst v63  }
0x20: {  	_ =	swait.ge [sflag:s21], $0x100  }
0x21: {  	[sflag:s21] =	ssyncset.done $0x0  }
0x22: {  	s26 =	simm.s32 $0x0;
	[sflag:s21] =	ssyncadd.s32 $0xFFFFFF00  }
0x23: {  	[tilespmem:s22], [sflag:$0x8] =	stream.indirect.gather [hbm4b:s4+s19], $0x40, s16, s19, $0xb8;
	[tilespmem:$0xE280] =	vst v63  }
.LBB2_2:
0x24: {  	s28 =	sadd.s32 $0x3, s26  }
0x25: {  	p0 =	sge.u32 s28, s7  }
0x26: {  	s29 =	smulhi.u32 @!p0 $0xAAAAAAAB, s28;
	_ =	sdelay $0x1  }
0x27: {  	s30 =	sand.u32 $0x1, s26;
	s0 =	smulhi.u32 $0xAAAAAAAB, s26;
	s29 =	sshrl.u32 @!p0 s29, $0x2  }
0x28: {  	s31 =	sadd.s32 $0x7, s30;
	s29 =	smul.u32 @!p0 $0x6, s29  }
0x29: {  	_ =	swait.ge [sflag:s31], $0x2000;
	s0 =	sshrl.u32 s0, $0x2;
	s1 =	simm.s32 @!p0 $0x0  }
0x2a: {  	[sflag:s31] =	ssyncset.done $0x0;
	s29 =	ssub.s32 @!p0 s28, s29;
	s28 =	sadd.s32 @!p0 s6, s28  }
0x2b: {  	s0 =	smul.u32 $0x6, s0;
	[sflag:s31] =	ssyncadd.s32 $0xFFFFE000;
	s28 =	sshll.u32 @!p0 s28, $0x5  }
0x2c: {  	s31 =	sshll.u32 @!p0 s29, $0x8;
	s29 =	sadd.s32 @!p0 $0x1, s29;
	s28 =	sadd.s32 @!p0 s5, s28  }
0x2d: {  	[tilespmem:s31], [sflag:s29] =	stream.linear.gather @!p0 [hbm4b:s28+s1], $0x100, $0x38;
	[tilespmem:$0xE280] =	vst v63  }
0x2e: {  	p0 =	seq.s32 s26, $0x0  }
0x2f: {  	s0 =	ssub.s32 s26, s0;
	s26 =	sadd.s32 @!p0 $0x1, s26  }
0x30: {  	s0 =	sshll.u32 s0, $0x8;
	p1 =	sge.u32 @!p0 s26, s7  }
0x31: {  	s0 =	sor.u32 $0x80, s0;
	s29 =	sshll.u32 s30, $0xD;
	p1 =	por p1, p0  }
0x32: {  	s31 =	sadd.s32 $0x9, s30;
	s1 =	sor.u32 $0x600, s29;
	s29 =	smulhi.u32 @!p1 $0xAAAAAAAB, s26  }
0x33: {  	[spmem:s2] =	stream.indirect.scatter.add.f32 [tilespmem:s1], [sflag:s31], $0x40, s0, s19, $0xb8;
	[tilespmem:$0xE280] =	vst v63  }
0x34: {  	s0 =	sxor.u32 @!p0 $0x1, s30;
	s1 =	sshrl.u32 @!p1 s29, $0x2  }
0x35: {  	s28 =	sadd.s32 @!p0 $0x9, s0;
	s1 =	smul.u32 @!p1 $0x6, s1  }
0x36: {  	_ =	swait.ge @!p0 [sflag:s28], $0x2000  }
0x37: {  	[sflag:s28] =	ssyncset.done @!p0 $0x0;
	s1 =	ssub.s32 @!p1 s26, s1;
	s26 =	simm.s32 @p0 $0x1  }
0x38: {  	[sflag:s28] =	ssyncadd.s32 @!p0 $0xFFFFE000;
	p0 =	sne.s32 s26, s7  }
.Ltmp0:
0x39: {  	s28 =	sadd.s32 @!p1 $0x1, s1;
	(pc) =	sbr.rel @p0 .LBB2_2-.Ltmp0, $4  }
0x3a: {  	s29 =	sshll.u32 @!p1 s0, $0xD;
	_ =	swait.ge @!p1 [sflag:s28], $0x100  }
0x3b: {  	s0 =	sadd.s32 @!p1 $0x7, s0;
	s29 =	sor.u32 @!p1 $0x600, s29;
	[sflag:s28] =	ssyncset.done @!p1 $0x0  }
0x3c: {  	s1 =	sshll.u32 @!p1 s1, $0x8;
	[sflag:s28] =	ssyncadd.s32 @!p1 $0xFFFFFF00;
	s28 =	simm.s32 @!p1 $0x80  }
0x3d: {  	[tilespmem:s29], [sflag:s0] =	stream.indirect.gather @!p1 [hbm4b:s4+s28], $0x40, s1, s28, $0xb8;
	[tilespmem:$0xE280] =	vst v63  }
0x3e: {  	_ =	swait.ge [sflag:s23], $0x2000  }
0x3f: {  	s25 =	sadd.s32 $0x1, s25;
	[sflag:s23] =	ssyncset.done $0x0  }
0x40: {  	p0 =	sne.s32 s25, s13;
	[sflag:s23] =	ssyncadd.s32 $0xFFFFE000  }
.Ltmp1:
0x41: {  	[bflag:$0x0] =	sbarrier.arrive $0xFFFF;
	(pc) =	sbr.rel @p0 .LBB2_1-.Ltmp1, $4  }
0x42: {  	[hbm:s24], [sflag:s10] =	dma.local [spmem:s14], $0x1390  }
0x43: {  	_ =	swait.ge [sflag:s15], $0x1390  }
0x44: {  	[sflag:s15] =	ssyncset.done $0x0  }
0x45: {  	[sflag:s15] =	ssyncadd.s32 $0xFFFFEC70  }
0x46: {  	_ =	sfence.sel $0x180000  }
0x47: {  	[bflag:$0x0] =	sbarrier.arrive $0xFFFF  }
0x48: {  	_ =	strace $0x9000004A  }
0x49: {  	s0 =	stileid.u32;
	[bflag:$0x2] =	sbarrier.arrive $0xFFFF  }
0x4a: {  	p0 =	sne.s32 s0, $0x0;
	s0 =	rddreg [dreg:$0x2]  }
0x4b: {  	s0 =	sadd.s32 @!p0 $0x100000, s0  }
0x4c: {  	[sflag:s0] =	ssyncadd.tile.s32 @!p0 $0x1;
	_ =	shalt  }
.Lfunc_end2:
_tile_overlayer_lowered:
.L_overlay_start_2:
0x4d: {  	(tag) =	ssettag $0x2  }
0x4e: {  	s0 =	rddreg [dreg:$0x0];
	s2 =	stileid.u32  }
0x4f: {  	s1 =	rddreg [dreg:$0x1];
	p0 =	sne.s32 s2, $0x0  }
0x50: {  	s3 =	rddreg [dreg:$0x2];
	[bflag:$0x3] =	sbarrier.arrive $0xFFFF;
	s2 =	simm.s32 @!p0 $0x1C0B  }
0x51: {  	[timem:s3], [sflag:s2] =	dma.local @!p0 [hbm:s0], s1  }
0x52: {  	s0 =	simm.s32 @!p0 $0xB  }
0x53: {  	_ =	swait.ge @!p0 [sflag:s0], s1  }
0x54: {  	s1 =	ssub.s32 @!p0 $0x0, s1;
	[sflag:s0] =	ssyncset.done @!p0 $0x0  }
0x55: {  	[sflag:s0] =	ssyncadd.s32 @!p0 s1  }
0x56: {  	[bflag:$0x3] =	sbarrier.arrive $0xFFFF  }
0x57: {  	_ =	shalt  }

// kernel: kernel.17.cloned.1.call-start
scs
__scs_entry_jumppad:
0x0: {  	(pc) =	sbr.rel $0x88, $3  }
0x1: {  	(tag) =	ssettag $0x0;
	lr =	simm.s32 $0x1  }
0x2: {  	[smem:$0x3F93] =	sst lr;
	_ =	strace $0xD0000000  }
0x3: {  	_ = 	snop  }
0x4: {  	_ = 	snop  }
0x5: {  	_ = 	snop  }
0x6: {  	_ = 	snop  }
0x7: {  	_ = 	snop  }
__scs_overlays_trampoline_lowered:
0x8: {  	[smem:$0x3FA2] =	sst s0  }
0x9: {  	[smem:$0x3FA3] =	sst s1  }
0xa: {  	[smem:$0x3FA4] =	sst s2  }
0xb: {  	[smem:$0x3FA5] =	sst s3  }
0xc: {  	[smem:$0x3FA6] =	sst s4  }
0xd: {  	[smem:$0x3FA7] =	sst s5  }
0xe: {  	[smem:$0x3FA8] =	sst s6  }
0xf: {  	[smem:$0x3FA9] =	sst s7  }
0x10: {  	[smem:$0x3FAA] =	sst s8  }
0x11: {  	[smem:$0x3FAB] =	sst s9;
	s0 =	simm.s32 @!p0 $0x0  }
0x12: {  	s1 =	sld [smem:$0x3F91];
	s0 =	simm.s32 @p0 $0x1  }
0x13: {  	[smem:$0x3FAC] =	sst s0;
	s0 =	simm.s32 @!p1 $0x0  }
0x14: {  	s2 =	sld [smem:$0x3F90];
	s0 =	simm.s32 @p1 $0x1  }
0x15: {  	[smem:$0x3FAD] =	sst s0;
	s0 =	simm.s32 @!p2 $0x0  }
0x16: {  	s3 =	sld [smem:$0x3FDB];
	s0 =	simm.s32 @p2 $0x1  }
0x17: {  	s4 =	simm.s32 $0x1BF5;
	[smem:$0x3FAF] =	sst s0  }
0x18: {  	s0 =	sld [smem:$0x3F92];
	_ =	swait.ge [sflag:s4], $0x0  }
0x19: {  	s7 =	sld [smem:$0x3F93]  }
0x1a: {  	s8 =	sadd.s32 $0xFFFFE003, lr  }
0x1b: {  	s9 =	sadd.s32 $0xFFFFFEF7, lr;
	s5 =	simm.s32 $0xFFFFFFFF;
	p2 =	slt.u32 s8, $0xFFFFF086  }
0x1c: {  	p1 =	slt.u32 s9, $0xF7A;
	s5 =	simm.s32 @!p2 $0x0  }
0x1d: {  	s5 =	simm.s32 @p1 $0x1;
	p0 =	seq.s32 s7, s2  }
0x1e: {  	s7 =	smul.u32 @!p0 $0xF7A, s2;
	p2 =	seq.s32 @!p0 s5, $0x0  }
0x1f: {  	s9 =	smul.u32 $0xF7A, s1;
	s8 =	simm.s32 @!p0 $0x1BF5;
	p2 =	por !p2, p0  }
0x20: {  	[sflag:s8] =	ssyncset.s32 @!p0 $0xFFFFF086;
	s6 =	sadd.s32 @!p0 s3, s7;
	s7 =	simm.s32 @!p0 $0x108  }
0x21: {  	s3 =	sadd.s32 s3, s9;
	s6 =	sadd.s32 @!p0 $0x88, s6;
	s7 =	simm.s32 @p2 $0x1082  }
0x22: {  	[simem:s7], [sflag:s8] =	dma.local @!p0 [hbm:s6], $0xF7A  }
0x23: {  	s9 =	sor.u32 $0xD0000000, s2;
	s6 =	simm.s32 $0x108;
	_ =	swait.ge @!p0 [sflag:s8], $0x0  }
0x24: {  	s3 =	sadd.s32 $0x88, s3;
	s6 =	simm.s32 @!p1 $0x1082;
	[sflag:s4] =	ssyncset.s32 $0xFFFFF086  }
0x25: {  	[simem:s6], [sflag:s4] =	dma.local [hbm:s3], $0xF7A  }
0x26: {  	[smem:$0x3F93] =	sst s1;
	(tag) =	ssettag s2;
	_ =	strace s9  }
0x27: {  	s1 =	sld [smem:$0x3FA3]  }
0x28: {  	s2 =	sld [smem:$0x3FA4]  }
0x29: {  	s4 =	sld [smem:$0x3FA6]  }
0x2a: {  	p0 =	seq.s32 s5, $0x0;
	s5 =	sld [smem:$0x3FA7]  }
0x2b: {  	s6 =	sld [smem:$0x3FA8]  }
0x2c: {  	s7 =	sld [smem:$0x3FA9]  }
0x2d: {  	s3 =	simm.s32 $0x108;
	s8 =	sld [smem:$0x3FAA]  }
0x2e: {  	s3 =	simm.s32 @!p0 $0x1082;
	s9 =	sld [smem:$0x3FAB]  }
0x2f: {  	lr =	sadd.s32 s0, s3;
	s0 =	sld [smem:$0x3FA2]  }
0x30: {  	s3 =	sld [smem:$0x3FA5]  }
0x31: {  	[smem:$0x3FAE] =	sst s10  }
0x32: {  	s10 =	sld [smem:$0x3FAC];
	_ =	sdelay $0x3  }
0x33: {  	p0 =	seq.s32 s10, $0x1;
	s10 =	sld [smem:$0x3FAE];
	_ =	sdelay $0x3  }
0x34: {  	[smem:$0x3FAE] =	sst s10  }
0x35: {  	s10 =	sld [smem:$0x3FAD];
	_ =	sdelay $0x3  }
0x36: {  	p1 =	seq.s32 s10, $0x1;
	s10 =	sld [smem:$0x3FAE];
	_ =	sdelay $0x3  }
0x37: {  	[smem:$0x3FAE] =	sst s10  }
0x38: {  	s10 =	sld [smem:$0x3FAF]  }
0x39: {  	_ = 	snop;
	(pc) =	sbr.ind lr, $3  }
0x3a: {  	_ = 	snop  }
0x3b: {  	_ = 	snop  }
0x3c: {  	p2 =	seq.s32 s10, $0x1;
	s10 =	sld [smem:$0x3FAE]  }
0x3d: {  	_ =	shalt  }
0x3e: {  	_ =	shalt  }
0x3f: {  	_ =	shalt  }
0x40: {  	_ =	shalt  }
0x41: {  	_ =	shalt  }
0x42: {  	_ =	shalt  }
0x43: {  	_ =	shalt  }
0x44: {  	_ =	shalt  }
0x45: {  	_ =	shalt  }
0x46: {  	_ =	shalt  }
0x47: {  	_ =	shalt  }
0x48: {  	_ =	shalt  }
0x49: {  	_ =	shalt  }
0x4a: {  	_ =	shalt  }
0x4b: {  	_ =	shalt  }
0x4c: {  	_ =	shalt  }
0x4d: {  	_ =	shalt  }
0x4e: {  	_ =	shalt  }
0x4f: {  	_ =	shalt  }
0x50: {  	_ =	shalt  }
0x51: {  	_ =	shalt  }
0x52: {  	_ =	shalt  }
0x53: {  	_ =	shalt  }
0x54: {  	_ =	shalt  }
0x55: {  	_ =	shalt  }
0x56: {  	_ =	shalt  }
0x57: {  	_ =	shalt  }
0x58: {  	_ =	shalt  }
0x59: {  	_ =	shalt  }
0x5a: {  	_ =	shalt  }
0x5b: {  	_ =	shalt  }
0x5c: {  	_ =	shalt  }
0x5d: {  	_ =	shalt  }
0x5e: {  	_ =	shalt  }
0x5f: {  	_ =	shalt  }
0x60: {  	_ =	shalt  }
0x61: {  	_ =	shalt  }
0x62: {  	_ =	shalt  }
0x63: {  	_ =	shalt  }
0x64: {  	_ =	shalt  }
0x65: {  	_ =	shalt  }
0x66: {  	_ =	shalt  }
0x67: {  	_ =	shalt  }
0x68: {  	_ =	shalt  }
0x69: {  	_ =	shalt  }
0x6a: {  	_ =	shalt  }
0x6b: {  	_ =	shalt  }
0x6c: {  	_ =	shalt  }
0x6d: {  	_ =	shalt  }
0x6e: {  	_ =	shalt  }
0x6f: {  	_ =	shalt  }
0x70: {  	_ =	shalt  }
0x71: {  	_ =	shalt  }
0x72: {  	_ =	shalt  }
0x73: {  	_ =	shalt  }
0x74: {  	_ =	shalt  }
0x75: {  	_ =	shalt  }
0x76: {  	_ =	shalt  }
0x77: {  	_ =	shalt  }
0x78: {  	_ =	shalt  }
0x79: {  	_ =	shalt  }
0x7a: {  	_ =	shalt  }
0x7b: {  	_ =	shalt  }
0x7c: {  	_ =	shalt  }
0x7d: {  	_ =	shalt  }
0x7e: {  	_ =	shalt  }
0x7f: {  	_ =	shalt  }
0x80: {  	_ =	shalt  }
0x81: {  	_ =	shalt  }
0x82: {  	_ =	shalt  }
0x83: {  	_ =	shalt  }
0x84: {  	_ =	shalt  }
0x85: {  	_ =	shalt  }
0x86: {  	_ =	shalt  }
0x87: {  	_ =	shalt  }
.Lfunc_end0:
.L_simem_size_0:
called_computation.2_lowered:
.L_overlay_start_0:
0x88: {  	s2 =	sld [smem:$0x3FD9]  }
0x89: {  	s3 =	sld [smem:$0x3FFE];
	_ =	sdelay $0x1  }
0x8a: {  	s1 =	srdreg.scid  }
0x8b: {  	s0 =	sand.u32 $0x1, s1  }
0x8c: {  	s16 =	sshll.u32 s0, $0xA;
	s2 =	sadd.s32 s3, s2  }
0x8d: {  	s2 =	sadd.s32 s2, s16  }
0x8e: {  	[smem:$0x3FBA] =	sst s2  }
0x8f: {  	_ = 	snop  }
0x90: {  	(tm) =	ssettm $0x1  }
0x91: {  	s17 =	sld [smem:$0x3FFB];
	_ =	sdelay $0x3  }
0x92: {  	_ =	strace s17  }
0x93: {  	s2 =	sld [smem:$0x3FFC];
	_ =	sdelay $0x3  }
0x94: {  	_ =	strace s2  }
0x95: {  	s2 =	sld [smem:$0x3FFD];
	_ =	sdelay $0x3  }
0x96: {  	_ =	strace s2  }
0x97: {  	_ =	strace $0x8FFFFFFF  }
0x98: {  	s18 =	sld [smem:$0x3FDB];
	_ =	sdelay $0x1  }
0x99: {  	s19 =	simm.s32 $_scs_section_size  }
0x9a: {  	s4 =	simm.s32 $_size__tile_overlayer_lowered;
	s5 =	simm.s32 $_tile_overlayer_lowered  }
0x9b: {  	s22 =	simm.s32 $0x1BFF;
	s21 =	sshll.u32 s5, $0x1;
	s2 =	sadd.s32 s19, s18  }
0x9c: {  	s6 =	simm.s32 $0x0;
	s20 =	sshll.u32 s4, $0x1;
	s4 =	sadd.s32 s21, s2  }
0x9d: {  	[timem:s6], [sflag:s22] =	dma.local [hbm:s4], s20  }
0x9e: {  	_ =	swait.ge [sflag:s22], s20  }
0x9f: {  	s3 =	ssub.s32 $0x0, s20;
	[sflag:s22] =	ssyncset.done $0x0  }
0xa0: {  	[sflag:s22] =	ssyncadd.s32 s3;
	_ =	sdelay $0x1  }
0xa1: {  	s23 =	simm.s32 $0x1B8B  }
0xa2: {  	_ =	swait.ge [sflag:s23], $0x1  }
0xa3: {  	[sflag:s23] =	ssyncset.done $0x0  }
0xa4: {  	s25 =	simm.s32 $0x1B8E;
	s24 =	sld [smem:$0x3FFE];
	[sflag:s23] =	ssyncadd.s32 $0xFFFFFFFF  }
0xa5: {  	s26 =	simm.s32 $execute0_lowered;
	[smem:$0x3FD2] =	sst s25  }
0xa6: {  	s4 =	sshll.u32 s26, $0x1;
	_ =	strace $0x8000004C;
	[dreg:$0x1] =	wrdreg $0xFFFFFFFF  }
0xa7: {  	s28 =	simm.s32 $_size_execute0_lowered;
	s2 =	sadd.s32 s2, s4;
	[dreg:$0x0] =	wrdreg $0x0  }
0xa8: {  	s4 =	sshll.u32 s28, $0x1;
	[dreg:$0x2] =	wrdreg s2  }
0xa9: {  	[dreg:$0x3] =	wrdreg s4  }
0xaa: {  	[dreg:$0x4] =	wrdreg $0xC0  }
0xab: {  	_ =	task [dreg:s6], $0x5FFFF  }
0xac: {  	[dreg:$0x1] =	wrdreg $0xFFFFFFFF  }
0xad: {  	[dreg:$0x0] =	wrdreg $0x60  }
0xae: {  	[dreg:$0x2] =	wrdreg s24  }
0xaf: {  	[dreg:$0x3] =	wrdreg $0x26000  }
0xb0: {  	[dreg:$0x4] =	wrdreg $0x9  }
0xb1: {  	_ =	task.clear_ibuf [dreg:s6], $0x5FFFF;
	_ =	strace $0x9000004C  }
0xb2: {  	s29 =	simm.s32 $0x9;
	_ =	strace $0x8000004E  }
0xb3: {  	_ =	swait.ge [sflag:s29], $0x1  }
0xb4: {  	[sflag:s29] =	ssyncadd.s32 $0xFFFFFFFF  }
0xb5: {  	_ =	strace $0x9000004E  }
0xb6: {  	_ =	sfence  }
0xb7: {  	s30 =	sld [smem:$0x0];
	_ =	sdelay $0x2  }
0xb8: {  	s31 =	sshll.u32 s1, $0xD;
	s1 =	sshrl.u32 s1, $0x2  }
0xb9: {  	s3 =	sand.u32 $0x4000, s31;
	s1 =	sadd.s32 s1, s30  }
0xba: {  	s0 =	sor.u32 s3, s0;
	s1 =	sshll.u32 s1, $0x11  }
0xbb: {  	s0 =	sor.u32 s1, s0  }
0xbc: {  	s0 =	sadd.s32 $0x8F2B, s0  }
0xbd: {  	[sflag:s0] =	ssyncadd.remote.s32 $0x1  }
0xbe: {  	_ =	sfence.sel $0xFFFF  }
0xbf: {  	[dreg:$0x0] =	wrdreg $0xFFFFFFFF;
	(pc) =	sbr.abs _section_cstart, $3  }
0xc0: {  	[dreg:$0x1] =	wrdreg $0xFFFFFFFF  }
0xc1: {  	_ =	task.clear_ibuf [dreg:s6], $0x2FFFF;
	_ =	strace $0x9FFFFFFF  }
0xc2: {  	(tm) =	ssettm $0x7FFFFFFF  }
0xc3: {  	_ =	shalt  }
tec
execute0_lowered:
.L_overlay_start_1:
0x0: {  	(tag) =	ssettag $0x1  }
0x1: {  	s6 =	rddreg [dreg:$0x0]  }
0x2: {  	s2 =	rddreg [dreg:$0x1]  }
0x3: {  	s3 =	simm.s32 $0x0;
	s0 =	stileid.u32;
	s4 =	srdreg.scid  }
0x4: {  	s16 =	simm.s32 $0x100;
	s17 =	simm.s32 $0x200;
	s18 =	simm.s32 $0x1  }
0x5: {  	s19 =	simm.s32 $0x80;
	s20 =	simm.s32 $0x600;
	s21 =	simm.s32 $0x2  }
0x6: {  	s22 =	simm.s32 $0x1600;
	s23 =	simm.s32 $0x9;
	[smem:$0x7FF] =	sst s3  }
0x7: {  	s8 =	smul.u32 $0x4E40, s0;
	s7 =	sand.u32 $0x1, s4;
	s4 =	sadd.s32 $0x2000, s6  }
0x8: {  	s5 =	sadd.s32 $0x1F600, s6;
	s10 =	smul.u32 $0x35, s0;
	s31 =	sshll.u32 s0, $0x6  }
0x9: {  	_ =	strace $0x8000004D;
	s9 =	smul.u32 $0x9C80, s7;
	s12 =	ssub.s32 $0x2, s7  }
0xa: {  	p0 =	seq.s32 s7, $0x0;
	s7 =	simm.s32 $0x6B;
	s24 =	sshrl.u32 s8, $0x3  }
0xb: {  	s30 =	sshrl.u32 s12, $0x1;
	s7 =	simm.s32 @!p0 $0x35;
	s15 =	sadd.s32 s8, s2  }
0xc: {  	s11 =	sadd.s32 s24, s6;
	s13 =	sadd.s32 s9, s6;
	s9 =	smul.u32 $0x6B, s0  }
0xd: {  	s6 =	sadd.s32 $0x6B0, s10;
	s14 =	ssub.s32 s12, s30;
	s10 =	sor.u32 $0x1C0B, s31  }
0xe: {  	s25 =	sadd.s32 $0x33600, s13;
	s13 =	smax.u32 s14, $0x1;
	s6 =	smov.u32 @p0 s9  }
0xf: {  	s14 =	sshrl.u32 s15, $0x3;
	s15 =	simm.s32 $0xB;
	s9 =	sshll.u32 s6, $0x5  }
0x10: {  	s24 =	sadd.s32 s24, s25;
	s25 =	simm.s32 $0x0;
	s8 =	sadd.s32 s5, s9  }
0x11: {  	s9 =	sadd.s32 $0xBE00, s11;
	s11 =	sadd.s32 $0x20, s8;
	s12 =	sadd.s32 $0x40, s8  }
.LBB2_1:
0x12: {  	[spmem:s14], [sflag:s10] =	dma.local [hbm:s9], $0x9C8  }
0x13: {  	_ =	swait.ge [sflag:s15], $0x9C8  }
0x14: {  	[sflag:s15] =	ssyncset.done $0x0  }
0x15: {  	[sflag:s15] =	ssyncadd.s32 $0xFFFFF638  }
0x16: {  	[bflag:$0x0] =	sbarrier.arrive $0xFFFF  }
0x17: {  	[tilespmem:s3], [sflag:$0x1] =	stream.linear.gather [hbm4b:s8+s3], $0x100, $0x38;
	[tilespmem:$0x7440] =	vst v63  }
0x18: {  	_ = 	snop  }
0x19: {  	[tilespmem:s16], [sflag:$0x2] =	stream.linear.gather [hbm4b:s11+s3], $0x100, $0x38;
	[tilespmem:$0x7440] =	vst v63  }
0x1a: {  	_ = 	snop  }
0x1b: {  	[tilespmem:s17], [sflag:$0x3] =	stream.linear.gather [hbm4b:s12+s3], $0x100, $0x38;
	[tilespmem:$0x7440] =	vst v63  }
0x1c: {  	_ =	swait.ge [sflag:s18], $0x100  }
0x1d: {  	[sflag:s18] =	ssyncset.done $0x0  }
0x1e: {  	[sflag:s18] =	ssyncadd.s32 $0xFFFFFF00  }
0x1f: {  	[tilespmem:s20], [sflag:$0x7] =	stream.indirect.gather [hbm4b:s4+s19], $0x20, s3, s19, $0xb8;
	[tilespmem:$0x7440] =	vst v63  }
0x20: {  	_ =	swait.ge [sflag:s21], $0x100  }
0x21: {  	[sflag:s21] =	ssyncset.done $0x0  }
0x22: {  	s26 =	simm.s32 $0x0;
	[sflag:s21] =	ssyncadd.s32 $0xFFFFFF00  }
0x23: {  	[tilespmem:s22], [sflag:$0x8] =	stream.indirect.gather [hbm4b:s4+s19], $0x20, s16, s19, $0xb8;
	[tilespmem:$0x7440] =	vst v63  }
.LBB2_2:
0x24: {  	s28 =	sadd.s32 $0x3, s26  }
0x25: {  	p0 =	sge.u32 s28, s7  }
0x26: {  	s29 =	smulhi.u32 @!p0 $0xAAAAAAAB, s28;
	_ =	sdelay $0x1  }
0x27: {  	s30 =	sand.u32 $0x1, s26;
	s0 =	smulhi.u32 $0xAAAAAAAB, s26;
	s29 =	sshrl.u32 @!p0 s29, $0x2  }
0x28: {  	s31 =	sadd.s32 $0x7, s30;
	s29 =	smul.u32 @!p0 $0x6, s29  }
0x29: {  	_ =	swait.ge [sflag:s31], $0x1000;
	s0 =	sshrl.u32 s0, $0x2;
	s1 =	simm.s32 @!p0 $0x0  }
0x2a: {  	[sflag:s31] =	ssyncset.done $0x0;
	s29 =	ssub.s32 @!p0 s28, s29;
	s28 =	sadd.s32 @!p0 s6, s28  }
0x2b: {  	s0 =	smul.u32 $0x6, s0;
	[sflag:s31] =	ssyncadd.s32 $0xFFFFF000;
	s28 =	sshll.u32 @!p0 s28, $0x5  }
0x2c: {  	s31 =	sshll.u32 @!p0 s29, $0x8;
	s29 =	sadd.s32 @!p0 $0x1, s29;
	s28 =	sadd.s32 @!p0 s5, s28  }
0x2d: {  	[tilespmem:s31], [sflag:s29] =	stream.linear.gather @!p0 [hbm4b:s28+s1], $0x100, $0x38;
	[tilespmem:$0x7440] =	vst v63  }
0x2e: {  	p0 =	seq.s32 s26, $0x0  }
0x2f: {  	s0 =	ssub.s32 s26, s0;
	s26 =	sadd.s32 @!p0 $0x1, s26  }
0x30: {  	s0 =	sshll.u32 s0, $0x8;
	p1 =	sge.u32 @!p0 s26, s7  }
0x31: {  	s0 =	sor.u32 $0x80, s0;
	s29 =	sshll.u32 s30, $0xC;
	p1 =	por p1, p0  }
0x32: {  	s31 =	sadd.s32 $0x9, s30;
	s1 =	sor.u32 $0x600, s29;
	s29 =	smulhi.u32 @!p1 $0xAAAAAAAB, s26  }
0x33: {  	[spmem:s2] =	stream.indirect.scatter.add.f32 [tilespmem:s1], [sflag:s31], $0x20, s0, s19, $0xb8;
	[tilespmem:$0x7440] =	vst v63  }
0x34: {  	s0 =	sxor.u32 @!p0 $0x1, s30;
	s1 =	sshrl.u32 @!p1 s29, $0x2  }
0x35: {  	s28 =	sadd.s32 @!p0 $0x9, s0;
	s1 =	smul.u32 @!p1 $0x6, s1  }
0x36: {  	_ =	swait.ge @!p0 [sflag:s28], $0x1000  }
0x37: {  	[sflag:s28] =	ssyncset.done @!p0 $0x0;
	s1 =	ssub.s32 @!p1 s26, s1;
	s26 =	simm.s32 @p0 $0x1  }
0x38: {  	[sflag:s28] =	ssyncadd.s32 @!p0 $0xFFFFF000;
	p0 =	sne.s32 s26, s7  }
.Ltmp0:
0x39: {  	s28 =	sadd.s32 @!p1 $0x1, s1;
	(pc) =	sbr.rel @p0 .LBB2_2-.Ltmp0, $4  }
0x3a: {  	s29 =	sshll.u32 @!p1 s0, $0xC;
	_ =	swait.ge @!p1 [sflag:s28], $0x100  }
0x3b: {  	s0 =	sadd.s32 @!p1 $0x7, s0;
	s29 =	sor.u32 @!p1 $0x600, s29;
	[sflag:s28] =	ssyncset.done @!p1 $0x0  }
0x3c: {  	s1 =	sshll.u32 @!p1 s1, $0x8;
	[sflag:s28] =	ssyncadd.s32 @!p1 $0xFFFFFF00;
	s28 =	simm.s32 @!p1 $0x80  }
0x3d: {  	[tilespmem:s29], [sflag:s0] =	stream.indirect.gather @!p1 [hbm4b:s4+s28], $0x20, s1, s28, $0xb8;
	[tilespmem:$0x7440] =	vst v63  }
0x3e: {  	_ =	swait.ge [sflag:s23], $0x1000  }
0x3f: {  	s25 =	sadd.s32 $0x1, s25;
	[sflag:s23] =	ssyncset.done $0x0  }
0x40: {  	p0 =	sne.s32 s25, s13;
	[sflag:s23] =	ssyncadd.s32 $0xFFFFF000  }
.Ltmp1:
0x41: {  	[bflag:$0x0] =	sbarrier.arrive $0xFFFF;
	(pc) =	sbr.rel @p0 .LBB2_1-.Ltmp1, $4  }
0x42: {  	[hbm:s24], [sflag:s10] =	dma.local [spmem:s14], $0x9C8  }
0x43: {  	_ =	swait.ge [sflag:s15], $0x9C8  }
0x44: {  	[sflag:s15] =	ssyncset.done $0x0  }
0x45: {  	[sflag:s15] =	ssyncadd.s32 $0xFFFFF638  }
0x46: {  	_ =	sfence.sel $0x180000  }
0x47: {  	[bflag:$0x0] =	sbarrier.arrive $0xFFFF  }
0x48: {  	_ =	strace $0x9000004D  }
0x49: {  	s0 =	stileid.u32;
	[bflag:$0x2] =	sbarrier.arrive $0xFFFF  }
0x4a: {  	p0 =	sne.s32 s0, $0x0;
	s0 =	rddreg [dreg:$0x2]  }
0x4b: {  	s0 =	sadd.s32 @!p0 $0x100000, s0  }
0x4c: {  	[sflag:s0] =	ssyncadd.tile.s32 @!p0 $0x1;
	_ =	shalt  }
.Lfunc_end2:
_tile_overlayer_lowered:
.L_overlay_start_2:
0x4d: {  	(tag) =	ssettag $0x2  }
0x4e: {  	s0 =	rddreg [dreg:$0x0];
	s2 =	stileid.u32  }
0x4f: {  	s1 =	rddreg [dreg:$0x1];
	p0 =	sne.s32 s2, $0x0  }
0x50: {  	s3 =	rddreg [dreg:$0x2];
	[bflag:$0x3] =	sbarrier.arrive $0xFFFF;
	s2 =	simm.s32 @!p0 $0x1C0B  }
0x51: {  	[timem:s3], [sflag:s2] =	dma.local @!p0 [hbm:s0], s1  }
0x52: {  	s0 =	simm.s32 @!p0 $0xB  }
0x53: {  	_ =	swait.ge @!p0 [sflag:s0], s1  }
0x54: {  	s1 =	ssub.s32 @!p0 $0x0, s1;
	[sflag:s0] =	ssyncset.done @!p0 $0x0  }
0x55: {  	[sflag:s0] =	ssyncadd.s32 @!p0 s1  }
0x56: {  	[bflag:$0x3] =	sbarrier.arrive $0xFFFF  }
0x57: {  	_ =	shalt  }

// kernel: kernel.20.cloned.1.call-start
scs
__scs_entry_jumppad:
0x0: {  	(pc) =	sbr.rel $0x88, $3  }
0x1: {  	(tag) =	ssettag $0x0;
	lr =	simm.s32 $0x1  }
0x2: {  	[smem:$0x3F93] =	sst lr;
	_ =	strace $0xD0000000  }
0x3: {  	_ = 	snop  }
0x4: {  	_ = 	snop  }
0x5: {  	_ = 	snop  }
0x6: {  	_ = 	snop  }
0x7: {  	_ = 	snop  }
__scs_overlays_trampoline_lowered:
0x8: {  	[smem:$0x3FA2] =	sst s0  }
0x9: {  	[smem:$0x3FA3] =	sst s1  }
0xa: {  	[smem:$0x3FA4] =	sst s2  }
0xb: {  	[smem:$0x3FA5] =	sst s3  }
0xc: {  	[smem:$0x3FA6] =	sst s4  }
0xd: {  	[smem:$0x3FA7] =	sst s5  }
0xe: {  	[smem:$0x3FA8] =	sst s6  }
0xf: {  	[smem:$0x3FA9] =	sst s7  }
0x10: {  	[smem:$0x3FAA] =	sst s8  }
0x11: {  	[smem:$0x3FAB] =	sst s9;
	s0 =	simm.s32 @!p0 $0x0  }
0x12: {  	s1 =	sld [smem:$0x3F91];
	s0 =	simm.s32 @p0 $0x1  }
0x13: {  	[smem:$0x3FAC] =	sst s0;
	s0 =	simm.s32 @!p1 $0x0  }
0x14: {  	s2 =	sld [smem:$0x3F90];
	s0 =	simm.s32 @p1 $0x1  }
0x15: {  	[smem:$0x3FAD] =	sst s0;
	s0 =	simm.s32 @!p2 $0x0  }
0x16: {  	s3 =	sld [smem:$0x3FDB];
	s0 =	simm.s32 @p2 $0x1  }
0x17: {  	s4 =	simm.s32 $0x1BF5;
	[smem:$0x3FAF] =	sst s0  }
0x18: {  	s0 =	sld [smem:$0x3F92];
	_ =	swait.ge [sflag:s4], $0x0  }
0x19: {  	s7 =	sld [smem:$0x3F93]  }
0x1a: {  	s8 =	sadd.s32 $0xFFFFE003, lr  }
0x1b: {  	s9 =	sadd.s32 $0xFFFFFEF7, lr;
	s5 =	simm.s32 $0xFFFFFFFF;
	p2 =	slt.u32 s8, $0xFFFFF086  }
0x1c: {  	p1 =	slt.u32 s9, $0xF7A;
	s5 =	simm.s32 @!p2 $0x0  }
0x1d: {  	s5 =	simm.s32 @p1 $0x1;
	p0 =	seq.s32 s7, s2  }
0x1e: {  	s7 =	smul.u32 @!p0 $0xF7A, s2;
	p2 =	seq.s32 @!p0 s5, $0x0  }
0x1f: {  	s9 =	smul.u32 $0xF7A, s1;
	s8 =	simm.s32 @!p0 $0x1BF5;
	p2 =	por !p2, p0  }
0x20: {  	[sflag:s8] =	ssyncset.s32 @!p0 $0xFFFFF086;
	s6 =	sadd.s32 @!p0 s3, s7;
	s7 =	simm.s32 @!p0 $0x108  }
0x21: {  	s3 =	sadd.s32 s3, s9;
	s6 =	sadd.s32 @!p0 $0x88, s6;
	s7 =	simm.s32 @p2 $0x1082  }
0x22: {  	[simem:s7], [sflag:s8] =	dma.local @!p0 [hbm:s6], $0xF7A  }
0x23: {  	s9 =	sor.u32 $0xD0000000, s2;
	s6 =	simm.s32 $0x108;
	_ =	swait.ge @!p0 [sflag:s8], $0x0  }
0x24: {  	s3 =	sadd.s32 $0x88, s3;
	s6 =	simm.s32 @!p1 $0x1082;
	[sflag:s4] =	ssyncset.s32 $0xFFFFF086  }
0x25: {  	[simem:s6], [sflag:s4] =	dma.local [hbm:s3], $0xF7A  }
0x26: {  	[smem:$0x3F93] =	sst s1;
	(tag) =	ssettag s2;
	_ =	strace s9  }
0x27: {  	s1 =	sld [smem:$0x3FA3]  }
0x28: {  	s2 =	sld [smem:$0x3FA4]  }
0x29: {  	s4 =	sld [smem:$0x3FA6]  }
0x2a: {  	p0 =	seq.s32 s5, $0x0;
	s5 =	sld [smem:$0x3FA7]  }
0x2b: {  	s6 =	sld [smem:$0x3FA8]  }
0x2c: {  	s7 =	sld [smem:$0x3FA9]  }
0x2d: {  	s3 =	simm.s32 $0x108;
	s8 =	sld [smem:$0x3FAA]  }
0x2e: {  	s3 =	simm.s32 @!p0 $0x1082;
	s9 =	sld [smem:$0x3FAB]  }
0x2f: {  	lr =	sadd.s32 s0, s3;
	s0 =	sld [smem:$0x3FA2]  }
0x30: {  	s3 =	sld [smem:$0x3FA5]  }
0x31: {  	[smem:$0x3FAE] =	sst s10  }
0x32: {  	s10 =	sld [smem:$0x3FAC];
	_ =	sdelay $0x3  }
0x33: {  	p0 =	seq.s32 s10, $0x1;
	s10 =	sld [smem:$0x3FAE];
	_ =	sdelay $0x3  }
0x34: {  	[smem:$0x3FAE] =	sst s10  }
0x35: {  	s10 =	sld [smem:$0x3FAD];
	_ =	sdelay $0x3  }
0x36: {  	p1 =	seq.s32 s10, $0x1;
	s10 =	sld [smem:$0x3FAE];
	_ =	sdelay $0x3  }
0x37: {  	[smem:$0x3FAE] =	sst s10  }
0x38: {  	s10 =	sld [smem:$0x3FAF]  }
0x39: {  	_ = 	snop;
	(pc) =	sbr.ind lr, $3  }
0x3a: {  	_ = 	snop  }
0x3b: {  	_ = 	snop  }
0x3c: {  	p2 =	seq.s32 s10, $0x1;
	s10 =	sld [smem:$0x3FAE]  }
0x3d: {  	_ =	shalt  }
0x3e: {  	_ =	shalt  }
0x3f: {  	_ =	shalt  }
0x40: {  	_ =	shalt  }
0x41: {  	_ =	shalt  }
0x42: {  	_ =	shalt  }
0x43: {  	_ =	shalt  }
0x44: {  	_ =	shalt  }
0x45: {  	_ =	shalt  }
0x46: {  	_ =	shalt  }
0x47: {  	_ =	shalt  }
0x48: {  	_ =	shalt  }
0x49: {  	_ =	shalt  }
0x4a: {  	_ =	shalt  }
0x4b: {  	_ =	shalt  }
0x4c: {  	_ =	shalt  }
0x4d: {  	_ =	shalt  }
0x4e: {  	_ =	shalt  }
0x4f: {  	_ =	shalt  }
0x50: {  	_ =	shalt  }
0x51: {  	_ =	shalt  }
0x52: {  	_ =	shalt  }
0x53: {  	_ =	shalt  }
0x54: {  	_ =	shalt  }
0x55: {  	_ =	shalt  }
0x56: {  	_ =	shalt  }
0x57: {  	_ =	shalt  }
0x58: {  	_ =	shalt  }
0x59: {  	_ =	shalt  }
0x5a: {  	_ =	shalt  }
0x5b: {  	_ =	shalt  }
0x5c: {  	_ =	shalt  }
0x5d: {  	_ =	shalt  }
0x5e: {  	_ =	shalt  }
0x5f: {  	_ =	shalt  }
0x60: {  	_ =	shalt  }
0x61: {  	_ =	shalt  }
0x62: {  	_ =	shalt  }
0x63: {  	_ =	shalt  }
0x64: {  	_ =	shalt  }
0x65: {  	_ =	shalt  }
0x66: {  	_ =	shalt  }
0x67: {  	_ =	shalt  }
0x68: {  	_ =	shalt  }
0x69: {  	_ =	shalt  }
0x6a: {  	_ =	shalt  }
0x6b: {  	_ =	shalt  }
0x6c: {  	_ =	shalt  }
0x6d: {  	_ =	shalt  }
0x6e: {  	_ =	shalt  }
0x6f: {  	_ =	shalt  }
0x70: {  	_ =	shalt  }
0x71: {  	_ =	shalt  }
0x72: {  	_ =	shalt  }
0x73: {  	_ =	shalt  }
0x74: {  	_ =	shalt  }
0x75: {  	_ =	shalt  }
0x76: {  	_ =	shalt  }
0x77: {  	_ =	shalt  }
0x78: {  	_ =	shalt  }
0x79: {  	_ =	shalt  }
0x7a: {  	_ =	shalt  }
0x7b: {  	_ =	shalt  }
0x7c: {  	_ =	shalt  }
0x7d: {  	_ =	shalt  }
0x7e: {  	_ =	shalt  }
0x7f: {  	_ =	shalt  }
0x80: {  	_ =	shalt  }
0x81: {  	_ =	shalt  }
0x82: {  	_ =	shalt  }
0x83: {  	_ =	shalt  }
0x84: {  	_ =	shalt  }
0x85: {  	_ =	shalt  }
0x86: {  	_ =	shalt  }
0x87: {  	_ =	shalt  }
.Lfunc_end0:
.L_simem_size_0:
called_computation.3_lowered:
.L_overlay_start_0:
0x88: {  	s2 =	sld [smem:$0x3FD9]  }
0x89: {  	s3 =	sld [smem:$0x3FFE];
	_ =	sdelay $0x1  }
0x8a: {  	s1 =	srdreg.scid  }
0x8b: {  	s0 =	sand.u32 $0x1, s1  }
0x8c: {  	s16 =	sshll.u32 s0, $0xA;
	s2 =	sadd.s32 s3, s2  }
0x8d: {  	s2 =	sadd.s32 s2, s16  }
0x8e: {  	[smem:$0x3FBA] =	sst s2  }
0x8f: {  	_ = 	snop  }
0x90: {  	(tm) =	ssettm $0x1  }
0x91: {  	s17 =	sld [smem:$0x3FFB];
	_ =	sdelay $0x3  }
0x92: {  	_ =	strace s17  }
0x93: {  	s2 =	sld [smem:$0x3FFC];
	_ =	sdelay $0x3  }
0x94: {  	_ =	strace s2  }
0x95: {  	s2 =	sld [smem:$0x3FFD];
	_ =	sdelay $0x3  }
0x96: {  	_ =	strace s2  }
0x97: {  	_ =	strace $0x8FFFFFFF  }
0x98: {  	s18 =	sld [smem:$0x3FDB];
	_ =	sdelay $0x1  }
0x99: {  	s19 =	simm.s32 $_scs_section_size  }
0x9a: {  	s4 =	simm.s32 $_size__tile_overlayer_lowered;
	s5 =	simm.s32 $_tile_overlayer_lowered  }
0x9b: {  	s22 =	simm.s32 $0x1BFF;
	s21 =	sshll.u32 s5, $0x1;
	s2 =	sadd.s32 s19, s18  }
0x9c: {  	s6 =	simm.s32 $0x0;
	s20 =	sshll.u32 s4, $0x1;
	s4 =	sadd.s32 s21, s2  }
0x9d: {  	[timem:s6], [sflag:s22] =	dma.local [hbm:s4], s20  }
0x9e: {  	_ =	swait.ge [sflag:s22], s20  }
0x9f: {  	s3 =	ssub.s32 $0x0, s20;
	[sflag:s22] =	ssyncset.done $0x0  }
0xa0: {  	[sflag:s22] =	ssyncadd.s32 s3;
	_ =	sdelay $0x1  }
0xa1: {  	s23 =	simm.s32 $0x1B8B  }
0xa2: {  	_ =	swait.ge [sflag:s23], $0x1  }
0xa3: {  	[sflag:s23] =	ssyncset.done $0x0  }
0xa4: {  	s25 =	simm.s32 $0x1B8E;
	s24 =	sld [smem:$0x3FFE];
	[sflag:s23] =	ssyncadd.s32 $0xFFFFFFFF  }
0xa5: {  	s26 =	simm.s32 $execute0_lowered;
	[smem:$0x3FD2] =	sst s25  }
0xa6: {  	s4 =	sshll.u32 s26, $0x1;
	_ =	strace $0x8000004F;
	[dreg:$0x1] =	wrdreg $0xFFFFFFFF  }
0xa7: {  	s28 =	simm.s32 $_size_execute0_lowered;
	s2 =	sadd.s32 s2, s4;
	[dreg:$0x0] =	wrdreg $0x0  }
0xa8: {  	s4 =	sshll.u32 s28, $0x1;
	[dreg:$0x2] =	wrdreg s2  }
0xa9: {  	[dreg:$0x3] =	wrdreg s4  }
0xaa: {  	[dreg:$0x4] =	wrdreg $0xC0  }
0xab: {  	_ =	task [dreg:s6], $0x5FFFF  }
0xac: {  	[dreg:$0x1] =	wrdreg $0xFFFFFFFF  }
0xad: {  	[dreg:$0x0] =	wrdreg $0x60  }
0xae: {  	[dreg:$0x2] =	wrdreg s24  }
0xaf: {  	[dreg:$0x3] =	wrdreg $0x16000  }
0xb0: {  	[dreg:$0x4] =	wrdreg $0x9  }
0xb1: {  	_ =	task.clear_ibuf [dreg:s6], $0x5FFFF;
	_ =	strace $0x9000004F  }
0xb2: {  	s29 =	simm.s32 $0x9;
	_ =	strace $0x80000051  }
0xb3: {  	_ =	swait.ge [sflag:s29], $0x1  }
0xb4: {  	[sflag:s29] =	ssyncadd.s32 $0xFFFFFFFF  }
0xb5: {  	_ =	strace $0x90000051  }
0xb6: {  	_ =	sfence  }
0xb7: {  	s30 =	sld [smem:$0x0];
	_ =	sdelay $0x2  }
0xb8: {  	s31 =	sshll.u32 s1, $0xD;
	s1 =	sshrl.u32 s1, $0x2  }
0xb9: {  	s3 =	sand.u32 $0x4000, s31;
	s1 =	sadd.s32 s1, s30  }
0xba: {  	s0 =	sor.u32 s3, s0;
	s1 =	sshll.u32 s1, $0x11  }
0xbb: {  	s0 =	sor.u32 s1, s0  }
0xbc: {  	s0 =	sadd.s32 $0x8F2B, s0  }
0xbd: {  	[sflag:s0] =	ssyncadd.remote.s32 $0x1  }
0xbe: {  	_ =	sfence.sel $0xFFFF  }
0xbf: {  	[dreg:$0x0] =	wrdreg $0xFFFFFFFF;
	(pc) =	sbr.abs _section_cstart, $3  }
0xc0: {  	[dreg:$0x1] =	wrdreg $0xFFFFFFFF  }
0xc1: {  	_ =	task.clear_ibuf [dreg:s6], $0x2FFFF;
	_ =	strace $0x9FFFFFFF  }
0xc2: {  	(tm) =	ssettm $0x7FFFFFFF  }
0xc3: {  	_ =	shalt  }
tec
execute0_lowered:
.L_overlay_start_1:
0x0: {  	(tag) =	ssettag $0x1  }
0x1: {  	s7 =	rddreg [dreg:$0x0]  }
0x2: {  	s2 =	rddreg [dreg:$0x1];
	s3 =	simm.s32 $0x0;
	s0 =	stileid.u32  }
0x3: {  	s5 =	srdreg.scid;
	s16 =	simm.s32 $0x100;
	s17 =	simm.s32 $0x200  }
0x4: {  	s18 =	simm.s32 $0x1;
	s19 =	simm.s32 $0x80;
	s20 =	simm.s32 $0x600  }
0x5: {  	s21 =	simm.s32 $0x2;
	s22 =	simm.s32 $0xE00;
	s23 =	simm.s32 $0xA  }
0x6: {  	[smem:$0x7FF] =	sst s3;
	s8 =	smul.u32 $0x2720, s0;
	s4 =	sadd.s32 $0x2000, s7  }
0x7: {  	s6 =	sand.u32 $0x1, s5;
	s5 =	sadd.s32 $0x1F600, s7;
	s11 =	smul.u32 $0x60, s0  }
0x8: {  	s12 =	sshll.u32 s0, $0x6;
	_ =	strace $0x80000050;
	s9 =	smul.u32 $0x4E40, s6  }
0x9: {  	s13 =	ssub.s32 $0x2, s6;
	p0 =	seq.s32 s6, $0x0;
	s6 =	sadd.s32 $0x600, s12  }
0xa: {  	s24 =	sshrl.u32 s8, $0x3;
	s30 =	sshrl.u32 s13, $0x1;
	s6 =	smov.u32 @p0 s11  }
0xb: {  	s15 =	sadd.s32 s8, s2;
	s10 =	sadd.s32 s24, s7;
	s14 =	sadd.s32 s9, s7  }
0xc: {  	s13 =	ssub.s32 s13, s30;
	s7 =	simm.s32 $0x60;
	s31 =	sshll.u32 s6, $0x5  }
0xd: {  	s7 =	simm.s32 @!p0 $0x40;
	s8 =	sadd.s32 s5, s31;
	s9 =	sadd.s32 $0x7000, s10  }
0xe: {  	s10 =	sor.u32 $0x1C0B, s12;
	s25 =	sadd.s32 $0xC000, s14;
	s13 =	smax.u32 s13, $0x1  }
0xf: {  	s14 =	sshrl.u32 s15, $0x3;
	s15 =	simm.s32 $0xB;
	s11 =	sadd.s32 $0x20, s8  }
0x10: {  	s12 =	sadd.s32 $0x40, s8;
	s24 =	sadd.s32 s24, s25;
	s25 =	simm.s32 $0x0  }
.LBB2_1:
0x11: {  	[spmem:s14], [sflag:s10] =	dma.local [hbm:s9], $0x4E4  }
0x12: {  	_ =	swait.ge [sflag:s15], $0x4E4  }
0x13: {  	[sflag:s15] =	ssyncset.done $0x0  }
0x14: {  	[sflag:s15] =	ssyncadd.s32 $0xFFFFFB1C  }
0x15: {  	[bflag:$0x0] =	sbarrier.arrive $0xFFFF  }
0x16: {  	[tilespmem:s3], [sflag:$0x1] =	stream.linear.gather [hbm4b:s8+s3], $0x100, $0x38;
	[tilespmem:$0x3D20] =	vst v63  }
0x17: {  	_ = 	snop  }
0x18: {  	[tilespmem:s16], [sflag:$0x2] =	stream.linear.gather [hbm4b:s11+s3], $0x100, $0x38;
	[tilespmem:$0x3D20] =	vst v63  }
0x19: {  	_ = 	snop  }
0x1a: {  	[tilespmem:s17], [sflag:$0x3] =	stream.linear.gather [hbm4b:s12+s3], $0x100, $0x38;
	[tilespmem:$0x3D20] =	vst v63  }
0x1b: {  	_ =	swait.ge [sflag:s18], $0x100  }
0x1c: {  	[sflag:s18] =	ssyncset.done $0x0  }
0x1d: {  	[sflag:s18] =	ssyncadd.s32 $0xFFFFFF00  }
0x1e: {  	[tilespmem:s20], [sflag:$0x7] =	stream.indirect.gather [hbm4b:s4+s19], $0x10, s3, s19, $0xb8;
	[tilespmem:$0x3D20] =	vst v63  }
0x1f: {  	_ =	swait.ge [sflag:s21], $0x100  }
0x20: {  	[sflag:s21] =	ssyncset.done $0x0  }
0x21: {  	s26 =	simm.s32 $0x0;
	[sflag:s21] =	ssyncadd.s32 $0xFFFFFF00  }
0x22: {  	[tilespmem:s22], [sflag:$0x8] =	stream.indirect.gather [hbm4b:s4+s19], $0x10, s16, s19, $0xb8;
	[tilespmem:$0x3D20] =	vst v63  }
.LBB2_2:
0x23: {  	s28 =	sadd.s32 $0x3, s26  }
0x24: {  	p0 =	sge.u32 s28, s7  }
0x25: {  	s29 =	smulhi.u32 @!p0 $0xAAAAAAAB, s28;
	_ =	sdelay $0x1  }
0x26: {  	s30 =	sand.u32 $0x1, s26;
	s0 =	smulhi.u32 $0xAAAAAAAB, s26;
	s29 =	sshrl.u32 @!p0 s29, $0x2  }
0x27: {  	s31 =	sadd.s32 $0x7, s30;
	s29 =	smul.u32 @!p0 $0x6, s29  }
0x28: {  	_ =	swait.ge [sflag:s31], $0x800;
	s0 =	sshrl.u32 s0, $0x2;
	s1 =	simm.s32 @!p0 $0x0  }
0x29: {  	[sflag:s31] =	ssyncset.done $0x0;
	s29 =	ssub.s32 @!p0 s28, s29;
	s28 =	sadd.s32 @!p0 s6, s28  }
0x2a: {  	s0 =	smul.u32 $0x6, s0;
	[sflag:s31] =	ssyncadd.s32 $0xFFFFF800;
	s28 =	sshll.u32 @!p0 s28, $0x5  }
0x2b: {  	s31 =	sshll.u32 @!p0 s29, $0x8;
	s29 =	sadd.s32 @!p0 $0x1, s29;
	s28 =	sadd.s32 @!p0 s5, s28  }
0x2c: {  	[tilespmem:s31], [sflag:s29] =	stream.linear.gather @!p0 [hbm4b:s28+s1], $0x100, $0x38;
	[tilespmem:$0x3D20] =	vst v63  }
0x2d: {  	p0 =	seq.s32 s26, $0x0  }
0x2e: {  	s0 =	ssub.s32 s26, s0;
	s26 =	sadd.s32 @!p0 $0x1, s26  }
0x2f: {  	s0 =	sshll.u32 s0, $0x8;
	p1 =	sge.u32 @!p0 s26, s7  }
0x30: {  	s0 =	sor.u32 $0x80, s0;
	s29 =	sshll.u32 s30, $0xB;
	p1 =	por p1, p0  }
0x31: {  	s31 =	sadd.s32 $0x9, s30;
	s1 =	sor.u32 $0x600, s29;
	s29 =	smulhi.u32 @!p1 $0xAAAAAAAB, s26  }
0x32: {  	[spmem:s2] =	stream.indirect.scatter.add.f32 [tilespmem:s1], [sflag:s31], $0x10, s0, s19, $0xb8;
	[tilespmem:$0x3D20] =	vst v63  }
0x33: {  	s0 =	sxor.u32 @!p0 $0x1, s30;
	s1 =	sshrl.u32 @!p1 s29, $0x2  }
0x34: {  	s28 =	sadd.s32 @!p0 $0x9, s0;
	s1 =	smul.u32 @!p1 $0x6, s1  }
0x35: {  	_ =	swait.ge @!p0 [sflag:s28], $0x800  }
0x36: {  	[sflag:s28] =	ssyncset.done @!p0 $0x0;
	s1 =	ssub.s32 @!p1 s26, s1;
	s26 =	simm.s32 @p0 $0x1  }
0x37: {  	[sflag:s28] =	ssyncadd.s32 @!p0 $0xFFFFF800;
	p0 =	sne.s32 s26, s7  }
.Ltmp0:
0x38: {  	s28 =	sadd.s32 @!p1 $0x1, s1;
	(pc) =	sbr.rel @p0 .LBB2_2-.Ltmp0, $4  }
0x39: {  	s29 =	sshll.u32 @!p1 s0, $0xB;
	_ =	swait.ge @!p1 [sflag:s28], $0x100  }
0x3a: {  	s0 =	sadd.s32 @!p1 $0x7, s0;
	s29 =	sor.u32 @!p1 $0x600, s29;
	[sflag:s28] =	ssyncset.done @!p1 $0x0  }
0x3b: {  	s1 =	sshll.u32 @!p1 s1, $0x8;
	[sflag:s28] =	ssyncadd.s32 @!p1 $0xFFFFFF00;
	s28 =	simm.s32 @!p1 $0x80  }
0x3c: {  	[tilespmem:s29], [sflag:s0] =	stream.indirect.gather @!p1 [hbm4b:s4+s28], $0x10, s1, s28, $0xb8;
	[tilespmem:$0x3D20] =	vst v63  }
0x3d: {  	_ =	swait.ge [sflag:s23], $0x800  }
0x3e: {  	s25 =	sadd.s32 $0x1, s25;
	[sflag:s23] =	ssyncset.done $0x0  }
0x3f: {  	p0 =	sne.s32 s25, s13;
	[sflag:s23] =	ssyncadd.s32 $0xFFFFF800  }
.Ltmp1:
0x40: {  	[bflag:$0x0] =	sbarrier.arrive $0xFFFF;
	(pc) =	sbr.rel @p0 .LBB2_1-.Ltmp1, $4  }
0x41: {  	[hbm:s24], [sflag:s10] =	dma.local [spmem:s14], $0x4E4  }
0x42: {  	_ =	swait.ge [sflag:s15], $0x4E4  }
0x43: {  	[sflag:s15] =	ssyncset.done $0x0  }
0x44: {  	[sflag:s15] =	ssyncadd.s32 $0xFFFFFB1C  }
0x45: {  	_ =	sfence.sel $0x180000  }
0x46: {  	[bflag:$0x0] =	sbarrier.arrive $0xFFFF  }
0x47: {  	_ =	strace $0x90000050  }
0x48: {  	s0 =	stileid.u32;
	[bflag:$0x2] =	sbarrier.arrive $0xFFFF  }
0x49: {  	p0 =	sne.s32 s0, $0x0;
	s0 =	rddreg [dreg:$0x2]  }
0x4a: {  	s0 =	sadd.s32 @!p0 $0x100000, s0  }
0x4b: {  	[sflag:s0] =	ssyncadd.tile.s32 @!p0 $0x1;
	_ =	shalt  }
.Lfunc_end2:
_tile_overlayer_lowered:
.L_overlay_start_2:
0x4c: {  	(tag) =	ssettag $0x2  }
0x4d: {  	s0 =	rddreg [dreg:$0x0];
	s2 =	stileid.u32  }
0x4e: {  	s1 =	rddreg [dreg:$0x1];
	p0 =	sne.s32 s2, $0x0  }
0x4f: {  	s3 =	rddreg [dreg:$0x2];
	[bflag:$0x3] =	sbarrier.arrive $0xFFFF;
	s2 =	simm.s32 @!p0 $0x1C0B  }
0x50: {  	[timem:s3], [sflag:s2] =	dma.local @!p0 [hbm:s0], s1  }
0x51: {  	s0 =	simm.s32 @!p0 $0xB  }
0x52: {  	_ =	swait.ge @!p0 [sflag:s0], s1  }
0x53: {  	s1 =	ssub.s32 @!p0 $0x0, s1;
	[sflag:s0] =	ssyncset.done @!p0 $0x0  }
0x54: {  	[sflag:s0] =	ssyncadd.s32 @!p0 s1  }
0x55: {  	[bflag:$0x3] =	sbarrier.arrive $0xFFFF  }
0x56: {  	_ =	shalt  }

</sc_bundles>
